<compile_context>
chip_gen: v7x
topology: tpu7x:2x2x1
jax: 0.10.2.dev20260603
libtpu: 0.0.44.dev20260713+nightly
codegen_flags: <defaults>
</compile_context>

<pallas_src>
import functools

import jax
import jax.numpy as jnp
from jax import lax
from jax.experimental import pallas as pl
from jax.experimental.pallas import tpu as pltpu
from jax.experimental.pallas import tpu_sc as plsc

N = 100000
E = 6400000
NG = 128
F = 16
H = 32
NR = N // 8

NC, NS = 2, 16
NW = NC * NS

OPS_TOTAL = E // 128
OPS_MAIN = OPS_TOTAL // NW
EXTRA = OPS_TOTAL - OPS_MAIN * NW
K = 11
N_CHUNKS = OPS_MAIN // K
ACC_ROWS = 100096
ZSTRIPE = ACC_ROWS // NS
DUMP = 6256
DUMP_LAST = N - (NS - 1) * DUMP

PN = 102400
P_OPS = 25
P_ROWS = P_OPS * 128
PACC_ROWS = 144
PDUMP = NG // NS

_mesh = plsc.VectorSubcoreMesh(core_axis_name="c", subcore_axis_name="s",
                               num_cores=NC, num_subcores=NS)


def _segsum_body(h_hbm, srcm, dstm, zeros_hbm, out_hbm, idx_s, idx_d, rows,
                 acc, sem):
    c = lax.axis_index("c")
    s = lax.axis_index("s")
    wid = s * NC + c

    pltpu.sync_copy(zeros_hbm.at[pl.ds(0, ZSTRIPE)],
                    acc.at[pl.ds(s * ZSTRIPE, ZSTRIPE)])
    plsc.subcore_barrier()

    base = wid * OPS_MAIN + jnp.minimum(wid, EXTRA)

    def chunk(ci, carry):
        op0 = base + ci * K
        pltpu.sync_copy(srcm.at[pl.ds(op0, K)], idx_s)
        pltpu.sync_copy(dstm.at[pl.ds(op0, K)], idx_d)
        cps = [pltpu.async_copy(h_hbm.at[idx_s.at[j, 0]],
                                rows.at[pl.ds(j * 128, 128)], sem)
               for j in range(K)]
        for cp in cps:
            cp.wait()
        for j in range(K):
            pltpu.sync_copy(rows.at[pl.ds(j * 128, 128)],
                            acc.at[idx_d.at[j, 0]], add=True)
        return carry

    lax.fori_loop(0, N_CHUNKS, chunk, 0)

    @pl.when(wid < EXTRA)
    def _extra():
        op0 = base + OPS_MAIN
        pltpu.sync_copy(srcm.at[pl.ds(op0, 1)], idx_s.at[pl.ds(0, 1)])
        pltpu.sync_copy(dstm.at[pl.ds(op0, 1)], idx_d.at[pl.ds(0, 1)])
        pltpu.async_copy(h_hbm.at[idx_s.at[0, 0]],
                         rows.at[pl.ds(0, 128)], sem).wait()
        pltpu.sync_copy(rows.at[pl.ds(0, 128)], acc.at[idx_d.at[0, 0]],
                        add=True)

    plsc.subcore_barrier()

    @pl.when(s < NS - 1)
    def _dump():
        pltpu.sync_copy(acc.at[pl.ds(s * DUMP, DUMP)],
                        out_hbm.at[c, pl.ds(s * DUMP, DUMP)])

    @pl.when(s == NS - 1)
    def _dump_last():
        pltpu.sync_copy(acc.at[pl.ds((NS - 1) * DUMP, DUMP_LAST)],
                        out_hbm.at[c, pl.ds((NS - 1) * DUMP, DUMP_LAST)])


_segsum = functools.partial(
    pl.kernel,
    out_type=jax.ShapeDtypeStruct((NC, N, F), jnp.float32),
    mesh=_mesh,
    compiler_params=pltpu.CompilerParams(use_tc_tiling_on_sc=False),
    scratch_types=[
        pltpu.VMEM((K, 1, 128), jnp.int32),
        pltpu.VMEM((K, 1, 128), jnp.int32),
        pltpu.VMEM((K * 128, F), jnp.float32),
        pltpu.VMEM_SHARED((ACC_ROWS, F), jnp.float32),
        pltpu.SemaphoreType.DMA,
    ],
)(_segsum_body)


def _pool_body(h3_hbm, batchm, zeros_hbm, out_hbm, idxb, rows, pacc, sem):
    c = lax.axis_index("c")
    s = lax.axis_index("s")
    wid = s * NC + c

    @pl.when(s == 0)
    def _zero():
        pltpu.sync_copy(zeros_hbm.at[pl.ds(0, PACC_ROWS)],
                        pacc.at[pl.ds(0, PACC_ROWS)])

    plsc.subcore_barrier()

    pltpu.sync_copy(h3_hbm.at[pl.ds(wid * P_ROWS, P_ROWS)], rows)
    pltpu.sync_copy(batchm.at[pl.ds(wid * P_OPS, P_OPS)], idxb)

    def op(j, carry):
        pltpu.sync_copy(rows.at[pl.ds(j * 128, 128)],
                        pacc.at[idxb.at[j, 0]], add=True)
        return carry

    lax.fori_loop(0, P_OPS, op, 0)

    plsc.subcore_barrier()
    pltpu.sync_copy(pacc.at[pl.ds(s * PDUMP, PDUMP)],
                    out_hbm.at[c, pl.ds(s * PDUMP, PDUMP)])


_pool = functools.partial(
    pl.kernel,
    out_type=jax.ShapeDtypeStruct((NC, NG, F), jnp.float32),
    mesh=_mesh,
    compiler_params=pltpu.CompilerParams(use_tc_tiling_on_sc=False),
    scratch_types=[
        pltpu.VMEM((P_OPS, 1, 128), jnp.int32),
        pltpu.VMEM((P_ROWS, F), jnp.float32),
        pltpu.VMEM_SHARED((PACC_ROWS, F), jnp.float32),
        pltpu.SemaphoreType.DMA,
    ],
)(_pool_body)


def _tile8(v):
    return jnp.concatenate([v] * 8, axis=1)


def _layer_body(h_ref, p0_ref, p1_ref, eps_ref, w1_ref, b1_ref, g1_ref,
                be1_ref, w2_ref, b2_ref, gb_ref, bb_ref, out_ref, *,
                pad_rows):
    e = 1.0 + eps_ref[0, 0]
    z = e * h_ref[...] + p0_ref[...] + p1_ref[...]

    z1 = jnp.dot(z, w1_ref[...], preferred_element_type=jnp.float32)
    z1 = z1 + _tile8(b1_ref[...])
    m = jnp.sum(z1, axis=0, keepdims=True)
    sq = jnp.sum(z1 * z1, axis=0, keepdims=True)
    m32 = sum(m[:, g * H:(g + 1) * H] for g in range(8))
    s32 = sum(sq[:, g * H:(g + 1) * H] for g in range(8))
    mu = m32 / N
    var = s32 / N - mu * mu
    scale = g1_ref[...] * lax.rsqrt(var + 1e-5)
    shift = be1_ref[...] - mu * scale
    a = jnp.maximum(z1 * _tile8(scale) + _tile8(shift), 0.0)

    z2 = jnp.dot(a, w2_ref[...], preferred_element_type=jnp.float32)
    z2 = z2 + _tile8(b2_ref[...])
    m2 = jnp.sum(z2, axis=0, keepdims=True)
    sq2 = jnp.sum(z2 * z2, axis=0, keepdims=True)
    m16 = sum(m2[:, g * F:(g + 1) * F] for g in range(8))
    s16 = sum(sq2[:, g * F:(g + 1) * F] for g in range(8))
    mu2 = m16 / N
    var2 = s16 / N - mu2 * mu2
    scale2 = gb_ref[...] * lax.rsqrt(var2 + 1e-5)
    shift2 = bb_ref[...] - mu2 * scale2
    hn = jnp.maximum(z2 * _tile8(scale2) + _tile8(shift2), 0.0)

    if pad_rows:
        hn = jnp.concatenate(
            [hn, jnp.zeros((pad_rows, 128), jnp.float32)], axis=0)
    out_ref[...] = hn


def _layer_call(h, p0, p1, eps, w1big, b1p, g1p, be1p, w2big, b2p, gbp, bbp,
                pad_rows):
    return pl.pallas_call(
        functools.partial(_layer_body, pad_rows=pad_rows),
        out_shape=jax.ShapeDtypeStruct((NR + pad_rows, 128), jnp.float32),
    )(h, p0, p1, eps, w1big, b1p, g1p, be1p, w2big, b2p, gbp, bbp)


def _head_body(pool_ref, wl1_ref, bl1_ref, g_ref, b_ref, wl2_ref, bl2_ref,
               ws_ref, bs_ref, out_ref):
    p = pool_ref[0] + pool_ref[1]
    p = jnp.dot(p, wl1_ref[...], preferred_element_type=jnp.float32)
    p = p + bl1_ref[...]
    mu = jnp.mean(p, axis=0, keepdims=True)
    var = jnp.mean(p * p, axis=0, keepdims=True) - mu * mu
    p = g_ref[...] * (p - mu) * lax.rsqrt(var + 1e-5) + b_ref[...]
    p = jnp.maximum(p, 0.0)
    q = jnp.dot(p, wl2_ref[...], preferred_element_type=jnp.float32)
    q = q + bl2_ref[...]
    o = jnp.dot(q, ws_ref[...], preferred_element_type=jnp.float32)
    out_ref[...] = o + bs_ref[...]


def _head_call(pool, wl1p, bl1p, gp, bp, wl2p, bl2p, wsp, bsp):
    return pl.pallas_call(
        _head_body,
        out_shape=jax.ShapeDtypeStruct((NG, 128), jnp.float32),
    )(pool, wl1p, bl1p, gp, bp, wl2p, bl2p, wsp, bsp)


def _blockdiag(w, bi, bo):
    wp = jnp.zeros((bi, bo), jnp.float32).at[:w.shape[0], :w.shape[1]].set(w)
    return jnp.einsum("ab,io->aibo", jnp.eye(8, dtype=jnp.float32),
                      wp).reshape(8 * bi, 8 * bo)


def _padvec(v, n):
    return jnp.zeros((1, n), jnp.float32).at[0, :v.shape[0]].set(v)


def kernel(x, edge_index, batch, W1, b1, g1, be1, W2, b2, eps_p, gbn, bbn,
           Wl1, bl1, gbn1, bbn1, Wl2, bl2, Wseq, bseq):
    hp = jnp.pad(x, ((0, 0), (0, F - x.shape[1])))
    srcm = edge_index[0].reshape(OPS_TOTAL, 1, 128)
    dstm = edge_index[1].reshape(OPS_TOTAL, 1, 128)
    batchm = jnp.concatenate(
        [batch, jnp.full((PN - N,), NG, jnp.int32)]).reshape(PN // 128, 1, 128)
    zeros = jnp.zeros((ZSTRIPE, F), jnp.float32)

    w1bigs = [_blockdiag(W1[i], F, H) for i in range(3)]
    w2bigs = [_blockdiag(W2[i], H, F) for i in range(3)]
    b1ps = [_padvec(b1[i], H) for i in range(3)]
    g1ps = [_padvec(g1[i], H) for i in range(3)]
    be1ps = [_padvec(be1[i], H) for i in range(3)]
    b2ps = [_padvec(b2[i], F) for i in range(3)]
    gbps = [_padvec(gbn[i], F) for i in range(3)]
    bbps = [_padvec(bbn[i], F) for i in range(3)]
    epss = [eps_p[i].reshape(1, 1) for i in range(3)]

    h_r = hp.reshape(NR, 128)
    for i in range(3):
        parts = _segsum(h_r.reshape(N, F), srcm, dstm, zeros)
        pad_rows = (PN - N) // 8 if i == 2 else 0
        h_r = _layer_call(h_r, parts[0].reshape(NR, 128),
                          parts[1].reshape(NR, 128), epss[i], w1bigs[i],
                          b1ps[i], g1ps[i], be1ps[i], w2bigs[i], b2ps[i],
                          gbps[i], bbps[i], pad_rows)

    pool = _pool(h_r.reshape(PN, F), batchm, zeros)

    wl1p = jnp.zeros((F, F), jnp.float32).at[:9, :9].set(Wl1)
    bl1p = _padvec(bl1, F)
    gp = _padvec(gbn1, F)
    bp = _padvec(bbn1, F)
    wl2p = jnp.zeros((F, 128), jnp.float32).at[:9, :2].set(Wl2)
    bl2p = _padvec(bl2, 128)
    wsp = jnp.zeros((128, 128), jnp.float32).at[:2, :2].set(Wseq)
    bsp = _padvec(bseq, 128)

    out = _head_call(pool, wl1p, bl1p, gp, bp, wl2p, bl2p, wsp, bsp)
    return out[:, :2]

# --- scband reference (transcript-rebuilt; emitter-appended) ---
"""Pipeline reference for scband-net-49933289783480 (READ-ONLY COPY).

The authoritative reference and input builder live on the scoring server;
editing this copy changes nothing except your own understanding.
"""

import jax, jax.numpy as jnp
import numpy as np

N_NODES = 100000
N_EDGES = 6400000
NUM_GRAPHS = 128

def _bn(h, gamma, beta, eps=1e-5):
    mu = jnp.mean(h, axis=0)
    var = jnp.var(h, axis=0)
    return gamma * (h - mu) / jnp.sqrt(var + eps) + beta

def setup_inputs(seed: int = 0):
    key = jax.random.key(seed)
    ks = jax.random.split(key, 16)
    x = jax.random.normal(ks[0], (N_NODES, 9), dtype=jnp.float32)
    edge_index = jax.random.randint(ks[1], (2, N_EDGES), 0, N_NODES, dtype=jnp.int32)
    batch = jnp.sort(jax.random.randint(ks[2], (N_NODES,), 0, NUM_GRAPHS, dtype=jnp.int32))
    s = 0.1
    W1 = jax.random.normal(ks[3], (3, 9, 18), dtype=jnp.float32) * s
    b1 = jnp.zeros((3, 18), dtype=jnp.float32)
    g1 = jnp.ones((3, 18), dtype=jnp.float32)
    be1 = jnp.zeros((3, 18), dtype=jnp.float32)
    W2 = jax.random.normal(ks[4], (3, 18, 9), dtype=jnp.float32) * s
    b2 = jnp.zeros((3, 9), dtype=jnp.float32)
    eps_p = jnp.zeros((3,), dtype=jnp.float32)
    gbn = jnp.ones((3, 9), dtype=jnp.float32)
    bbn = jnp.zeros((3, 9), dtype=jnp.float32)
    Wl1 = jax.random.normal(ks[5], (9, 9), dtype=jnp.float32) * s
    bl1 = jnp.zeros((9,), dtype=jnp.float32)
    gbn1 = jnp.ones((9,), dtype=jnp.float32)
    bbn1 = jnp.zeros((9,), dtype=jnp.float32)
    Wl2 = jax.random.normal(ks[6], (9, 2), dtype=jnp.float32) * s
    bl2 = jnp.zeros((2,), dtype=jnp.float32)
    Wseq = jax.random.normal(ks[7], (2, 2), dtype=jnp.float32) * s
    bseq = jnp.zeros((2,), dtype=jnp.float32)
    return {"x": x, "edge_index": edge_index, "batch": batch, "W1": W1, "b1": b1, "g1": g1, "be1": be1, "W2": W2, "b2": b2, "eps_p": eps_p, "gbn": gbn, "bbn": bbn, "Wl1": Wl1, "bl1": bl1, "gbn1": gbn1, "bbn1": bbn1, "Wl2": Wl2, "bl2": bl2, "Wseq": Wseq, "bseq": bseq}

def reference(x, edge_index, batch, W1, b1, g1, be1, W2, b2, eps_p, gbn, bbn, Wl1, bl1, gbn1, bbn1, Wl2, bl2, Wseq, bseq):
    src = edge_index[0]
    dst = edge_index[1]
    h = x
    for i in range(3):
        # GINConv: mlp((1+eps)*x + sum_{j in N(i)} x_j)
        agg = jax.ops.segment_sum(h[src], dst, num_segments=N_NODES)
        z = (1.0 + eps_p[i]) * h + agg
        z = z @ W1[i] + b1[i]
        z = _bn(z, g1[i], be1[i])
        z = jax.nn.relu(z)
        z = z @ W2[i] + b2[i]
        # outer BatchNorm + relu
        z = _bn(z, gbn[i], bbn[i])
        h = jax.nn.relu(z)
    pooled = jax.ops.segment_sum(h, batch, num_segments=NUM_GRAPHS)
    p = pooled @ Wl1 + bl1
    p = jax.nn.relu(_bn(p, gbn1, bbn1))
    # dropout identity at inference
    p = p @ Wl2 + bl2
    out = p @ Wseq + bseq
    return out

if __name__ == "__main__":
    import jax
    _d = setup_inputs()
    print(jax.jit(kernel)(*tuple(_d.values())))

</pallas_src>

<mosaic_0001>
#map = affine_map<(d0, d1) -> (0, 0)>
#map1 = affine_map<(d0, d1) -> (0, 0, 0)>
module attributes {stable_mosaic.version = 14 : i64} {
  func.func @_pool_body(%arg0: i32, %arg1: i32, %arg2: memref<102400x16xf32, #tpu.memory_space<hbm>>, %arg3: memref<800x1x128xi32, #tpu.memory_space<hbm>>, %arg4: memref<6256x16xf32, #tpu.memory_space<hbm>>, %arg5: memref<2x128x16xf32, #tpu.memory_space<hbm>>, %arg6: memref<25x1x128xi32, #tpu.memory_space<vmem>>, %arg7: memref<3200x16xf32, #tpu.memory_space<vmem>>, %arg8: memref<144x16xf32, #tpu.memory_space<vmem_shared>>, %arg9: memref<!tpu.dma_semaphore, #tpu.memory_space<semaphore_mem>>) attributes {dimension_semantics = [#tpu.dimension_semantics<core_parallel>, #tpu.dimension_semantics<subcore_parallel>], iteration_bounds = array<i64: 2, 16>, scalar_prefetch = 0 : i64, scratch_operands = 4 : i64, tpu.core_type = #tpu.core_type<sc_vector_subcore>, window_params = [{transform_indices = #map}, {transform_indices = #map1}, {transform_indices = #map}, {transform_indices = #map1}]} {
    %mul3A = arith.constant 2 : i32
    %mul3A_0 = arith.muli %arg1, %mul3A : i32
    %add3A = arith.addi %mul3A_0, %arg0 : i32
    %eq3A = arith.constant 0 : i32
    %eq3A_1 = arith.cmpi eq, %arg1, %eq3A : i32
    %convert_element_type3A = arith.extui %eq3A_1 : i1 to i32
    %cond3A = arith.constant 0 : i32
    %cond3A_2 = arith.cmpi ne, %convert_element_type3A, %cond3A : i32
    scf.if %cond3A_2 {
      "tpu.region"() ({
        %run_scoped3A = tpu.sem_alloc : memref<!tpu.dma_semaphore, #tpu.memory_space<semaphore_mem>>
        %dma_start3A = arith.constant 0 : i32
        %dma_start3A_17 = arith.constant 0 : i32
        %dma_start3A_18 = tpu.memref_slice %arg8[%dma_start3A, %dma_start3A_17] : memref<144x16xf32, #tpu.memory_space<vmem_shared>> -> memref<144x16xf32, #tpu.memory_space<vmem_shared>>
        %dma_start3A_19 = arith.constant 0 : i32
        %dma_start3A_20 = arith.constant 0 : i32
        %dma_start3A_21 = tpu.memref_slice %arg4[%dma_start3A_19, %dma_start3A_20] : memref<6256x16xf32, #tpu.memory_space<hbm>> -> memref<144x16xf32, #tpu.memory_space<hbm>>
        tpu.enqueue_dma source(%dma_start3A_21 : memref<144x16xf32, #tpu.memory_space<hbm>>) target(%dma_start3A_18 : memref<144x16xf32, #tpu.memory_space<vmem_shared>>) target_semaphore(%run_scoped3A : memref<!tpu.dma_semaphore, #tpu.memory_space<semaphore_mem>>)
        %dma_wait3A = arith.constant 0 : i32
        %dma_wait3A_22 = arith.constant 0 : i32
        %dma_wait3A_23 = tpu.memref_slice %arg8[%dma_wait3A, %dma_wait3A_22] : memref<144x16xf32, #tpu.memory_space<vmem_shared>> -> memref<144x16xf32, #tpu.memory_space<vmem_shared>>
        %dma_wait3A_24 = arith.constant 0 : i32
        %dma_wait3A_25 = arith.constant 0 : i32
        %dma_wait3A_26 = tpu.memref_slice %arg4[%dma_wait3A_24, %dma_wait3A_25] : memref<6256x16xf32, #tpu.memory_space<hbm>> -> memref<144x16xf32, #tpu.memory_space<hbm>>
        tpu.wait_dma2 semaphore(%run_scoped3A : memref<!tpu.dma_semaphore, #tpu.memory_space<semaphore_mem>>) src(%dma_wait3A_26 : memref<144x16xf32, #tpu.memory_space<hbm>>) dst(%dma_wait3A_23 : memref<144x16xf32, #tpu.memory_space<vmem_shared>>)
        tpu.yield
      }) : () -> ()
    } else {
    }
    %barrier3A = arith.constant 0 : index
    tpu.barrier barrier_id(%barrier3A)
    %mul3A_3 = arith.constant 3200 : i32
    %mul3A_4 = arith.muli %add3A, %mul3A_3 : i32
    "tpu.region"() ({
      %run_scoped3A = tpu.sem_alloc : memref<!tpu.dma_semaphore, #tpu.memory_space<semaphore_mem>>
      %dma_start3A = arith.constant 0 : i32
      %dma_start3A_17 = tpu.memref_slice %arg2[%mul3A_4, %dma_start3A] : memref<102400x16xf32, #tpu.memory_space<hbm>> -> memref<3200x16xf32, #tpu.memory_space<hbm>>
      %dma_start3A_18 = arith.constant 0 : i32
      %dma_start3A_19 = tpu.memref_slice %arg2[%mul3A_4, %dma_start3A_18] : memref<102400x16xf32, #tpu.memory_space<hbm>> -> memref<3200x16xf32, #tpu.memory_space<hbm>>
      tpu.enqueue_dma source(%dma_start3A_19 : memref<3200x16xf32, #tpu.memory_space<hbm>>) target(%arg7 : memref<3200x16xf32, #tpu.memory_space<vmem>>) target_semaphore(%run_scoped3A : memref<!tpu.dma_semaphore, #tpu.memory_space<semaphore_mem>>)
      %dma_wait3A = arith.constant 0 : i32
      %dma_wait3A_20 = tpu.memref_slice %arg2[%mul3A_4, %dma_wait3A] : memref<102400x16xf32, #tpu.memory_space<hbm>> -> memref<3200x16xf32, #tpu.memory_space<hbm>>
      %dma_wait3A_21 = arith.constant 0 : i32
      %dma_wait3A_22 = tpu.memref_slice %arg2[%mul3A_4, %dma_wait3A_21] : memref<102400x16xf32, #tpu.memory_space<hbm>> -> memref<3200x16xf32, #tpu.memory_space<hbm>>
      tpu.wait_dma2 semaphore(%run_scoped3A : memref<!tpu.dma_semaphore, #tpu.memory_space<semaphore_mem>>) src(%dma_wait3A_22 : memref<3200x16xf32, #tpu.memory_space<hbm>>) dst(%arg7 : memref<3200x16xf32, #tpu.memory_space<vmem>>)
      tpu.yield
    }) : () -> ()
    %mul3A_5 = arith.constant 25 : i32
    %mul3A_6 = arith.muli %add3A, %mul3A_5 : i32
    "tpu.region"() ({
      %run_scoped3A = tpu.sem_alloc : memref<!tpu.dma_semaphore, #tpu.memory_space<semaphore_mem>>
      %dma_start3A = arith.constant 0 : i32
      %dma_start3A_17 = arith.constant 0 : i32
      %dma_start3A_18 = tpu.memref_slice %arg3[%mul3A_6, %dma_start3A, %dma_start3A_17] : memref<800x1x128xi32, #tpu.memory_space<hbm>> -> memref<25x1x128xi32, #tpu.memory_space<hbm>>
      %dma_start3A_19 = arith.constant 0 : i32
      %dma_start3A_20 = arith.constant 0 : i32
      %dma_start3A_21 = tpu.memref_slice %arg3[%mul3A_6, %dma_start3A_19, %dma_start3A_20] : memref<800x1x128xi32, #tpu.memory_space<hbm>> -> memref<25x1x128xi32, #tpu.memory_space<hbm>>
      tpu.enqueue_dma source(%dma_start3A_21 : memref<25x1x128xi32, #tpu.memory_space<hbm>>) target(%arg6 : memref<25x1x128xi32, #tpu.memory_space<vmem>>) target_semaphore(%run_scoped3A : memref<!tpu.dma_semaphore, #tpu.memory_space<semaphore_mem>>)
      %dma_wait3A = arith.constant 0 : i32
      %dma_wait3A_22 = arith.constant 0 : i32
      %dma_wait3A_23 = tpu.memref_slice %arg3[%mul3A_6, %dma_wait3A, %dma_wait3A_22] : memref<800x1x128xi32, #tpu.memory_space<hbm>> -> memref<25x1x128xi32, #tpu.memory_space<hbm>>
      %dma_wait3A_24 = arith.constant 0 : i32
      %dma_wait3A_25 = arith.constant 0 : i32
      %dma_wait3A_26 = tpu.memref_slice %arg3[%mul3A_6, %dma_wait3A_24, %dma_wait3A_25] : memref<800x1x128xi32, #tpu.memory_space<hbm>> -> memref<25x1x128xi32, #tpu.memory_space<hbm>>
      tpu.wait_dma2 semaphore(%run_scoped3A : memref<!tpu.dma_semaphore, #tpu.memory_space<semaphore_mem>>) src(%dma_wait3A_26 : memref<25x1x128xi32, #tpu.memory_space<hbm>>) dst(%arg6 : memref<25x1x128xi32, #tpu.memory_space<vmem>>)
      tpu.yield
    }) : () -> ()
    %scan3A = arith.constant 0 : i32
    %scan3A_7 = arith.constant 0 : i32
    %scan3A_8 = arith.constant 25 : i32
    %scan3A_9 = arith.addi %scan3A_7, %scan3A_8 : i32
    %scan3A_10 = arith.constant 1 : i32
    scf.for %scan3A_17 = %scan3A_7 to %scan3A_9 step %scan3A_10  : i32 {
      %mul3A_18 = arith.constant 128 : i32
      %mul3A_19 = arith.muli %scan3A_17, %mul3A_18 : i32
      %run_scoped3A = arith.constant 0 : i32
      "tpu.region"() ({
        %run_scoped3A_20 = tpu.sem_alloc : memref<!tpu.dma_semaphore, #tpu.memory_space<semaphore_mem>>
        %dma_start3A = arith.constant 0 : i32
        %dma_start3A_21 = tpu.memref_slice %arg7[%mul3A_19, %dma_start3A] : memref<3200x16xf32, #tpu.memory_space<vmem>> -> memref<128x16xf32, #tpu.memory_space<vmem>>
        %dma_start3A_22 = arith.constant 0 : i32
        %dma_start3A_23 = tpu.memref_slice %arg6[%scan3A_17, %run_scoped3A, %dma_start3A_22] : memref<25x1x128xi32, #tpu.memory_space<vmem>> -> memref<1x1x128xi32, #tpu.memory_space<vmem>>
        %dma_start3A_24 = tpu.memref_squeeze %dma_start3A_23 : memref<1x1x128xi32, #tpu.memory_space<vmem>> -> memref<128xi32, #tpu.memory_space<vmem>>
        %dma_start3A_25 = arith.constant 0 : i32
        %dma_start3A_26 = arith.constant 0 : i32
        %dma_start3A_27 = tpu.memref_slice %arg8[%dma_start3A_25, %dma_start3A_26] : memref<144x16xf32, #tpu.memory_space<vmem_shared>> -> memref<144x16xf32, #tpu.memory_space<vmem_shared>>
        tpu.enqueue_indirect_dma source(%dma_start3A_21 : memref<128x16xf32, #tpu.memory_space<vmem>>) target(%dma_start3A_27 : memref<144x16xf32, #tpu.memory_space<vmem_shared>>) offsets(%dma_start3A_24 : memref<128xi32, #tpu.memory_space<vmem>>) semaphore(%run_scoped3A_20 : memref<!tpu.dma_semaphore, #tpu.memory_space<semaphore_mem>>) {add = true}
        %dma_wait3A = arith.constant 0 : i32
        %dma_wait3A_28 = tpu.memref_slice %arg7[%mul3A_19, %dma_wait3A] : memref<3200x16xf32, #tpu.memory_space<vmem>> -> memref<128x16xf32, #tpu.memory_space<vmem>>
        %dma_wait3A_29 = arith.constant 0 : i32
        %dma_wait3A_30 = tpu.memref_slice %arg6[%scan3A_17, %run_scoped3A, %dma_wait3A_29] : memref<25x1x128xi32, #tpu.memory_space<vmem>> -> memref<1x1x128xi32, #tpu.memory_space<vmem>>
        %dma_wait3A_31 = tpu.memref_squeeze %dma_wait3A_30 : memref<1x1x128xi32, #tpu.memory_space<vmem>> -> memref<128xi32, #tpu.memory_space<vmem>>
        %dma_wait3A_32 = arith.constant 0 : i32
        %dma_wait3A_33 = arith.constant 0 : i32
        %dma_wait3A_34 = tpu.memref_slice %arg8[%dma_wait3A_32, %dma_wait3A_33] : memref<144x16xf32, #tpu.memory_space<vmem_shared>> -> memref<144x16xf32, #tpu.memory_space<vmem_shared>>
        tpu.wait_indirect_dma semaphore(%run_scoped3A_20 : memref<!tpu.dma_semaphore, #tpu.memory_space<semaphore_mem>>) src(%dma_wait3A_28 : memref<128x16xf32, #tpu.memory_space<vmem>>) dst(%dma_wait3A_34 : memref<144x16xf32, #tpu.memory_space<vmem_shared>>)
        tpu.yield
      }) : () -> ()
    }
    %scan3A_11 = arith.constant 25 : i32
    %barrier3A_12 = arith.constant 0 : index
    tpu.barrier barrier_id(%barrier3A_12)
    %mul3A_13 = arith.constant 8 : i32
    %mul3A_14 = arith.muli %arg1, %mul3A_13 : i32
    %mul3A_15 = arith.constant 8 : i32
    %mul3A_16 = arith.muli %arg1, %mul3A_15 : i32
    "tpu.region"() ({
      %run_scoped3A = tpu.sem_alloc : memref<!tpu.dma_semaphore, #tpu.memory_space<semaphore_mem>>
      %dma_start3A = arith.constant 0 : i32
      %dma_start3A_17 = tpu.memref_slice %arg5[%arg0, %mul3A_16, %dma_start3A] : memref<2x128x16xf32, #tpu.memory_space<hbm>> -> memref<1x8x16xf32, #tpu.memory_space<hbm>>
      %dma_start3A_18 = tpu.memref_squeeze %dma_start3A_17 : memref<1x8x16xf32, #tpu.memory_space<hbm>> -> memref<8x16xf32, #tpu.memory_space<hbm>>
      %dma_start3A_19 = arith.constant 0 : i32
      %dma_start3A_20 = tpu.memref_slice %arg8[%mul3A_14, %dma_start3A_19] : memref<144x16xf32, #tpu.memory_space<vmem_shared>> -> memref<8x16xf32, #tpu.memory_space<vmem_shared>>
      tpu.enqueue_dma source(%dma_start3A_20 : memref<8x16xf32, #tpu.memory_space<vmem_shared>>) target(%dma_start3A_18 : memref<8x16xf32, #tpu.memory_space<hbm>>) target_semaphore(%run_scoped3A : memref<!tpu.dma_semaphore, #tpu.memory_space<semaphore_mem>>)
      %dma_wait3A = arith.constant 0 : i32
      %dma_wait3A_21 = tpu.memref_slice %arg5[%arg0, %mul3A_16, %dma_wait3A] : memref<2x128x16xf32, #tpu.memory_space<hbm>> -> memref<1x8x16xf32, #tpu.memory_space<hbm>>
      %dma_wait3A_22 = tpu.memref_squeeze %dma_wait3A_21 : memref<1x8x16xf32, #tpu.memory_space<hbm>> -> memref<8x16xf32, #tpu.memory_space<hbm>>
      %dma_wait3A_23 = arith.constant 0 : i32
      %dma_wait3A_24 = tpu.memref_slice %arg8[%mul3A_14, %dma_wait3A_23] : memref<144x16xf32, #tpu.memory_space<vmem_shared>> -> memref<8x16xf32, #tpu.memory_space<vmem_shared>>
      tpu.wait_dma2 semaphore(%run_scoped3A : memref<!tpu.dma_semaphore, #tpu.memory_space<semaphore_mem>>) src(%dma_wait3A_24 : memref<8x16xf32, #tpu.memory_space<vmem_shared>>) dst(%dma_wait3A_22 : memref<8x16xf32, #tpu.memory_space<hbm>>)
      tpu.yield
    }) : () -> ()
    return
  }
}

#map = affine_map<(d0, d1) -> (0, 0)>
#map1 = affine_map<(d0, d1) -> (0, 0, 0)>
module attributes {stable_mosaic.version = 14 : i64} {
  func.func @_segsum_body(%arg0: i32, %arg1: i32, %arg2: memref<100000x16xf32, #tpu.memory_space<hbm>>, %arg3: memref<50000x1x128xi32, #tpu.memory_space<hbm>>, %arg4: memref<50000x1x128xi32, #tpu.memory_space<hbm>>, %arg5: memref<6256x16xf32, #tpu.memory_space<hbm>>, %arg6: memref<2x100000x16xf32, #tpu.memory_space<hbm>>, %arg7: memref<11x1x128xi32, #tpu.memory_space<vmem>>, %arg8: memref<11x1x128xi32, #tpu.memory_space<vmem>>, %arg9: memref<1408x16xf32, #tpu.memory_space<vmem>>, %arg10: memref<100096x16xf32, #tpu.memory_space<vmem_shared>>, %arg11: memref<!tpu.dma_semaphore, #tpu.memory_space<semaphore_mem>>) attributes {dimension_semantics = [#tpu.dimension_semantics<core_parallel>, #tpu.dimension_semantics<subcore_parallel>], iteration_bounds = array<i64: 2, 16>, scalar_prefetch = 0 : i64, scratch_operands = 5 : i64, tpu.core_type = #tpu.core_type<sc_vector_subcore>, window_params = [{transform_indices = #map}, {transform_indices = #map1}, {transform_indices = #map1}, {transform_indices = #map}, {transform_indices = #map1}]} {
    %mul3A = arith.constant 2 : i32
    %mul3A_0 = arith.muli %arg1, %mul3A : i32
    %add3A = arith.addi %mul3A_0, %arg0 : i32
    %mul3A_1 = arith.constant 6256 : i32
    %mul3A_2 = arith.muli %arg1, %mul3A_1 : i32
    "tpu.region"() ({
      %run_scoped3A = tpu.sem_alloc : memref<!tpu.dma_semaphore, #tpu.memory_space<semaphore_mem>>
      %dma_start3A = arith.constant 0 : i32
      %dma_start3A_24 = tpu.memref_slice %arg10[%mul3A_2, %dma_start3A] : memref<100096x16xf32, #tpu.memory_space<vmem_shared>> -> memref<6256x16xf32, #tpu.memory_space<vmem_shared>>
      %dma_start3A_25 = arith.constant 0 : i32
      %dma_start3A_26 = arith.constant 0 : i32
      %dma_start3A_27 = tpu.memref_slice %arg5[%dma_start3A_25, %dma_start3A_26] : memref<6256x16xf32, #tpu.memory_space<hbm>> -> memref<6256x16xf32, #tpu.memory_space<hbm>>
      tpu.enqueue_dma source(%dma_start3A_27 : memref<6256x16xf32, #tpu.memory_space<hbm>>) target(%dma_start3A_24 : memref<6256x16xf32, #tpu.memory_space<vmem_shared>>) target_semaphore(%run_scoped3A : memref<!tpu.dma_semaphore, #tpu.memory_space<semaphore_mem>>)
      %dma_wait3A = arith.constant 0 : i32
      %dma_wait3A_28 = tpu.memref_slice %arg10[%mul3A_2, %dma_wait3A] : memref<100096x16xf32, #tpu.memory_space<vmem_shared>> -> memref<6256x16xf32, #tpu.memory_space<vmem_shared>>
      %dma_wait3A_29 = arith.constant 0 : i32
      %dma_wait3A_30 = arith.constant 0 : i32
      %dma_wait3A_31 = tpu.memref_slice %arg5[%dma_wait3A_29, %dma_wait3A_30] : memref<6256x16xf32, #tpu.memory_space<hbm>> -> memref<6256x16xf32, #tpu.memory_space<hbm>>
      tpu.wait_dma2 semaphore(%run_scoped3A : memref<!tpu.dma_semaphore, #tpu.memory_space<semaphore_mem>>) src(%dma_wait3A_31 : memref<6256x16xf32, #tpu.memory_space<hbm>>) dst(%dma_wait3A_28 : memref<6256x16xf32, #tpu.memory_space<vmem_shared>>)
      tpu.yield
    }) : () -> ()
    %barrier3A = arith.constant 0 : index
    tpu.barrier barrier_id(%barrier3A)
    %mul3A_3 = arith.constant 1562 : i32
    %mul3A_4 = arith.muli %add3A, %mul3A_3 : i32
    %min3A = arith.constant 16 : i32
    %min3A_5 = arith.minsi %add3A, %min3A : i32
    %add3A_6 = arith.addi %mul3A_4, %min3A_5 : i32
    %scan3A = arith.constant 0 : i32
    %scan3A_7 = arith.constant 0 : i32
    %scan3A_8 = arith.constant 142 : i32
    %scan3A_9 = arith.addi %scan3A_7, %scan3A_8 : i32
    %scan3A_10 = arith.constant 1 : i32
    scf.for %scan3A_24 = %scan3A_7 to %scan3A_9 step %scan3A_10  : i32 {
      %mul3A_25 = arith.constant 11 : i32
      %mul3A_26 = arith.muli %scan3A_24, %mul3A_25 : i32
      %add3A_27 = arith.addi %add3A_6, %mul3A_26 : i32
      "tpu.region"() ({
        %run_scoped3A_289 = tpu.sem_alloc : memref<!tpu.dma_semaphore, #tpu.memory_space<semaphore_mem>>
        %dma_start3A_290 = arith.constant 0 : i32
        %dma_start3A_291 = arith.constant 0 : i32
        %dma_start3A_292 = tpu.memref_slice %arg3[%add3A_27, %dma_start3A_290, %dma_start3A_291] : memref<50000x1x128xi32, #tpu.memory_space<hbm>> -> memref<11x1x128xi32, #tpu.memory_space<hbm>>
        %dma_start3A_293 = arith.constant 0 : i32
        %dma_start3A_294 = arith.constant 0 : i32
        %dma_start3A_295 = tpu.memref_slice %arg3[%add3A_27, %dma_start3A_293, %dma_start3A_294] : memref<50000x1x128xi32, #tpu.memory_space<hbm>> -> memref<11x1x128xi32, #tpu.memory_space<hbm>>
        tpu.enqueue_dma source(%dma_start3A_295 : memref<11x1x128xi32, #tpu.memory_space<hbm>>) target(%arg7 : memref<11x1x128xi32, #tpu.memory_space<vmem>>) target_semaphore(%run_scoped3A_289 : memref<!tpu.dma_semaphore, #tpu.memory_space<semaphore_mem>>)
        %dma_wait3A_296 = arith.constant 0 : i32
        %dma_wait3A_297 = arith.constant 0 : i32
        %dma_wait3A_298 = tpu.memref_slice %arg3[%add3A_27, %dma_wait3A_296, %dma_wait3A_297] : memref<50000x1x128xi32, #tpu.memory_space<hbm>> -> memref<11x1x128xi32, #tpu.memory_space<hbm>>
        %dma_wait3A_299 = arith.constant 0 : i32
        %dma_wait3A_300 = arith.constant 0 : i32
        %dma_wait3A_301 = tpu.memref_slice %arg3[%add3A_27, %dma_wait3A_299, %dma_wait3A_300] : memref<50000x1x128xi32, #tpu.memory_space<hbm>> -> memref<11x1x128xi32, #tpu.memory_space<hbm>>
        tpu.wait_dma2 semaphore(%run_scoped3A_289 : memref<!tpu.dma_semaphore, #tpu.memory_space<semaphore_mem>>) src(%dma_wait3A_301 : memref<11x1x128xi32, #tpu.memory_space<hbm>>) dst(%arg7 : memref<11x1x128xi32, #tpu.memory_space<vmem>>)
        tpu.yield
      }) : () -> ()
      "tpu.region"() ({
        %run_scoped3A_289 = tpu.sem_alloc : memref<!tpu.dma_semaphore, #tpu.memory_space<semaphore_mem>>
        %dma_start3A_290 = arith.constant 0 : i32
        %dma_start3A_291 = arith.constant 0 : i32
        %dma_start3A_292 = tpu.memref_slice %arg4[%add3A_27, %dma_start3A_290, %dma_start3A_291] : memref<50000x1x128xi32, #tpu.memory_space<hbm>> -> memref<11x1x128xi32, #tpu.memory_space<hbm>>
        %dma_start3A_293 = arith.constant 0 : i32
        %dma_start3A_294 = arith.constant 0 : i32
        %dma_start3A_295 = tpu.memref_slice %arg4[%add3A_27, %dma_start3A_293, %dma_start3A_294] : memref<50000x1x128xi32, #tpu.memory_space<hbm>> -> memref<11x1x128xi32, #tpu.memory_space<hbm>>
        tpu.enqueue_dma source(%dma_start3A_295 : memref<11x1x128xi32, #tpu.memory_space<hbm>>) target(%arg8 : memref<11x1x128xi32, #tpu.memory_space<vmem>>) target_semaphore(%run_scoped3A_289 : memref<!tpu.dma_semaphore, #tpu.memory_space<semaphore_mem>>)
        %dma_wait3A_296 = arith.constant 0 : i32
        %dma_wait3A_297 = arith.constant 0 : i32
        %dma_wait3A_298 = tpu.memref_slice %arg4[%add3A_27, %dma_wait3A_296, %dma_wait3A_297] : memref<50000x1x128xi32, #tpu.memory_space<hbm>> -> memref<11x1x128xi32, #tpu.memory_space<hbm>>
        %dma_wait3A_299 = arith.constant 0 : i32
        %dma_wait3A_300 = arith.constant 0 : i32
        %dma_wait3A_301 = tpu.memref_slice %arg4[%add3A_27, %dma_wait3A_299, %dma_wait3A_300] : memref<50000x1x128xi32, #tpu.memory_space<hbm>> -> memref<11x1x128xi32, #tpu.memory_space<hbm>>
        tpu.wait_dma2 semaphore(%run_scoped3A_289 : memref<!tpu.dma_semaphore, #tpu.memory_space<semaphore_mem>>) src(%dma_wait3A_301 : memref<11x1x128xi32, #tpu.memory_space<hbm>>) dst(%arg8 : memref<11x1x128xi32, #tpu.memory_space<vmem>>)
        tpu.yield
      }) : () -> ()
      %dma_start3A = arith.constant 0 : i32
      %dma_start3A_28 = arith.constant 0 : i32
      %dma_start3A_29 = arith.constant 0 : i32
      %dma_start3A_30 = arith.constant 0 : i32
      %dma_start3A_31 = tpu.memref_slice %arg9[%dma_start3A_29, %dma_start3A_30] : memref<1408x16xf32, #tpu.memory_space<vmem>> -> memref<128x16xf32, #tpu.memory_space<vmem>>
      %dma_start3A_32 = arith.constant 0 : i32
      %dma_start3A_33 = tpu.memref_slice %arg7[%dma_start3A, %dma_start3A_28, %dma_start3A_32] : memref<11x1x128xi32, #tpu.memory_space<vmem>> -> memref<1x1x128xi32, #tpu.memory_space<vmem>>
      %dma_start3A_34 = tpu.memref_squeeze %dma_start3A_33 : memref<1x1x128xi32, #tpu.memory_space<vmem>> -> memref<128xi32, #tpu.memory_space<vmem>>
      %dma_start3A_35 = arith.constant 0 : i32
      %dma_start3A_36 = arith.constant 0 : i32
      %dma_start3A_37 = tpu.memref_slice %arg2[%dma_start3A_35, %dma_start3A_36] : memref<100000x16xf32, #tpu.memory_space<hbm>> -> memref<100000x16xf32, #tpu.memory_space<hbm>>
      tpu.enqueue_indirect_dma source(%dma_start3A_37 : memref<100000x16xf32, #tpu.memory_space<hbm>>) target(%dma_start3A_31 : memref<128x16xf32, #tpu.memory_space<vmem>>) offsets(%dma_start3A_34 : memref<128xi32, #tpu.memory_space<vmem>>) semaphore(%arg11 : memref<!tpu.dma_semaphore, #tpu.memory_space<semaphore_mem>>)
      %dma_start3A_38 = arith.constant 1 : i32
      %dma_start3A_39 = arith.constant 0 : i32
      %dma_start3A_40 = arith.constant 128 : i32
      %dma_start3A_41 = arith.constant 0 : i32
      %dma_start3A_42 = tpu.memref_slice %arg9[%dma_start3A_40, %dma_start3A_41] : memref<1408x16xf32, #tpu.memory_space<vmem>> -> memref<128x16xf32, #tpu.memory_space<vmem>>
      %dma_start3A_43 = arith.constant 0 : i32
      %dma_start3A_44 = tpu.memref_slice %arg7[%dma_start3A_38, %dma_start3A_39, %dma_start3A_43] : memref<11x1x128xi32, #tpu.memory_space<vmem>> -> memref<1x1x128xi32, #tpu.memory_space<vmem>>
      %dma_start3A_45 = tpu.memref_squeeze %dma_start3A_44 : memref<1x1x128xi32, #tpu.memory_space<vmem>> -> memref<128xi32, #tpu.memory_space<vmem>>
      %dma_start3A_46 = arith.constant 0 : i32
      %dma_start3A_47 = arith.constant 0 : i32
      %dma_start3A_48 = tpu.memref_slice %arg2[%dma_start3A_46, %dma_start3A_47] : memref<100000x16xf32, #tpu.memory_space<hbm>> -> memref<100000x16xf32, #tpu.memory_space<hbm>>
      tpu.enqueue_indirect_dma source(%dma_start3A_48 : memref<100000x16xf32, #tpu.memory_space<hbm>>) target(%dma_start3A_42 : memref<128x16xf32, #tpu.memory_space<vmem>>) offsets(%dma_start3A_45 : memref<128xi32, #tpu.memory_space<vmem>>) semaphore(%arg11 : memref<!tpu.dma_semaphore, #tpu.memory_space<semaphore_mem>>)
      %dma_start3A_49 = arith.constant 2 : i32
      %dma_start3A_50 = arith.constant 0 : i32
      %dma_start3A_51 = arith.constant 256 : i32
      %dma_start3A_52 = arith.constant 0 : i32
      %dma_start3A_53 = tpu.memref_slice %arg9[%dma_start3A_51, %dma_start3A_52] : memref<1408x16xf32, #tpu.memory_space<vmem>> -> memref<128x16xf32, #tpu.memory_space<vmem>>
      %dma_start3A_54 = arith.constant 0 : i32
      %dma_start3A_55 = tpu.memref_slice %arg7[%dma_start3A_49, %dma_start3A_50, %dma_start3A_54] : memref<11x1x128xi32, #tpu.memory_space<vmem>> -> memref<1x1x128xi32, #tpu.memory_space<vmem>>
      %dma_start3A_56 = tpu.memref_squeeze %dma_start3A_55 : memref<1x1x128xi32, #tpu.memory_space<vmem>> -> memref<128xi32, #tpu.memory_space<vmem>>
      %dma_start3A_57 = arith.constant 0 : i32
      %dma_start3A_58 = arith.constant 0 : i32
      %dma_start3A_59 = tpu.memref_slice %arg2[%dma_start3A_57, %dma_start3A_58] : memref<100000x16xf32, #tpu.memory_space<hbm>> -> memref<100000x16xf32, #tpu.memory_space<hbm>>
      tpu.enqueue_indirect_dma source(%dma_start3A_59 : memref<100000x16xf32, #tpu.memory_space<hbm>>) target(%dma_start3A_53 : memref<128x16xf32, #tpu.memory_space<vmem>>) offsets(%dma_start3A_56 : memref<128xi32, #tpu.memory_space<vmem>>) semaphore(%arg11 : memref<!tpu.dma_semaphore, #tpu.memory_space<semaphore_mem>>)
      %dma_start3A_60 = arith.constant 3 : i32
      %dma_start3A_61 = arith.constant 0 : i32
      %dma_start3A_62 = arith.constant 384 : i32
      %dma_start3A_63 = arith.constant 0 : i32
      %dma_start3A_64 = tpu.memref_slice %arg9[%dma_start3A_62, %dma_start3A_63] : memref<1408x16xf32, #tpu.memory_space<vmem>> -> memref<128x16xf32, #tpu.memory_space<vmem>>
      %dma_start3A_65 = arith.constant 0 : i32
      %dma_start3A_66 = tpu.memref_slice %arg7[%dma_start3A_60, %dma_start3A_61, %dma_start3A_65] : memref<11x1x128xi32, #tpu.memory_space<vmem>> -> memref<1x1x128xi32, #tpu.memory_space<vmem>>
      %dma_start3A_67 = tpu.memref_squeeze %dma_start3A_66 : memref<1x1x128xi32, #tpu.memory_space<vmem>> -> memref<128xi32, #tpu.memory_space<vmem>>
      %dma_start3A_68 = arith.constant 0 : i32
      %dma_start3A_69 = arith.constant 0 : i32
      %dma_start3A_70 = tpu.memref_slice %arg2[%dma_start3A_68, %dma_start3A_69] : memref<100000x16xf32, #tpu.memory_space<hbm>> -> memref<100000x16xf32, #tpu.memory_space<hbm>>
      tpu.enqueue_indirect_dma source(%dma_start3A_70 : memref<100000x16xf32, #tpu.memory_space<hbm>>) target(%dma_start3A_64 : memref<128x16xf32, #tpu.memory_space<vmem>>) offsets(%dma_start3A_67 : memref<128xi32, #tpu.memory_space<vmem>>) semaphore(%arg11 : memref<!tpu.dma_semaphore, #tpu.memory_space<semaphore_mem>>)
      %dma_start3A_71 = arith.constant 4 : i32
      %dma_start3A_72 = arith.constant 0 : i32
      %dma_start3A_73 = arith.constant 512 : i32
      %dma_start3A_74 = arith.constant 0 : i32
      %dma_start3A_75 = tpu.memref_slice %arg9[%dma_start3A_73, %dma_start3A_74] : memref<1408x16xf32, #tpu.memory_space<vmem>> -> memref<128x16xf32, #tpu.memory_space<vmem>>
      %dma_start3A_76 = arith.constant 0 : i32
      %dma_start3A_77 = tpu.memref_slice %arg7[%dma_start3A_71, %dma_start3A_72, %dma_start3A_76] : memref<11x1x128xi32, #tpu.memory_space<vmem>> -> memref<1x1x128xi32, #tpu.memory_space<vmem>>
      %dma_start3A_78 = tpu.memref_squeeze %dma_start3A_77 : memref<1x1x128xi32, #tpu.memory_space<vmem>> -> memref<128xi32, #tpu.memory_space<vmem>>
      %dma_start3A_79 = arith.constant 0 : i32
      %dma_start3A_80 = arith.constant 0 : i32
      %dma_start3A_81 = tpu.memref_slice %arg2[%dma_start3A_79, %dma_start3A_80] : memref<100000x16xf32, #tpu.memory_space<hbm>> -> memref<100000x16xf32, #tpu.memory_space<hbm>>
      tpu.enqueue_indirect_dma source(%dma_start3A_81 : memref<100000x16xf32, #tpu.memory_space<hbm>>) target(%dma_start3A_75 : memref<128x16xf32, #tpu.memory_space<vmem>>) offsets(%dma_start3A_78 : memref<128xi32, #tpu.memory_space<vmem>>) semaphore(%arg11 : memref<!tpu.dma_semaphore, #tpu.memory_space<semaphore_mem>>)
      %dma_start3A_82 = arith.constant 5 : i32
      %dma_start3A_83 = arith.constant 0 : i32
      %dma_start3A_84 = arith.constant 640 : i32
      %dma_start3A_85 = arith.constant 0 : i32
      %dma_start3A_86 = tpu.memref_slice %arg9[%dma_start3A_84, %dma_start3A_85] : memref<1408x16xf32, #tpu.memory_space<vmem>> -> memref<128x16xf32, #tpu.memory_space<vmem>>
      %dma_start3A_87 = arith.constant 0 : i32
      %dma_start3A_88 = tpu.memref_slice %arg7[%dma_start3A_82, %dma_start3A_83, %dma_start3A_87] : memref<11x1x128xi32, #tpu.memory_space<vmem>> -> memref<1x1x128xi32, #tpu.memory_space<vmem>>
      %dma_start3A_89 = tpu.memref_squeeze %dma_start3A_88 : memref<1x1x128xi32, #tpu.memory_space<vmem>> -> memref<128xi32, #tpu.memory_space<vmem>>
      %dma_start3A_90 = arith.constant 0 : i32
      %dma_start3A_91 = arith.constant 0 : i32
      %dma_start3A_92 = tpu.memref_slice %arg2[%dma_start3A_90, %dma_start3A_91] : memref<100000x16xf32, #tpu.memory_space<hbm>> -> memref<100000x16xf32, #tpu.memory_space<hbm>>
      tpu.enqueue_indirect_dma source(%dma_start3A_92 : memref<100000x16xf32, #tpu.memory_space<hbm>>) target(%dma_start3A_86 : memref<128x16xf32, #tpu.memory_space<vmem>>) offsets(%dma_start3A_89 : memref<128xi32, #tpu.memory_space<vmem>>) semaphore(%arg11 : memref<!tpu.dma_semaphore, #tpu.memory_space<semaphore_mem>>)
      %dma_start3A_93 = arith.constant 6 : i32
      %dma_start3A_94 = arith.constant 0 : i32
      %dma_start3A_95 = arith.constant 768 : i32
      %dma_start3A_96 = arith.constant 0 : i32
      %dma_start3A_97 = tpu.memref_slice %arg9[%dma_start3A_95, %dma_start3A_96] : memref<1408x16xf32, #tpu.memory_space<vmem>> -> memref<128x16xf32, #tpu.memory_space<vmem>>
      %dma_start3A_98 = arith.constant 0 : i32
      %dma_start3A_99 = tpu.memref_slice %arg7[%dma_start3A_93, %dma_start3A_94, %dma_start3A_98] : memref<11x1x128xi32, #tpu.memory_space<vmem>> -> memref<1x1x128xi32, #tpu.memory_space<vmem>>
      %dma_start3A_100 = tpu.memref_squeeze %dma_start3A_99 : memref<1x1x128xi32, #tpu.memory_space<vmem>> -> memref<128xi32, #tpu.memory_space<vmem>>
      %dma_start3A_101 = arith.constant 0 : i32
      %dma_start3A_102 = arith.constant 0 : i32
      %dma_start3A_103 = tpu.memref_slice %arg2[%dma_start3A_101, %dma_start3A_102] : memref<100000x16xf32, #tpu.memory_space<hbm>> -> memref<100000x16xf32, #tpu.memory_space<hbm>>
      tpu.enqueue_indirect_dma source(%dma_start3A_103 : memref<100000x16xf32, #tpu.memory_space<hbm>>) target(%dma_start3A_97 : memref<128x16xf32, #tpu.memory_space<vmem>>) offsets(%dma_start3A_100 : memref<128xi32, #tpu.memory_space<vmem>>) semaphore(%arg11 : memref<!tpu.dma_semaphore, #tpu.memory_space<semaphore_mem>>)
      %dma_start3A_104 = arith.constant 7 : i32
      %dma_start3A_105 = arith.constant 0 : i32
      %dma_start3A_106 = arith.constant 896 : i32
      %dma_start3A_107 = arith.constant 0 : i32
      %dma_start3A_108 = tpu.memref_slice %arg9[%dma_start3A_106, %dma_start3A_107] : memref<1408x16xf32, #tpu.memory_space<vmem>> -> memref<128x16xf32, #tpu.memory_space<vmem>>
      %dma_start3A_109 = arith.constant 0 : i32
      %dma_start3A_110 = tpu.memref_slice %arg7[%dma_start3A_104, %dma_start3A_105, %dma_start3A_109] : memref<11x1x128xi32, #tpu.memory_space<vmem>> -> memref<1x1x128xi32, #tpu.memory_space<vmem>>
      %dma_start3A_111 = tpu.memref_squeeze %dma_start3A_110 : memref<1x1x128xi32, #tpu.memory_space<vmem>> -> memref<128xi32, #tpu.memory_space<vmem>>
      %dma_start3A_112 = arith.constant 0 : i32
      %dma_start3A_113 = arith.constant 0 : i32
      %dma_start3A_114 = tpu.memref_slice %arg2[%dma_start3A_112, %dma_start3A_113] : memref<100000x16xf32, #tpu.memory_space<hbm>> -> memref<100000x16xf32, #tpu.memory_space<hbm>>
      tpu.enqueue_indirect_dma source(%dma_start3A_114 : memref<100000x16xf32, #tpu.memory_space<hbm>>) target(%dma_start3A_108 : memref<128x16xf32, #tpu.memory_space<vmem>>) offsets(%dma_start3A_111 : memref<128xi32, #tpu.memory_space<vmem>>) semaphore(%arg11 : memref<!tpu.dma_semaphore, #tpu.memory_space<semaphore_mem>>)
      %dma_start3A_115 = arith.constant 8 : i32
      %dma_start3A_116 = arith.constant 0 : i32
      %dma_start3A_117 = arith.constant 1024 : i32
      %dma_start3A_118 = arith.constant 0 : i32
      %dma_start3A_119 = tpu.memref_slice %arg9[%dma_start3A_117, %dma_start3A_118] : memref<1408x16xf32, #tpu.memory_space<vmem>> -> memref<128x16xf32, #tpu.memory_space<vmem>>
      %dma_start3A_120 = arith.constant 0 : i32
      %dma_start3A_121 = tpu.memref_slice %arg7[%dma_start3A_115, %dma_start3A_116, %dma_start3A_120] : memref<11x1x128xi32, #tpu.memory_space<vmem>> -> memref<1x1x128xi32, #tpu.memory_space<vmem>>
      %dma_start3A_122 = tpu.memref_squeeze %dma_start3A_121 : memref<1x1x128xi32, #tpu.memory_space<vmem>> -> memref<128xi32, #tpu.memory_space<vmem>>
      %dma_start3A_123 = arith.constant 0 : i32
      %dma_start3A_124 = arith.constant 0 : i32
      %dma_start3A_125 = tpu.memref_slice %arg2[%dma_start3A_123, %dma_start3A_124] : memref<100000x16xf32, #tpu.memory_space<hbm>> -> memref<100000x16xf32, #tpu.memory_space<hbm>>
      tpu.enqueue_indirect_dma source(%dma_start3A_125 : memref<100000x16xf32, #tpu.memory_space<hbm>>) target(%dma_start3A_119 : memref<128x16xf32, #tpu.memory_space<vmem>>) offsets(%dma_start3A_122 : memref<128xi32, #tpu.memory_space<vmem>>) semaphore(%arg11 : memref<!tpu.dma_semaphore, #tpu.memory_space<semaphore_mem>>)
      %dma_start3A_126 = arith.constant 9 : i32
      %dma_start3A_127 = arith.constant 0 : i32
      %dma_start3A_128 = arith.constant 1152 : i32
      %dma_start3A_129 = arith.constant 0 : i32
      %dma_start3A_130 = tpu.memref_slice %arg9[%dma_start3A_128, %dma_start3A_129] : memref<1408x16xf32, #tpu.memory_space<vmem>> -> memref<128x16xf32, #tpu.memory_space<vmem>>
      %dma_start3A_131 = arith.constant 0 : i32
      %dma_start3A_132 = tpu.memref_slice %arg7[%dma_start3A_126, %dma_start3A_127, %dma_start3A_131] : memref<11x1x128xi32, #tpu.memory_space<vmem>> -> memref<1x1x128xi32, #tpu.memory_space<vmem>>
      %dma_start3A_133 = tpu.memref_squeeze %dma_start3A_132 : memref<1x1x128xi32, #tpu.memory_space<vmem>> -> memref<128xi32, #tpu.memory_space<vmem>>
      %dma_start3A_134 = arith.constant 0 : i32
      %dma_start3A_135 = arith.constant 0 : i32
      %dma_start3A_136 = tpu.memref_slice %arg2[%dma_start3A_134, %dma_start3A_135] : memref<100000x16xf32, #tpu.memory_space<hbm>> -> memref<100000x16xf32, #tpu.memory_space<hbm>>
      tpu.enqueue_indirect_dma source(%dma_start3A_136 : memref<100000x16xf32, #tpu.memory_space<hbm>>) target(%dma_start3A_130 : memref<128x16xf32, #tpu.memory_space<vmem>>) offsets(%dma_start3A_133 : memref<128xi32, #tpu.memory_space<vmem>>) semaphore(%arg11 : memref<!tpu.dma_semaphore, #tpu.memory_space<semaphore_mem>>)
      %dma_start3A_137 = arith.constant 10 : i32
      %dma_start3A_138 = arith.constant 0 : i32
      %dma_start3A_139 = arith.constant 1280 : i32
      %dma_start3A_140 = arith.constant 0 : i32
      %dma_start3A_141 = tpu.memref_slice %arg9[%dma_start3A_139, %dma_start3A_140] : memref<1408x16xf32, #tpu.memory_space<vmem>> -> memref<128x16xf32, #tpu.memory_space<vmem>>
      %dma_start3A_142 = arith.constant 0 : i32
      %dma_start3A_143 = tpu.memref_slice %arg7[%dma_start3A_137, %dma_start3A_138, %dma_start3A_142] : memref<11x1x128xi32, #tpu.memory_space<vmem>> -> memref<1x1x128xi32, #tpu.memory_space<vmem>>
      %dma_start3A_144 = tpu.memref_squeeze %dma_start3A_143 : memref<1x1x128xi32, #tpu.memory_space<vmem>> -> memref<128xi32, #tpu.memory_space<vmem>>
      %dma_start3A_145 = arith.constant 0 : i32
      %dma_start3A_146 = arith.constant 0 : i32
      %dma_start3A_147 = tpu.memref_slice %arg2[%dma_start3A_145, %dma_start3A_146] : memref<100000x16xf32, #tpu.memory_space<hbm>> -> memref<100000x16xf32, #tpu.memory_space<hbm>>
      tpu.enqueue_indirect_dma source(%dma_start3A_147 : memref<100000x16xf32, #tpu.memory_space<hbm>>) target(%dma_start3A_141 : memref<128x16xf32, #tpu.memory_space<vmem>>) offsets(%dma_start3A_144 : memref<128xi32, #tpu.memory_space<vmem>>) semaphore(%arg11 : memref<!tpu.dma_semaphore, #tpu.memory_space<semaphore_mem>>)
      %dma_wait3A = arith.constant 0 : i32
      %dma_wait3A_148 = arith.constant 0 : i32
      %dma_wait3A_149 = arith.constant 0 : i32
      %dma_wait3A_150 = arith.constant 0 : i32
      %dma_wait3A_151 = tpu.memref_slice %arg9[%dma_wait3A_149, %dma_wait3A_150] : memref<1408x16xf32, #tpu.memory_space<vmem>> -> memref<128x16xf32, #tpu.memory_space<vmem>>
      %dma_wait3A_152 = arith.constant 0 : i32
      %dma_wait3A_153 = tpu.memref_slice %arg7[%dma_wait3A, %dma_wait3A_148, %dma_wait3A_152] : memref<11x1x128xi32, #tpu.memory_space<vmem>> -> memref<1x1x128xi32, #tpu.memory_space<vmem>>
      %dma_wait3A_154 = tpu.memref_squeeze %dma_wait3A_153 : memref<1x1x128xi32, #tpu.memory_space<vmem>> -> memref<128xi32, #tpu.memory_space<vmem>>
      %dma_wait3A_155 = arith.constant 0 : i32
      %dma_wait3A_156 = arith.constant 0 : i32
      %dma_wait3A_157 = tpu.memref_slice %arg2[%dma_wait3A_155, %dma_wait3A_156] : memref<100000x16xf32, #tpu.memory_space<hbm>> -> memref<100000x16xf32, #tpu.memory_space<hbm>>
      tpu.wait_indirect_dma semaphore(%arg11 : memref<!tpu.dma_semaphore, #tpu.memory_space<semaphore_mem>>) src(%dma_wait3A_157 : memref<100000x16xf32, #tpu.memory_space<hbm>>) dst(%dma_wait3A_151 : memref<128x16xf32, #tpu.memory_space<vmem>>)
      %dma_wait3A_158 = arith.constant 1 : i32
      %dma_wait3A_159 = arith.constant 0 : i32
      %dma_wait3A_160 = arith.constant 128 : i32
      %dma_wait3A_161 = arith.constant 0 : i32
      %dma_wait3A_162 = tpu.memref_slice %arg9[%dma_wait3A_160, %dma_wait3A_161] : memref<1408x16xf32, #tpu.memory_space<vmem>> -> memref<128x16xf32, #tpu.memory_space<vmem>>
      %dma_wait3A_163 = arith.constant 0 : i32
      %dma_wait3A_164 = tpu.memref_slice %arg7[%dma_wait3A_158, %dma_wait3A_159, %dma_wait3A_163] : memref<11x1x128xi32, #tpu.memory_space<vmem>> -> memref<1x1x128xi32, #tpu.memory_space<vmem>>
      %dma_wait3A_165 = tpu.memref_squeeze %dma_wait3A_164 : memref<1x1x128xi32, #tpu.memory_space<vmem>> -> memref<128xi32, #tpu.memory_space<vmem>>
      %dma_wait3A_166 = arith.constant 0 : i32
      %dma_wait3A_167 = arith.constant 0 : i32
      %dma_wait3A_168 = tpu.memref_slice %arg2[%dma_wait3A_166, %dma_wait3A_167] : memref<100000x16xf32, #tpu.memory_space<hbm>> -> memref<100000x16xf32, #tpu.memory_space<hbm>>
      tpu.wait_indirect_dma semaphore(%arg11 : memref<!tpu.dma_semaphore, #tpu.memory_space<semaphore_mem>>) src(%dma_wait3A_168 : memref<100000x16xf32, #tpu.memory_space<hbm>>) dst(%dma_wait3A_162 : memref<128x16xf32, #tpu.memory_space<vmem>>)
      %dma_wait3A_169 = arith.constant 2 : i32
      %dma_wait3A_170 = arith.constant 0 : i32
      %dma_wait3A_171 = arith.constant 256 : i32
      %dma_wait3A_172 = arith.constant 0 : i32
      %dma_wait3A_173 = tpu.memref_slice %arg9[%dma_wait3A_171, %dma_wait3A_172] : memref<1408x16xf32, #tpu.memory_space<vmem>> -> memref<128x16xf32, #tpu.memory_space<vmem>>
      %dma_wait3A_174 = arith.constant 0 : i32
      %dma_wait3A_175 = tpu.memref_slice %arg7[%dma_wait3A_169, %dma_wait3A_170, %dma_wait3A_174] : memref<11x1x128xi32, #tpu.memory_space<vmem>> -> memref<1x1x128xi32, #tpu.memory_space<vmem>>
      %dma_wait3A_176 = tpu.memref_squeeze %dma_wait3A_175 : memref<1x1x128xi32, #tpu.memory_space<vmem>> -> memref<128xi32, #tpu.memory_space<vmem>>
      %dma_wait3A_177 = arith.constant 0 : i32
      %dma_wait3A_178 = arith.constant 0 : i32
      %dma_wait3A_179 = tpu.memref_slice %arg2[%dma_wait3A_177, %dma_wait3A_178] : memref<100000x16xf32, #tpu.memory_space<hbm>> -> memref<100000x16xf32, #tpu.memory_space<hbm>>
      tpu.wait_indirect_dma semaphore(%arg11 : memref<!tpu.dma_semaphore, #tpu.memory_space<semaphore_mem>>) src(%dma_wait3A_179 : memref<100000x16xf32, #tpu.memory_space<hbm>>) dst(%dma_wait3A_173 : memref<128x16xf32, #tpu.memory_space<vmem>>)
      %dma_wait3A_180 = arith.constant 3 : i32
      %dma_wait3A_181 = arith.constant 0 : i32
      %dma_wait3A_182 = arith.constant 384 : i32
      %dma_wait3A_183 = arith.constant 0 : i32
      %dma_wait3A_184 = tpu.memref_slice %arg9[%dma_wait3A_182, %dma_wait3A_183] : memref<1408x16xf32, #tpu.memory_space<vmem>> -> memref<128x16xf32, #tpu.memory_space<vmem>>
      %dma_wait3A_185 = arith.constant 0 : i32
      %dma_wait3A_186 = tpu.memref_slice %arg7[%dma_wait3A_180, %dma_wait3A_181, %dma_wait3A_185] : memref<11x1x128xi32, #tpu.memory_space<vmem>> -> memref<1x1x128xi32, #tpu.memory_space<vmem>>
      %dma_wait3A_187 = tpu.memref_squeeze %dma_wait3A_186 : memref<1x1x128xi32, #tpu.memory_space<vmem>> -> memref<128xi32, #tpu.memory_space<vmem>>
      %dma_wait3A_188 = arith.constant 0 : i32
      %dma_wait3A_189 = arith.constant 0 : i32
      %dma_wait3A_190 = tpu.memref_slice %arg2[%dma_wait3A_188, %dma_wait3A_189] : memref<100000x16xf32, #tpu.memory_space<hbm>> -> memref<100000x16xf32, #tpu.memory_space<hbm>>
      tpu.wait_indirect_dma semaphore(%arg11 : memref<!tpu.dma_semaphore, #tpu.memory_space<semaphore_mem>>) src(%dma_wait3A_190 : memref<100000x16xf32, #tpu.memory_space<hbm>>) dst(%dma_wait3A_184 : memref<128x16xf32, #tpu.memory_space<vmem>>)
      %dma_wait3A_191 = arith.constant 4 : i32
      %dma_wait3A_192 = arith.constant 0 : i32
      %dma_wait3A_193 = arith.constant 512 : i32
      %dma_wait3A_194 = arith.constant 0 : i32
      %dma_wait3A_195 = tpu.memref_slice %arg9[%dma_wait3A_193, %dma_wait3A_194] : memref<1408x16xf32, #tpu.memory_space<vmem>> -> memref<128x16xf32, #tpu.memory_space<vmem>>
      %dma_wait3A_196 = arith.constant 0 : i32
      %dma_wait3A_197 = tpu.memref_slice %arg7[%dma_wait3A_191, %dma_wait3A_192, %dma_wait3A_196] : memref<11x1x128xi32, #tpu.memory_space<vmem>> -> memref<1x1x128xi32, #tpu.memory_space<vmem>>
      %dma_wait3A_198 = tpu.memref_squeeze %dma_wait3A_197 : memref<1x1x128xi32, #tpu.memory_space<vmem>> -> memref<128xi32, #tpu.memory_space<vmem>>
      %dma_wait3A_199 = arith.constant 0 : i32
      %dma_wait3A_200 = arith.constant 0 : i32
      %dma_wait3A_201 = tpu.memref_slice %arg2[%dma_wait3A_199, %dma_wait3A_200] : memref<100000x16xf32, #tpu.memory_space<hbm>> -> memref<100000x16xf32, #tpu.memory_space<hbm>>
      tpu.wait_indirect_dma semaphore(%arg11 : memref<!tpu.dma_semaphore, #tpu.memory_space<semaphore_mem>>) src(%dma_wait3A_201 : memref<100000x16xf32, #tpu.memory_space<hbm>>) dst(%dma_wait3A_195 : memref<128x16xf32, #tpu.memory_space<vmem>>)
      %dma_wait3A_202 = arith.constant 5 : i32
      %dma_wait3A_203 = arith.constant 0 : i32
      %dma_wait3A_204 = arith.constant 640 : i32
      %dma_wait3A_205 = arith.constant 0 : i32
      %dma_wait3A_206 = tpu.memref_slice %arg9[%dma_wait3A_204, %dma_wait3A_205] : memref<1408x16xf32, #tpu.memory_space<vmem>> -> memref<128x16xf32, #tpu.memory_space<vmem>>
      %dma_wait3A_207 = arith.constant 0 : i32
      %dma_wait3A_208 = tpu.memref_slice %arg7[%dma_wait3A_202, %dma_wait3A_203, %dma_wait3A_207] : memref<11x1x128xi32, #tpu.memory_space<vmem>> -> memref<1x1x128xi32, #tpu.memory_space<vmem>>
      %dma_wait3A_209 = tpu.memref_squeeze %dma_wait3A_208 : memref<1x1x128xi32, #tpu.memory_space<vmem>> -> memref<128xi32, #tpu.memory_space<vmem>>
      %dma_wait3A_210 = arith.constant 0 : i32
      %dma_wait3A_211 = arith.constant 0 : i32
      %dma_wait3A_212 = tpu.memref_slice %arg2[%dma_wait3A_210, %dma_wait3A_211] : memref<100000x16xf32, #tpu.memory_space<hbm>> -> memref<100000x16xf32, #tpu.memory_space<hbm>>
      tpu.wait_indirect_dma semaphore(%arg11 : memref<!tpu.dma_semaphore, #tpu.memory_space<semaphore_mem>>) src(%dma_wait3A_212 : memref<100000x16xf32, #tpu.memory_space<hbm>>) dst(%dma_wait3A_206 : memref<128x16xf32, #tpu.memory_space<vmem>>)
      %dma_wait3A_213 = arith.constant 6 : i32
      %dma_wait3A_214 = arith.constant 0 : i32
      %dma_wait3A_215 = arith.constant 768 : i32
      %dma_wait3A_216 = arith.constant 0 : i32
      %dma_wait3A_217 = tpu.memref_slice %arg9[%dma_wait3A_215, %dma_wait3A_216] : memref<1408x16xf32, #tpu.memory_space<vmem>> -> memref<128x16xf32, #tpu.memory_space<vmem>>
      %dma_wait3A_218 = arith.constant 0 : i32
      %dma_wait3A_219 = tpu.memref_slice %arg7[%dma_wait3A_213, %dma_wait3A_214, %dma_wait3A_218] : memref<11x1x128xi32, #tpu.memory_space<vmem>> -> memref<1x1x128xi32, #tpu.memory_space<vmem>>
      %dma_wait3A_220 = tpu.memref_squeeze %dma_wait3A_219 : memref<1x1x128xi32, #tpu.memory_space<vmem>> -> memref<128xi32, #tpu.memory_space<vmem>>
      %dma_wait3A_221 = arith.constant 0 : i32
      %dma_wait3A_222 = arith.constant 0 : i32
      %dma_wait3A_223 = tpu.memref_slice %arg2[%dma_wait3A_221, %dma_wait3A_222] : memref<100000x16xf32, #tpu.memory_space<hbm>> -> memref<100000x16xf32, #tpu.memory_space<hbm>>
      tpu.wait_indirect_dma semaphore(%arg11 : memref<!tpu.dma_semaphore, #tpu.memory_space<semaphore_mem>>) src(%dma_wait3A_223 : memref<100000x16xf32, #tpu.memory_space<hbm>>) dst(%dma_wait3A_217 : memref<128x16xf32, #tpu.memory_space<vmem>>)
      %dma_wait3A_224 = arith.constant 7 : i32
      %dma_wait3A_225 = arith.constant 0 : i32
      %dma_wait3A_226 = arith.constant 896 : i32
      %dma_wait3A_227 = arith.constant 0 : i32
      %dma_wait3A_228 = tpu.memref_slice %arg9[%dma_wait3A_226, %dma_wait3A_227] : memref<1408x16xf32, #tpu.memory_space<vmem>> -> memref<128x16xf32, #tpu.memory_space<vmem>>
      %dma_wait3A_229 = arith.constant 0 : i32
      %dma_wait3A_230 = tpu.memref_slice %arg7[%dma_wait3A_224, %dma_wait3A_225, %dma_wait3A_229] : memref<11x1x128xi32, #tpu.memory_space<vmem>> -> memref<1x1x128xi32, #tpu.memory_space<vmem>>
      %dma_wait3A_231 = tpu.memref_squeeze %dma_wait3A_230 : memref<1x1x128xi32, #tpu.memory_space<vmem>> -> memref<128xi32, #tpu.memory_space<vmem>>
      %dma_wait3A_232 = arith.constant 0 : i32
      %dma_wait3A_233 = arith.constant 0 : i32
      %dma_wait3A_234 = tpu.memref_slice %arg2[%dma_wait3A_232, %dma_wait3A_233] : memref<100000x16xf32, #tpu.memory_space<hbm>> -> memref<100000x16xf32, #tpu.memory_space<hbm>>
      tpu.wait_indirect_dma semaphore(%arg11 : memref<!tpu.dma_semaphore, #tpu.memory_space<semaphore_mem>>) src(%dma_wait3A_234 : memref<100000x16xf32, #tpu.memory_space<hbm>>) dst(%dma_wait3A_228 : memref<128x16xf32, #tpu.memory_space<vmem>>)
      %dma_wait3A_235 = arith.constant 8 : i32
      %dma_wait3A_236 = arith.constant 0 : i32
      %dma_wait3A_237 = arith.constant 1024 : i32
      %dma_wait3A_238 = arith.constant 0 : i32
      %dma_wait3A_239 = tpu.memref_slice %arg9[%dma_wait3A_237, %dma_wait3A_238] : memref<1408x16xf32, #tpu.memory_space<vmem>> -> memref<128x16xf32, #tpu.memory_space<vmem>>
      %dma_wait3A_240 = arith.constant 0 : i32
      %dma_wait3A_241 = tpu.memref_slice %arg7[%dma_wait3A_235, %dma_wait3A_236, %dma_wait3A_240] : memref<11x1x128xi32, #tpu.memory_space<vmem>> -> memref<1x1x128xi32, #tpu.memory_space<vmem>>
      %dma_wait3A_242 = tpu.memref_squeeze %dma_wait3A_241 : memref<1x1x128xi32, #tpu.memory_space<vmem>> -> memref<128xi32, #tpu.memory_space<vmem>>
      %dma_wait3A_243 = arith.constant 0 : i32
      %dma_wait3A_244 = arith.constant 0 : i32
      %dma_wait3A_245 = tpu.memref_slice %arg2[%dma_wait3A_243, %dma_wait3A_244] : memref<100000x16xf32, #tpu.memory_space<hbm>> -> memref<100000x16xf32, #tpu.memory_space<hbm>>
      tpu.wait_indirect_dma semaphore(%arg11 : memref<!tpu.dma_semaphore, #tpu.memory_space<semaphore_mem>>) src(%dma_wait3A_245 : memref<100000x16xf32, #tpu.memory_space<hbm>>) dst(%dma_wait3A_239 : memref<128x16xf32, #tpu.memory_space<vmem>>)
      %dma_wait3A_246 = arith.constant 9 : i32
      %dma_wait3A_247 = arith.constant 0 : i32
      %dma_wait3A_248 = arith.constant 1152 : i32
      %dma_wait3A_249 = arith.constant 0 : i32
      %dma_wait3A_250 = tpu.memref_slice %arg9[%dma_wait3A_248, %dma_wait3A_249] : memref<1408x16xf32, #tpu.memory_space<vmem>> -> memref<128x16xf32, #tpu.memory_space<vmem>>
      %dma_wait3A_251 = arith.constant 0 : i32
      %dma_wait3A_252 = tpu.memref_slice %arg7[%dma_wait3A_246, %dma_wait3A_247, %dma_wait3A_251] : memref<11x1x128xi32, #tpu.memory_space<vmem>> -> memref<1x1x128xi32, #tpu.memory_space<vmem>>
      %dma_wait3A_253 = tpu.memref_squeeze %dma_wait3A_252 : memref<1x1x128xi32, #tpu.memory_space<vmem>> -> memref<128xi32, #tpu.memory_space<vmem>>
      %dma_wait3A_254 = arith.constant 0 : i32
      %dma_wait3A_255 = arith.constant 0 : i32
      %dma_wait3A_256 = tpu.memref_slice %arg2[%dma_wait3A_254, %dma_wait3A_255] : memref<100000x16xf32, #tpu.memory_space<hbm>> -> memref<100000x16xf32, #tpu.memory_space<hbm>>
      tpu.wait_indirect_dma semaphore(%arg11 : memref<!tpu.dma_semaphore, #tpu.memory_space<semaphore_mem>>) src(%dma_wait3A_256 : memref<100000x16xf32, #tpu.memory_space<hbm>>) dst(%dma_wait3A_250 : memref<128x16xf32, #tpu.memory_space<vmem>>)
      %dma_wait3A_257 = arith.constant 10 : i32
      %dma_wait3A_258 = arith.constant 0 : i32
      %dma_wait3A_259 = arith.constant 1280 : i32
      %dma_wait3A_260 = arith.constant 0 : i32
      %dma_wait3A_261 = tpu.memref_slice %arg9[%dma_wait3A_259, %dma_wait3A_260] : memref<1408x16xf32, #tpu.memory_space<vmem>> -> memref<128x16xf32, #tpu.memory_space<vmem>>
      %dma_wait3A_262 = arith.constant 0 : i32
      %dma_wait3A_263 = tpu.memref_slice %arg7[%dma_wait3A_257, %dma_wait3A_258, %dma_wait3A_262] : memref<11x1x128xi32, #tpu.memory_space<vmem>> -> memref<1x1x128xi32, #tpu.memory_space<vmem>>
      %dma_wait3A_264 = tpu.memref_squeeze %dma_wait3A_263 : memref<1x1x128xi32, #tpu.memory_space<vmem>> -> memref<128xi32, #tpu.memory_space<vmem>>
      %dma_wait3A_265 = arith.constant 0 : i32
      %dma_wait3A_266 = arith.constant 0 : i32
      %dma_wait3A_267 = tpu.memref_slice %arg2[%dma_wait3A_265, %dma_wait3A_266] : memref<100000x16xf32, #tpu.memory_space<hbm>> -> memref<100000x16xf32, #tpu.memory_space<hbm>>
      tpu.wait_indirect_dma semaphore(%arg11 : memref<!tpu.dma_semaphore, #tpu.memory_space<semaphore_mem>>) src(%dma_wait3A_267 : memref<100000x16xf32, #tpu.memory_space<hbm>>) dst(%dma_wait3A_261 : memref<128x16xf32, #tpu.memory_space<vmem>>)
      %run_scoped3A = arith.constant 0 : i32
      %run_scoped3A_268 = arith.constant 0 : i32
      "tpu.region"() ({
        %run_scoped3A_289 = tpu.sem_alloc : memref<!tpu.dma_semaphore, #tpu.memory_space<semaphore_mem>>
        %dma_start3A_290 = arith.constant 0 : i32
        %dma_start3A_291 = arith.constant 0 : i32
        %dma_start3A_292 = tpu.memref_slice %arg9[%dma_start3A_290, %dma_start3A_291] : memref<1408x16xf32, #tpu.memory_space<vmem>> -> memref<128x16xf32, #tpu.memory_space<vmem>>
        %dma_start3A_293 = arith.constant 0 : i32
        %dma_start3A_294 = tpu.memref_slice %arg8[%run_scoped3A, %run_scoped3A_268, %dma_start3A_293] : memref<11x1x128xi32, #tpu.memory_space<vmem>> -> memref<1x1x128xi32, #tpu.memory_space<vmem>>
        %dma_start3A_295 = tpu.memref_squeeze %dma_start3A_294 : memref<1x1x128xi32, #tpu.memory_space<vmem>> -> memref<128xi32, #tpu.memory_space<vmem>>
        %dma_start3A_296 = arith.constant 0 : i32
        %dma_start3A_297 = arith.constant 0 : i32
        %dma_start3A_298 = tpu.memref_slice %arg10[%dma_start3A_296, %dma_start3A_297] : memref<100096x16xf32, #tpu.memory_space<vmem_shared>> -> memref<100096x16xf32, #tpu.memory_space<vmem_shared>>
        tpu.enqueue_indirect_dma source(%dma_start3A_292 : memref<128x16xf32, #tpu.memory_space<vmem>>) target(%dma_start3A_298 : memref<100096x16xf32, #tpu.memory_space<vmem_shared>>) offsets(%dma_start3A_295 : memref<128xi32, #tpu.memory_space<vmem>>) semaphore(%run_scoped3A_289 : memref<!tpu.dma_semaphore, #tpu.memory_space<semaphore_mem>>) {add = true}
        %dma_wait3A_299 = arith.constant 0 : i32
        %dma_wait3A_300 = arith.constant 0 : i32
        %dma_wait3A_301 = tpu.memref_slice %arg9[%dma_wait3A_299, %dma_wait3A_300] : memref<1408x16xf32, #tpu.memory_space<vmem>> -> memref<128x16xf32, #tpu.memory_space<vmem>>
        %dma_wait3A_302 = arith.constant 0 : i32
        %dma_wait3A_303 = tpu.memref_slice %arg8[%run_scoped3A, %run_scoped3A_268, %dma_wait3A_302] : memref<11x1x128xi32, #tpu.memory_space<vmem>> -> memref<1x1x128xi32, #tpu.memory_space<vmem>>
        %dma_wait3A_304 = tpu.memref_squeeze %dma_wait3A_303 : memref<1x1x128xi32, #tpu.memory_space<vmem>> -> memref<128xi32, #tpu.memory_space<vmem>>
        %dma_wait3A_305 = arith.constant 0 : i32
        %dma_wait3A_306 = arith.constant 0 : i32
        %dma_wait3A_307 = tpu.memref_slice %arg10[%dma_wait3A_305, %dma_wait3A_306] : memref<100096x16xf32, #tpu.memory_space<vmem_shared>> -> memref<100096x16xf32, #tpu.memory_space<vmem_shared>>
        tpu.wait_indirect_dma semaphore(%run_scoped3A_289 : memref<!tpu.dma_semaphore, #tpu.memory_space<semaphore_mem>>) src(%dma_wait3A_301 : memref<128x16xf32, #tpu.memory_space<vmem>>) dst(%dma_wait3A_307 : memref<100096x16xf32, #tpu.memory_space<vmem_shared>>)
        tpu.yield
      }) : () -> ()
      %run_scoped3A_269 = arith.constant 1 : i32
      %run_scoped3A_270 = arith.constant 0 : i32
      "tpu.region"() ({
        %run_scoped3A_289 = tpu.sem_alloc : memref<!tpu.dma_semaphore, #tpu.memory_space<semaphore_mem>>
        %dma_start3A_290 = arith.constant 128 : i32
        %dma_start3A_291 = arith.constant 0 : i32
        %dma_start3A_292 = tpu.memref_slice %arg9[%dma_start3A_290, %dma_start3A_291] : memref<1408x16xf32, #tpu.memory_space<vmem>> -> memref<128x16xf32, #tpu.memory_space<vmem>>
        %dma_start3A_293 = arith.constant 0 : i32
        %dma_start3A_294 = tpu.memref_slice %arg8[%run_scoped3A_269, %run_scoped3A_270, %dma_start3A_293] : memref<11x1x128xi32, #tpu.memory_space<vmem>> -> memref<1x1x128xi32, #tpu.memory_space<vmem>>
        %dma_start3A_295 = tpu.memref_squeeze %dma_start3A_294 : memref<1x1x128xi32, #tpu.memory_space<vmem>> -> memref<128xi32, #tpu.memory_space<vmem>>
        %dma_start3A_296 = arith.constant 0 : i32
        %dma_start3A_297 = arith.constant 0 : i32
        %dma_start3A_298 = tpu.memref_slice %arg10[%dma_start3A_296, %dma_start3A_297] : memref<100096x16xf32, #tpu.memory_space<vmem_shared>> -> memref<100096x16xf32, #tpu.memory_space<vmem_shared>>
        tpu.enqueue_indirect_dma source(%dma_start3A_292 : memref<128x16xf32, #tpu.memory_space<vmem>>) target(%dma_start3A_298 : memref<100096x16xf32, #tpu.memory_space<vmem_shared>>) offsets(%dma_start3A_295 : memref<128xi32, #tpu.memory_space<vmem>>) semaphore(%run_scoped3A_289 : memref<!tpu.dma_semaphore, #tpu.memory_space<semaphore_mem>>) {add = true}
        %dma_wait3A_299 = arith.constant 128 : i32
        %dma_wait3A_300 = arith.constant 0 : i32
        %dma_wait3A_301 = tpu.memref_slice %arg9[%dma_wait3A_299, %dma_wait3A_300] : memref<1408x16xf32, #tpu.memory_space<vmem>> -> memref<128x16xf32, #tpu.memory_space<vmem>>
        %dma_wait3A_302 = arith.constant 0 : i32
        %dma_wait3A_303 = tpu.memref_slice %arg8[%run_scoped3A_269, %run_scoped3A_270, %dma_wait3A_302] : memref<11x1x128xi32, #tpu.memory_space<vmem>> -> memref<1x1x128xi32, #tpu.memory_space<vmem>>
        %dma_wait3A_304 = tpu.memref_squeeze %dma_wait3A_303 : memref<1x1x128xi32, #tpu.memory_space<vmem>> -> memref<128xi32, #tpu.memory_space<vmem>>
        %dma_wait3A_305 = arith.constant 0 : i32
        %dma_wait3A_306 = arith.constant 0 : i32
        %dma_wait3A_307 = tpu.memref_slice %arg10[%dma_wait3A_305, %dma_wait3A_306] : memref<100096x16xf32, #tpu.memory_space<vmem_shared>> -> memref<100096x16xf32, #tpu.memory_space<vmem_shared>>
        tpu.wait_indirect_dma semaphore(%run_scoped3A_289 : memref<!tpu.dma_semaphore, #tpu.memory_space<semaphore_mem>>) src(%dma_wait3A_301 : memref<128x16xf32, #tpu.memory_space<vmem>>) dst(%dma_wait3A_307 : memref<100096x16xf32, #tpu.memory_space<vmem_shared>>)
        tpu.yield
      }) : () -> ()
      %run_scoped3A_271 = arith.constant 2 : i32
      %run_scoped3A_272 = arith.constant 0 : i32
      "tpu.region"() ({
        %run_scoped3A_289 = tpu.sem_alloc : memref<!tpu.dma_semaphore, #tpu.memory_space<semaphore_mem>>
        %dma_start3A_290 = arith.constant 256 : i32
        %dma_start3A_291 = arith.constant 0 : i32
        %dma_start3A_292 = tpu.memref_slice %arg9[%dma_start3A_290, %dma_start3A_291] : memref<1408x16xf32, #tpu.memory_space<vmem>> -> memref<128x16xf32, #tpu.memory_space<vmem>>
        %dma_start3A_293 = arith.constant 0 : i32
        %dma_start3A_294 = tpu.memref_slice %arg8[%run_scoped3A_271, %run_scoped3A_272, %dma_start3A_293] : memref<11x1x128xi32, #tpu.memory_space<vmem>> -> memref<1x1x128xi32, #tpu.memory_space<vmem>>
        %dma_start3A_295 = tpu.memref_squeeze %dma_start3A_294 : memref<1x1x128xi32, #tpu.memory_space<vmem>> -> memref<128xi32, #tpu.memory_space<vmem>>
        %dma_start3A_296 = arith.constant 0 : i32
        %dma_start3A_297 = arith.constant 0 : i32
        %dma_start3A_298 = tpu.memref_slice %arg10[%dma_start3A_296, %dma_start3A_297] : memref<100096x16xf32, #tpu.memory_space<vmem_shared>> -> memref<100096x16xf32, #tpu.memory_space<vmem_shared>>
        tpu.enqueue_indirect_dma source(%dma_start3A_292 : memref<128x16xf32, #tpu.memory_space<vmem>>) target(%dma_start3A_298 : memref<100096x16xf32, #tpu.memory_space<vmem_shared>>) offsets(%dma_start3A_295 : memref<128xi32, #tpu.memory_space<vmem>>) semaphore(%run_scoped3A_289 : memref<!tpu.dma_semaphore, #tpu.memory_space<semaphore_mem>>) {add = true}
        %dma_wait3A_299 = arith.constant 256 : i32
        %dma_wait3A_300 = arith.constant 0 : i32
        %dma_wait3A_301 = tpu.memref_slice %arg9[%dma_wait3A_299, %dma_wait3A_300] : memref<1408x16xf32, #tpu.memory_space<vmem>> -> memref<128x16xf32, #tpu.memory_space<vmem>>
        %dma_wait3A_302 = arith.constant 0 : i32
        %dma_wait3A_303 = tpu.memref_slice %arg8[%run_scoped3A_271, %run_scoped3A_272, %dma_wait3A_302] : memref<11x1x128xi32, #tpu.memory_space<vmem>> -> memref<1x1x128xi32, #tpu.memory_space<vmem>>
        %dma_wait3A_304 = tpu.memref_squeeze %dma_wait3A_303 : memref<1x1x128xi32, #tpu.memory_space<vmem>> -> memref<128xi32, #tpu.memory_space<vmem>>
        %dma_wait3A_305 = arith.constant 0 : i32
        %dma_wait3A_306 = arith.constant 0 : i32
        %dma_wait3A_307 = tpu.memref_slice %arg10[%dma_wait3A_305, %dma_wait3A_306] : memref<100096x16xf32, #tpu.memory_space<vmem_shared>> -> memref<100096x16xf32, #tpu.memory_space<vmem_shared>>
        tpu.wait_indirect_dma semaphore(%run_scoped3A_289 : memref<!tpu.dma_semaphore, #tpu.memory_space<semaphore_mem>>) src(%dma_wait3A_301 : memref<128x16xf32, #tpu.memory_space<vmem>>) dst(%dma_wait3A_307 : memref<100096x16xf32, #tpu.memory_space<vmem_shared>>)
        tpu.yield
      }) : () -> ()
      %run_scoped3A_273 = arith.constant 3 : i32
      %run_scoped3A_274 = arith.constant 0 : i32
      "tpu.region"() ({
        %run_scoped3A_289 = tpu.sem_alloc : memref<!tpu.dma_semaphore, #tpu.memory_space<semaphore_mem>>
        %dma_start3A_290 = arith.constant 384 : i32
        %dma_start3A_291 = arith.constant 0 : i32
        %dma_start3A_292 = tpu.memref_slice %arg9[%dma_start3A_290, %dma_start3A_291] : memref<1408x16xf32, #tpu.memory_space<vmem>> -> memref<128x16xf32, #tpu.memory_space<vmem>>
        %dma_start3A_293 = arith.constant 0 : i32
        %dma_start3A_294 = tpu.memref_slice %arg8[%run_scoped3A_273, %run_scoped3A_274, %dma_start3A_293] : memref<11x1x128xi32, #tpu.memory_space<vmem>> -> memref<1x1x128xi32, #tpu.memory_space<vmem>>
        %dma_start3A_295 = tpu.memref_squeeze %dma_start3A_294 : memref<1x1x128xi32, #tpu.memory_space<vmem>> -> memref<128xi32, #tpu.memory_space<vmem>>
        %dma_start3A_296 = arith.constant 0 : i32
        %dma_start3A_297 = arith.constant 0 : i32
        %dma_start3A_298 = tpu.memref_slice %arg10[%dma_start3A_296, %dma_start3A_297] : memref<100096x16xf32, #tpu.memory_space<vmem_shared>> -> memref<100096x16xf32, #tpu.memory_space<vmem_shared>>
        tpu.enqueue_indirect_dma source(%dma_start3A_292 : memref<128x16xf32, #tpu.memory_space<vmem>>) target(%dma_start3A_298 : memref<100096x16xf32, #tpu.memory_space<vmem_shared>>) offsets(%dma_start3A_295 : memref<128xi32, #tpu.memory_space<vmem>>) semaphore(%run_scoped3A_289 : memref<!tpu.dma_semaphore, #tpu.memory_space<semaphore_mem>>) {add = true}
        %dma_wait3A_299 = arith.constant 384 : i32
        %dma_wait3A_300 = arith.constant 0 : i32
        %dma_wait3A_301 = tpu.memref_slice %arg9[%dma_wait3A_299, %dma_wait3A_300] : memref<1408x16xf32, #tpu.memory_space<vmem>> -> memref<128x16xf32, #tpu.memory_space<vmem>>
        %dma_wait3A_302 = arith.constant 0 : i32
        %dma_wait3A_303 = tpu.memref_slice %arg8[%run_scoped3A_273, %run_scoped3A_274, %dma_wait3A_302] : memref<11x1x128xi32, #tpu.memory_space<vmem>> -> memref<1x1x128xi32, #tpu.memory_space<vmem>>
        %dma_wait3A_304 = tpu.memref_squeeze %dma_wait3A_303 : memref<1x1x128xi32, #tpu.memory_space<vmem>> -> memref<128xi32, #tpu.memory_space<vmem>>
        %dma_wait3A_305 = arith.constant 0 : i32
        %dma_wait3A_306 = arith.constant 0 : i32
        %dma_wait3A_307 = tpu.memref_slice %arg10[%dma_wait3A_305, %dma_wait3A_306] : memref<100096x16xf32, #tpu.memory_space<vmem_shared>> -> memref<100096x16xf32, #tpu.memory_space<vmem_shared>>
        tpu.wait_indirect_dma semaphore(%run_scoped3A_289 : memref<!tpu.dma_semaphore, #tpu.memory_space<semaphore_mem>>) src(%dma_wait3A_301 : memref<128x16xf32, #tpu.memory_space<vmem>>) dst(%dma_wait3A_307 : memref<100096x16xf32, #tpu.memory_space<vmem_shared>>)
        tpu.yield
      }) : () -> ()
      %run_scoped3A_275 = arith.constant 4 : i32
      %run_scoped3A_276 = arith.constant 0 : i32
      "tpu.region"() ({
        %run_scoped3A_289 = tpu.sem_alloc : memref<!tpu.dma_semaphore, #tpu.memory_space<semaphore_mem>>
        %dma_start3A_290 = arith.constant 512 : i32
        %dma_start3A_291 = arith.constant 0 : i32
        %dma_start3A_292 = tpu.memref_slice %arg9[%dma_start3A_290, %dma_start3A_291] : memref<1408x16xf32, #tpu.memory_space<vmem>> -> memref<128x16xf32, #tpu.memory_space<vmem>>
        %dma_start3A_293 = arith.constant 0 : i32
        %dma_start3A_294 = tpu.memref_slice %arg8[%run_scoped3A_275, %run_scoped3A_276, %dma_start3A_293] : memref<11x1x128xi32, #tpu.memory_space<vmem>> -> memref<1x1x128xi32, #tpu.memory_space<vmem>>
        %dma_start3A_295 = tpu.memref_squeeze %dma_start3A_294 : memref<1x1x128xi32, #tpu.memory_space<vmem>> -> memref<128xi32, #tpu.memory_space<vmem>>
        %dma_start3A_296 = arith.constant 0 : i32
        %dma_start3A_297 = arith.constant 0 : i32
        %dma_start3A_298 = tpu.memref_slice %arg10[%dma_start3A_296, %dma_start3A_297] : memref<100096x16xf32, #tpu.memory_space<vmem_shared>> -> memref<100096x16xf32, #tpu.memory_space<vmem_shared>>
        tpu.enqueue_indirect_dma source(%dma_start3A_292 : memref<128x16xf32, #tpu.memory_space<vmem>>) target(%dma_start3A_298 : memref<100096x16xf32, #tpu.memory_space<vmem_shared>>) offsets(%dma_start3A_295 : memref<128xi32, #tpu.memory_space<vmem>>) semaphore(%run_scoped3A_289 : memref<!tpu.dma_semaphore, #tpu.memory_space<semaphore_mem>>) {add = true}
        %dma_wait3A_299 = arith.constant 512 : i32
        %dma_wait3A_300 = arith.constant 0 : i32
        %dma_wait3A_301 = tpu.memref_slice %arg9[%dma_wait3A_299, %dma_wait3A_300] : memref<1408x16xf32, #tpu.memory_space<vmem>> -> memref<128x16xf32, #tpu.memory_space<vmem>>
        %dma_wait3A_302 = arith.constant 0 : i32
        %dma_wait3A_303 = tpu.memref_slice %arg8[%run_scoped3A_275, %run_scoped3A_276, %dma_wait3A_302] : memref<11x1x128xi32, #tpu.memory_space<vmem>> -> memref<1x1x128xi32, #tpu.memory_space<vmem>>
        %dma_wait3A_304 = tpu.memref_squeeze %dma_wait3A_303 : memref<1x1x128xi32, #tpu.memory_space<vmem>> -> memref<128xi32, #tpu.memory_space<vmem>>
        %dma_wait3A_305 = arith.constant 0 : i32
        %dma_wait3A_306 = arith.constant 0 : i32
        %dma_wait3A_307 = tpu.memref_slice %arg10[%dma_wait3A_305, %dma_wait3A_306] : memref<100096x16xf32, #tpu.memory_space<vmem_shared>> -> memref<100096x16xf32, #tpu.memory_space<vmem_shared>>
        tpu.wait_indirect_dma semaphore(%run_scoped3A_289 : memref<!tpu.dma_semaphore, #tpu.memory_space<semaphore_mem>>) src(%dma_wait3A_301 : memref<128x16xf32, #tpu.memory_space<vmem>>) dst(%dma_wait3A_307 : memref<100096x16xf32, #tpu.memory_space<vmem_shared>>)
        tpu.yield
      }) : () -> ()
      %run_scoped3A_277 = arith.constant 5 : i32
      %run_scoped3A_278 = arith.constant 0 : i32
      "tpu.region"() ({
        %run_scoped3A_289 = tpu.sem_alloc : memref<!tpu.dma_semaphore, #tpu.memory_space<semaphore_mem>>
        %dma_start3A_290 = arith.constant 640 : i32
        %dma_start3A_291 = arith.constant 0 : i32
        %dma_start3A_292 = tpu.memref_slice %arg9[%dma_start3A_290, %dma_start3A_291] : memref<1408x16xf32, #tpu.memory_space<vmem>> -> memref<128x16xf32, #tpu.memory_space<vmem>>
        %dma_start3A_293 = arith.constant 0 : i32
        %dma_start3A_294 = tpu.memref_slice %arg8[%run_scoped3A_277, %run_scoped3A_278, %dma_start3A_293] : memref<11x1x128xi32, #tpu.memory_space<vmem>> -> memref<1x1x128xi32, #tpu.memory_space<vmem>>
        %dma_start3A_295 = tpu.memref_squeeze %dma_start3A_294 : memref<1x1x128xi32, #tpu.memory_space<vmem>> -> memref<128xi32, #tpu.memory_space<vmem>>
        %dma_start3A_296 = arith.constant 0 : i32
        %dma_start3A_297 = arith.constant 0 : i32
        %dma_start3A_298 = tpu.memref_slice %arg10[%dma_start3A_296, %dma_start3A_297] : memref<100096x16xf32, #tpu.memory_space<vmem_shared>> -> memref<100096x16xf32, #tpu.memory_space<vmem_shared>>
        tpu.enqueue_indirect_dma source(%dma_start3A_292 : memref<128x16xf32, #tpu.memory_space<vmem>>) target(%dma_start3A_298 : memref<100096x16xf32, #tpu.memory_space<vmem_shared>>) offsets(%dma_start3A_295 : memref<128xi32, #tpu.memory_space<vmem>>) semaphore(%run_scoped3A_289 : memref<!tpu.dma_semaphore, #tpu.memory_space<semaphore_mem>>) {add = true}
        %dma_wait3A_299 = arith.constant 640 : i32
        %dma_wait3A_300 = arith.constant 0 : i32
        %dma_wait3A_301 = tpu.memref_slice %arg9[%dma_wait3A_299, %dma_wait3A_300] : memref<1408x16xf32, #tpu.memory_space<vmem>> -> memref<128x16xf32, #tpu.memory_space<vmem>>
        %dma_wait3A_302 = arith.constant 0 : i32
        %dma_wait3A_303 = tpu.memref_slice %arg8[%run_scoped3A_277, %run_scoped3A_278, %dma_wait3A_302] : memref<11x1x128xi32, #tpu.memory_space<vmem>> -> memref<1x1x128xi32, #tpu.memory_space<vmem>>
        %dma_wait3A_304 = tpu.memref_squeeze %dma_wait3A_303 : memref<1x1x128xi32, #tpu.memory_space<vmem>> -> memref<128xi32, #tpu.memory_space<vmem>>
        %dma_wait3A_305 = arith.constant 0 : i32
        %dma_wait3A_306 = arith.constant 0 : i32
        %dma_wait3A_307 = tpu.memref_slice %arg10[%dma_wait3A_305, %dma_wait3A_306] : memref<100096x16xf32, #tpu.memory_space<vmem_shared>> -> memref<100096x16xf32, #tpu.memory_space<vmem_shared>>
        tpu.wait_indirect_dma semaphore(%run_scoped3A_289 : memref<!tpu.dma_semaphore, #tpu.memory_space<semaphore_mem>>) src(%dma_wait3A_301 : memref<128x16xf32, #tpu.memory_space<vmem>>) dst(%dma_wait3A_307 : memref<100096x16xf32, #tpu.memory_space<vmem_shared>>)
        tpu.yield
      }) : () -> ()
      %run_scoped3A_279 = arith.constant 6 : i32
      %run_scoped3A_280 = arith.constant 0 : i32
      "tpu.region"() ({
        %run_scoped3A_289 = tpu.sem_alloc : memref<!tpu.dma_semaphore, #tpu.memory_space<semaphore_mem>>
        %dma_start3A_290 = arith.constant 768 : i32
        %dma_start3A_291 = arith.constant 0 : i32
        %dma_start3A_292 = tpu.memref_slice %arg9[%dma_start3A_290, %dma_start3A_291] : memref<1408x16xf32, #tpu.memory_space<vmem>> -> memref<128x16xf32, #tpu.memory_space<vmem>>
        %dma_start3A_293 = arith.constant 0 : i32
        %dma_start3A_294 = tpu.memref_slice %arg8[%run_scoped3A_279, %run_scoped3A_280, %dma_start3A_293] : memref<11x1x128xi32, #tpu.memory_space<vmem>> -> memref<1x1x128xi32, #tpu.memory_space<vmem>>
        %dma_start3A_295 = tpu.memref_squeeze %dma_start3A_294 : memref<1x1x128xi32, #tpu.memory_space<vmem>> -> memref<128xi32, #tpu.memory_space<vmem>>
        %dma_start3A_296 = arith.constant 0 : i32
        %dma_start3A_297 = arith.constant 0 : i32
        %dma_start3A_298 = tpu.memref_slice %arg10[%dma_start3A_296, %dma_start3A_297] : memref<100096x16xf32, #tpu.memory_space<vmem_shared>> -> memref<100096x16xf32, #tpu.memory_space<vmem_shared>>
        tpu.enqueue_indirect_dma source(%dma_start3A_292 : memref<128x16xf32, #tpu.memory_space<vmem>>) target(%dma_start3A_298 : memref<100096x16xf32, #tpu.memory_space<vmem_shared>>) offsets(%dma_start3A_295 : memref<128xi32, #tpu.memory_space<vmem>>) semaphore(%run_scoped3A_289 : memref<!tpu.dma_semaphore, #tpu.memory_space<semaphore_mem>>) {add = true}
        %dma_wait3A_299 = arith.constant 768 : i32
        %dma_wait3A_300 = arith.constant 0 : i32
        %dma_wait3A_301 = tpu.memref_slice %arg9[%dma_wait3A_299, %dma_wait3A_300] : memref<1408x16xf32, #tpu.memory_space<vmem>> -> memref<128x16xf32, #tpu.memory_space<vmem>>
        %dma_wait3A_302 = arith.constant 0 : i32
        %dma_wait3A_303 = tpu.memref_slice %arg8[%run_scoped3A_279, %run_scoped3A_280, %dma_wait3A_302] : memref<11x1x128xi32, #tpu.memory_space<vmem>> -> memref<1x1x128xi32, #tpu.memory_space<vmem>>
        %dma_wait3A_304 = tpu.memref_squeeze %dma_wait3A_303 : memref<1x1x128xi32, #tpu.memory_space<vmem>> -> memref<128xi32, #tpu.memory_space<vmem>>
        %dma_wait3A_305 = arith.constant 0 : i32
        %dma_wait3A_306 = arith.constant 0 : i32
        %dma_wait3A_307 = tpu.memref_slice %arg10[%dma_wait3A_305, %dma_wait3A_306] : memref<100096x16xf32, #tpu.memory_space<vmem_shared>> -> memref<100096x16xf32, #tpu.memory_space<vmem_shared>>
        tpu.wait_indirect_dma semaphore(%run_scoped3A_289 : memref<!tpu.dma_semaphore, #tpu.memory_space<semaphore_mem>>) src(%dma_wait3A_301 : memref<128x16xf32, #tpu.memory_space<vmem>>) dst(%dma_wait3A_307 : memref<100096x16xf32, #tpu.memory_space<vmem_shared>>)
        tpu.yield
      }) : () -> ()
      %run_scoped3A_281 = arith.constant 7 : i32
      %run_scoped3A_282 = arith.constant 0 : i32
      "tpu.region"() ({
        %run_scoped3A_289 = tpu.sem_alloc : memref<!tpu.dma_semaphore, #tpu.memory_space<semaphore_mem>>
        %dma_start3A_290 = arith.constant 896 : i32
        %dma_start3A_291 = arith.constant 0 : i32
        %dma_start3A_292 = tpu.memref_slice %arg9[%dma_start3A_290, %dma_start3A_291] : memref<1408x16xf32, #tpu.memory_space<vmem>> -> memref<128x16xf32, #tpu.memory_space<vmem>>
        %dma_start3A_293 = arith.constant 0 : i32
        %dma_start3A_294 = tpu.memref_slice %arg8[%run_scoped3A_281, %run_scoped3A_282, %dma_start3A_293] : memref<11x1x128xi32, #tpu.memory_space<vmem>> -> memref<1x1x128xi32, #tpu.memory_space<vmem>>
        %dma_start3A_295 = tpu.memref_squeeze %dma_start3A_294 : memref<1x1x128xi32, #tpu.memory_space<vmem>> -> memref<128xi32, #tpu.memory_space<vmem>>
        %dma_start3A_296 = arith.constant 0 : i32
        %dma_start3A_297 = arith.constant 0 : i32
        %dma_start3A_298 = tpu.memref_slice %arg10[%dma_start3A_296, %dma_start3A_297] : memref<100096x16xf32, #tpu.memory_space<vmem_shared>> -> memref<100096x16xf32, #tpu.memory_space<vmem_shared>>
        tpu.enqueue_indirect_dma source(%dma_start3A_292 : memref<128x16xf32, #tpu.memory_space<vmem>>) target(%dma_start3A_298 : memref<100096x16xf32, #tpu.memory_space<vmem_shared>>) offsets(%dma_start3A_295 : memref<128xi32, #tpu.memory_space<vmem>>) semaphore(%run_scoped3A_289 : memref<!tpu.dma_semaphore, #tpu.memory_space<semaphore_mem>>) {add = true}
        %dma_wait3A_299 = arith.constant 896 : i32
        %dma_wait3A_300 = arith.constant 0 : i32
        %dma_wait3A_301 = tpu.memref_slice %arg9[%dma_wait3A_299, %dma_wait3A_300] : memref<1408x16xf32, #tpu.memory_space<vmem>> -> memref<128x16xf32, #tpu.memory_space<vmem>>
        %dma_wait3A_302 = arith.constant 0 : i32
        %dma_wait3A_303 = tpu.memref_slice %arg8[%run_scoped3A_281, %run_scoped3A_282, %dma_wait3A_302] : memref<11x1x128xi32, #tpu.memory_space<vmem>> -> memref<1x1x128xi32, #tpu.memory_space<vmem>>
        %dma_wait3A_304 = tpu.memref_squeeze %dma_wait3A_303 : memref<1x1x128xi32, #tpu.memory_space<vmem>> -> memref<128xi32, #tpu.memory_space<vmem>>
        %dma_wait3A_305 = arith.constant 0 : i32
        %dma_wait3A_306 = arith.constant 0 : i32
        %dma_wait3A_307 = tpu.memref_slice %arg10[%dma_wait3A_305, %dma_wait3A_306] : memref<100096x16xf32, #tpu.memory_space<vmem_shared>> -> memref<100096x16xf32, #tpu.memory_space<vmem_shared>>
        tpu.wait_indirect_dma semaphore(%run_scoped3A_289 : memref<!tpu.dma_semaphore, #tpu.memory_space<semaphore_mem>>) src(%dma_wait3A_301 : memref<128x16xf32, #tpu.memory_space<vmem>>) dst(%dma_wait3A_307 : memref<100096x16xf32, #tpu.memory_space<vmem_shared>>)
        tpu.yield
      }) : () -> ()
      %run_scoped3A_283 = arith.constant 8 : i32
      %run_scoped3A_284 = arith.constant 0 : i32
      "tpu.region"() ({
        %run_scoped3A_289 = tpu.sem_alloc : memref<!tpu.dma_semaphore, #tpu.memory_space<semaphore_mem>>
        %dma_start3A_290 = arith.constant 1024 : i32
        %dma_start3A_291 = arith.constant 0 : i32
        %dma_start3A_292 = tpu.memref_slice %arg9[%dma_start3A_290, %dma_start3A_291] : memref<1408x16xf32, #tpu.memory_space<vmem>> -> memref<128x16xf32, #tpu.memory_space<vmem>>
        %dma_start3A_293 = arith.constant 0 : i32
        %dma_start3A_294 = tpu.memref_slice %arg8[%run_scoped3A_283, %run_scoped3A_284, %dma_start3A_293] : memref<11x1x128xi32, #tpu.memory_space<vmem>> -> memref<1x1x128xi32, #tpu.memory_space<vmem>>
        %dma_start3A_295 = tpu.memref_squeeze %dma_start3A_294 : memref<1x1x128xi32, #tpu.memory_space<vmem>> -> memref<128xi32, #tpu.memory_space<vmem>>
        %dma_start3A_296 = arith.constant 0 : i32
        %dma_start3A_297 = arith.constant 0 : i32
        %dma_start3A_298 = tpu.memref_slice %arg10[%dma_start3A_296, %dma_start3A_297] : memref<100096x16xf32, #tpu.memory_space<vmem_shared>> -> memref<100096x16xf32, #tpu.memory_space<vmem_shared>>
        tpu.enqueue_indirect_dma source(%dma_start3A_292 : memref<128x16xf32, #tpu.memory_space<vmem>>) target(%dma_start3A_298 : memref<100096x16xf32, #tpu.memory_space<vmem_shared>>) offsets(%dma_start3A_295 : memref<128xi32, #tpu.memory_space<vmem>>) semaphore(%run_scoped3A_289 : memref<!tpu.dma_semaphore, #tpu.memory_space<semaphore_mem>>) {add = true}
        %dma_wait3A_299 = arith.constant 1024 : i32
        %dma_wait3A_300 = arith.constant 0 : i32
        %dma_wait3A_301 = tpu.memref_slice %arg9[%dma_wait3A_299, %dma_wait3A_300] : memref<1408x16xf32, #tpu.memory_space<vmem>> -> memref<128x16xf32, #tpu.memory_space<vmem>>
        %dma_wait3A_302 = arith.constant 0 : i32
        %dma_wait3A_303 = tpu.memref_slice %arg8[%run_scoped3A_283, %run_scoped3A_284, %dma_wait3A_302] : memref<11x1x128xi32, #tpu.memory_space<vmem>> -> memref<1x1x128xi32, #tpu.memory_space<vmem>>
        %dma_wait3A_304 = tpu.memref_squeeze %dma_wait3A_303 : memref<1x1x128xi32, #tpu.memory_space<vmem>> -> memref<128xi32, #tpu.memory_space<vmem>>
        %dma_wait3A_305 = arith.constant 0 : i32
        %dma_wait3A_306 = arith.constant 0 : i32
        %dma_wait3A_307 = tpu.memref_slice %arg10[%dma_wait3A_305, %dma_wait3A_306] : memref<100096x16xf32, #tpu.memory_space<vmem_shared>> -> memref<100096x16xf32, #tpu.memory_space<vmem_shared>>
        tpu.wait_indirect_dma semaphore(%run_scoped3A_289 : memref<!tpu.dma_semaphore, #tpu.memory_space<semaphore_mem>>) src(%dma_wait3A_301 : memref<128x16xf32, #tpu.memory_space<vmem>>) dst(%dma_wait3A_307 : memref<100096x16xf32, #tpu.memory_space<vmem_shared>>)
        tpu.yield
      }) : () -> ()
      %run_scoped3A_285 = arith.constant 9 : i32
      %run_scoped3A_286 = arith.constant 0 : i32
      "tpu.region"() ({
        %run_scoped3A_289 = tpu.sem_alloc : memref<!tpu.dma_semaphore, #tpu.memory_space<semaphore_mem>>
        %dma_start3A_290 = arith.constant 1152 : i32
        %dma_start3A_291 = arith.constant 0 : i32
        %dma_start3A_292 = tpu.memref_slice %arg9[%dma_start3A_290, %dma_start3A_291] : memref<1408x16xf32, #tpu.memory_space<vmem>> -> memref<128x16xf32, #tpu.memory_space<vmem>>
        %dma_start3A_293 = arith.constant 0 : i32
        %dma_start3A_294 = tpu.memref_slice %arg8[%run_scoped3A_285, %run_scoped3A_286, %dma_start3A_293] : memref<11x1x128xi32, #tpu.memory_space<vmem>> -> memref<1x1x128xi32, #tpu.memory_space<vmem>>
        %dma_start3A_295 = tpu.memref_squeeze %dma_start3A_294 : memref<1x1x128xi32, #tpu.memory_space<vmem>> -> memref<128xi32, #tpu.memory_space<vmem>>
        %dma_start3A_296 = arith.constant 0 : i32
        %dma_start3A_297 = arith.constant 0 : i32
        %dma_start3A_298 = tpu.memref_slice %arg10[%dma_start3A_296, %dma_start3A_297] : memref<100096x16xf32, #tpu.memory_space<vmem_shared>> -> memref<100096x16xf32, #tpu.memory_space<vmem_shared>>
        tpu.enqueue_indirect_dma source(%dma_start3A_292 : memref<128x16xf32, #tpu.memory_space<vmem>>) target(%dma_start3A_298 : memref<100096x16xf32, #tpu.memory_space<vmem_shared>>) offsets(%dma_start3A_295 : memref<128xi32, #tpu.memory_space<vmem>>) semaphore(%run_scoped3A_289 : memref<!tpu.dma_semaphore, #tpu.memory_space<semaphore_mem>>) {add = true}
        %dma_wait3A_299 = arith.constant 1152 : i32
        %dma_wait3A_300 = arith.constant 0 : i32
        %dma_wait3A_301 = tpu.memref_slice %arg9[%dma_wait3A_299, %dma_wait3A_300] : memref<1408x16xf32, #tpu.memory_space<vmem>> -> memref<128x16xf32, #tpu.memory_space<vmem>>
        %dma_wait3A_302 = arith.constant 0 : i32
        %dma_wait3A_303 = tpu.memref_slice %arg8[%run_scoped3A_285, %run_scoped3A_286, %dma_wait3A_302] : memref<11x1x128xi32, #tpu.memory_space<vmem>> -> memref<1x1x128xi32, #tpu.memory_space<vmem>>
        %dma_wait3A_304 = tpu.memref_squeeze %dma_wait3A_303 : memref<1x1x128xi32, #tpu.memory_space<vmem>> -> memref<128xi32, #tpu.memory_space<vmem>>
        %dma_wait3A_305 = arith.constant 0 : i32
        %dma_wait3A_306 = arith.constant 0 : i32
        %dma_wait3A_307 = tpu.memref_slice %arg10[%dma_wait3A_305, %dma_wait3A_306] : memref<100096x16xf32, #tpu.memory_space<vmem_shared>> -> memref<100096x16xf32, #tpu.memory_space<vmem_shared>>
        tpu.wait_indirect_dma semaphore(%run_scoped3A_289 : memref<!tpu.dma_semaphore, #tpu.memory_space<semaphore_mem>>) src(%dma_wait3A_301 : memref<128x16xf32, #tpu.memory_space<vmem>>) dst(%dma_wait3A_307 : memref<100096x16xf32, #tpu.memory_space<vmem_shared>>)
        tpu.yield
      }) : () -> ()
      %run_scoped3A_287 = arith.constant 10 : i32
      %run_scoped3A_288 = arith.constant 0 : i32
      "tpu.region"() ({
        %run_scoped3A_289 = tpu.sem_alloc : memref<!tpu.dma_semaphore, #tpu.memory_space<semaphore_mem>>
        %dma_start3A_290 = arith.constant 1280 : i32
        %dma_start3A_291 = arith.constant 0 : i32
        %dma_start3A_292 = tpu.memref_slice %arg9[%dma_start3A_290, %dma_start3A_291] : memref<1408x16xf32, #tpu.memory_space<vmem>> -> memref<128x16xf32, #tpu.memory_space<vmem>>
        %dma_start3A_293 = arith.constant 0 : i32
        %dma_start3A_294 = tpu.memref_slice %arg8[%run_scoped3A_287, %run_scoped3A_288, %dma_start3A_293] : memref<11x1x128xi32, #tpu.memory_space<vmem>> -> memref<1x1x128xi32, #tpu.memory_space<vmem>>
        %dma_start3A_295 = tpu.memref_squeeze %dma_start3A_294 : memref<1x1x128xi32, #tpu.memory_space<vmem>> -> memref<128xi32, #tpu.memory_space<vmem>>
        %dma_start3A_296 = arith.constant 0 : i32
        %dma_start3A_297 = arith.constant 0 : i32
        %dma_start3A_298 = tpu.memref_slice %arg10[%dma_start3A_296, %dma_start3A_297] : memref<100096x16xf32, #tpu.memory_space<vmem_shared>> -> memref<100096x16xf32, #tpu.memory_space<vmem_shared>>
        tpu.enqueue_indirect_dma source(%dma_start3A_292 : memref<128x16xf32, #tpu.memory_space<vmem>>) target(%dma_start3A_298 : memref<100096x16xf32, #tpu.memory_space<vmem_shared>>) offsets(%dma_start3A_295 : memref<128xi32, #tpu.memory_space<vmem>>) semaphore(%run_scoped3A_289 : memref<!tpu.dma_semaphore, #tpu.memory_space<semaphore_mem>>) {add = true}
        %dma_wait3A_299 = arith.constant 1280 : i32
        %dma_wait3A_300 = arith.constant 0 : i32
        %dma_wait3A_301 = tpu.memref_slice %arg9[%dma_wait3A_299, %dma_wait3A_300] : memref<1408x16xf32, #tpu.memory_space<vmem>> -> memref<128x16xf32, #tpu.memory_space<vmem>>
        %dma_wait3A_302 = arith.constant 0 : i32
        %dma_wait3A_303 = tpu.memref_slice %arg8[%run_scoped3A_287, %run_scoped3A_288, %dma_wait3A_302] : memref<11x1x128xi32, #tpu.memory_space<vmem>> -> memref<1x1x128xi32, #tpu.memory_space<vmem>>
        %dma_wait3A_304 = tpu.memref_squeeze %dma_wait3A_303 : memref<1x1x128xi32, #tpu.memory_space<vmem>> -> memref<128xi32, #tpu.memory_space<vmem>>
        %dma_wait3A_305 = arith.constant 0 : i32
        %dma_wait3A_306 = arith.constant 0 : i32
        %dma_wait3A_307 = tpu.memref_slice %arg10[%dma_wait3A_305, %dma_wait3A_306] : memref<100096x16xf32, #tpu.memory_space<vmem_shared>> -> memref<100096x16xf32, #tpu.memory_space<vmem_shared>>
        tpu.wait_indirect_dma semaphore(%run_scoped3A_289 : memref<!tpu.dma_semaphore, #tpu.memory_space<semaphore_mem>>) src(%dma_wait3A_301 : memref<128x16xf32, #tpu.memory_space<vmem>>) dst(%dma_wait3A_307 : memref<100096x16xf32, #tpu.memory_space<vmem_shared>>)
        tpu.yield
      }) : () -> ()
    }
    %scan3A_11 = arith.constant 142 : i32
    %lt3A = arith.constant 16 : i32
    %lt3A_12 = arith.cmpi slt, %add3A, %lt3A : i32
    %convert_element_type3A = arith.extui %lt3A_12 : i1 to i32
    %cond3A = arith.constant 0 : i32
    %cond3A_13 = arith.cmpi ne, %convert_element_type3A, %cond3A : i32
    scf.if %cond3A_13 {
      %add3A_24 = arith.constant 1562 : i32
      %add3A_25 = arith.addi %add3A_6, %add3A_24 : i32
      "tpu.region"() ({
        %run_scoped3A_47 = tpu.sem_alloc : memref<!tpu.dma_semaphore, #tpu.memory_space<semaphore_mem>>
        %dma_start3A_48 = arith.constant 0 : i32
        %dma_start3A_49 = arith.constant 0 : i32
        %dma_start3A_50 = arith.constant 0 : i32
        %dma_start3A_51 = tpu.memref_slice %arg7[%dma_start3A_48, %dma_start3A_49, %dma_start3A_50] : memref<11x1x128xi32, #tpu.memory_space<vmem>> -> memref<1x1x128xi32, #tpu.memory_space<vmem>>
        %dma_start3A_52 = arith.constant 0 : i32
        %dma_start3A_53 = arith.constant 0 : i32
        %dma_start3A_54 = tpu.memref_slice %arg3[%add3A_25, %dma_start3A_52, %dma_start3A_53] : memref<50000x1x128xi32, #tpu.memory_space<hbm>> -> memref<1x1x128xi32, #tpu.memory_space<hbm>>
        %dma_start3A_55 = arith.constant 0 : i32
        %dma_start3A_56 = arith.constant 0 : i32
        %dma_start3A_57 = arith.constant 0 : i32
        %dma_start3A_58 = tpu.memref_slice %arg7[%dma_start3A_55, %dma_start3A_56, %dma_start3A_57] : memref<11x1x128xi32, #tpu.memory_space<vmem>> -> memref<1x1x128xi32, #tpu.memory_space<vmem>>
        %dma_start3A_59 = arith.constant 0 : i32
        %dma_start3A_60 = arith.constant 0 : i32
        %dma_start3A_61 = tpu.memref_slice %arg3[%add3A_25, %dma_start3A_59, %dma_start3A_60] : memref<50000x1x128xi32, #tpu.memory_space<hbm>> -> memref<1x1x128xi32, #tpu.memory_space<hbm>>
        tpu.enqueue_dma source(%dma_start3A_61 : memref<1x1x128xi32, #tpu.memory_space<hbm>>) target(%dma_start3A_58 : memref<1x1x128xi32, #tpu.memory_space<vmem>>) target_semaphore(%run_scoped3A_47 : memref<!tpu.dma_semaphore, #tpu.memory_space<semaphore_mem>>)
        %dma_wait3A_62 = arith.constant 0 : i32
        %dma_wait3A_63 = arith.constant 0 : i32
        %dma_wait3A_64 = arith.constant 0 : i32
        %dma_wait3A_65 = tpu.memref_slice %arg7[%dma_wait3A_62, %dma_wait3A_63, %dma_wait3A_64] : memref<11x1x128xi32, #tpu.memory_space<vmem>> -> memref<1x1x128xi32, #tpu.memory_space<vmem>>
        %dma_wait3A_66 = arith.constant 0 : i32
        %dma_wait3A_67 = arith.constant 0 : i32
        %dma_wait3A_68 = tpu.memref_slice %arg3[%add3A_25, %dma_wait3A_66, %dma_wait3A_67] : memref<50000x1x128xi32, #tpu.memory_space<hbm>> -> memref<1x1x128xi32, #tpu.memory_space<hbm>>
        %dma_wait3A_69 = arith.constant 0 : i32
        %dma_wait3A_70 = arith.constant 0 : i32
        %dma_wait3A_71 = arith.constant 0 : i32
        %dma_wait3A_72 = tpu.memref_slice %arg7[%dma_wait3A_69, %dma_wait3A_70, %dma_wait3A_71] : memref<11x1x128xi32, #tpu.memory_space<vmem>> -> memref<1x1x128xi32, #tpu.memory_space<vmem>>
        %dma_wait3A_73 = arith.constant 0 : i32
        %dma_wait3A_74 = arith.constant 0 : i32
        %dma_wait3A_75 = tpu.memref_slice %arg3[%add3A_25, %dma_wait3A_73, %dma_wait3A_74] : memref<50000x1x128xi32, #tpu.memory_space<hbm>> -> memref<1x1x128xi32, #tpu.memory_space<hbm>>
        tpu.wait_dma2 semaphore(%run_scoped3A_47 : memref<!tpu.dma_semaphore, #tpu.memory_space<semaphore_mem>>) src(%dma_wait3A_75 : memref<1x1x128xi32, #tpu.memory_space<hbm>>) dst(%dma_wait3A_72 : memref<1x1x128xi32, #tpu.memory_space<vmem>>)
        tpu.yield
      }) : () -> ()
      "tpu.region"() ({
        %run_scoped3A_47 = tpu.sem_alloc : memref<!tpu.dma_semaphore, #tpu.memory_space<semaphore_mem>>
        %dma_start3A_48 = arith.constant 0 : i32
        %dma_start3A_49 = arith.constant 0 : i32
        %dma_start3A_50 = arith.constant 0 : i32
        %dma_start3A_51 = tpu.memref_slice %arg8[%dma_start3A_48, %dma_start3A_49, %dma_start3A_50] : memref<11x1x128xi32, #tpu.memory_space<vmem>> -> memref<1x1x128xi32, #tpu.memory_space<vmem>>
        %dma_start3A_52 = arith.constant 0 : i32
        %dma_start3A_53 = arith.constant 0 : i32
        %dma_start3A_54 = tpu.memref_slice %arg4[%add3A_25, %dma_start3A_52, %dma_start3A_53] : memref<50000x1x128xi32, #tpu.memory_space<hbm>> -> memref<1x1x128xi32, #tpu.memory_space<hbm>>
        %dma_start3A_55 = arith.constant 0 : i32
        %dma_start3A_56 = arith.constant 0 : i32
        %dma_start3A_57 = arith.constant 0 : i32
        %dma_start3A_58 = tpu.memref_slice %arg8[%dma_start3A_55, %dma_start3A_56, %dma_start3A_57] : memref<11x1x128xi32, #tpu.memory_space<vmem>> -> memref<1x1x128xi32, #tpu.memory_space<vmem>>
        %dma_start3A_59 = arith.constant 0 : i32
        %dma_start3A_60 = arith.constant 0 : i32
        %dma_start3A_61 = tpu.memref_slice %arg4[%add3A_25, %dma_start3A_59, %dma_start3A_60] : memref<50000x1x128xi32, #tpu.memory_space<hbm>> -> memref<1x1x128xi32, #tpu.memory_space<hbm>>
        tpu.enqueue_dma source(%dma_start3A_61 : memref<1x1x128xi32, #tpu.memory_space<hbm>>) target(%dma_start3A_58 : memref<1x1x128xi32, #tpu.memory_space<vmem>>) target_semaphore(%run_scoped3A_47 : memref<!tpu.dma_semaphore, #tpu.memory_space<semaphore_mem>>)
        %dma_wait3A_62 = arith.constant 0 : i32
        %dma_wait3A_63 = arith.constant 0 : i32
        %dma_wait3A_64 = arith.constant 0 : i32
        %dma_wait3A_65 = tpu.memref_slice %arg8[%dma_wait3A_62, %dma_wait3A_63, %dma_wait3A_64] : memref<11x1x128xi32, #tpu.memory_space<vmem>> -> memref<1x1x128xi32, #tpu.memory_space<vmem>>
        %dma_wait3A_66 = arith.constant 0 : i32
        %dma_wait3A_67 = arith.constant 0 : i32
        %dma_wait3A_68 = tpu.memref_slice %arg4[%add3A_25, %dma_wait3A_66, %dma_wait3A_67] : memref<50000x1x128xi32, #tpu.memory_space<hbm>> -> memref<1x1x128xi32, #tpu.memory_space<hbm>>
        %dma_wait3A_69 = arith.constant 0 : i32
        %dma_wait3A_70 = arith.constant 0 : i32
        %dma_wait3A_71 = arith.constant 0 : i32
        %dma_wait3A_72 = tpu.memref_slice %arg8[%dma_wait3A_69, %dma_wait3A_70, %dma_wait3A_71] : memref<11x1x128xi32, #tpu.memory_space<vmem>> -> memref<1x1x128xi32, #tpu.memory_space<vmem>>
        %dma_wait3A_73 = arith.constant 0 : i32
        %dma_wait3A_74 = arith.constant 0 : i32
        %dma_wait3A_75 = tpu.memref_slice %arg4[%add3A_25, %dma_wait3A_73, %dma_wait3A_74] : memref<50000x1x128xi32, #tpu.memory_space<hbm>> -> memref<1x1x128xi32, #tpu.memory_space<hbm>>
        tpu.wait_dma2 semaphore(%run_scoped3A_47 : memref<!tpu.dma_semaphore, #tpu.memory_space<semaphore_mem>>) src(%dma_wait3A_75 : memref<1x1x128xi32, #tpu.memory_space<hbm>>) dst(%dma_wait3A_72 : memref<1x1x128xi32, #tpu.memory_space<vmem>>)
        tpu.yield
      }) : () -> ()
      %dma_start3A = arith.constant 0 : i32
      %dma_start3A_26 = arith.constant 0 : i32
      %dma_start3A_27 = arith.constant 0 : i32
      %dma_start3A_28 = arith.constant 0 : i32
      %dma_start3A_29 = tpu.memref_slice %arg9[%dma_start3A_27, %dma_start3A_28] : memref<1408x16xf32, #tpu.memory_space<vmem>> -> memref<128x16xf32, #tpu.memory_space<vmem>>
      %dma_start3A_30 = arith.constant 0 : i32
      %dma_start3A_31 = tpu.memref_slice %arg7[%dma_start3A, %dma_start3A_26, %dma_start3A_30] : memref<11x1x128xi32, #tpu.memory_space<vmem>> -> memref<1x1x128xi32, #tpu.memory_space<vmem>>
      %dma_start3A_32 = tpu.memref_squeeze %dma_start3A_31 : memref<1x1x128xi32, #tpu.memory_space<vmem>> -> memref<128xi32, #tpu.memory_space<vmem>>
      %dma_start3A_33 = arith.constant 0 : i32
      %dma_start3A_34 = arith.constant 0 : i32
      %dma_start3A_35 = tpu.memref_slice %arg2[%dma_start3A_33, %dma_start3A_34] : memref<100000x16xf32, #tpu.memory_space<hbm>> -> memref<100000x16xf32, #tpu.memory_space<hbm>>
      tpu.enqueue_indirect_dma source(%dma_start3A_35 : memref<100000x16xf32, #tpu.memory_space<hbm>>) target(%dma_start3A_29 : memref<128x16xf32, #tpu.memory_space<vmem>>) offsets(%dma_start3A_32 : memref<128xi32, #tpu.memory_space<vmem>>) semaphore(%arg11 : memref<!tpu.dma_semaphore, #tpu.memory_space<semaphore_mem>>)
      %dma_wait3A = arith.constant 0 : i32
      %dma_wait3A_36 = arith.constant 0 : i32
      %dma_wait3A_37 = arith.constant 0 : i32
      %dma_wait3A_38 = arith.constant 0 : i32
      %dma_wait3A_39 = tpu.memref_slice %arg9[%dma_wait3A_37, %dma_wait3A_38] : memref<1408x16xf32, #tpu.memory_space<vmem>> -> memref<128x16xf32, #tpu.memory_space<vmem>>
      %dma_wait3A_40 = arith.constant 0 : i32
      %dma_wait3A_41 = tpu.memref_slice %arg7[%dma_wait3A, %dma_wait3A_36, %dma_wait3A_40] : memref<11x1x128xi32, #tpu.memory_space<vmem>> -> memref<1x1x128xi32, #tpu.memory_space<vmem>>
      %dma_wait3A_42 = tpu.memref_squeeze %dma_wait3A_41 : memref<1x1x128xi32, #tpu.memory_space<vmem>> -> memref<128xi32, #tpu.memory_space<vmem>>
      %dma_wait3A_43 = arith.constant 0 : i32
      %dma_wait3A_44 = arith.constant 0 : i32
      %dma_wait3A_45 = tpu.memref_slice %arg2[%dma_wait3A_43, %dma_wait3A_44] : memref<100000x16xf32, #tpu.memory_space<hbm>> -> memref<100000x16xf32, #tpu.memory_space<hbm>>
      tpu.wait_indirect_dma semaphore(%arg11 : memref<!tpu.dma_semaphore, #tpu.memory_space<semaphore_mem>>) src(%dma_wait3A_45 : memref<100000x16xf32, #tpu.memory_space<hbm>>) dst(%dma_wait3A_39 : memref<128x16xf32, #tpu.memory_space<vmem>>)
      %run_scoped3A = arith.constant 0 : i32
      %run_scoped3A_46 = arith.constant 0 : i32
      "tpu.region"() ({
        %run_scoped3A_47 = tpu.sem_alloc : memref<!tpu.dma_semaphore, #tpu.memory_space<semaphore_mem>>
        %dma_start3A_48 = arith.constant 0 : i32
        %dma_start3A_49 = arith.constant 0 : i32
        %dma_start3A_50 = tpu.memref_slice %arg9[%dma_start3A_48, %dma_start3A_49] : memref<1408x16xf32, #tpu.memory_space<vmem>> -> memref<128x16xf32, #tpu.memory_space<vmem>>
        %dma_start3A_51 = arith.constant 0 : i32
        %dma_start3A_52 = tpu.memref_slice %arg8[%run_scoped3A, %run_scoped3A_46, %dma_start3A_51] : memref<11x1x128xi32, #tpu.memory_space<vmem>> -> memref<1x1x128xi32, #tpu.memory_space<vmem>>
        %dma_start3A_53 = tpu.memref_squeeze %dma_start3A_52 : memref<1x1x128xi32, #tpu.memory_space<vmem>> -> memref<128xi32, #tpu.memory_space<vmem>>
        %dma_start3A_54 = arith.constant 0 : i32
        %dma_start3A_55 = arith.constant 0 : i32
        %dma_start3A_56 = tpu.memref_slice %arg10[%dma_start3A_54, %dma_start3A_55] : memref<100096x16xf32, #tpu.memory_space<vmem_shared>> -> memref<100096x16xf32, #tpu.memory_space<vmem_shared>>
        tpu.enqueue_indirect_dma source(%dma_start3A_50 : memref<128x16xf32, #tpu.memory_space<vmem>>) target(%dma_start3A_56 : memref<100096x16xf32, #tpu.memory_space<vmem_shared>>) offsets(%dma_start3A_53 : memref<128xi32, #tpu.memory_space<vmem>>) semaphore(%run_scoped3A_47 : memref<!tpu.dma_semaphore, #tpu.memory_space<semaphore_mem>>) {add = true}
        %dma_wait3A_57 = arith.constant 0 : i32
        %dma_wait3A_58 = arith.constant 0 : i32
        %dma_wait3A_59 = tpu.memref_slice %arg9[%dma_wait3A_57, %dma_wait3A_58] : memref<1408x16xf32, #tpu.memory_space<vmem>> -> memref<128x16xf32, #tpu.memory_space<vmem>>
        %dma_wait3A_60 = arith.constant 0 : i32
        %dma_wait3A_61 = tpu.memref_slice %arg8[%run_scoped3A, %run_scoped3A_46, %dma_wait3A_60] : memref<11x1x128xi32, #tpu.memory_space<vmem>> -> memref<1x1x128xi32, #tpu.memory_space<vmem>>
        %dma_wait3A_62 = tpu.memref_squeeze %dma_wait3A_61 : memref<1x1x128xi32, #tpu.memory_space<vmem>> -> memref<128xi32, #tpu.memory_space<vmem>>
        %dma_wait3A_63 = arith.constant 0 : i32
        %dma_wait3A_64 = arith.constant 0 : i32
        %dma_wait3A_65 = tpu.memref_slice %arg10[%dma_wait3A_63, %dma_wait3A_64] : memref<100096x16xf32, #tpu.memory_space<vmem_shared>> -> memref<100096x16xf32, #tpu.memory_space<vmem_shared>>
        tpu.wait_indirect_dma semaphore(%run_scoped3A_47 : memref<!tpu.dma_semaphore, #tpu.memory_space<semaphore_mem>>) src(%dma_wait3A_59 : memref<128x16xf32, #tpu.memory_space<vmem>>) dst(%dma_wait3A_65 : memref<100096x16xf32, #tpu.memory_space<vmem_shared>>)
        tpu.yield
      }) : () -> ()
    } else {
    }
    %barrier3A_14 = arith.constant 0 : index
    tpu.barrier barrier_id(%barrier3A_14)
    %lt3A_15 = arith.constant 15 : i32
    %lt3A_16 = arith.cmpi slt, %arg1, %lt3A_15 : i32
    %convert_element_type3A_17 = arith.extui %lt3A_16 : i1 to i32
    %cond3A_18 = arith.constant 0 : i32
    %cond3A_19 = arith.cmpi ne, %convert_element_type3A_17, %cond3A_18 : i32
    scf.if %cond3A_19 {
      %mul3A_24 = arith.constant 6256 : i32
      %mul3A_25 = arith.muli %arg1, %mul3A_24 : i32
      %mul3A_26 = arith.constant 6256 : i32
      %mul3A_27 = arith.muli %arg1, %mul3A_26 : i32
      "tpu.region"() ({
        %run_scoped3A = tpu.sem_alloc : memref<!tpu.dma_semaphore, #tpu.memory_space<semaphore_mem>>
        %dma_start3A = arith.constant 0 : i32
        %dma_start3A_28 = tpu.memref_slice %arg6[%arg0, %mul3A_27, %dma_start3A] : memref<2x100000x16xf32, #tpu.memory_space<hbm>> -> memref<1x6256x16xf32, #tpu.memory_space<hbm>>
        %dma_start3A_29 = tpu.memref_squeeze %dma_start3A_28 : memref<1x6256x16xf32, #tpu.memory_space<hbm>> -> memref<6256x16xf32, #tpu.memory_space<hbm>>
        %dma_start3A_30 = arith.constant 0 : i32
        %dma_start3A_31 = tpu.memref_slice %arg10[%mul3A_25, %dma_start3A_30] : memref<100096x16xf32, #tpu.memory_space<vmem_shared>> -> memref<6256x16xf32, #tpu.memory_space<vmem_shared>>
        tpu.enqueue_dma source(%dma_start3A_31 : memref<6256x16xf32, #tpu.memory_space<vmem_shared>>) target(%dma_start3A_29 : memref<6256x16xf32, #tpu.memory_space<hbm>>) target_semaphore(%run_scoped3A : memref<!tpu.dma_semaphore, #tpu.memory_space<semaphore_mem>>)
        %dma_wait3A = arith.constant 0 : i32
        %dma_wait3A_32 = tpu.memref_slice %arg6[%arg0, %mul3A_27, %dma_wait3A] : memref<2x100000x16xf32, #tpu.memory_space<hbm>> -> memref<1x6256x16xf32, #tpu.memory_space<hbm>>
        %dma_wait3A_33 = tpu.memref_squeeze %dma_wait3A_32 : memref<1x6256x16xf32, #tpu.memory_space<hbm>> -> memref<6256x16xf32, #tpu.memory_space<hbm>>
        %dma_wait3A_34 = arith.constant 0 : i32
        %dma_wait3A_35 = tpu.memref_slice %arg10[%mul3A_25, %dma_wait3A_34] : memref<100096x16xf32, #tpu.memory_space<vmem_shared>> -> memref<6256x16xf32, #tpu.memory_space<vmem_shared>>
        tpu.wait_dma2 semaphore(%run_scoped3A : memref<!tpu.dma_semaphore, #tpu.memory_space<semaphore_mem>>) src(%dma_wait3A_35 : memref<6256x16xf32, #tpu.memory_space<vmem_shared>>) dst(%dma_wait3A_33 : memref<6256x16xf32, #tpu.memory_space<hbm>>)
        tpu.yield
      }) : () -> ()
    } else {
    }
    %eq3A = arith.constant 15 : i32
    %eq3A_20 = arith.cmpi eq, %arg1, %eq3A : i32
    %convert_element_type3A_21 = arith.extui %eq3A_20 : i1 to i32
    %cond3A_22 = arith.constant 0 : i32
    %cond3A_23 = arith.cmpi ne, %convert_element_type3A_21, %cond3A_22 : i32
    scf.if %cond3A_23 {
      "tpu.region"() ({
        %run_scoped3A = tpu.sem_alloc : memref<!tpu.dma_semaphore, #tpu.memory_space<semaphore_mem>>
        %dma_start3A = arith.constant 93840 : i32
        %dma_start3A_24 = arith.constant 0 : i32
        %dma_start3A_25 = tpu.memref_slice %arg6[%arg0, %dma_start3A, %dma_start3A_24] : memref<2x100000x16xf32, #tpu.memory_space<hbm>> -> memref<1x6160x16xf32, #tpu.memory_space<hbm>>
        %dma_start3A_26 = tpu.memref_squeeze %dma_start3A_25 : memref<1x6160x16xf32, #tpu.memory_space<hbm>> -> memref<6160x16xf32, #tpu.memory_space<hbm>>
        %dma_start3A_27 = arith.constant 93840 : i32
        %dma_start3A_28 = arith.constant 0 : i32
        %dma_start3A_29 = tpu.memref_slice %arg10[%dma_start3A_27, %dma_start3A_28] : memref<100096x16xf32, #tpu.memory_space<vmem_shared>> -> memref<6160x16xf32, #tpu.memory_space<vmem_shared>>
        tpu.enqueue_dma source(%dma_start3A_29 : memref<6160x16xf32, #tpu.memory_space<vmem_shared>>) target(%dma_start3A_26 : memref<6160x16xf32, #tpu.memory_space<hbm>>) target_semaphore(%run_scoped3A : memref<!tpu.dma_semaphore, #tpu.memory_space<semaphore_mem>>)
        %dma_wait3A = arith.constant 93840 : i32
        %dma_wait3A_30 = arith.constant 0 : i32
        %dma_wait3A_31 = tpu.memref_slice %arg6[%arg0, %dma_wait3A, %dma_wait3A_30] : memref<2x100000x16xf32, #tpu.memory_space<hbm>> -> memref<1x6160x16xf32, #tpu.memory_space<hbm>>
        %dma_wait3A_32 = tpu.memref_squeeze %dma_wait3A_31 : memref<1x6160x16xf32, #tpu.memory_space<hbm>> -> memref<6160x16xf32, #tpu.memory_space<hbm>>
        %dma_wait3A_33 = arith.constant 93840 : i32
        %dma_wait3A_34 = arith.constant 0 : i32
        %dma_wait3A_35 = tpu.memref_slice %arg10[%dma_wait3A_33, %dma_wait3A_34] : memref<100096x16xf32, #tpu.memory_space<vmem_shared>> -> memref<6160x16xf32, #tpu.memory_space<vmem_shared>>
        tpu.wait_dma2 semaphore(%run_scoped3A : memref<!tpu.dma_semaphore, #tpu.memory_space<semaphore_mem>>) src(%dma_wait3A_35 : memref<6160x16xf32, #tpu.memory_space<vmem_shared>>) dst(%dma_wait3A_32 : memref<6160x16xf32, #tpu.memory_space<hbm>>)
        tpu.yield
      }) : () -> ()
    } else {
    }
    return
  }
}

#map = affine_map<(d0, d1) -> (0, 0)>
#map1 = affine_map<(d0, d1) -> (0, 0, 0)>
module attributes {stable_mosaic.version = 14 : i64} {
  func.func @_segsum_body(%arg0: i32, %arg1: i32, %arg2: memref<100000x16xf32, #tpu.memory_space<hbm>>, %arg3: memref<50000x1x128xi32, #tpu.memory_space<hbm>>, %arg4: memref<50000x1x128xi32, #tpu.memory_space<hbm>>, %arg5: memref<6256x16xf32, #tpu.memory_space<hbm>>, %arg6: memref<2x100000x16xf32, #tpu.memory_space<hbm>>, %arg7: memref<11x1x128xi32, #tpu.memory_space<vmem>>, %arg8: memref<11x1x128xi32, #tpu.memory_space<vmem>>, %arg9: memref<1408x16xf32, #tpu.memory_space<vmem>>, %arg10: memref<100096x16xf32, #tpu.memory_space<vmem_shared>>, %arg11: memref<!tpu.dma_semaphore, #tpu.memory_space<semaphore_mem>>) attributes {dimension_semantics = [#tpu.dimension_semantics<core_parallel>, #tpu.dimension_semantics<subcore_parallel>], iteration_bounds = array<i64: 2, 16>, scalar_prefetch = 0 : i64, scratch_operands = 5 : i64, tpu.core_type = #tpu.core_type<sc_vector_subcore>, window_params = [{transform_indices = #map}, {transform_indices = #map1}, {transform_indices = #map1}, {transform_indices = #map}, {transform_indices = #map1}]} {
    %mul3A = arith.constant 2 : i32
    %mul3A_0 = arith.muli %arg1, %mul3A : i32
    %add3A = arith.addi %mul3A_0, %arg0 : i32
    %mul3A_1 = arith.constant 6256 : i32
    %mul3A_2 = arith.muli %arg1, %mul3A_1 : i32
    "tpu.region"() ({
      %run_scoped3A = tpu.sem_alloc : memref<!tpu.dma_semaphore, #tpu.memory_space<semaphore_mem>>
      %dma_start3A = arith.constant 0 : i32
      %dma_start3A_24 = tpu.memref_slice %arg10[%mul3A_2, %dma_start3A] : memref<100096x16xf32, #tpu.memory_space<vmem_shared>> -> memref<6256x16xf32, #tpu.memory_space<vmem_shared>>
      %dma_start3A_25 = arith.constant 0 : i32
      %dma_start3A_26 = arith.constant 0 : i32
      %dma_start3A_27 = tpu.memref_slice %arg5[%dma_start3A_25, %dma_start3A_26] : memref<6256x16xf32, #tpu.memory_space<hbm>> -> memref<6256x16xf32, #tpu.memory_space<hbm>>
      tpu.enqueue_dma source(%dma_start3A_27 : memref<6256x16xf32, #tpu.memory_space<hbm>>) target(%dma_start3A_24 : memref<6256x16xf32, #tpu.memory_space<vmem_shared>>) target_semaphore(%run_scoped3A : memref<!tpu.dma_semaphore, #tpu.memory_space<semaphore_mem>>)
      %dma_wait3A = arith.constant 0 : i32
      %dma_wait3A_28 = tpu.memref_slice %arg10[%mul3A_2, %dma_wait3A] : memref<100096x16xf32, #tpu.memory_space<vmem_shared>> -> memref<6256x16xf32, #tpu.memory_space<vmem_shared>>
      %dma_wait3A_29 = arith.constant 0 : i32
      %dma_wait3A_30 = arith.constant 0 : i32
      %dma_wait3A_31 = tpu.memref_slice %arg5[%dma_wait3A_29, %dma_wait3A_30] : memref<6256x16xf32, #tpu.memory_space<hbm>> -> memref<6256x16xf32, #tpu.memory_space<hbm>>
      tpu.wait_dma2 semaphore(%run_scoped3A : memref<!tpu.dma_semaphore, #tpu.memory_space<semaphore_mem>>) src(%dma_wait3A_31 : memref<6256x16xf32, #tpu.memory_space<hbm>>) dst(%dma_wait3A_28 : memref<6256x16xf32, #tpu.memory_space<vmem_shared>>)
      tpu.yield
    }) : () -> ()
    %barrier3A = arith.constant 0 : index
    tpu.barrier barrier_id(%barrier3A)
    %mul3A_3 = arith.constant 1562 : i32
    %mul3A_4 = arith.muli %add3A, %mul3A_3 : i32
    %min3A = arith.constant 16 : i32
    %min3A_5 = arith.minsi %add3A, %min3A : i32
    %add3A_6 = arith.addi %mul3A_4, %min3A_5 : i32
    %scan3A = arith.constant 0 : i32
    %scan3A_7 = arith.constant 0 : i32
    %scan3A_8 = arith.constant 142 : i32
    %scan3A_9 = arith.addi %scan3A_7, %scan3A_8 : i32
    %scan3A_10 = arith.constant 1 : i32
    scf.for %scan3A_24 = %scan3A_7 to %scan3A_9 step %scan3A_10  : i32 {
      %mul3A_25 = arith.constant 11 : i32
      %mul3A_26 = arith.muli %scan3A_24, %mul3A_25 : i32
      %add3A_27 = arith.addi %add3A_6, %mul3A_26 : i32
      "tpu.region"() ({
        %run_scoped3A_289 = tpu.sem_alloc : memref<!tpu.dma_semaphore, #tpu.memory_space<semaphore_mem>>
        %dma_start3A_290 = arith.constant 0 : i32
        %dma_start3A_291 = arith.constant 0 : i32
        %dma_start3A_292 = tpu.memref_slice %arg3[%add3A_27, %dma_start3A_290, %dma_start3A_291] : memref<50000x1x128xi32, #tpu.memory_space<hbm>> -> memref<11x1x128xi32, #tpu.memory_space<hbm>>
        %dma_start3A_293 = arith.constant 0 : i32
        %dma_start3A_294 = arith.constant 0 : i32
        %dma_start3A_295 = tpu.memref_slice %arg3[%add3A_27, %dma_start3A_293, %dma_start3A_294] : memref<50000x1x128xi32, #tpu.memory_space<hbm>> -> memref<11x1x128xi32, #tpu.memory_space<hbm>>
        tpu.enqueue_dma source(%dma_start3A_295 : memref<11x1x128xi32, #tpu.memory_space<hbm>>) target(%arg7 : memref<11x1x128xi32, #tpu.memory_space<vmem>>) target_semaphore(%run_scoped3A_289 : memref<!tpu.dma_semaphore, #tpu.memory_space<semaphore_mem>>)
        %dma_wait3A_296 = arith.constant 0 : i32
        %dma_wait3A_297 = arith.constant 0 : i32
        %dma_wait3A_298 = tpu.memref_slice %arg3[%add3A_27, %dma_wait3A_296, %dma_wait3A_297] : memref<50000x1x128xi32, #tpu.memory_space<hbm>> -> memref<11x1x128xi32, #tpu.memory_space<hbm>>
        %dma_wait3A_299 = arith.constant 0 : i32
        %dma_wait3A_300 = arith.constant 0 : i32
        %dma_wait3A_301 = tpu.memref_slice %arg3[%add3A_27, %dma_wait3A_299, %dma_wait3A_300] : memref<50000x1x128xi32, #tpu.memory_space<hbm>> -> memref<11x1x128xi32, #tpu.memory_space<hbm>>
        tpu.wait_dma2 semaphore(%run_scoped3A_289 : memref<!tpu.dma_semaphore, #tpu.memory_space<semaphore_mem>>) src(%dma_wait3A_301 : memref<11x1x128xi32, #tpu.memory_space<hbm>>) dst(%arg7 : memref<11x1x128xi32, #tpu.memory_space<vmem>>)
        tpu.yield
      }) : () -> ()
      "tpu.region"() ({
        %run_scoped3A_289 = tpu.sem_alloc : memref<!tpu.dma_semaphore, #tpu.memory_space<semaphore_mem>>
        %dma_start3A_290 = arith.constant 0 : i32
        %dma_start3A_291 = arith.constant 0 : i32
        %dma_start3A_292 = tpu.memref_slice %arg4[%add3A_27, %dma_start3A_290, %dma_start3A_291] : memref<50000x1x128xi32, #tpu.memory_space<hbm>> -> memref<11x1x128xi32, #tpu.memory_space<hbm>>
        %dma_start3A_293 = arith.constant 0 : i32
        %dma_start3A_294 = arith.constant 0 : i32
        %dma_start3A_295 = tpu.memref_slice %arg4[%add3A_27, %dma_start3A_293, %dma_start3A_294] : memref<50000x1x128xi32, #tpu.memory_space<hbm>> -> memref<11x1x128xi32, #tpu.memory_space<hbm>>
        tpu.enqueue_dma source(%dma_start3A_295 : memref<11x1x128xi32, #tpu.memory_space<hbm>>) target(%arg8 : memref<11x1x128xi32, #tpu.memory_space<vmem>>) target_semaphore(%run_scoped3A_289 : memref<!tpu.dma_semaphore, #tpu.memory_space<semaphore_mem>>)
        %dma_wait3A_296 = arith.constant 0 : i32
        %dma_wait3A_297 = arith.constant 0 : i32
        %dma_wait3A_298 = tpu.memref_slice %arg4[%add3A_27, %dma_wait3A_296, %dma_wait3A_297] : memref<50000x1x128xi32, #tpu.memory_space<hbm>> -> memref<11x1x128xi32, #tpu.memory_space<hbm>>
        %dma_wait3A_299 = arith.constant 0 : i32
        %dma_wait3A_300 = arith.constant 0 : i32
        %dma_wait3A_301 = tpu.memref_slice %arg4[%add3A_27, %dma_wait3A_299, %dma_wait3A_300] : memref<50000x1x128xi32, #tpu.memory_space<hbm>> -> memref<11x1x128xi32, #tpu.memory_space<hbm>>
        tpu.wait_dma2 semaphore(%run_scoped3A_289 : memref<!tpu.dma_semaphore, #tpu.memory_space<semaphore_mem>>) src(%dma_wait3A_301 : memref<11x1x128xi32, #tpu.memory_space<hbm>>) dst(%arg8 : memref<11x1x128xi32, #tpu.memory_space<vmem>>)
        tpu.yield
      }) : () -> ()
      %dma_start3A = arith.constant 0 : i32
      %dma_start3A_28 = arith.constant 0 : i32
      %dma_start3A_29 = arith.constant 0 : i32
      %dma_start3A_30 = arith.constant 0 : i32
      %dma_start3A_31 = tpu.memref_slice %arg9[%dma_start3A_29, %dma_start3A_30] : memref<1408x16xf32, #tpu.memory_space<vmem>> -> memref<128x16xf32, #tpu.memory_space<vmem>>
      %dma_start3A_32 = arith.constant 0 : i32
      %dma_start3A_33 = tpu.memref_slice %arg7[%dma_start3A, %dma_start3A_28, %dma_start3A_32] : memref<11x1x128xi32, #tpu.memory_space<vmem>> -> memref<1x1x128xi32, #tpu.memory_space<vmem>>
      %dma_start3A_34 = tpu.memref_squeeze %dma_start3A_33 : memref<1x1x128xi32, #tpu.memory_space<vmem>> -> memref<128xi32, #tpu.memory_space<vmem>>
      %dma_start3A_35 = arith.constant 0 : i32
      %dma_start3A_36 = arith.constant 0 : i32
      %dma_start3A_37 = tpu.memref_slice %arg2[%dma_start3A_35, %dma_start3A_36] : memref<100000x16xf32, #tpu.memory_space<hbm>> -> memref<100000x16xf32, #tpu.memory_space<hbm>>
      tpu.enqueue_indirect_dma source(%dma_start3A_37 : memref<100000x16xf32, #tpu.memory_space<hbm>>) target(%dma_start3A_31 : memref<128x16xf32, #tpu.memory_space<vmem>>) offsets(%dma_start3A_34 : memref<128xi32, #tpu.memory_space<vmem>>) semaphore(%arg11 : memref<!tpu.dma_semaphore, #tpu.memory_space<semaphore_mem>>)
      %dma_start3A_38 = arith.constant 1 : i32
      %dma_start3A_39 = arith.constant 0 : i32
      %dma_start3A_40 = arith.constant 128 : i32
      %dma_start3A_41 = arith.constant 0 : i32
      %dma_start3A_42 = tpu.memref_slice %arg9[%dma_start3A_40, %dma_start3A_41] : memref<1408x16xf32, #tpu.memory_space<vmem>> -> memref<128x16xf32, #tpu.memory_space<vmem>>
      %dma_start3A_43 = arith.constant 0 : i32
      %dma_start3A_44 = tpu.memref_slice %arg7[%dma_start3A_38, %dma_start3A_39, %dma_start3A_43] : memref<11x1x128xi32, #tpu.memory_space<vmem>> -> memref<1x1x128xi32, #tpu.memory_space<vmem>>
      %dma_start3A_45 = tpu.memref_squeeze %dma_start3A_44 : memref<1x1x128xi32, #tpu.memory_space<vmem>> -> memref<128xi32, #tpu.memory_space<vmem>>
      %dma_start3A_46 = arith.constant 0 : i32
      %dma_start3A_47 = arith.constant 0 : i32
      %dma_start3A_48 = tpu.memref_slice %arg2[%dma_start3A_46, %dma_start3A_47] : memref<100000x16xf32, #tpu.memory_space<hbm>> -> memref<100000x16xf32, #tpu.memory_space<hbm>>
      tpu.enqueue_indirect_dma source(%dma_start3A_48 : memref<100000x16xf32, #tpu.memory_space<hbm>>) target(%dma_start3A_42 : memref<128x16xf32, #tpu.memory_space<vmem>>) offsets(%dma_start3A_45 : memref<128xi32, #tpu.memory_space<vmem>>) semaphore(%arg11 : memref<!tpu.dma_semaphore, #tpu.memory_space<semaphore_mem>>)
      %dma_start3A_49 = arith.constant 2 : i32
      %dma_start3A_50 = arith.constant 0 : i32
      %dma_start3A_51 = arith.constant 256 : i32
      %dma_start3A_52 = arith.constant 0 : i32
      %dma_start3A_53 = tpu.memref_slice %arg9[%dma_start3A_51, %dma_start3A_52] : memref<1408x16xf32, #tpu.memory_space<vmem>> -> memref<128x16xf32, #tpu.memory_space<vmem>>
      %dma_start3A_54 = arith.constant 0 : i32
      %dma_start3A_55 = tpu.memref_slice %arg7[%dma_start3A_49, %dma_start3A_50, %dma_start3A_54] : memref<11x1x128xi32, #tpu.memory_space<vmem>> -> memref<1x1x128xi32, #tpu.memory_space<vmem>>
      %dma_start3A_56 = tpu.memref_squeeze %dma_start3A_55 : memref<1x1x128xi32, #tpu.memory_space<vmem>> -> memref<128xi32, #tpu.memory_space<vmem>>
      %dma_start3A_57 = arith.constant 0 : i32
      %dma_start3A_58 = arith.constant 0 : i32
      %dma_start3A_59 = tpu.memref_slice %arg2[%dma_start3A_57, %dma_start3A_58] : memref<100000x16xf32, #tpu.memory_space<hbm>> -> memref<100000x16xf32, #tpu.memory_space<hbm>>
      tpu.enqueue_indirect_dma source(%dma_start3A_59 : memref<100000x16xf32, #tpu.memory_space<hbm>>) target(%dma_start3A_53 : memref<128x16xf32, #tpu.memory_space<vmem>>) offsets(%dma_start3A_56 : memref<128xi32, #tpu.memory_space<vmem>>) semaphore(%arg11 : memref<!tpu.dma_semaphore, #tpu.memory_space<semaphore_mem>>)
      %dma_start3A_60 = arith.constant 3 : i32
      %dma_start3A_61 = arith.constant 0 : i32
      %dma_start3A_62 = arith.constant 384 : i32
      %dma_start3A_63 = arith.constant 0 : i32
      %dma_start3A_64 = tpu.memref_slice %arg9[%dma_start3A_62, %dma_start3A_63] : memref<1408x16xf32, #tpu.memory_space<vmem>> -> memref<128x16xf32, #tpu.memory_space<vmem>>
      %dma_start3A_65 = arith.constant 0 : i32
      %dma_start3A_66 = tpu.memref_slice %arg7[%dma_start3A_60, %dma_start3A_61, %dma_start3A_65] : memref<11x1x128xi32, #tpu.memory_space<vmem>> -> memref<1x1x128xi32, #tpu.memory_space<vmem>>
      %dma_start3A_67 = tpu.memref_squeeze %dma_start3A_66 : memref<1x1x128xi32, #tpu.memory_space<vmem>> -> memref<128xi32, #tpu.memory_space<vmem>>
      %dma_start3A_68 = arith.constant 0 : i32
      %dma_start3A_69 = arith.constant 0 : i32
      %dma_start3A_70 = tpu.memref_slice %arg2[%dma_start3A_68, %dma_start3A_69] : memref<100000x16xf32, #tpu.memory_space<hbm>> -> memref<100000x16xf32, #tpu.memory_space<hbm>>
      tpu.enqueue_indirect_dma source(%dma_start3A_70 : memref<100000x16xf32, #tpu.memory_space<hbm>>) target(%dma_start3A_64 : memref<128x16xf32, #tpu.memory_space<vmem>>) offsets(%dma_start3A_67 : memref<128xi32, #tpu.memory_space<vmem>>) semaphore(%arg11 : memref<!tpu.dma_semaphore, #tpu.memory_space<semaphore_mem>>)
      %dma_start3A_71 = arith.constant 4 : i32
      %dma_start3A_72 = arith.constant 0 : i32
      %dma_start3A_73 = arith.constant 512 : i32
      %dma_start3A_74 = arith.constant 0 : i32
      %dma_start3A_75 = tpu.memref_slice %arg9[%dma_start3A_73, %dma_start3A_74] : memref<1408x16xf32, #tpu.memory_space<vmem>> -> memref<128x16xf32, #tpu.memory_space<vmem>>
      %dma_start3A_76 = arith.constant 0 : i32
      %dma_start3A_77 = tpu.memref_slice %arg7[%dma_start3A_71, %dma_start3A_72, %dma_start3A_76] : memref<11x1x128xi32, #tpu.memory_space<vmem>> -> memref<1x1x128xi32, #tpu.memory_space<vmem>>
      %dma_start3A_78 = tpu.memref_squeeze %dma_start3A_77 : memref<1x1x128xi32, #tpu.memory_space<vmem>> -> memref<128xi32, #tpu.memory_space<vmem>>
      %dma_start3A_79 = arith.constant 0 : i32
      %dma_start3A_80 = arith.constant 0 : i32
      %dma_start3A_81 = tpu.memref_slice %arg2[%dma_start3A_79, %dma_start3A_80] : memref<100000x16xf32, #tpu.memory_space<hbm>> -> memref<100000x16xf32, #tpu.memory_space<hbm>>
      tpu.enqueue_indirect_dma source(%dma_start3A_81 : memref<100000x16xf32, #tpu.memory_space<hbm>>) target(%dma_start3A_75 : memref<128x16xf32, #tpu.memory_space<vmem>>) offsets(%dma_start3A_78 : memref<128xi32, #tpu.memory_space<vmem>>) semaphore(%arg11 : memref<!tpu.dma_semaphore, #tpu.memory_space<semaphore_mem>>)
      %dma_start3A_82 = arith.constant 5 : i32
      %dma_start3A_83 = arith.constant 0 : i32
      %dma_start3A_84 = arith.constant 640 : i32
      %dma_start3A_85 = arith.constant 0 : i32
      %dma_start3A_86 = tpu.memref_slice %arg9[%dma_start3A_84, %dma_start3A_85] : memref<1408x16xf32, #tpu.memory_space<vmem>> -> memref<128x16xf32, #tpu.memory_space<vmem>>
      %dma_start3A_87 = arith.constant 0 : i32
      %dma_start3A_88 = tpu.memref_slice %arg7[%dma_start3A_82, %dma_start3A_83, %dma_start3A_87] : memref<11x1x128xi32, #tpu.memory_space<vmem>> -> memref<1x1x128xi32, #tpu.memory_space<vmem>>
      %dma_start3A_89 = tpu.memref_squeeze %dma_start3A_88 : memref<1x1x128xi32, #tpu.memory_space<vmem>> -> memref<128xi32, #tpu.memory_space<vmem>>
      %dma_start3A_90 = arith.constant 0 : i32
      %dma_start3A_91 = arith.constant 0 : i32
      %dma_start3A_92 = tpu.memref_slice %arg2[%dma_start3A_90, %dma_start3A_91] : memref<100000x16xf32, #tpu.memory_space<hbm>> -> memref<100000x16xf32, #tpu.memory_space<hbm>>
      tpu.enqueue_indirect_dma source(%dma_start3A_92 : memref<100000x16xf32, #tpu.memory_space<hbm>>) target(%dma_start3A_86 : memref<128x16xf32, #tpu.memory_space<vmem>>) offsets(%dma_start3A_89 : memref<128xi32, #tpu.memory_space<vmem>>) semaphore(%arg11 : memref<!tpu.dma_semaphore, #tpu.memory_space<semaphore_mem>>)
      %dma_start3A_93 = arith.constant 6 : i32
      %dma_start3A_94 = arith.constant 0 : i32
      %dma_start3A_95 = arith.constant 768 : i32
      %dma_start3A_96 = arith.constant 0 : i32
      %dma_start3A_97 = tpu.memref_slice %arg9[%dma_start3A_95, %dma_start3A_96] : memref<1408x16xf32, #tpu.memory_space<vmem>> -> memref<128x16xf32, #tpu.memory_space<vmem>>
      %dma_start3A_98 = arith.constant 0 : i32
      %dma_start3A_99 = tpu.memref_slice %arg7[%dma_start3A_93, %dma_start3A_94, %dma_start3A_98] : memref<11x1x128xi32, #tpu.memory_space<vmem>> -> memref<1x1x128xi32, #tpu.memory_space<vmem>>
      %dma_start3A_100 = tpu.memref_squeeze %dma_start3A_99 : memref<1x1x128xi32, #tpu.memory_space<vmem>> -> memref<128xi32, #tpu.memory_space<vmem>>
      %dma_start3A_101 = arith.constant 0 : i32
      %dma_start3A_102 = arith.constant 0 : i32
      %dma_start3A_103 = tpu.memref_slice %arg2[%dma_start3A_101, %dma_start3A_102] : memref<100000x16xf32, #tpu.memory_space<hbm>> -> memref<100000x16xf32, #tpu.memory_space<hbm>>
      tpu.enqueue_indirect_dma source(%dma_start3A_103 : memref<100000x16xf32, #tpu.memory_space<hbm>>) target(%dma_start3A_97 : memref<128x16xf32, #tpu.memory_space<vmem>>) offsets(%dma_start3A_100 : memref<128xi32, #tpu.memory_space<vmem>>) semaphore(%arg11 : memref<!tpu.dma_semaphore, #tpu.memory_space<semaphore_mem>>)
      %dma_start3A_104 = arith.constant 7 : i32
      %dma_start3A_105 = arith.constant 0 : i32
      %dma_start3A_106 = arith.constant 896 : i32
      %dma_start3A_107 = arith.constant 0 : i32
      %dma_start3A_108 = tpu.memref_slice %arg9[%dma_start3A_106, %dma_start3A_107] : memref<1408x16xf32, #tpu.memory_space<vmem>> -> memref<128x16xf32, #tpu.memory_space<vmem>>
      %dma_start3A_109 = arith.constant 0 : i32
      %dma_start3A_110 = tpu.memref_slice %arg7[%dma_start3A_104, %dma_start3A_105, %dma_start3A_109] : memref<11x1x128xi32, #tpu.memory_space<vmem>> -> memref<1x1x128xi32, #tpu.memory_space<vmem>>
      %dma_start3A_111 = tpu.memref_squeeze %dma_start3A_110 : memref<1x1x128xi32, #tpu.memory_space<vmem>> -> memref<128xi32, #tpu.memory_space<vmem>>
      %dma_start3A_112 = arith.constant 0 : i32
      %dma_start3A_113 = arith.constant 0 : i32
      %dma_start3A_114 = tpu.memref_slice %arg2[%dma_start3A_112, %dma_start3A_113] : memref<100000x16xf32, #tpu.memory_space<hbm>> -> memref<100000x16xf32, #tpu.memory_space<hbm>>
      tpu.enqueue_indirect_dma source(%dma_start3A_114 : memref<100000x16xf32, #tpu.memory_space<hbm>>) target(%dma_start3A_108 : memref<128x16xf32, #tpu.memory_space<vmem>>) offsets(%dma_start3A_111 : memref<128xi32, #tpu.memory_space<vmem>>) semaphore(%arg11 : memref<!tpu.dma_semaphore, #tpu.memory_space<semaphore_mem>>)
      %dma_start3A_115 = arith.constant 8 : i32
      %dma_start3A_116 = arith.constant 0 : i32
      %dma_start3A_117 = arith.constant 1024 : i32
      %dma_start3A_118 = arith.constant 0 : i32
      %dma_start3A_119 = tpu.memref_slice %arg9[%dma_start3A_117, %dma_start3A_118] : memref<1408x16xf32, #tpu.memory_space<vmem>> -> memref<128x16xf32, #tpu.memory_space<vmem>>
      %dma_start3A_120 = arith.constant 0 : i32
      %dma_start3A_121 = tpu.memref_slice %arg7[%dma_start3A_115, %dma_start3A_116, %dma_start3A_120] : memref<11x1x128xi32, #tpu.memory_space<vmem>> -> memref<1x1x128xi32, #tpu.memory_space<vmem>>
      %dma_start3A_122 = tpu.memref_squeeze %dma_start3A_121 : memref<1x1x128xi32, #tpu.memory_space<vmem>> -> memref<128xi32, #tpu.memory_space<vmem>>
      %dma_start3A_123 = arith.constant 0 : i32
      %dma_start3A_124 = arith.constant 0 : i32
      %dma_start3A_125 = tpu.memref_slice %arg2[%dma_start3A_123, %dma_start3A_124] : memref<100000x16xf32, #tpu.memory_space<hbm>> -> memref<100000x16xf32, #tpu.memory_space<hbm>>
      tpu.enqueue_indirect_dma source(%dma_start3A_125 : memref<100000x16xf32, #tpu.memory_space<hbm>>) target(%dma_start3A_119 : memref<128x16xf32, #tpu.memory_space<vmem>>) offsets(%dma_start3A_122 : memref<128xi32, #tpu.memory_space<vmem>>) semaphore(%arg11 : memref<!tpu.dma_semaphore, #tpu.memory_space<semaphore_mem>>)
      %dma_start3A_126 = arith.constant 9 : i32
      %dma_start3A_127 = arith.constant 0 : i32
      %dma_start3A_128 = arith.constant 1152 : i32
      %dma_start3A_129 = arith.constant 0 : i32
      %dma_start3A_130 = tpu.memref_slice %arg9[%dma_start3A_128, %dma_start3A_129] : memref<1408x16xf32, #tpu.memory_space<vmem>> -> memref<128x16xf32, #tpu.memory_space<vmem>>
      %dma_start3A_131 = arith.constant 0 : i32
      %dma_start3A_132 = tpu.memref_slice %arg7[%dma_start3A_126, %dma_start3A_127, %dma_start3A_131] : memref<11x1x128xi32, #tpu.memory_space<vmem>> -> memref<1x1x128xi32, #tpu.memory_space<vmem>>
      %dma_start3A_133 = tpu.memref_squeeze %dma_start3A_132 : memref<1x1x128xi32, #tpu.memory_space<vmem>> -> memref<128xi32, #tpu.memory_space<vmem>>
      %dma_start3A_134 = arith.constant 0 : i32
      %dma_start3A_135 = arith.constant 0 : i32
      %dma_start3A_136 = tpu.memref_slice %arg2[%dma_start3A_134, %dma_start3A_135] : memref<100000x16xf32, #tpu.memory_space<hbm>> -> memref<100000x16xf32, #tpu.memory_space<hbm>>
      tpu.enqueue_indirect_dma source(%dma_start3A_136 : memref<100000x16xf32, #tpu.memory_space<hbm>>) target(%dma_start3A_130 : memref<128x16xf32, #tpu.memory_space<vmem>>) offsets(%dma_start3A_133 : memref<128xi32, #tpu.memory_space<vmem>>) semaphore(%arg11 : memref<!tpu.dma_semaphore, #tpu.memory_space<semaphore_mem>>)
      %dma_start3A_137 = arith.constant 10 : i32
      %dma_start3A_138 = arith.constant 0 : i32
      %dma_start3A_139 = arith.constant 1280 : i32
      %dma_start3A_140 = arith.constant 0 : i32
      %dma_start3A_141 = tpu.memref_slice %arg9[%dma_start3A_139, %dma_start3A_140] : memref<1408x16xf32, #tpu.memory_space<vmem>> -> memref<128x16xf32, #tpu.memory_space<vmem>>
      %dma_start3A_142 = arith.constant 0 : i32
      %dma_start3A_143 = tpu.memref_slice %arg7[%dma_start3A_137, %dma_start3A_138, %dma_start3A_142] : memref<11x1x128xi32, #tpu.memory_space<vmem>> -> memref<1x1x128xi32, #tpu.memory_space<vmem>>
      %dma_start3A_144 = tpu.memref_squeeze %dma_start3A_143 : memref<1x1x128xi32, #tpu.memory_space<vmem>> -> memref<128xi32, #tpu.memory_space<vmem>>
      %dma_start3A_145 = arith.constant 0 : i32
      %dma_start3A_146 = arith.constant 0 : i32
      %dma_start3A_147 = tpu.memref_slice %arg2[%dma_start3A_145, %dma_start3A_146] : memref<100000x16xf32, #tpu.memory_space<hbm>> -> memref<100000x16xf32, #tpu.memory_space<hbm>>
      tpu.enqueue_indirect_dma source(%dma_start3A_147 : memref<100000x16xf32, #tpu.memory_space<hbm>>) target(%dma_start3A_141 : memref<128x16xf32, #tpu.memory_space<vmem>>) offsets(%dma_start3A_144 : memref<128xi32, #tpu.memory_space<vmem>>) semaphore(%arg11 : memref<!tpu.dma_semaphore, #tpu.memory_space<semaphore_mem>>)
      %dma_wait3A = arith.constant 0 : i32
      %dma_wait3A_148 = arith.constant 0 : i32
      %dma_wait3A_149 = arith.constant 0 : i32
      %dma_wait3A_150 = arith.constant 0 : i32
      %dma_wait3A_151 = tpu.memref_slice %arg9[%dma_wait3A_149, %dma_wait3A_150] : memref<1408x16xf32, #tpu.memory_space<vmem>> -> memref<128x16xf32, #tpu.memory_space<vmem>>
      %dma_wait3A_152 = arith.constant 0 : i32
      %dma_wait3A_153 = tpu.memref_slice %arg7[%dma_wait3A, %dma_wait3A_148, %dma_wait3A_152] : memref<11x1x128xi32, #tpu.memory_space<vmem>> -> memref<1x1x128xi32, #tpu.memory_space<vmem>>
      %dma_wait3A_154 = tpu.memref_squeeze %dma_wait3A_153 : memref<1x1x128xi32, #tpu.memory_space<vmem>> -> memref<128xi32, #tpu.memory_space<vmem>>
      %dma_wait3A_155 = arith.constant 0 : i32
      %dma_wait3A_156 = arith.constant 0 : i32
      %dma_wait3A_157 = tpu.memref_slice %arg2[%dma_wait3A_155, %dma_wait3A_156] : memref<100000x16xf32, #tpu.memory_space<hbm>> -> memref<100000x16xf32, #tpu.memory_space<hbm>>
      tpu.wait_indirect_dma semaphore(%arg11 : memref<!tpu.dma_semaphore, #tpu.memory_space<semaphore_mem>>) src(%dma_wait3A_157 : memref<100000x16xf32, #tpu.memory_space<hbm>>) dst(%dma_wait3A_151 : memref<128x16xf32, #tpu.memory_space<vmem>>)
      %dma_wait3A_158 = arith.constant 1 : i32
      %dma_wait3A_159 = arith.constant 0 : i32
      %dma_wait3A_160 = arith.constant 128 : i32
      %dma_wait3A_161 = arith.constant 0 : i32
      %dma_wait3A_162 = tpu.memref_slice %arg9[%dma_wait3A_160, %dma_wait3A_161] : memref<1408x16xf32, #tpu.memory_space<vmem>> -> memref<128x16xf32, #tpu.memory_space<vmem>>
      %dma_wait3A_163 = arith.constant 0 : i32
      %dma_wait3A_164 = tpu.memref_slice %arg7[%dma_wait3A_158, %dma_wait3A_159, %dma_wait3A_163] : memref<11x1x128xi32, #tpu.memory_space<vmem>> -> memref<1x1x128xi32, #tpu.memory_space<vmem>>
      %dma_wait3A_165 = tpu.memref_squeeze %dma_wait3A_164 : memref<1x1x128xi32, #tpu.memory_space<vmem>> -> memref<128xi32, #tpu.memory_space<vmem>>
      %dma_wait3A_166 = arith.constant 0 : i32
      %dma_wait3A_167 = arith.constant 0 : i32
      %dma_wait3A_168 = tpu.memref_slice %arg2[%dma_wait3A_166, %dma_wait3A_167] : memref<100000x16xf32, #tpu.memory_space<hbm>> -> memref<100000x16xf32, #tpu.memory_space<hbm>>
      tpu.wait_indirect_dma semaphore(%arg11 : memref<!tpu.dma_semaphore, #tpu.memory_space<semaphore_mem>>) src(%dma_wait3A_168 : memref<100000x16xf32, #tpu.memory_space<hbm>>) dst(%dma_wait3A_162 : memref<128x16xf32, #tpu.memory_space<vmem>>)
      %dma_wait3A_169 = arith.constant 2 : i32
      %dma_wait3A_170 = arith.constant 0 : i32
      %dma_wait3A_171 = arith.constant 256 : i32
      %dma_wait3A_172 = arith.constant 0 : i32
      %dma_wait3A_173 = tpu.memref_slice %arg9[%dma_wait3A_171, %dma_wait3A_172] : memref<1408x16xf32, #tpu.memory_space<vmem>> -> memref<128x16xf32, #tpu.memory_space<vmem>>
      %dma_wait3A_174 = arith.constant 0 : i32
      %dma_wait3A_175 = tpu.memref_slice %arg7[%dma_wait3A_169, %dma_wait3A_170, %dma_wait3A_174] : memref<11x1x128xi32, #tpu.memory_space<vmem>> -> memref<1x1x128xi32, #tpu.memory_space<vmem>>
      %dma_wait3A_176 = tpu.memref_squeeze %dma_wait3A_175 : memref<1x1x128xi32, #tpu.memory_space<vmem>> -> memref<128xi32, #tpu.memory_space<vmem>>
      %dma_wait3A_177 = arith.constant 0 : i32
      %dma_wait3A_178 = arith.constant 0 : i32
      %dma_wait3A_179 = tpu.memref_slice %arg2[%dma_wait3A_177, %dma_wait3A_178] : memref<100000x16xf32, #tpu.memory_space<hbm>> -> memref<100000x16xf32, #tpu.memory_space<hbm>>
      tpu.wait_indirect_dma semaphore(%arg11 : memref<!tpu.dma_semaphore, #tpu.memory_space<semaphore_mem>>) src(%dma_wait3A_179 : memref<100000x16xf32, #tpu.memory_space<hbm>>) dst(%dma_wait3A_173 : memref<128x16xf32, #tpu.memory_space<vmem>>)
      %dma_wait3A_180 = arith.constant 3 : i32
      %dma_wait3A_181 = arith.constant 0 : i32
      %dma_wait3A_182 = arith.constant 384 : i32
      %dma_wait3A_183 = arith.constant 0 : i32
      %dma_wait3A_184 = tpu.memref_slice %arg9[%dma_wait3A_182, %dma_wait3A_183] : memref<1408x16xf32, #tpu.memory_space<vmem>> -> memref<128x16xf32, #tpu.memory_space<vmem>>
      %dma_wait3A_185 = arith.constant 0 : i32
      %dma_wait3A_186 = tpu.memref_slice %arg7[%dma_wait3A_180, %dma_wait3A_181, %dma_wait3A_185] : memref<11x1x128xi32, #tpu.memory_space<vmem>> -> memref<1x1x128xi32, #tpu.memory_space<vmem>>
      %dma_wait3A_187 = tpu.memref_squeeze %dma_wait3A_186 : memref<1x1x128xi32, #tpu.memory_space<vmem>> -> memref<128xi32, #tpu.memory_space<vmem>>
      %dma_wait3A_188 = arith.constant 0 : i32
      %dma_wait3A_189 = arith.constant 0 : i32
      %dma_wait3A_190 = tpu.memref_slice %arg2[%dma_wait3A_188, %dma_wait3A_189] : memref<100000x16xf32, #tpu.memory_space<hbm>> -> memref<100000x16xf32, #tpu.memory_space<hbm>>
      tpu.wait_indirect_dma semaphore(%arg11 : memref<!tpu.dma_semaphore, #tpu.memory_space<semaphore_mem>>) src(%dma_wait3A_190 : memref<100000x16xf32, #tpu.memory_space<hbm>>) dst(%dma_wait3A_184 : memref<128x16xf32, #tpu.memory_space<vmem>>)
      %dma_wait3A_191 = arith.constant 4 : i32
      %dma_wait3A_192 = arith.constant 0 : i32
      %dma_wait3A_193 = arith.constant 512 : i32
      %dma_wait3A_194 = arith.constant 0 : i32
      %dma_wait3A_195 = tpu.memref_slice %arg9[%dma_wait3A_193, %dma_wait3A_194] : memref<1408x16xf32, #tpu.memory_space<vmem>> -> memref<128x16xf32, #tpu.memory_space<vmem>>
      %dma_wait3A_196 = arith.constant 0 : i32
      %dma_wait3A_197 = tpu.memref_slice %arg7[%dma_wait3A_191, %dma_wait3A_192, %dma_wait3A_196] : memref<11x1x128xi32, #tpu.memory_space<vmem>> -> memref<1x1x128xi32, #tpu.memory_space<vmem>>
      %dma_wait3A_198 = tpu.memref_squeeze %dma_wait3A_197 : memref<1x1x128xi32, #tpu.memory_space<vmem>> -> memref<128xi32, #tpu.memory_space<vmem>>
      %dma_wait3A_199 = arith.constant 0 : i32
      %dma_wait3A_200 = arith.constant 0 : i32
      %dma_wait3A_201 = tpu.memref_slice %arg2[%dma_wait3A_199, %dma_wait3A_200] : memref<100000x16xf32, #tpu.memory_space<hbm>> -> memref<100000x16xf32, #tpu.memory_space<hbm>>
      tpu.wait_indirect_dma semaphore(%arg11 : memref<!tpu.dma_semaphore, #tpu.memory_space<semaphore_mem>>) src(%dma_wait3A_201 : memref<100000x16xf32, #tpu.memory_space<hbm>>) dst(%dma_wait3A_195 : memref<128x16xf32, #tpu.memory_space<vmem>>)
      %dma_wait3A_202 = arith.constant 5 : i32
      %dma_wait3A_203 = arith.constant 0 : i32
      %dma_wait3A_204 = arith.constant 640 : i32
      %dma_wait3A_205 = arith.constant 0 : i32
      %dma_wait3A_206 = tpu.memref_slice %arg9[%dma_wait3A_204, %dma_wait3A_205] : memref<1408x16xf32, #tpu.memory_space<vmem>> -> memref<128x16xf32, #tpu.memory_space<vmem>>
      %dma_wait3A_207 = arith.constant 0 : i32
      %dma_wait3A_208 = tpu.memref_slice %arg7[%dma_wait3A_202, %dma_wait3A_203, %dma_wait3A_207] : memref<11x1x128xi32, #tpu.memory_space<vmem>> -> memref<1x1x128xi32, #tpu.memory_space<vmem>>
      %dma_wait3A_209 = tpu.memref_squeeze %dma_wait3A_208 : memref<1x1x128xi32, #tpu.memory_space<vmem>> -> memref<128xi32, #tpu.memory_space<vmem>>
      %dma_wait3A_210 = arith.constant 0 : i32
      %dma_wait3A_211 = arith.constant 0 : i32
      %dma_wait3A_212 = tpu.memref_slice %arg2[%dma_wait3A_210, %dma_wait3A_211] : memref<100000x16xf32, #tpu.memory_space<hbm>> -> memref<100000x16xf32, #tpu.memory_space<hbm>>
      tpu.wait_indirect_dma semaphore(%arg11 : memref<!tpu.dma_semaphore, #tpu.memory_space<semaphore_mem>>) src(%dma_wait3A_212 : memref<100000x16xf32, #tpu.memory_space<hbm>>) dst(%dma_wait3A_206 : memref<128x16xf32, #tpu.memory_space<vmem>>)
      %dma_wait3A_213 = arith.constant 6 : i32
      %dma_wait3A_214 = arith.constant 0 : i32
      %dma_wait3A_215 = arith.constant 768 : i32
      %dma_wait3A_216 = arith.constant 0 : i32
      %dma_wait3A_217 = tpu.memref_slice %arg9[%dma_wait3A_215, %dma_wait3A_216] : memref<1408x16xf32, #tpu.memory_space<vmem>> -> memref<128x16xf32, #tpu.memory_space<vmem>>
      %dma_wait3A_218 = arith.constant 0 : i32
      %dma_wait3A_219 = tpu.memref_slice %arg7[%dma_wait3A_213, %dma_wait3A_214, %dma_wait3A_218] : memref<11x1x128xi32, #tpu.memory_space<vmem>> -> memref<1x1x128xi32, #tpu.memory_space<vmem>>
      %dma_wait3A_220 = tpu.memref_squeeze %dma_wait3A_219 : memref<1x1x128xi32, #tpu.memory_space<vmem>> -> memref<128xi32, #tpu.memory_space<vmem>>
      %dma_wait3A_221 = arith.constant 0 : i32
      %dma_wait3A_222 = arith.constant 0 : i32
      %dma_wait3A_223 = tpu.memref_slice %arg2[%dma_wait3A_221, %dma_wait3A_222] : memref<100000x16xf32, #tpu.memory_space<hbm>> -> memref<100000x16xf32, #tpu.memory_space<hbm>>
      tpu.wait_indirect_dma semaphore(%arg11 : memref<!tpu.dma_semaphore, #tpu.memory_space<semaphore_mem>>) src(%dma_wait3A_223 : memref<100000x16xf32, #tpu.memory_space<hbm>>) dst(%dma_wait3A_217 : memref<128x16xf32, #tpu.memory_space<vmem>>)
      %dma_wait3A_224 = arith.constant 7 : i32
      %dma_wait3A_225 = arith.constant 0 : i32
      %dma_wait3A_226 = arith.constant 896 : i32
      %dma_wait3A_227 = arith.constant 0 : i32
      %dma_wait3A_228 = tpu.memref_slice %arg9[%dma_wait3A_226, %dma_wait3A_227] : memref<1408x16xf32, #tpu.memory_space<vmem>> -> memref<128x16xf32, #tpu.memory_space<vmem>>
      %dma_wait3A_229 = arith.constant 0 : i32
      %dma_wait3A_230 = tpu.memref_slice %arg7[%dma_wait3A_224, %dma_wait3A_225, %dma_wait3A_229] : memref<11x1x128xi32, #tpu.memory_space<vmem>> -> memref<1x1x128xi32, #tpu.memory_space<vmem>>
      %dma_wait3A_231 = tpu.memref_squeeze %dma_wait3A_230 : memref<1x1x128xi32, #tpu.memory_space<vmem>> -> memref<128xi32, #tpu.memory_space<vmem>>
      %dma_wait3A_232 = arith.constant 0 : i32
      %dma_wait3A_233 = arith.constant 0 : i32
      %dma_wait3A_234 = tpu.memref_slice %arg2[%dma_wait3A_232, %dma_wait3A_233] : memref<100000x16xf32, #tpu.memory_space<hbm>> -> memref<100000x16xf32, #tpu.memory_space<hbm>>
      tpu.wait_indirect_dma semaphore(%arg11 : memref<!tpu.dma_semaphore, #tpu.memory_space<semaphore_mem>>) src(%dma_wait3A_234 : memref<100000x16xf32, #tpu.memory_space<hbm>>) dst(%dma_wait3A_228 : memref<128x16xf32, #tpu.memory_space<vmem>>)
      %dma_wait3A_235 = arith.constant 8 : i32
      %dma_wait3A_236 = arith.constant 0 : i32
      %dma_wait3A_237 = arith.constant 1024 : i32
      %dma_wait3A_238 = arith.constant 0 : i32
      %dma_wait3A_239 = tpu.memref_slice %arg9[%dma_wait3A_237, %dma_wait3A_238] : memref<1408x16xf32, #tpu.memory_space<vmem>> -> memref<128x16xf32, #tpu.memory_space<vmem>>
      %dma_wait3A_240 = arith.constant 0 : i32
      %dma_wait3A_241 = tpu.memref_slice %arg7[%dma_wait3A_235, %dma_wait3A_236, %dma_wait3A_240] : memref<11x1x128xi32, #tpu.memory_space<vmem>> -> memref<1x1x128xi32, #tpu.memory_space<vmem>>
      %dma_wait3A_242 = tpu.memref_squeeze %dma_wait3A_241 : memref<1x1x128xi32, #tpu.memory_space<vmem>> -> memref<128xi32, #tpu.memory_space<vmem>>
      %dma_wait3A_243 = arith.constant 0 : i32
      %dma_wait3A_244 = arith.constant 0 : i32
      %dma_wait3A_245 = tpu.memref_slice %arg2[%dma_wait3A_243, %dma_wait3A_244] : memref<100000x16xf32, #tpu.memory_space<hbm>> -> memref<100000x16xf32, #tpu.memory_space<hbm>>
      tpu.wait_indirect_dma semaphore(%arg11 : memref<!tpu.dma_semaphore, #tpu.memory_space<semaphore_mem>>) src(%dma_wait3A_245 : memref<100000x16xf32, #tpu.memory_space<hbm>>) dst(%dma_wait3A_239 : memref<128x16xf32, #tpu.memory_space<vmem>>)
      %dma_wait3A_246 = arith.constant 9 : i32
      %dma_wait3A_247 = arith.constant 0 : i32
      %dma_wait3A_248 = arith.constant 1152 : i32
      %dma_wait3A_249 = arith.constant 0 : i32
      %dma_wait3A_250 = tpu.memref_slice %arg9[%dma_wait3A_248, %dma_wait3A_249] : memref<1408x16xf32, #tpu.memory_space<vmem>> -> memref<128x16xf32, #tpu.memory_space<vmem>>
      %dma_wait3A_251 = arith.constant 0 : i32
      %dma_wait3A_252 = tpu.memref_slice %arg7[%dma_wait3A_246, %dma_wait3A_247, %dma_wait3A_251] : memref<11x1x128xi32, #tpu.memory_space<vmem>> -> memref<1x1x128xi32, #tpu.memory_space<vmem>>
      %dma_wait3A_253 = tpu.memref_squeeze %dma_wait3A_252 : memref<1x1x128xi32, #tpu.memory_space<vmem>> -> memref<128xi32, #tpu.memory_space<vmem>>
      %dma_wait3A_254 = arith.constant 0 : i32
      %dma_wait3A_255 = arith.constant 0 : i32
      %dma_wait3A_256 = tpu.memref_slice %arg2[%dma_wait3A_254, %dma_wait3A_255] : memref<100000x16xf32, #tpu.memory_space<hbm>> -> memref<100000x16xf32, #tpu.memory_space<hbm>>
      tpu.wait_indirect_dma semaphore(%arg11 : memref<!tpu.dma_semaphore, #tpu.memory_space<semaphore_mem>>) src(%dma_wait3A_256 : memref<100000x16xf32, #tpu.memory_space<hbm>>) dst(%dma_wait3A_250 : memref<128x16xf32, #tpu.memory_space<vmem>>)
      %dma_wait3A_257 = arith.constant 10 : i32
      %dma_wait3A_258 = arith.constant 0 : i32
      %dma_wait3A_259 = arith.constant 1280 : i32
      %dma_wait3A_260 = arith.constant 0 : i32
      %dma_wait3A_261 = tpu.memref_slice %arg9[%dma_wait3A_259, %dma_wait3A_260] : memref<1408x16xf32, #tpu.memory_space<vmem>> -> memref<128x16xf32, #tpu.memory_space<vmem>>
      %dma_wait3A_262 = arith.constant 0 : i32
      %dma_wait3A_263 = tpu.memref_slice %arg7[%dma_wait3A_257, %dma_wait3A_258, %dma_wait3A_262] : memref<11x1x128xi32, #tpu.memory_space<vmem>> -> memref<1x1x128xi32, #tpu.memory_space<vmem>>
      %dma_wait3A_264 = tpu.memref_squeeze %dma_wait3A_263 : memref<1x1x128xi32, #tpu.memory_space<vmem>> -> memref<128xi32, #tpu.memory_space<vmem>>
      %dma_wait3A_265 = arith.constant 0 : i32
      %dma_wait3A_266 = arith.constant 0 : i32
      %dma_wait3A_267 = tpu.memref_slice %arg2[%dma_wait3A_265, %dma_wait3A_266] : memref<100000x16xf32, #tpu.memory_space<hbm>> -> memref<100000x16xf32, #tpu.memory_space<hbm>>
      tpu.wait_indirect_dma semaphore(%arg11 : memref<!tpu.dma_semaphore, #tpu.memory_space<semaphore_mem>>) src(%dma_wait3A_267 : memref<100000x16xf32, #tpu.memory_space<hbm>>) dst(%dma_wait3A_261 : memref<128x16xf32, #tpu.memory_space<vmem>>)
      %run_scoped3A = arith.constant 0 : i32
      %run_scoped3A_268 = arith.constant 0 : i32
      "tpu.region"() ({
        %run_scoped3A_289 = tpu.sem_alloc : memref<!tpu.dma_semaphore, #tpu.memory_space<semaphore_mem>>
        %dma_start3A_290 = arith.constant 0 : i32
        %dma_start3A_291 = arith.constant 0 : i32
        %dma_start3A_292 = tpu.memref_slice %arg9[%dma_start3A_290, %dma_start3A_291] : memref<1408x16xf32, #tpu.memory_space<vmem>> -> memref<128x16xf32, #tpu.memory_space<vmem>>
        %dma_start3A_293 = arith.constant 0 : i32
        %dma_start3A_294 = tpu.memref_slice %arg8[%run_scoped3A, %run_scoped3A_268, %dma_start3A_293] : memref<11x1x128xi32, #tpu.memory_space<vmem>> -> memref<1x1x128xi32, #tpu.memory_space<vmem>>
        %dma_start3A_295 = tpu.memref_squeeze %dma_start3A_294 : memref<1x1x128xi32, #tpu.memory_space<vmem>> -> memref<128xi32, #tpu.memory_space<vmem>>
        %dma_start3A_296 = arith.constant 0 : i32
        %dma_start3A_297 = arith.constant 0 : i32
        %dma_start3A_298 = tpu.memref_slice %arg10[%dma_start3A_296, %dma_start3A_297] : memref<100096x16xf32, #tpu.memory_space<vmem_shared>> -> memref<100096x16xf32, #tpu.memory_space<vmem_shared>>
        tpu.enqueue_indirect_dma source(%dma_start3A_292 : memref<128x16xf32, #tpu.memory_space<vmem>>) target(%dma_start3A_298 : memref<100096x16xf32, #tpu.memory_space<vmem_shared>>) offsets(%dma_start3A_295 : memref<128xi32, #tpu.memory_space<vmem>>) semaphore(%run_scoped3A_289 : memref<!tpu.dma_semaphore, #tpu.memory_space<semaphore_mem>>) {add = true}
        %dma_wait3A_299 = arith.constant 0 : i32
        %dma_wait3A_300 = arith.constant 0 : i32
        %dma_wait3A_301 = tpu.memref_slice %arg9[%dma_wait3A_299, %dma_wait3A_300] : memref<1408x16xf32, #tpu.memory_space<vmem>> -> memref<128x16xf32, #tpu.memory_space<vmem>>
        %dma_wait3A_302 = arith.constant 0 : i32
        %dma_wait3A_303 = tpu.memref_slice %arg8[%run_scoped3A, %run_scoped3A_268, %dma_wait3A_302] : memref<11x1x128xi32, #tpu.memory_space<vmem>> -> memref<1x1x128xi32, #tpu.memory_space<vmem>>
        %dma_wait3A_304 = tpu.memref_squeeze %dma_wait3A_303 : memref<1x1x128xi32, #tpu.memory_space<vmem>> -> memref<128xi32, #tpu.memory_space<vmem>>
        %dma_wait3A_305 = arith.constant 0 : i32
        %dma_wait3A_306 = arith.constant 0 : i32
        %dma_wait3A_307 = tpu.memref_slice %arg10[%dma_wait3A_305, %dma_wait3A_306] : memref<100096x16xf32, #tpu.memory_space<vmem_shared>> -> memref<100096x16xf32, #tpu.memory_space<vmem_shared>>
        tpu.wait_indirect_dma semaphore(%run_scoped3A_289 : memref<!tpu.dma_semaphore, #tpu.memory_space<semaphore_mem>>) src(%dma_wait3A_301 : memref<128x16xf32, #tpu.memory_space<vmem>>) dst(%dma_wait3A_307 : memref<100096x16xf32, #tpu.memory_space<vmem_shared>>)
        tpu.yield
      }) : () -> ()
      %run_scoped3A_269 = arith.constant 1 : i32
      %run_scoped3A_270 = arith.constant 0 : i32
      "tpu.region"() ({
        %run_scoped3A_289 = tpu.sem_alloc : memref<!tpu.dma_semaphore, #tpu.memory_space<semaphore_mem>>
        %dma_start3A_290 = arith.constant 128 : i32
        %dma_start3A_291 = arith.constant 0 : i32
        %dma_start3A_292 = tpu.memref_slice %arg9[%dma_start3A_290, %dma_start3A_291] : memref<1408x16xf32, #tpu.memory_space<vmem>> -> memref<128x16xf32, #tpu.memory_space<vmem>>
        %dma_start3A_293 = arith.constant 0 : i32
        %dma_start3A_294 = tpu.memref_slice %arg8[%run_scoped3A_269, %run_scoped3A_270, %dma_start3A_293] : memref<11x1x128xi32, #tpu.memory_space<vmem>> -> memref<1x1x128xi32, #tpu.memory_space<vmem>>
        %dma_start3A_295 = tpu.memref_squeeze %dma_start3A_294 : memref<1x1x128xi32, #tpu.memory_space<vmem>> -> memref<128xi32, #tpu.memory_space<vmem>>
        %dma_start3A_296 = arith.constant 0 : i32
        %dma_start3A_297 = arith.constant 0 : i32
        %dma_start3A_298 = tpu.memref_slice %arg10[%dma_start3A_296, %dma_start3A_297] : memref<100096x16xf32, #tpu.memory_space<vmem_shared>> -> memref<100096x16xf32, #tpu.memory_space<vmem_shared>>
        tpu.enqueue_indirect_dma source(%dma_start3A_292 : memref<128x16xf32, #tpu.memory_space<vmem>>) target(%dma_start3A_298 : memref<100096x16xf32, #tpu.memory_space<vmem_shared>>) offsets(%dma_start3A_295 : memref<128xi32, #tpu.memory_space<vmem>>) semaphore(%run_scoped3A_289 : memref<!tpu.dma_semaphore, #tpu.memory_space<semaphore_mem>>) {add = true}
        %dma_wait3A_299 = arith.constant 128 : i32
        %dma_wait3A_300 = arith.constant 0 : i32
        %dma_wait3A_301 = tpu.memref_slice %arg9[%dma_wait3A_299, %dma_wait3A_300] : memref<1408x16xf32, #tpu.memory_space<vmem>> -> memref<128x16xf32, #tpu.memory_space<vmem>>
        %dma_wait3A_302 = arith.constant 0 : i32
        %dma_wait3A_303 = tpu.memref_slice %arg8[%run_scoped3A_269, %run_scoped3A_270, %dma_wait3A_302] : memref<11x1x128xi32, #tpu.memory_space<vmem>> -> memref<1x1x128xi32, #tpu.memory_space<vmem>>
        %dma_wait3A_304 = tpu.memref_squeeze %dma_wait3A_303 : memref<1x1x128xi32, #tpu.memory_space<vmem>> -> memref<128xi32, #tpu.memory_space<vmem>>
        %dma_wait3A_305 = arith.constant 0 : i32
        %dma_wait3A_306 = arith.constant 0 : i32
        %dma_wait3A_307 = tpu.memref_slice %arg10[%dma_wait3A_305, %dma_wait3A_306] : memref<100096x16xf32, #tpu.memory_space<vmem_shared>> -> memref<100096x16xf32, #tpu.memory_space<vmem_shared>>
        tpu.wait_indirect_dma semaphore(%run_scoped3A_289 : memref<!tpu.dma_semaphore, #tpu.memory_space<semaphore_mem>>) src(%dma_wait3A_301 : memref<128x16xf32, #tpu.memory_space<vmem>>) dst(%dma_wait3A_307 : memref<100096x16xf32, #tpu.memory_space<vmem_shared>>)
        tpu.yield
      }) : () -> ()
      %run_scoped3A_271 = arith.constant 2 : i32
      %run_scoped3A_272 = arith.constant 0 : i32
      "tpu.region"() ({
        %run_scoped3A_289 = tpu.sem_alloc : memref<!tpu.dma_semaphore, #tpu.memory_space<semaphore_mem>>
        %dma_start3A_290 = arith.constant 256 : i32
        %dma_start3A_291 = arith.constant 0 : i32
        %dma_start3A_292 = tpu.memref_slice %arg9[%dma_start3A_290, %dma_start3A_291] : memref<1408x16xf32, #tpu.memory_space<vmem>> -> memref<128x16xf32, #tpu.memory_space<vmem>>
        %dma_start3A_293 = arith.constant 0 : i32
        %dma_start3A_294 = tpu.memref_slice %arg8[%run_scoped3A_271, %run_scoped3A_272, %dma_start3A_293] : memref<11x1x128xi32, #tpu.memory_space<vmem>> -> memref<1x1x128xi32, #tpu.memory_space<vmem>>
        %dma_start3A_295 = tpu.memref_squeeze %dma_start3A_294 : memref<1x1x128xi32, #tpu.memory_space<vmem>> -> memref<128xi32, #tpu.memory_space<vmem>>
        %dma_start3A_296 = arith.constant 0 : i32
        %dma_start3A_297 = arith.constant 0 : i32
        %dma_start3A_298 = tpu.memref_slice %arg10[%dma_start3A_296, %dma_start3A_297] : memref<100096x16xf32, #tpu.memory_space<vmem_shared>> -> memref<100096x16xf32, #tpu.memory_space<vmem_shared>>
        tpu.enqueue_indirect_dma source(%dma_start3A_292 : memref<128x16xf32, #tpu.memory_space<vmem>>) target(%dma_start3A_298 : memref<100096x16xf32, #tpu.memory_space<vmem_shared>>) offsets(%dma_start3A_295 : memref<128xi32, #tpu.memory_space<vmem>>) semaphore(%run_scoped3A_289 : memref<!tpu.dma_semaphore, #tpu.memory_space<semaphore_mem>>) {add = true}
        %dma_wait3A_299 = arith.constant 256 : i32
        %dma_wait3A_300 = arith.constant 0 : i32
        %dma_wait3A_301 = tpu.memref_slice %arg9[%dma_wait3A_299, %dma_wait3A_300] : memref<1408x16xf32, #tpu.memory_space<vmem>> -> memref<128x16xf32, #tpu.memory_space<vmem>>
        %dma_wait3A_302 = arith.constant 0 : i32
        %dma_wait3A_303 = tpu.memref_slice %arg8[%run_scoped3A_271, %run_scoped3A_272, %dma_wait3A_302] : memref<11x1x128xi32, #tpu.memory_space<vmem>> -> memref<1x1x128xi32, #tpu.memory_space<vmem>>
        %dma_wait3A_304 = tpu.memref_squeeze %dma_wait3A_303 : memref<1x1x128xi32, #tpu.memory_space<vmem>> -> memref<128xi32, #tpu.memory_space<vmem>>
        %dma_wait3A_305 = arith.constant 0 : i32
        %dma_wait3A_306 = arith.constant 0 : i32
        %dma_wait3A_307 = tpu.memref_slice %arg10[%dma_wait3A_305, %dma_wait3A_306] : memref<100096x16xf32, #tpu.memory_space<vmem_shared>> -> memref<100096x16xf32, #tpu.memory_space<vmem_shared>>
        tpu.wait_indirect_dma semaphore(%run_scoped3A_289 : memref<!tpu.dma_semaphore, #tpu.memory_space<semaphore_mem>>) src(%dma_wait3A_301 : memref<128x16xf32, #tpu.memory_space<vmem>>) dst(%dma_wait3A_307 : memref<100096x16xf32, #tpu.memory_space<vmem_shared>>)
        tpu.yield
      }) : () -> ()
      %run_scoped3A_273 = arith.constant 3 : i32
      %run_scoped3A_274 = arith.constant 0 : i32
      "tpu.region"() ({
        %run_scoped3A_289 = tpu.sem_alloc : memref<!tpu.dma_semaphore, #tpu.memory_space<semaphore_mem>>
        %dma_start3A_290 = arith.constant 384 : i32
        %dma_start3A_291 = arith.constant 0 : i32
        %dma_start3A_292 = tpu.memref_slice %arg9[%dma_start3A_290, %dma_start3A_291] : memref<1408x16xf32, #tpu.memory_space<vmem>> -> memref<128x16xf32, #tpu.memory_space<vmem>>
        %dma_start3A_293 = arith.constant 0 : i32
        %dma_start3A_294 = tpu.memref_slice %arg8[%run_scoped3A_273, %run_scoped3A_274, %dma_start3A_293] : memref<11x1x128xi32, #tpu.memory_space<vmem>> -> memref<1x1x128xi32, #tpu.memory_space<vmem>>
        %dma_start3A_295 = tpu.memref_squeeze %dma_start3A_294 : memref<1x1x128xi32, #tpu.memory_space<vmem>> -> memref<128xi32, #tpu.memory_space<vmem>>
        %dma_start3A_296 = arith.constant 0 : i32
        %dma_start3A_297 = arith.constant 0 : i32
        %dma_start3A_298 = tpu.memref_slice %arg10[%dma_start3A_296, %dma_start3A_297] : memref<100096x16xf32, #tpu.memory_space<vmem_shared>> -> memref<100096x16xf32, #tpu.memory_space<vmem_shared>>
        tpu.enqueue_indirect_dma source(%dma_start3A_292 : memref<128x16xf32, #tpu.memory_space<vmem>>) target(%dma_start3A_298 : memref<100096x16xf32, #tpu.memory_space<vmem_shared>>) offsets(%dma_start3A_295 : memref<128xi32, #tpu.memory_space<vmem>>) semaphore(%run_scoped3A_289 : memref<!tpu.dma_semaphore, #tpu.memory_space<semaphore_mem>>) {add = true}
        %dma_wait3A_299 = arith.constant 384 : i32
        %dma_wait3A_300 = arith.constant 0 : i32
        %dma_wait3A_301 = tpu.memref_slice %arg9[%dma_wait3A_299, %dma_wait3A_300] : memref<1408x16xf32, #tpu.memory_space<vmem>> -> memref<128x16xf32, #tpu.memory_space<vmem>>
        %dma_wait3A_302 = arith.constant 0 : i32
        %dma_wait3A_303 = tpu.memref_slice %arg8[%run_scoped3A_273, %run_scoped3A_274, %dma_wait3A_302] : memref<11x1x128xi32, #tpu.memory_space<vmem>> -> memref<1x1x128xi32, #tpu.memory_space<vmem>>
        %dma_wait3A_304 = tpu.memref_squeeze %dma_wait3A_303 : memref<1x1x128xi32, #tpu.memory_space<vmem>> -> memref<128xi32, #tpu.memory_space<vmem>>
        %dma_wait3A_305 = arith.constant 0 : i32
        %dma_wait3A_306 = arith.constant 0 : i32
        %dma_wait3A_307 = tpu.memref_slice %arg10[%dma_wait3A_305, %dma_wait3A_306] : memref<100096x16xf32, #tpu.memory_space<vmem_shared>> -> memref<100096x16xf32, #tpu.memory_space<vmem_shared>>
        tpu.wait_indirect_dma semaphore(%run_scoped3A_289 : memref<!tpu.dma_semaphore, #tpu.memory_space<semaphore_mem>>) src(%dma_wait3A_301 : memref<128x16xf32, #tpu.memory_space<vmem>>) dst(%dma_wait3A_307 : memref<100096x16xf32, #tpu.memory_space<vmem_shared>>)
        tpu.yield
      }) : () -> ()
      %run_scoped3A_275 = arith.constant 4 : i32
      %run_scoped3A_276 = arith.constant 0 : i32
      "tpu.region"() ({
        %run_scoped3A_289 = tpu.sem_alloc : memref<!tpu.dma_semaphore, #tpu.memory_space<semaphore_mem>>
        %dma_start3A_290 = arith.constant 512 : i32
        %dma_start3A_291 = arith.constant 0 : i32
        %dma_start3A_292 = tpu.memref_slice %arg9[%dma_start3A_290, %dma_start3A_291] : memref<1408x16xf32, #tpu.memory_space<vmem>> -> memref<128x16xf32, #tpu.memory_space<vmem>>
        %dma_start3A_293 = arith.constant 0 : i32
        %dma_start3A_294 = tpu.memref_slice %arg8[%run_scoped3A_275, %run_scoped3A_276, %dma_start3A_293] : memref<11x1x128xi32, #tpu.memory_space<vmem>> -> memref<1x1x128xi32, #tpu.memory_space<vmem>>
        %dma_start3A_295 = tpu.memref_squeeze %dma_start3A_294 : memref<1x1x128xi32, #tpu.memory_space<vmem>> -> memref<128xi32, #tpu.memory_space<vmem>>
        %dma_start3A_296 = arith.constant 0 : i32
        %dma_start3A_297 = arith.constant 0 : i32
        %dma_start3A_298 = tpu.memref_slice %arg10[%dma_start3A_296, %dma_start3A_297] : memref<100096x16xf32, #tpu.memory_space<vmem_shared>> -> memref<100096x16xf32, #tpu.memory_space<vmem_shared>>
        tpu.enqueue_indirect_dma source(%dma_start3A_292 : memref<128x16xf32, #tpu.memory_space<vmem>>) target(%dma_start3A_298 : memref<100096x16xf32, #tpu.memory_space<vmem_shared>>) offsets(%dma_start3A_295 : memref<128xi32, #tpu.memory_space<vmem>>) semaphore(%run_scoped3A_289 : memref<!tpu.dma_semaphore, #tpu.memory_space<semaphore_mem>>) {add = true}
        %dma_wait3A_299 = arith.constant 512 : i32
        %dma_wait3A_300 = arith.constant 0 : i32
        %dma_wait3A_301 = tpu.memref_slice %arg9[%dma_wait3A_299, %dma_wait3A_300] : memref<1408x16xf32, #tpu.memory_space<vmem>> -> memref<128x16xf32, #tpu.memory_space<vmem>>
        %dma_wait3A_302 = arith.constant 0 : i32
        %dma_wait3A_303 = tpu.memref_slice %arg8[%run_scoped3A_275, %run_scoped3A_276, %dma_wait3A_302] : memref<11x1x128xi32, #tpu.memory_space<vmem>> -> memref<1x1x128xi32, #tpu.memory_space<vmem>>
        %dma_wait3A_304 = tpu.memref_squeeze %dma_wait3A_303 : memref<1x1x128xi32, #tpu.memory_space<vmem>> -> memref<128xi32, #tpu.memory_space<vmem>>
        %dma_wait3A_305 = arith.constant 0 : i32
        %dma_wait3A_306 = arith.constant 0 : i32
        %dma_wait3A_307 = tpu.memref_slice %arg10[%dma_wait3A_305, %dma_wait3A_306] : memref<100096x16xf32, #tpu.memory_space<vmem_shared>> -> memref<100096x16xf32, #tpu.memory_space<vmem_shared>>
        tpu.wait_indirect_dma semaphore(%run_scoped3A_289 : memref<!tpu.dma_semaphore, #tpu.memory_space<semaphore_mem>>) src(%dma_wait3A_301 : memref<128x16xf32, #tpu.memory_space<vmem>>) dst(%dma_wait3A_307 : memref<100096x16xf32, #tpu.memory_space<vmem_shared>>)
        tpu.yield
      }) : () -> ()
      %run_scoped3A_277 = arith.constant 5 : i32
      %run_scoped3A_278 = arith.constant 0 : i32
      "tpu.region"() ({
        %run_scoped3A_289 = tpu.sem_alloc : memref<!tpu.dma_semaphore, #tpu.memory_space<semaphore_mem>>
        %dma_start3A_290 = arith.constant 640 : i32
        %dma_start3A_291 = arith.constant 0 : i32
        %dma_start3A_292 = tpu.memref_slice %arg9[%dma_start3A_290, %dma_start3A_291] : memref<1408x16xf32, #tpu.memory_space<vmem>> -> memref<128x16xf32, #tpu.memory_space<vmem>>
        %dma_start3A_293 = arith.constant 0 : i32
        %dma_start3A_294 = tpu.memref_slice %arg8[%run_scoped3A_277, %run_scoped3A_278, %dma_start3A_293] : memref<11x1x128xi32, #tpu.memory_space<vmem>> -> memref<1x1x128xi32, #tpu.memory_space<vmem>>
        %dma_start3A_295 = tpu.memref_squeeze %dma_start3A_294 : memref<1x1x128xi32, #tpu.memory_space<vmem>> -> memref<128xi32, #tpu.memory_space<vmem>>
        %dma_start3A_296 = arith.constant 0 : i32
        %dma_start3A_297 = arith.constant 0 : i32
        %dma_start3A_298 = tpu.memref_slice %arg10[%dma_start3A_296, %dma_start3A_297] : memref<100096x16xf32, #tpu.memory_space<vmem_shared>> -> memref<100096x16xf32, #tpu.memory_space<vmem_shared>>
        tpu.enqueue_indirect_dma source(%dma_start3A_292 : memref<128x16xf32, #tpu.memory_space<vmem>>) target(%dma_start3A_298 : memref<100096x16xf32, #tpu.memory_space<vmem_shared>>) offsets(%dma_start3A_295 : memref<128xi32, #tpu.memory_space<vmem>>) semaphore(%run_scoped3A_289 : memref<!tpu.dma_semaphore, #tpu.memory_space<semaphore_mem>>) {add = true}
        %dma_wait3A_299 = arith.constant 640 : i32
        %dma_wait3A_300 = arith.constant 0 : i32
        %dma_wait3A_301 = tpu.memref_slice %arg9[%dma_wait3A_299, %dma_wait3A_300] : memref<1408x16xf32, #tpu.memory_space<vmem>> -> memref<128x16xf32, #tpu.memory_space<vmem>>
        %dma_wait3A_302 = arith.constant 0 : i32
        %dma_wait3A_303 = tpu.memref_slice %arg8[%run_scoped3A_277, %run_scoped3A_278, %dma_wait3A_302] : memref<11x1x128xi32, #tpu.memory_space<vmem>> -> memref<1x1x128xi32, #tpu.memory_space<vmem>>
        %dma_wait3A_304 = tpu.memref_squeeze %dma_wait3A_303 : memref<1x1x128xi32, #tpu.memory_space<vmem>> -> memref<128xi32, #tpu.memory_space<vmem>>
        %dma_wait3A_305 = arith.constant 0 : i32
        %dma_wait3A_306 = arith.constant 0 : i32
        %dma_wait3A_307 = tpu.memref_slice %arg10[%dma_wait3A_305, %dma_wait3A_306] : memref<100096x16xf32, #tpu.memory_space<vmem_shared>> -> memref<100096x16xf32, #tpu.memory_space<vmem_shared>>
        tpu.wait_indirect_dma semaphore(%run_scoped3A_289 : memref<!tpu.dma_semaphore, #tpu.memory_space<semaphore_mem>>) src(%dma_wait3A_301 : memref<128x16xf32, #tpu.memory_space<vmem>>) dst(%dma_wait3A_307 : memref<100096x16xf32, #tpu.memory_space<vmem_shared>>)
        tpu.yield
      }) : () -> ()
      %run_scoped3A_279 = arith.constant 6 : i32
      %run_scoped3A_280 = arith.constant 0 : i32
      "tpu.region"() ({
        %run_scoped3A_289 = tpu.sem_alloc : memref<!tpu.dma_semaphore, #tpu.memory_space<semaphore_mem>>
        %dma_start3A_290 = arith.constant 768 : i32
        %dma_start3A_291 = arith.constant 0 : i32
        %dma_start3A_292 = tpu.memref_slice %arg9[%dma_start3A_290, %dma_start3A_291] : memref<1408x16xf32, #tpu.memory_space<vmem>> -> memref<128x16xf32, #tpu.memory_space<vmem>>
        %dma_start3A_293 = arith.constant 0 : i32
        %dma_start3A_294 = tpu.memref_slice %arg8[%run_scoped3A_279, %run_scoped3A_280, %dma_start3A_293] : memref<11x1x128xi32, #tpu.memory_space<vmem>> -> memref<1x1x128xi32, #tpu.memory_space<vmem>>
        %dma_start3A_295 = tpu.memref_squeeze %dma_start3A_294 : memref<1x1x128xi32, #tpu.memory_space<vmem>> -> memref<128xi32, #tpu.memory_space<vmem>>
        %dma_start3A_296 = arith.constant 0 : i32
        %dma_start3A_297 = arith.constant 0 : i32
        %dma_start3A_298 = tpu.memref_slice %arg10[%dma_start3A_296, %dma_start3A_297] : memref<100096x16xf32, #tpu.memory_space<vmem_shared>> -> memref<100096x16xf32, #tpu.memory_space<vmem_shared>>
        tpu.enqueue_indirect_dma source(%dma_start3A_292 : memref<128x16xf32, #tpu.memory_space<vmem>>) target(%dma_start3A_298 : memref<100096x16xf32, #tpu.memory_space<vmem_shared>>) offsets(%dma_start3A_295 : memref<128xi32, #tpu.memory_space<vmem>>) semaphore(%run_scoped3A_289 : memref<!tpu.dma_semaphore, #tpu.memory_space<semaphore_mem>>) {add = true}
        %dma_wait3A_299 = arith.constant 768 : i32
        %dma_wait3A_300 = arith.constant 0 : i32
        %dma_wait3A_301 = tpu.memref_slice %arg9[%dma_wait3A_299, %dma_wait3A_300] : memref<1408x16xf32, #tpu.memory_space<vmem>> -> memref<128x16xf32, #tpu.memory_space<vmem>>
        %dma_wait3A_302 = arith.constant 0 : i32
        %dma_wait3A_303 = tpu.memref_slice %arg8[%run_scoped3A_279, %run_scoped3A_280, %dma_wait3A_302] : memref<11x1x128xi32, #tpu.memory_space<vmem>> -> memref<1x1x128xi32, #tpu.memory_space<vmem>>
        %dma_wait3A_304 = tpu.memref_squeeze %dma_wait3A_303 : memref<1x1x128xi32, #tpu.memory_space<vmem>> -> memref<128xi32, #tpu.memory_space<vmem>>
        %dma_wait3A_305 = arith.constant 0 : i32
        %dma_wait3A_306 = arith.constant 0 : i32
        %dma_wait3A_307 = tpu.memref_slice %arg10[%dma_wait3A_305, %dma_wait3A_306] : memref<100096x16xf32, #tpu.memory_space<vmem_shared>> -> memref<100096x16xf32, #tpu.memory_space<vmem_shared>>
        tpu.wait_indirect_dma semaphore(%run_scoped3A_289 : memref<!tpu.dma_semaphore, #tpu.memory_space<semaphore_mem>>) src(%dma_wait3A_301 : memref<128x16xf32, #tpu.memory_space<vmem>>) dst(%dma_wait3A_307 : memref<100096x16xf32, #tpu.memory_space<vmem_shared>>)
        tpu.yield
      }) : () -> ()
      %run_scoped3A_281 = arith.constant 7 : i32
      %run_scoped3A_282 = arith.constant 0 : i32
      "tpu.region"() ({
        %run_scoped3A_289 = tpu.sem_alloc : memref<!tpu.dma_semaphore, #tpu.memory_space<semaphore_mem>>
        %dma_start3A_290 = arith.constant 896 : i32
        %dma_start3A_291 = arith.constant 0 : i32
        %dma_start3A_292 = tpu.memref_slice %arg9[%dma_start3A_290, %dma_start3A_291] : memref<1408x16xf32, #tpu.memory_space<vmem>> -> memref<128x16xf32, #tpu.memory_space<vmem>>
        %dma_start3A_293 = arith.constant 0 : i32
        %dma_start3A_294 = tpu.memref_slice %arg8[%run_scoped3A_281, %run_scoped3A_282, %dma_start3A_293] : memref<11x1x128xi32, #tpu.memory_space<vmem>> -> memref<1x1x128xi32, #tpu.memory_space<vmem>>
        %dma_start3A_295 = tpu.memref_squeeze %dma_start3A_294 : memref<1x1x128xi32, #tpu.memory_space<vmem>> -> memref<128xi32, #tpu.memory_space<vmem>>
        %dma_start3A_296 = arith.constant 0 : i32
        %dma_start3A_297 = arith.constant 0 : i32
        %dma_start3A_298 = tpu.memref_slice %arg10[%dma_start3A_296, %dma_start3A_297] : memref<100096x16xf32, #tpu.memory_space<vmem_shared>> -> memref<100096x16xf32, #tpu.memory_space<vmem_shared>>
        tpu.enqueue_indirect_dma source(%dma_start3A_292 : memref<128x16xf32, #tpu.memory_space<vmem>>) target(%dma_start3A_298 : memref<100096x16xf32, #tpu.memory_space<vmem_shared>>) offsets(%dma_start3A_295 : memref<128xi32, #tpu.memory_space<vmem>>) semaphore(%run_scoped3A_289 : memref<!tpu.dma_semaphore, #tpu.memory_space<semaphore_mem>>) {add = true}
        %dma_wait3A_299 = arith.constant 896 : i32
        %dma_wait3A_300 = arith.constant 0 : i32
        %dma_wait3A_301 = tpu.memref_slice %arg9[%dma_wait3A_299, %dma_wait3A_300] : memref<1408x16xf32, #tpu.memory_space<vmem>> -> memref<128x16xf32, #tpu.memory_space<vmem>>
        %dma_wait3A_302 = arith.constant 0 : i32
        %dma_wait3A_303 = tpu.memref_slice %arg8[%run_scoped3A_281, %run_scoped3A_282, %dma_wait3A_302] : memref<11x1x128xi32, #tpu.memory_space<vmem>> -> memref<1x1x128xi32, #tpu.memory_space<vmem>>
        %dma_wait3A_304 = tpu.memref_squeeze %dma_wait3A_303 : memref<1x1x128xi32, #tpu.memory_space<vmem>> -> memref<128xi32, #tpu.memory_space<vmem>>
        %dma_wait3A_305 = arith.constant 0 : i32
        %dma_wait3A_306 = arith.constant 0 : i32
        %dma_wait3A_307 = tpu.memref_slice %arg10[%dma_wait3A_305, %dma_wait3A_306] : memref<100096x16xf32, #tpu.memory_space<vmem_shared>> -> memref<100096x16xf32, #tpu.memory_space<vmem_shared>>
        tpu.wait_indirect_dma semaphore(%run_scoped3A_289 : memref<!tpu.dma_semaphore, #tpu.memory_space<semaphore_mem>>) src(%dma_wait3A_301 : memref<128x16xf32, #tpu.memory_space<vmem>>) dst(%dma_wait3A_307 : memref<100096x16xf32, #tpu.memory_space<vmem_shared>>)
        tpu.yield
      }) : () -> ()
      %run_scoped3A_283 = arith.constant 8 : i32
      %run_scoped3A_284 = arith.constant 0 : i32
      "tpu.region"() ({
        %run_scoped3A_289 = tpu.sem_alloc : memref<!tpu.dma_semaphore, #tpu.memory_space<semaphore_mem>>
        %dma_start3A_290 = arith.constant 1024 : i32
        %dma_start3A_291 = arith.constant 0 : i32
        %dma_start3A_292 = tpu.memref_slice %arg9[%dma_start3A_290, %dma_start3A_291] : memref<1408x16xf32, #tpu.memory_space<vmem>> -> memref<128x16xf32, #tpu.memory_space<vmem>>
        %dma_start3A_293 = arith.constant 0 : i32
        %dma_start3A_294 = tpu.memref_slice %arg8[%run_scoped3A_283, %run_scoped3A_284, %dma_start3A_293] : memref<11x1x128xi32, #tpu.memory_space<vmem>> -> memref<1x1x128xi32, #tpu.memory_space<vmem>>
        %dma_start3A_295 = tpu.memref_squeeze %dma_start3A_294 : memref<1x1x128xi32, #tpu.memory_space<vmem>> -> memref<128xi32, #tpu.memory_space<vmem>>
        %dma_start3A_296 = arith.constant 0 : i32
        %dma_start3A_297 = arith.constant 0 : i32
        %dma_start3A_298 = tpu.memref_slice %arg10[%dma_start3A_296, %dma_start3A_297] : memref<100096x16xf32, #tpu.memory_space<vmem_shared>> -> memref<100096x16xf32, #tpu.memory_space<vmem_shared>>
        tpu.enqueue_indirect_dma source(%dma_start3A_292 : memref<128x16xf32, #tpu.memory_space<vmem>>) target(%dma_start3A_298 : memref<100096x16xf32, #tpu.memory_space<vmem_shared>>) offsets(%dma_start3A_295 : memref<128xi32, #tpu.memory_space<vmem>>) semaphore(%run_scoped3A_289 : memref<!tpu.dma_semaphore, #tpu.memory_space<semaphore_mem>>) {add = true}
        %dma_wait3A_299 = arith.constant 1024 : i32
        %dma_wait3A_300 = arith.constant 0 : i32
        %dma_wait3A_301 = tpu.memref_slice %arg9[%dma_wait3A_299, %dma_wait3A_300] : memref<1408x16xf32, #tpu.memory_space<vmem>> -> memref<128x16xf32, #tpu.memory_space<vmem>>
        %dma_wait3A_302 = arith.constant 0 : i32
        %dma_wait3A_303 = tpu.memref_slice %arg8[%run_scoped3A_283, %run_scoped3A_284, %dma_wait3A_302] : memref<11x1x128xi32, #tpu.memory_space<vmem>> -> memref<1x1x128xi32, #tpu.memory_space<vmem>>
        %dma_wait3A_304 = tpu.memref_squeeze %dma_wait3A_303 : memref<1x1x128xi32, #tpu.memory_space<vmem>> -> memref<128xi32, #tpu.memory_space<vmem>>
        %dma_wait3A_305 = arith.constant 0 : i32
        %dma_wait3A_306 = arith.constant 0 : i32
        %dma_wait3A_307 = tpu.memref_slice %arg10[%dma_wait3A_305, %dma_wait3A_306] : memref<100096x16xf32, #tpu.memory_space<vmem_shared>> -> memref<100096x16xf32, #tpu.memory_space<vmem_shared>>
        tpu.wait_indirect_dma semaphore(%run_scoped3A_289 : memref<!tpu.dma_semaphore, #tpu.memory_space<semaphore_mem>>) src(%dma_wait3A_301 : memref<128x16xf32, #tpu.memory_space<vmem>>) dst(%dma_wait3A_307 : memref<100096x16xf32, #tpu.memory_space<vmem_shared>>)
        tpu.yield
      }) : () -> ()
      %run_scoped3A_285 = arith.constant 9 : i32
      %run_scoped3A_286 = arith.constant 0 : i32
      "tpu.region"() ({
        %run_scoped3A_289 = tpu.sem_alloc : memref<!tpu.dma_semaphore, #tpu.memory_space<semaphore_mem>>
        %dma_start3A_290 = arith.constant 1152 : i32
        %dma_start3A_291 = arith.constant 0 : i32
        %dma_start3A_292 = tpu.memref_slice %arg9[%dma_start3A_290, %dma_start3A_291] : memref<1408x16xf32, #tpu.memory_space<vmem>> -> memref<128x16xf32, #tpu.memory_space<vmem>>
        %dma_start3A_293 = arith.constant 0 : i32
        %dma_start3A_294 = tpu.memref_slice %arg8[%run_scoped3A_285, %run_scoped3A_286, %dma_start3A_293] : memref<11x1x128xi32, #tpu.memory_space<vmem>> -> memref<1x1x128xi32, #tpu.memory_space<vmem>>
        %dma_start3A_295 = tpu.memref_squeeze %dma_start3A_294 : memref<1x1x128xi32, #tpu.memory_space<vmem>> -> memref<128xi32, #tpu.memory_space<vmem>>
        %dma_start3A_296 = arith.constant 0 : i32
        %dma_start3A_297 = arith.constant 0 : i32
        %dma_start3A_298 = tpu.memref_slice %arg10[%dma_start3A_296, %dma_start3A_297] : memref<100096x16xf32, #tpu.memory_space<vmem_shared>> -> memref<100096x16xf32, #tpu.memory_space<vmem_shared>>
        tpu.enqueue_indirect_dma source(%dma_start3A_292 : memref<128x16xf32, #tpu.memory_space<vmem>>) target(%dma_start3A_298 : memref<100096x16xf32, #tpu.memory_space<vmem_shared>>) offsets(%dma_start3A_295 : memref<128xi32, #tpu.memory_space<vmem>>) semaphore(%run_scoped3A_289 : memref<!tpu.dma_semaphore, #tpu.memory_space<semaphore_mem>>) {add = true}
        %dma_wait3A_299 = arith.constant 1152 : i32
        %dma_wait3A_300 = arith.constant 0 : i32
        %dma_wait3A_301 = tpu.memref_slice %arg9[%dma_wait3A_299, %dma_wait3A_300] : memref<1408x16xf32, #tpu.memory_space<vmem>> -> memref<128x16xf32, #tpu.memory_space<vmem>>
        %dma_wait3A_302 = arith.constant 0 : i32
        %dma_wait3A_303 = tpu.memref_slice %arg8[%run_scoped3A_285, %run_scoped3A_286, %dma_wait3A_302] : memref<11x1x128xi32, #tpu.memory_space<vmem>> -> memref<1x1x128xi32, #tpu.memory_space<vmem>>
        %dma_wait3A_304 = tpu.memref_squeeze %dma_wait3A_303 : memref<1x1x128xi32, #tpu.memory_space<vmem>> -> memref<128xi32, #tpu.memory_space<vmem>>
        %dma_wait3A_305 = arith.constant 0 : i32
        %dma_wait3A_306 = arith.constant 0 : i32
        %dma_wait3A_307 = tpu.memref_slice %arg10[%dma_wait3A_305, %dma_wait3A_306] : memref<100096x16xf32, #tpu.memory_space<vmem_shared>> -> memref<100096x16xf32, #tpu.memory_space<vmem_shared>>
        tpu.wait_indirect_dma semaphore(%run_scoped3A_289 : memref<!tpu.dma_semaphore, #tpu.memory_space<semaphore_mem>>) src(%dma_wait3A_301 : memref<128x16xf32, #tpu.memory_space<vmem>>) dst(%dma_wait3A_307 : memref<100096x16xf32, #tpu.memory_space<vmem_shared>>)
        tpu.yield
      }) : () -> ()
      %run_scoped3A_287 = arith.constant 10 : i32
      %run_scoped3A_288 = arith.constant 0 : i32
      "tpu.region"() ({
        %run_scoped3A_289 = tpu.sem_alloc : memref<!tpu.dma_semaphore, #tpu.memory_space<semaphore_mem>>
        %dma_start3A_290 = arith.constant 1280 : i32
        %dma_start3A_291 = arith.constant 0 : i32
        %dma_start3A_292 = tpu.memref_slice %arg9[%dma_start3A_290, %dma_start3A_291] : memref<1408x16xf32, #tpu.memory_space<vmem>> -> memref<128x16xf32, #tpu.memory_space<vmem>>
        %dma_start3A_293 = arith.constant 0 : i32
        %dma_start3A_294 = tpu.memref_slice %arg8[%run_scoped3A_287, %run_scoped3A_288, %dma_start3A_293] : memref<11x1x128xi32, #tpu.memory_space<vmem>> -> memref<1x1x128xi32, #tpu.memory_space<vmem>>
        %dma_start3A_295 = tpu.memref_squeeze %dma_start3A_294 : memref<1x1x128xi32, #tpu.memory_space<vmem>> -> memref<128xi32, #tpu.memory_space<vmem>>
        %dma_start3A_296 = arith.constant 0 : i32
        %dma_start3A_297 = arith.constant 0 : i32
        %dma_start3A_298 = tpu.memref_slice %arg10[%dma_start3A_296, %dma_start3A_297] : memref<100096x16xf32, #tpu.memory_space<vmem_shared>> -> memref<100096x16xf32, #tpu.memory_space<vmem_shared>>
        tpu.enqueue_indirect_dma source(%dma_start3A_292 : memref<128x16xf32, #tpu.memory_space<vmem>>) target(%dma_start3A_298 : memref<100096x16xf32, #tpu.memory_space<vmem_shared>>) offsets(%dma_start3A_295 : memref<128xi32, #tpu.memory_space<vmem>>) semaphore(%run_scoped3A_289 : memref<!tpu.dma_semaphore, #tpu.memory_space<semaphore_mem>>) {add = true}
        %dma_wait3A_299 = arith.constant 1280 : i32
        %dma_wait3A_300 = arith.constant 0 : i32
        %dma_wait3A_301 = tpu.memref_slice %arg9[%dma_wait3A_299, %dma_wait3A_300] : memref<1408x16xf32, #tpu.memory_space<vmem>> -> memref<128x16xf32, #tpu.memory_space<vmem>>
        %dma_wait3A_302 = arith.constant 0 : i32
        %dma_wait3A_303 = tpu.memref_slice %arg8[%run_scoped3A_287, %run_scoped3A_288, %dma_wait3A_302] : memref<11x1x128xi32, #tpu.memory_space<vmem>> -> memref<1x1x128xi32, #tpu.memory_space<vmem>>
        %dma_wait3A_304 = tpu.memref_squeeze %dma_wait3A_303 : memref<1x1x128xi32, #tpu.memory_space<vmem>> -> memref<128xi32, #tpu.memory_space<vmem>>
        %dma_wait3A_305 = arith.constant 0 : i32
        %dma_wait3A_306 = arith.constant 0 : i32
        %dma_wait3A_307 = tpu.memref_slice %arg10[%dma_wait3A_305, %dma_wait3A_306] : memref<100096x16xf32, #tpu.memory_space<vmem_shared>> -> memref<100096x16xf32, #tpu.memory_space<vmem_shared>>
        tpu.wait_indirect_dma semaphore(%run_scoped3A_289 : memref<!tpu.dma_semaphore, #tpu.memory_space<semaphore_mem>>) src(%dma_wait3A_301 : memref<128x16xf32, #tpu.memory_space<vmem>>) dst(%dma_wait3A_307 : memref<100096x16xf32, #tpu.memory_space<vmem_shared>>)
        tpu.yield
      }) : () -> ()
    }
    %scan3A_11 = arith.constant 142 : i32
    %lt3A = arith.constant 16 : i32
    %lt3A_12 = arith.cmpi slt, %add3A, %lt3A : i32
    %convert_element_type3A = arith.extui %lt3A_12 : i1 to i32
    %cond3A = arith.constant 0 : i32
    %cond3A_13 = arith.cmpi ne, %convert_element_type3A, %cond3A : i32
    scf.if %cond3A_13 {
      %add3A_24 = arith.constant 1562 : i32
      %add3A_25 = arith.addi %add3A_6, %add3A_24 : i32
      "tpu.region"() ({
        %run_scoped3A_47 = tpu.sem_alloc : memref<!tpu.dma_semaphore, #tpu.memory_space<semaphore_mem>>
        %dma_start3A_48 = arith.constant 0 : i32
        %dma_start3A_49 = arith.constant 0 : i32
        %dma_start3A_50 = arith.constant 0 : i32
        %dma_start3A_51 = tpu.memref_slice %arg7[%dma_start3A_48, %dma_start3A_49, %dma_start3A_50] : memref<11x1x128xi32, #tpu.memory_space<vmem>> -> memref<1x1x128xi32, #tpu.memory_space<vmem>>
        %dma_start3A_52 = arith.constant 0 : i32
        %dma_start3A_53 = arith.constant 0 : i32
        %dma_start3A_54 = tpu.memref_slice %arg3[%add3A_25, %dma_start3A_52, %dma_start3A_53] : memref<50000x1x128xi32, #tpu.memory_space<hbm>> -> memref<1x1x128xi32, #tpu.memory_space<hbm>>
        %dma_start3A_55 = arith.constant 0 : i32
        %dma_start3A_56 = arith.constant 0 : i32
        %dma_start3A_57 = arith.constant 0 : i32
        %dma_start3A_58 = tpu.memref_slice %arg7[%dma_start3A_55, %dma_start3A_56, %dma_start3A_57] : memref<11x1x128xi32, #tpu.memory_space<vmem>> -> memref<1x1x128xi32, #tpu.memory_space<vmem>>
        %dma_start3A_59 = arith.constant 0 : i32
        %dma_start3A_60 = arith.constant 0 : i32
        %dma_start3A_61 = tpu.memref_slice %arg3[%add3A_25, %dma_start3A_59, %dma_start3A_60] : memref<50000x1x128xi32, #tpu.memory_space<hbm>> -> memref<1x1x128xi32, #tpu.memory_space<hbm>>
        tpu.enqueue_dma source(%dma_start3A_61 : memref<1x1x128xi32, #tpu.memory_space<hbm>>) target(%dma_start3A_58 : memref<1x1x128xi32, #tpu.memory_space<vmem>>) target_semaphore(%run_scoped3A_47 : memref<!tpu.dma_semaphore, #tpu.memory_space<semaphore_mem>>)
        %dma_wait3A_62 = arith.constant 0 : i32
        %dma_wait3A_63 = arith.constant 0 : i32
        %dma_wait3A_64 = arith.constant 0 : i32
        %dma_wait3A_65 = tpu.memref_slice %arg7[%dma_wait3A_62, %dma_wait3A_63, %dma_wait3A_64] : memref<11x1x128xi32, #tpu.memory_space<vmem>> -> memref<1x1x128xi32, #tpu.memory_space<vmem>>
        %dma_wait3A_66 = arith.constant 0 : i32
        %dma_wait3A_67 = arith.constant 0 : i32
        %dma_wait3A_68 = tpu.memref_slice %arg3[%add3A_25, %dma_wait3A_66, %dma_wait3A_67] : memref<50000x1x128xi32, #tpu.memory_space<hbm>> -> memref<1x1x128xi32, #tpu.memory_space<hbm>>
        %dma_wait3A_69 = arith.constant 0 : i32
        %dma_wait3A_70 = arith.constant 0 : i32
        %dma_wait3A_71 = arith.constant 0 : i32
        %dma_wait3A_72 = tpu.memref_slice %arg7[%dma_wait3A_69, %dma_wait3A_70, %dma_wait3A_71] : memref<11x1x128xi32, #tpu.memory_space<vmem>> -> memref<1x1x128xi32, #tpu.memory_space<vmem>>
        %dma_wait3A_73 = arith.constant 0 : i32
        %dma_wait3A_74 = arith.constant 0 : i32
        %dma_wait3A_75 = tpu.memref_slice %arg3[%add3A_25, %dma_wait3A_73, %dma_wait3A_74] : memref<50000x1x128xi32, #tpu.memory_space<hbm>> -> memref<1x1x128xi32, #tpu.memory_space<hbm>>
        tpu.wait_dma2 semaphore(%run_scoped3A_47 : memref<!tpu.dma_semaphore, #tpu.memory_space<semaphore_mem>>) src(%dma_wait3A_75 : memref<1x1x128xi32, #tpu.memory_space<hbm>>) dst(%dma_wait3A_72 : memref<1x1x128xi32, #tpu.memory_space<vmem>>)
        tpu.yield
      }) : () -> ()
      "tpu.region"() ({
        %run_scoped3A_47 = tpu.sem_alloc : memref<!tpu.dma_semaphore, #tpu.memory_space<semaphore_mem>>
        %dma_start3A_48 = arith.constant 0 : i32
        %dma_start3A_49 = arith.constant 0 : i32
        %dma_start3A_50 = arith.constant 0 : i32
        %dma_start3A_51 = tpu.memref_slice %arg8[%dma_start3A_48, %dma_start3A_49, %dma_start3A_50] : memref<11x1x128xi32, #tpu.memory_space<vmem>> -> memref<1x1x128xi32, #tpu.memory_space<vmem>>
        %dma_start3A_52 = arith.constant 0 : i32
        %dma_start3A_53 = arith.constant 0 : i32
        %dma_start3A_54 = tpu.memref_slice %arg4[%add3A_25, %dma_start3A_52, %dma_start3A_53] : memref<50000x1x128xi32, #tpu.memory_space<hbm>> -> memref<1x1x128xi32, #tpu.memory_space<hbm>>
        %dma_start3A_55 = arith.constant 0 : i32
        %dma_start3A_56 = arith.constant 0 : i32
        %dma_start3A_57 = arith.constant 0 : i32
        %dma_start3A_58 = tpu.memref_slice %arg8[%dma_start3A_55, %dma_start3A_56, %dma_start3A_57] : memref<11x1x128xi32, #tpu.memory_space<vmem>> -> memref<1x1x128xi32, #tpu.memory_space<vmem>>
        %dma_start3A_59 = arith.constant 0 : i32
        %dma_start3A_60 = arith.constant 0 : i32
        %dma_start3A_61 = tpu.memref_slice %arg4[%add3A_25, %dma_start3A_59, %dma_start3A_60] : memref<50000x1x128xi32, #tpu.memory_space<hbm>> -> memref<1x1x128xi32, #tpu.memory_space<hbm>>
        tpu.enqueue_dma source(%dma_start3A_61 : memref<1x1x128xi32, #tpu.memory_space<hbm>>) target(%dma_start3A_58 : memref<1x1x128xi32, #tpu.memory_space<vmem>>) target_semaphore(%run_scoped3A_47 : memref<!tpu.dma_semaphore, #tpu.memory_space<semaphore_mem>>)
        %dma_wait3A_62 = arith.constant 0 : i32
        %dma_wait3A_63 = arith.constant 0 : i32
        %dma_wait3A_64 = arith.constant 0 : i32
        %dma_wait3A_65 = tpu.memref_slice %arg8[%dma_wait3A_62, %dma_wait3A_63, %dma_wait3A_64] : memref<11x1x128xi32, #tpu.memory_space<vmem>> -> memref<1x1x128xi32, #tpu.memory_space<vmem>>
        %dma_wait3A_66 = arith.constant 0 : i32
        %dma_wait3A_67 = arith.constant 0 : i32
        %dma_wait3A_68 = tpu.memref_slice %arg4[%add3A_25, %dma_wait3A_66, %dma_wait3A_67] : memref<50000x1x128xi32, #tpu.memory_space<hbm>> -> memref<1x1x128xi32, #tpu.memory_space<hbm>>
        %dma_wait3A_69 = arith.constant 0 : i32
        %dma_wait3A_70 = arith.constant 0 : i32
        %dma_wait3A_71 = arith.constant 0 : i32
        %dma_wait3A_72 = tpu.memref_slice %arg8[%dma_wait3A_69, %dma_wait3A_70, %dma_wait3A_71] : memref<11x1x128xi32, #tpu.memory_space<vmem>> -> memref<1x1x128xi32, #tpu.memory_space<vmem>>
        %dma_wait3A_73 = arith.constant 0 : i32
        %dma_wait3A_74 = arith.constant 0 : i32
        %dma_wait3A_75 = tpu.memref_slice %arg4[%add3A_25, %dma_wait3A_73, %dma_wait3A_74] : memref<50000x1x128xi32, #tpu.memory_space<hbm>> -> memref<1x1x128xi32, #tpu.memory_space<hbm>>
        tpu.wait_dma2 semaphore(%run_scoped3A_47 : memref<!tpu.dma_semaphore, #tpu.memory_space<semaphore_mem>>) src(%dma_wait3A_75 : memref<1x1x128xi32, #tpu.memory_space<hbm>>) dst(%dma_wait3A_72 : memref<1x1x128xi32, #tpu.memory_space<vmem>>)
        tpu.yield
      }) : () -> ()
      %dma_start3A = arith.constant 0 : i32
      %dma_start3A_26 = arith.constant 0 : i32
      %dma_start3A_27 = arith.constant 0 : i32
      %dma_start3A_28 = arith.constant 0 : i32
      %dma_start3A_29 = tpu.memref_slice %arg9[%dma_start3A_27, %dma_start3A_28] : memref<1408x16xf32, #tpu.memory_space<vmem>> -> memref<128x16xf32, #tpu.memory_space<vmem>>
      %dma_start3A_30 = arith.constant 0 : i32
      %dma_start3A_31 = tpu.memref_slice %arg7[%dma_start3A, %dma_start3A_26, %dma_start3A_30] : memref<11x1x128xi32, #tpu.memory_space<vmem>> -> memref<1x1x128xi32, #tpu.memory_space<vmem>>
      %dma_start3A_32 = tpu.memref_squeeze %dma_start3A_31 : memref<1x1x128xi32, #tpu.memory_space<vmem>> -> memref<128xi32, #tpu.memory_space<vmem>>
      %dma_start3A_33 = arith.constant 0 : i32
      %dma_start3A_34 = arith.constant 0 : i32
      %dma_start3A_35 = tpu.memref_slice %arg2[%dma_start3A_33, %dma_start3A_34] : memref<100000x16xf32, #tpu.memory_space<hbm>> -> memref<100000x16xf32, #tpu.memory_space<hbm>>
      tpu.enqueue_indirect_dma source(%dma_start3A_35 : memref<100000x16xf32, #tpu.memory_space<hbm>>) target(%dma_start3A_29 : memref<128x16xf32, #tpu.memory_space<vmem>>) offsets(%dma_start3A_32 : memref<128xi32, #tpu.memory_space<vmem>>) semaphore(%arg11 : memref<!tpu.dma_semaphore, #tpu.memory_space<semaphore_mem>>)
      %dma_wait3A = arith.constant 0 : i32
      %dma_wait3A_36 = arith.constant 0 : i32
      %dma_wait3A_37 = arith.constant 0 : i32
      %dma_wait3A_38 = arith.constant 0 : i32
      %dma_wait3A_39 = tpu.memref_slice %arg9[%dma_wait3A_37, %dma_wait3A_38] : memref<1408x16xf32, #tpu.memory_space<vmem>> -> memref<128x16xf32, #tpu.memory_space<vmem>>
      %dma_wait3A_40 = arith.constant 0 : i32
      %dma_wait3A_41 = tpu.memref_slice %arg7[%dma_wait3A, %dma_wait3A_36, %dma_wait3A_40] : memref<11x1x128xi32, #tpu.memory_space<vmem>> -> memref<1x1x128xi32, #tpu.memory_space<vmem>>
      %dma_wait3A_42 = tpu.memref_squeeze %dma_wait3A_41 : memref<1x1x128xi32, #tpu.memory_space<vmem>> -> memref<128xi32, #tpu.memory_space<vmem>>
      %dma_wait3A_43 = arith.constant 0 : i32
      %dma_wait3A_44 = arith.constant 0 : i32
      %dma_wait3A_45 = tpu.memref_slice %arg2[%dma_wait3A_43, %dma_wait3A_44] : memref<100000x16xf32, #tpu.memory_space<hbm>> -> memref<100000x16xf32, #tpu.memory_space<hbm>>
      tpu.wait_indirect_dma semaphore(%arg11 : memref<!tpu.dma_semaphore, #tpu.memory_space<semaphore_mem>>) src(%dma_wait3A_45 : memref<100000x16xf32, #tpu.memory_space<hbm>>) dst(%dma_wait3A_39 : memref<128x16xf32, #tpu.memory_space<vmem>>)
      %run_scoped3A = arith.constant 0 : i32
      %run_scoped3A_46 = arith.constant 0 : i32
      "tpu.region"() ({
        %run_scoped3A_47 = tpu.sem_alloc : memref<!tpu.dma_semaphore, #tpu.memory_space<semaphore_mem>>
        %dma_start3A_48 = arith.constant 0 : i32
        %dma_start3A_49 = arith.constant 0 : i32
        %dma_start3A_50 = tpu.memref_slice %arg9[%dma_start3A_48, %dma_start3A_49] : memref<1408x16xf32, #tpu.memory_space<vmem>> -> memref<128x16xf32, #tpu.memory_space<vmem>>
        %dma_start3A_51 = arith.constant 0 : i32
        %dma_start3A_52 = tpu.memref_slice %arg8[%run_scoped3A, %run_scoped3A_46, %dma_start3A_51] : memref<11x1x128xi32, #tpu.memory_space<vmem>> -> memref<1x1x128xi32, #tpu.memory_space<vmem>>
        %dma_start3A_53 = tpu.memref_squeeze %dma_start3A_52 : memref<1x1x128xi32, #tpu.memory_space<vmem>> -> memref<128xi32, #tpu.memory_space<vmem>>
        %dma_start3A_54 = arith.constant 0 : i32
        %dma_start3A_55 = arith.constant 0 : i32
        %dma_start3A_56 = tpu.memref_slice %arg10[%dma_start3A_54, %dma_start3A_55] : memref<100096x16xf32, #tpu.memory_space<vmem_shared>> -> memref<100096x16xf32, #tpu.memory_space<vmem_shared>>
        tpu.enqueue_indirect_dma source(%dma_start3A_50 : memref<128x16xf32, #tpu.memory_space<vmem>>) target(%dma_start3A_56 : memref<100096x16xf32, #tpu.memory_space<vmem_shared>>) offsets(%dma_start3A_53 : memref<128xi32, #tpu.memory_space<vmem>>) semaphore(%run_scoped3A_47 : memref<!tpu.dma_semaphore, #tpu.memory_space<semaphore_mem>>) {add = true}
        %dma_wait3A_57 = arith.constant 0 : i32
        %dma_wait3A_58 = arith.constant 0 : i32
        %dma_wait3A_59 = tpu.memref_slice %arg9[%dma_wait3A_57, %dma_wait3A_58] : memref<1408x16xf32, #tpu.memory_space<vmem>> -> memref<128x16xf32, #tpu.memory_space<vmem>>
        %dma_wait3A_60 = arith.constant 0 : i32
        %dma_wait3A_61 = tpu.memref_slice %arg8[%run_scoped3A, %run_scoped3A_46, %dma_wait3A_60] : memref<11x1x128xi32, #tpu.memory_space<vmem>> -> memref<1x1x128xi32, #tpu.memory_space<vmem>>
        %dma_wait3A_62 = tpu.memref_squeeze %dma_wait3A_61 : memref<1x1x128xi32, #tpu.memory_space<vmem>> -> memref<128xi32, #tpu.memory_space<vmem>>
        %dma_wait3A_63 = arith.constant 0 : i32
        %dma_wait3A_64 = arith.constant 0 : i32
        %dma_wait3A_65 = tpu.memref_slice %arg10[%dma_wait3A_63, %dma_wait3A_64] : memref<100096x16xf32, #tpu.memory_space<vmem_shared>> -> memref<100096x16xf32, #tpu.memory_space<vmem_shared>>
        tpu.wait_indirect_dma semaphore(%run_scoped3A_47 : memref<!tpu.dma_semaphore, #tpu.memory_space<semaphore_mem>>) src(%dma_wait3A_59 : memref<128x16xf32, #tpu.memory_space<vmem>>) dst(%dma_wait3A_65 : memref<100096x16xf32, #tpu.memory_space<vmem_shared>>)
        tpu.yield
      }) : () -> ()
    } else {
    }
    %barrier3A_14 = arith.constant 0 : index
    tpu.barrier barrier_id(%barrier3A_14)
    %lt3A_15 = arith.constant 15 : i32
    %lt3A_16 = arith.cmpi slt, %arg1, %lt3A_15 : i32
    %convert_element_type3A_17 = arith.extui %lt3A_16 : i1 to i32
    %cond3A_18 = arith.constant 0 : i32
    %cond3A_19 = arith.cmpi ne, %convert_element_type3A_17, %cond3A_18 : i32
    scf.if %cond3A_19 {
      %mul3A_24 = arith.constant 6256 : i32
      %mul3A_25 = arith.muli %arg1, %mul3A_24 : i32
      %mul3A_26 = arith.constant 6256 : i32
      %mul3A_27 = arith.muli %arg1, %mul3A_26 : i32
      "tpu.region"() ({
        %run_scoped3A = tpu.sem_alloc : memref<!tpu.dma_semaphore, #tpu.memory_space<semaphore_mem>>
        %dma_start3A = arith.constant 0 : i32
        %dma_start3A_28 = tpu.memref_slice %arg6[%arg0, %mul3A_27, %dma_start3A] : memref<2x100000x16xf32, #tpu.memory_space<hbm>> -> memref<1x6256x16xf32, #tpu.memory_space<hbm>>
        %dma_start3A_29 = tpu.memref_squeeze %dma_start3A_28 : memref<1x6256x16xf32, #tpu.memory_space<hbm>> -> memref<6256x16xf32, #tpu.memory_space<hbm>>
        %dma_start3A_30 = arith.constant 0 : i32
        %dma_start3A_31 = tpu.memref_slice %arg10[%mul3A_25, %dma_start3A_30] : memref<100096x16xf32, #tpu.memory_space<vmem_shared>> -> memref<6256x16xf32, #tpu.memory_space<vmem_shared>>
        tpu.enqueue_dma source(%dma_start3A_31 : memref<6256x16xf32, #tpu.memory_space<vmem_shared>>) target(%dma_start3A_29 : memref<6256x16xf32, #tpu.memory_space<hbm>>) target_semaphore(%run_scoped3A : memref<!tpu.dma_semaphore, #tpu.memory_space<semaphore_mem>>)
        %dma_wait3A = arith.constant 0 : i32
        %dma_wait3A_32 = tpu.memref_slice %arg6[%arg0, %mul3A_27, %dma_wait3A] : memref<2x100000x16xf32, #tpu.memory_space<hbm>> -> memref<1x6256x16xf32, #tpu.memory_space<hbm>>
        %dma_wait3A_33 = tpu.memref_squeeze %dma_wait3A_32 : memref<1x6256x16xf32, #tpu.memory_space<hbm>> -> memref<6256x16xf32, #tpu.memory_space<hbm>>
        %dma_wait3A_34 = arith.constant 0 : i32
        %dma_wait3A_35 = tpu.memref_slice %arg10[%mul3A_25, %dma_wait3A_34] : memref<100096x16xf32, #tpu.memory_space<vmem_shared>> -> memref<6256x16xf32, #tpu.memory_space<vmem_shared>>
        tpu.wait_dma2 semaphore(%run_scoped3A : memref<!tpu.dma_semaphore, #tpu.memory_space<semaphore_mem>>) src(%dma_wait3A_35 : memref<6256x16xf32, #tpu.memory_space<vmem_shared>>) dst(%dma_wait3A_33 : memref<6256x16xf32, #tpu.memory_space<hbm>>)
        tpu.yield
      }) : () -> ()
    } else {
    }
    %eq3A = arith.constant 15 : i32
    %eq3A_20 = arith.cmpi eq, %arg1, %eq3A : i32
    %convert_element_type3A_21 = arith.extui %eq3A_20 : i1 to i32
    %cond3A_22 = arith.constant 0 : i32
    %cond3A_23 = arith.cmpi ne, %convert_element_type3A_21, %cond3A_22 : i32
    scf.if %cond3A_23 {
      "tpu.region"() ({
        %run_scoped3A = tpu.sem_alloc : memref<!tpu.dma_semaphore, #tpu.memory_space<semaphore_mem>>
        %dma_start3A = arith.constant 93840 : i32
        %dma_start3A_24 = arith.constant 0 : i32
        %dma_start3A_25 = tpu.memref_slice %arg6[%arg0, %dma_start3A, %dma_start3A_24] : memref<2x100000x16xf32, #tpu.memory_space<hbm>> -> memref<1x6160x16xf32, #tpu.memory_space<hbm>>
        %dma_start3A_26 = tpu.memref_squeeze %dma_start3A_25 : memref<1x6160x16xf32, #tpu.memory_space<hbm>> -> memref<6160x16xf32, #tpu.memory_space<hbm>>
        %dma_start3A_27 = arith.constant 93840 : i32
        %dma_start3A_28 = arith.constant 0 : i32
        %dma_start3A_29 = tpu.memref_slice %arg10[%dma_start3A_27, %dma_start3A_28] : memref<100096x16xf32, #tpu.memory_space<vmem_shared>> -> memref<6160x16xf32, #tpu.memory_space<vmem_shared>>
        tpu.enqueue_dma source(%dma_start3A_29 : memref<6160x16xf32, #tpu.memory_space<vmem_shared>>) target(%dma_start3A_26 : memref<6160x16xf32, #tpu.memory_space<hbm>>) target_semaphore(%run_scoped3A : memref<!tpu.dma_semaphore, #tpu.memory_space<semaphore_mem>>)
        %dma_wait3A = arith.constant 93840 : i32
        %dma_wait3A_30 = arith.constant 0 : i32
        %dma_wait3A_31 = tpu.memref_slice %arg6[%arg0, %dma_wait3A, %dma_wait3A_30] : memref<2x100000x16xf32, #tpu.memory_space<hbm>> -> memref<1x6160x16xf32, #tpu.memory_space<hbm>>
        %dma_wait3A_32 = tpu.memref_squeeze %dma_wait3A_31 : memref<1x6160x16xf32, #tpu.memory_space<hbm>> -> memref<6160x16xf32, #tpu.memory_space<hbm>>
        %dma_wait3A_33 = arith.constant 93840 : i32
        %dma_wait3A_34 = arith.constant 0 : i32
        %dma_wait3A_35 = tpu.memref_slice %arg10[%dma_wait3A_33, %dma_wait3A_34] : memref<100096x16xf32, #tpu.memory_space<vmem_shared>> -> memref<6160x16xf32, #tpu.memory_space<vmem_shared>>
        tpu.wait_dma2 semaphore(%run_scoped3A : memref<!tpu.dma_semaphore, #tpu.memory_space<semaphore_mem>>) src(%dma_wait3A_35 : memref<6160x16xf32, #tpu.memory_space<vmem_shared>>) dst(%dma_wait3A_32 : memref<6160x16xf32, #tpu.memory_space<hbm>>)
        tpu.yield
      }) : () -> ()
    } else {
    }
    return
  }
}

#map = affine_map<(d0, d1) -> (0, 0)>
#map1 = affine_map<(d0, d1) -> (0, 0, 0)>
module attributes {stable_mosaic.version = 14 : i64} {
  func.func @_segsum_body(%arg0: i32, %arg1: i32, %arg2: memref<100000x16xf32, #tpu.memory_space<hbm>>, %arg3: memref<50000x1x128xi32, #tpu.memory_space<hbm>>, %arg4: memref<50000x1x128xi32, #tpu.memory_space<hbm>>, %arg5: memref<6256x16xf32, #tpu.memory_space<hbm>>, %arg6: memref<2x100000x16xf32, #tpu.memory_space<hbm>>, %arg7: memref<11x1x128xi32, #tpu.memory_space<vmem>>, %arg8: memref<11x1x128xi32, #tpu.memory_space<vmem>>, %arg9: memref<1408x16xf32, #tpu.memory_space<vmem>>, %arg10: memref<100096x16xf32, #tpu.memory_space<vmem_shared>>, %arg11: memref<!tpu.dma_semaphore, #tpu.memory_space<semaphore_mem>>) attributes {dimension_semantics = [#tpu.dimension_semantics<core_parallel>, #tpu.dimension_semantics<subcore_parallel>], iteration_bounds = array<i64: 2, 16>, scalar_prefetch = 0 : i64, scratch_operands = 5 : i64, tpu.core_type = #tpu.core_type<sc_vector_subcore>, window_params = [{transform_indices = #map}, {transform_indices = #map1}, {transform_indices = #map1}, {transform_indices = #map}, {transform_indices = #map1}]} {
    %mul3A = arith.constant 2 : i32
    %mul3A_0 = arith.muli %arg1, %mul3A : i32
    %add3A = arith.addi %mul3A_0, %arg0 : i32
    %mul3A_1 = arith.constant 6256 : i32
    %mul3A_2 = arith.muli %arg1, %mul3A_1 : i32
    "tpu.region"() ({
      %run_scoped3A = tpu.sem_alloc : memref<!tpu.dma_semaphore, #tpu.memory_space<semaphore_mem>>
      %dma_start3A = arith.constant 0 : i32
      %dma_start3A_24 = tpu.memref_slice %arg10[%mul3A_2, %dma_start3A] : memref<100096x16xf32, #tpu.memory_space<vmem_shared>> -> memref<6256x16xf32, #tpu.memory_space<vmem_shared>>
      %dma_start3A_25 = arith.constant 0 : i32
      %dma_start3A_26 = arith.constant 0 : i32
      %dma_start3A_27 = tpu.memref_slice %arg5[%dma_start3A_25, %dma_start3A_26] : memref<6256x16xf32, #tpu.memory_space<hbm>> -> memref<6256x16xf32, #tpu.memory_space<hbm>>
      tpu.enqueue_dma source(%dma_start3A_27 : memref<6256x16xf32, #tpu.memory_space<hbm>>) target(%dma_start3A_24 : memref<6256x16xf32, #tpu.memory_space<vmem_shared>>) target_semaphore(%run_scoped3A : memref<!tpu.dma_semaphore, #tpu.memory_space<semaphore_mem>>)
      %dma_wait3A = arith.constant 0 : i32
      %dma_wait3A_28 = tpu.memref_slice %arg10[%mul3A_2, %dma_wait3A] : memref<100096x16xf32, #tpu.memory_space<vmem_shared>> -> memref<6256x16xf32, #tpu.memory_space<vmem_shared>>
      %dma_wait3A_29 = arith.constant 0 : i32
      %dma_wait3A_30 = arith.constant 0 : i32
      %dma_wait3A_31 = tpu.memref_slice %arg5[%dma_wait3A_29, %dma_wait3A_30] : memref<6256x16xf32, #tpu.memory_space<hbm>> -> memref<6256x16xf32, #tpu.memory_space<hbm>>
      tpu.wait_dma2 semaphore(%run_scoped3A : memref<!tpu.dma_semaphore, #tpu.memory_space<semaphore_mem>>) src(%dma_wait3A_31 : memref<6256x16xf32, #tpu.memory_space<hbm>>) dst(%dma_wait3A_28 : memref<6256x16xf32, #tpu.memory_space<vmem_shared>>)
      tpu.yield
    }) : () -> ()
    %barrier3A = arith.constant 0 : index
    tpu.barrier barrier_id(%barrier3A)
    %mul3A_3 = arith.constant 1562 : i32
    %mul3A_4 = arith.muli %add3A, %mul3A_3 : i32
    %min3A = arith.constant 16 : i32
    %min3A_5 = arith.minsi %add3A, %min3A : i32
    %add3A_6 = arith.addi %mul3A_4, %min3A_5 : i32
    %scan3A = arith.constant 0 : i32
    %scan3A_7 = arith.constant 0 : i32
    %scan3A_8 = arith.constant 142 : i32
    %scan3A_9 = arith.addi %scan3A_7, %scan3A_8 : i32
    %scan3A_10 = arith.constant 1 : i32
    scf.for %scan3A_24 = %scan3A_7 to %scan3A_9 step %scan3A_10  : i32 {
      %mul3A_25 = arith.constant 11 : i32
      %mul3A_26 = arith.muli %scan3A_24, %mul3A_25 : i32
      %add3A_27 = arith.addi %add3A_6, %mul3A_26 : i32
      "tpu.region"() ({
        %run_scoped3A_289 = tpu.sem_alloc : memref<!tpu.dma_semaphore, #tpu.memory_space<semaphore_mem>>
        %dma_start3A_290 = arith.constant 0 : i32
        %dma_start3A_291 = arith.constant 0 : i32
        %dma_start3A_292 = tpu.memref_slice %arg3[%add3A_27, %dma_start3A_290, %dma_start3A_291] : memref<50000x1x128xi32, #tpu.memory_space<hbm>> -> memref<11x1x128xi32, #tpu.memory_space<hbm>>
        %dma_start3A_293 = arith.constant 0 : i32
        %dma_start3A_294 = arith.constant 0 : i32
        %dma_start3A_295 = tpu.memref_slice %arg3[%add3A_27, %dma_start3A_293, %dma_start3A_294] : memref<50000x1x128xi32, #tpu.memory_space<hbm>> -> memref<11x1x128xi32, #tpu.memory_space<hbm>>
        tpu.enqueue_dma source(%dma_start3A_295 : memref<11x1x128xi32, #tpu.memory_space<hbm>>) target(%arg7 : memref<11x1x128xi32, #tpu.memory_space<vmem>>) target_semaphore(%run_scoped3A_289 : memref<!tpu.dma_semaphore, #tpu.memory_space<semaphore_mem>>)
        %dma_wait3A_296 = arith.constant 0 : i32
        %dma_wait3A_297 = arith.constant 0 : i32
        %dma_wait3A_298 = tpu.memref_slice %arg3[%add3A_27, %dma_wait3A_296, %dma_wait3A_297] : memref<50000x1x128xi32, #tpu.memory_space<hbm>> -> memref<11x1x128xi32, #tpu.memory_space<hbm>>
        %dma_wait3A_299 = arith.constant 0 : i32
        %dma_wait3A_300 = arith.constant 0 : i32
        %dma_wait3A_301 = tpu.memref_slice %arg3[%add3A_27, %dma_wait3A_299, %dma_wait3A_300] : memref<50000x1x128xi32, #tpu.memory_space<hbm>> -> memref<11x1x128xi32, #tpu.memory_space<hbm>>
        tpu.wait_dma2 semaphore(%run_scoped3A_289 : memref<!tpu.dma_semaphore, #tpu.memory_space<semaphore_mem>>) src(%dma_wait3A_301 : memref<11x1x128xi32, #tpu.memory_space<hbm>>) dst(%arg7 : memref<11x1x128xi32, #tpu.memory_space<vmem>>)
        tpu.yield
      }) : () -> ()
      "tpu.region"() ({
        %run_scoped3A_289 = tpu.sem_alloc : memref<!tpu.dma_semaphore, #tpu.memory_space<semaphore_mem>>
        %dma_start3A_290 = arith.constant 0 : i32
        %dma_start3A_291 = arith.constant 0 : i32
        %dma_start3A_292 = tpu.memref_slice %arg4[%add3A_27, %dma_start3A_290, %dma_start3A_291] : memref<50000x1x128xi32, #tpu.memory_space<hbm>> -> memref<11x1x128xi32, #tpu.memory_space<hbm>>
        %dma_start3A_293 = arith.constant 0 : i32
        %dma_start3A_294 = arith.constant 0 : i32
        %dma_start3A_295 = tpu.memref_slice %arg4[%add3A_27, %dma_start3A_293, %dma_start3A_294] : memref<50000x1x128xi32, #tpu.memory_space<hbm>> -> memref<11x1x128xi32, #tpu.memory_space<hbm>>
        tpu.enqueue_dma source(%dma_start3A_295 : memref<11x1x128xi32, #tpu.memory_space<hbm>>) target(%arg8 : memref<11x1x128xi32, #tpu.memory_space<vmem>>) target_semaphore(%run_scoped3A_289 : memref<!tpu.dma_semaphore, #tpu.memory_space<semaphore_mem>>)
        %dma_wait3A_296 = arith.constant 0 : i32
        %dma_wait3A_297 = arith.constant 0 : i32
        %dma_wait3A_298 = tpu.memref_slice %arg4[%add3A_27, %dma_wait3A_296, %dma_wait3A_297] : memref<50000x1x128xi32, #tpu.memory_space<hbm>> -> memref<11x1x128xi32, #tpu.memory_space<hbm>>
        %dma_wait3A_299 = arith.constant 0 : i32
        %dma_wait3A_300 = arith.constant 0 : i32
        %dma_wait3A_301 = tpu.memref_slice %arg4[%add3A_27, %dma_wait3A_299, %dma_wait3A_300] : memref<50000x1x128xi32, #tpu.memory_space<hbm>> -> memref<11x1x128xi32, #tpu.memory_space<hbm>>
        tpu.wait_dma2 semaphore(%run_scoped3A_289 : memref<!tpu.dma_semaphore, #tpu.memory_space<semaphore_mem>>) src(%dma_wait3A_301 : memref<11x1x128xi32, #tpu.memory_space<hbm>>) dst(%arg8 : memref<11x1x128xi32, #tpu.memory_space<vmem>>)
        tpu.yield
      }) : () -> ()
      %dma_start3A = arith.constant 0 : i32
      %dma_start3A_28 = arith.constant 0 : i32
      %dma_start3A_29 = arith.constant 0 : i32
      %dma_start3A_30 = arith.constant 0 : i32
      %dma_start3A_31 = tpu.memref_slice %arg9[%dma_start3A_29, %dma_start3A_30] : memref<1408x16xf32, #tpu.memory_space<vmem>> -> memref<128x16xf32, #tpu.memory_space<vmem>>
      %dma_start3A_32 = arith.constant 0 : i32
      %dma_start3A_33 = tpu.memref_slice %arg7[%dma_start3A, %dma_start3A_28, %dma_start3A_32] : memref<11x1x128xi32, #tpu.memory_space<vmem>> -> memref<1x1x128xi32, #tpu.memory_space<vmem>>
      %dma_start3A_34 = tpu.memref_squeeze %dma_start3A_33 : memref<1x1x128xi32, #tpu.memory_space<vmem>> -> memref<128xi32, #tpu.memory_space<vmem>>
      %dma_start3A_35 = arith.constant 0 : i32
      %dma_start3A_36 = arith.constant 0 : i32
      %dma_start3A_37 = tpu.memref_slice %arg2[%dma_start3A_35, %dma_start3A_36] : memref<100000x16xf32, #tpu.memory_space<hbm>> -> memref<100000x16xf32, #tpu.memory_space<hbm>>
      tpu.enqueue_indirect_dma source(%dma_start3A_37 : memref<100000x16xf32, #tpu.memory_space<hbm>>) target(%dma_start3A_31 : memref<128x16xf32, #tpu.memory_space<vmem>>) offsets(%dma_start3A_34 : memref<128xi32, #tpu.memory_space<vmem>>) semaphore(%arg11 : memref<!tpu.dma_semaphore, #tpu.memory_space<semaphore_mem>>)
      %dma_start3A_38 = arith.constant 1 : i32
      %dma_start3A_39 = arith.constant 0 : i32
      %dma_start3A_40 = arith.constant 128 : i32
      %dma_start3A_41 = arith.constant 0 : i32
      %dma_start3A_42 = tpu.memref_slice %arg9[%dma_start3A_40, %dma_start3A_41] : memref<1408x16xf32, #tpu.memory_space<vmem>> -> memref<128x16xf32, #tpu.memory_space<vmem>>
      %dma_start3A_43 = arith.constant 0 : i32
      %dma_start3A_44 = tpu.memref_slice %arg7[%dma_start3A_38, %dma_start3A_39, %dma_start3A_43] : memref<11x1x128xi32, #tpu.memory_space<vmem>> -> memref<1x1x128xi32, #tpu.memory_space<vmem>>
      %dma_start3A_45 = tpu.memref_squeeze %dma_start3A_44 : memref<1x1x128xi32, #tpu.memory_space<vmem>> -> memref<128xi32, #tpu.memory_space<vmem>>
      %dma_start3A_46 = arith.constant 0 : i32
      %dma_start3A_47 = arith.constant 0 : i32
      %dma_start3A_48 = tpu.memref_slice %arg2[%dma_start3A_46, %dma_start3A_47] : memref<100000x16xf32, #tpu.memory_space<hbm>> -> memref<100000x16xf32, #tpu.memory_space<hbm>>
      tpu.enqueue_indirect_dma source(%dma_start3A_48 : memref<100000x16xf32, #tpu.memory_space<hbm>>) target(%dma_start3A_42 : memref<128x16xf32, #tpu.memory_space<vmem>>) offsets(%dma_start3A_45 : memref<128xi32, #tpu.memory_space<vmem>>) semaphore(%arg11 : memref<!tpu.dma_semaphore, #tpu.memory_space<semaphore_mem>>)
      %dma_start3A_49 = arith.constant 2 : i32
      %dma_start3A_50 = arith.constant 0 : i32
      %dma_start3A_51 = arith.constant 256 : i32
      %dma_start3A_52 = arith.constant 0 : i32
      %dma_start3A_53 = tpu.memref_slice %arg9[%dma_start3A_51, %dma_start3A_52] : memref<1408x16xf32, #tpu.memory_space<vmem>> -> memref<128x16xf32, #tpu.memory_space<vmem>>
      %dma_start3A_54 = arith.constant 0 : i32
      %dma_start3A_55 = tpu.memref_slice %arg7[%dma_start3A_49, %dma_start3A_50, %dma_start3A_54] : memref<11x1x128xi32, #tpu.memory_space<vmem>> -> memref<1x1x128xi32, #tpu.memory_space<vmem>>
      %dma_start3A_56 = tpu.memref_squeeze %dma_start3A_55 : memref<1x1x128xi32, #tpu.memory_space<vmem>> -> memref<128xi32, #tpu.memory_space<vmem>>
      %dma_start3A_57 = arith.constant 0 : i32
      %dma_start3A_58 = arith.constant 0 : i32
      %dma_start3A_59 = tpu.memref_slice %arg2[%dma_start3A_57, %dma_start3A_58] : memref<100000x16xf32, #tpu.memory_space<hbm>> -> memref<100000x16xf32, #tpu.memory_space<hbm>>
      tpu.enqueue_indirect_dma source(%dma_start3A_59 : memref<100000x16xf32, #tpu.memory_space<hbm>>) target(%dma_start3A_53 : memref<128x16xf32, #tpu.memory_space<vmem>>) offsets(%dma_start3A_56 : memref<128xi32, #tpu.memory_space<vmem>>) semaphore(%arg11 : memref<!tpu.dma_semaphore, #tpu.memory_space<semaphore_mem>>)
      %dma_start3A_60 = arith.constant 3 : i32
      %dma_start3A_61 = arith.constant 0 : i32
      %dma_start3A_62 = arith.constant 384 : i32
      %dma_start3A_63 = arith.constant 0 : i32
      %dma_start3A_64 = tpu.memref_slice %arg9[%dma_start3A_62, %dma_start3A_63] : memref<1408x16xf32, #tpu.memory_space<vmem>> -> memref<128x16xf32, #tpu.memory_space<vmem>>
      %dma_start3A_65 = arith.constant 0 : i32
      %dma_start3A_66 = tpu.memref_slice %arg7[%dma_start3A_60, %dma_start3A_61, %dma_start3A_65] : memref<11x1x128xi32, #tpu.memory_space<vmem>> -> memref<1x1x128xi32, #tpu.memory_space<vmem>>
      %dma_start3A_67 = tpu.memref_squeeze %dma_start3A_66 : memref<1x1x128xi32, #tpu.memory_space<vmem>> -> memref<128xi32, #tpu.memory_space<vmem>>
      %dma_start3A_68 = arith.constant 0 : i32
      %dma_start3A_69 = arith.constant 0 : i32
      %dma_start3A_70 = tpu.memref_slice %arg2[%dma_start3A_68, %dma_start3A_69] : memref<100000x16xf32, #tpu.memory_space<hbm>> -> memref<100000x16xf32, #tpu.memory_space<hbm>>
      tpu.enqueue_indirect_dma source(%dma_start3A_70 : memref<100000x16xf32, #tpu.memory_space<hbm>>) target(%dma_start3A_64 : memref<128x16xf32, #tpu.memory_space<vmem>>) offsets(%dma_start3A_67 : memref<128xi32, #tpu.memory_space<vmem>>) semaphore(%arg11 : memref<!tpu.dma_semaphore, #tpu.memory_space<semaphore_mem>>)
      %dma_start3A_71 = arith.constant 4 : i32
      %dma_start3A_72 = arith.constant 0 : i32
      %dma_start3A_73 = arith.constant 512 : i32
      %dma_start3A_74 = arith.constant 0 : i32
      %dma_start3A_75 = tpu.memref_slice %arg9[%dma_start3A_73, %dma_start3A_74] : memref<1408x16xf32, #tpu.memory_space<vmem>> -> memref<128x16xf32, #tpu.memory_space<vmem>>
      %dma_start3A_76 = arith.constant 0 : i32
      %dma_start3A_77 = tpu.memref_slice %arg7[%dma_start3A_71, %dma_start3A_72, %dma_start3A_76] : memref<11x1x128xi32, #tpu.memory_space<vmem>> -> memref<1x1x128xi32, #tpu.memory_space<vmem>>
      %dma_start3A_78 = tpu.memref_squeeze %dma_start3A_77 : memref<1x1x128xi32, #tpu.memory_space<vmem>> -> memref<128xi32, #tpu.memory_space<vmem>>
      %dma_start3A_79 = arith.constant 0 : i32
      %dma_start3A_80 = arith.constant 0 : i32
      %dma_start3A_81 = tpu.memref_slice %arg2[%dma_start3A_79, %dma_start3A_80] : memref<100000x16xf32, #tpu.memory_space<hbm>> -> memref<100000x16xf32, #tpu.memory_space<hbm>>
      tpu.enqueue_indirect_dma source(%dma_start3A_81 : memref<100000x16xf32, #tpu.memory_space<hbm>>) target(%dma_start3A_75 : memref<128x16xf32, #tpu.memory_space<vmem>>) offsets(%dma_start3A_78 : memref<128xi32, #tpu.memory_space<vmem>>) semaphore(%arg11 : memref<!tpu.dma_semaphore, #tpu.memory_space<semaphore_mem>>)
      %dma_start3A_82 = arith.constant 5 : i32
      %dma_start3A_83 = arith.constant 0 : i32
      %dma_start3A_84 = arith.constant 640 : i32
      %dma_start3A_85 = arith.constant 0 : i32
      %dma_start3A_86 = tpu.memref_slice %arg9[%dma_start3A_84, %dma_start3A_85] : memref<1408x16xf32, #tpu.memory_space<vmem>> -> memref<128x16xf32, #tpu.memory_space<vmem>>
      %dma_start3A_87 = arith.constant 0 : i32
      %dma_start3A_88 = tpu.memref_slice %arg7[%dma_start3A_82, %dma_start3A_83, %dma_start3A_87] : memref<11x1x128xi32, #tpu.memory_space<vmem>> -> memref<1x1x128xi32, #tpu.memory_space<vmem>>
      %dma_start3A_89 = tpu.memref_squeeze %dma_start3A_88 : memref<1x1x128xi32, #tpu.memory_space<vmem>> -> memref<128xi32, #tpu.memory_space<vmem>>
      %dma_start3A_90 = arith.constant 0 : i32
      %dma_start3A_91 = arith.constant 0 : i32
      %dma_start3A_92 = tpu.memref_slice %arg2[%dma_start3A_90, %dma_start3A_91] : memref<100000x16xf32, #tpu.memory_space<hbm>> -> memref<100000x16xf32, #tpu.memory_space<hbm>>
      tpu.enqueue_indirect_dma source(%dma_start3A_92 : memref<100000x16xf32, #tpu.memory_space<hbm>>) target(%dma_start3A_86 : memref<128x16xf32, #tpu.memory_space<vmem>>) offsets(%dma_start3A_89 : memref<128xi32, #tpu.memory_space<vmem>>) semaphore(%arg11 : memref<!tpu.dma_semaphore, #tpu.memory_space<semaphore_mem>>)
      %dma_start3A_93 = arith.constant 6 : i32
      %dma_start3A_94 = arith.constant 0 : i32
      %dma_start3A_95 = arith.constant 768 : i32
      %dma_start3A_96 = arith.constant 0 : i32
      %dma_start3A_97 = tpu.memref_slice %arg9[%dma_start3A_95, %dma_start3A_96] : memref<1408x16xf32, #tpu.memory_space<vmem>> -> memref<128x16xf32, #tpu.memory_space<vmem>>
      %dma_start3A_98 = arith.constant 0 : i32
      %dma_start3A_99 = tpu.memref_slice %arg7[%dma_start3A_93, %dma_start3A_94, %dma_start3A_98] : memref<11x1x128xi32, #tpu.memory_space<vmem>> -> memref<1x1x128xi32, #tpu.memory_space<vmem>>
      %dma_start3A_100 = tpu.memref_squeeze %dma_start3A_99 : memref<1x1x128xi32, #tpu.memory_space<vmem>> -> memref<128xi32, #tpu.memory_space<vmem>>
      %dma_start3A_101 = arith.constant 0 : i32
      %dma_start3A_102 = arith.constant 0 : i32
      %dma_start3A_103 = tpu.memref_slice %arg2[%dma_start3A_101, %dma_start3A_102] : memref<100000x16xf32, #tpu.memory_space<hbm>> -> memref<100000x16xf32, #tpu.memory_space<hbm>>
      tpu.enqueue_indirect_dma source(%dma_start3A_103 : memref<100000x16xf32, #tpu.memory_space<hbm>>) target(%dma_start3A_97 : memref<128x16xf32, #tpu.memory_space<vmem>>) offsets(%dma_start3A_100 : memref<128xi32, #tpu.memory_space<vmem>>) semaphore(%arg11 : memref<!tpu.dma_semaphore, #tpu.memory_space<semaphore_mem>>)
      %dma_start3A_104 = arith.constant 7 : i32
      %dma_start3A_105 = arith.constant 0 : i32
      %dma_start3A_106 = arith.constant 896 : i32
      %dma_start3A_107 = arith.constant 0 : i32
      %dma_start3A_108 = tpu.memref_slice %arg9[%dma_start3A_106, %dma_start3A_107] : memref<1408x16xf32, #tpu.memory_space<vmem>> -> memref<128x16xf32, #tpu.memory_space<vmem>>
      %dma_start3A_109 = arith.constant 0 : i32
      %dma_start3A_110 = tpu.memref_slice %arg7[%dma_start3A_104, %dma_start3A_105, %dma_start3A_109] : memref<11x1x128xi32, #tpu.memory_space<vmem>> -> memref<1x1x128xi32, #tpu.memory_space<vmem>>
      %dma_start3A_111 = tpu.memref_squeeze %dma_start3A_110 : memref<1x1x128xi32, #tpu.memory_space<vmem>> -> memref<128xi32, #tpu.memory_space<vmem>>
      %dma_start3A_112 = arith.constant 0 : i32
      %dma_start3A_113 = arith.constant 0 : i32
      %dma_start3A_114 = tpu.memref_slice %arg2[%dma_start3A_112, %dma_start3A_113] : memref<100000x16xf32, #tpu.memory_space<hbm>> -> memref<100000x16xf32, #tpu.memory_space<hbm>>
      tpu.enqueue_indirect_dma source(%dma_start3A_114 : memref<100000x16xf32, #tpu.memory_space<hbm>>) target(%dma_start3A_108 : memref<128x16xf32, #tpu.memory_space<vmem>>) offsets(%dma_start3A_111 : memref<128xi32, #tpu.memory_space<vmem>>) semaphore(%arg11 : memref<!tpu.dma_semaphore, #tpu.memory_space<semaphore_mem>>)
      %dma_start3A_115 = arith.constant 8 : i32
      %dma_start3A_116 = arith.constant 0 : i32
      %dma_start3A_117 = arith.constant 1024 : i32
      %dma_start3A_118 = arith.constant 0 : i32
      %dma_start3A_119 = tpu.memref_slice %arg9[%dma_start3A_117, %dma_start3A_118] : memref<1408x16xf32, #tpu.memory_space<vmem>> -> memref<128x16xf32, #tpu.memory_space<vmem>>
      %dma_start3A_120 = arith.constant 0 : i32
      %dma_start3A_121 = tpu.memref_slice %arg7[%dma_start3A_115, %dma_start3A_116, %dma_start3A_120] : memref<11x1x128xi32, #tpu.memory_space<vmem>> -> memref<1x1x128xi32, #tpu.memory_space<vmem>>
      %dma_start3A_122 = tpu.memref_squeeze %dma_start3A_121 : memref<1x1x128xi32, #tpu.memory_space<vmem>> -> memref<128xi32, #tpu.memory_space<vmem>>
      %dma_start3A_123 = arith.constant 0 : i32
      %dma_start3A_124 = arith.constant 0 : i32
      %dma_start3A_125 = tpu.memref_slice %arg2[%dma_start3A_123, %dma_start3A_124] : memref<100000x16xf32, #tpu.memory_space<hbm>> -> memref<100000x16xf32, #tpu.memory_space<hbm>>
      tpu.enqueue_indirect_dma source(%dma_start3A_125 : memref<100000x16xf32, #tpu.memory_space<hbm>>) target(%dma_start3A_119 : memref<128x16xf32, #tpu.memory_space<vmem>>) offsets(%dma_start3A_122 : memref<128xi32, #tpu.memory_space<vmem>>) semaphore(%arg11 : memref<!tpu.dma_semaphore, #tpu.memory_space<semaphore_mem>>)
      %dma_start3A_126 = arith.constant 9 : i32
      %dma_start3A_127 = arith.constant 0 : i32
      %dma_start3A_128 = arith.constant 1152 : i32
      %dma_start3A_129 = arith.constant 0 : i32
      %dma_start3A_130 = tpu.memref_slice %arg9[%dma_start3A_128, %dma_start3A_129] : memref<1408x16xf32, #tpu.memory_space<vmem>> -> memref<128x16xf32, #tpu.memory_space<vmem>>
      %dma_start3A_131 = arith.constant 0 : i32
      %dma_start3A_132 = tpu.memref_slice %arg7[%dma_start3A_126, %dma_start3A_127, %dma_start3A_131] : memref<11x1x128xi32, #tpu.memory_space<vmem>> -> memref<1x1x128xi32, #tpu.memory_space<vmem>>
      %dma_start3A_133 = tpu.memref_squeeze %dma_start3A_132 : memref<1x1x128xi32, #tpu.memory_space<vmem>> -> memref<128xi32, #tpu.memory_space<vmem>>
      %dma_start3A_134 = arith.constant 0 : i32
      %dma_start3A_135 = arith.constant 0 : i32
      %dma_start3A_136 = tpu.memref_slice %arg2[%dma_start3A_134, %dma_start3A_135] : memref<100000x16xf32, #tpu.memory_space<hbm>> -> memref<100000x16xf32, #tpu.memory_space<hbm>>
      tpu.enqueue_indirect_dma source(%dma_start3A_136 : memref<100000x16xf32, #tpu.memory_space<hbm>>) target(%dma_start3A_130 : memref<128x16xf32, #tpu.memory_space<vmem>>) offsets(%dma_start3A_133 : memref<128xi32, #tpu.memory_space<vmem>>) semaphore(%arg11 : memref<!tpu.dma_semaphore, #tpu.memory_space<semaphore_mem>>)
      %dma_start3A_137 = arith.constant 10 : i32
      %dma_start3A_138 = arith.constant 0 : i32
      %dma_start3A_139 = arith.constant 1280 : i32
      %dma_start3A_140 = arith.constant 0 : i32
      %dma_start3A_141 = tpu.memref_slice %arg9[%dma_start3A_139, %dma_start3A_140] : memref<1408x16xf32, #tpu.memory_space<vmem>> -> memref<128x16xf32, #tpu.memory_space<vmem>>
      %dma_start3A_142 = arith.constant 0 : i32
      %dma_start3A_143 = tpu.memref_slice %arg7[%dma_start3A_137, %dma_start3A_138, %dma_start3A_142] : memref<11x1x128xi32, #tpu.memory_space<vmem>> -> memref<1x1x128xi32, #tpu.memory_space<vmem>>
      %dma_start3A_144 = tpu.memref_squeeze %dma_start3A_143 : memref<1x1x128xi32, #tpu.memory_space<vmem>> -> memref<128xi32, #tpu.memory_space<vmem>>
      %dma_start3A_145 = arith.constant 0 : i32
      %dma_start3A_146 = arith.constant 0 : i32
      %dma_start3A_147 = tpu.memref_slice %arg2[%dma_start3A_145, %dma_start3A_146] : memref<100000x16xf32, #tpu.memory_space<hbm>> -> memref<100000x16xf32, #tpu.memory_space<hbm>>
      tpu.enqueue_indirect_dma source(%dma_start3A_147 : memref<100000x16xf32, #tpu.memory_space<hbm>>) target(%dma_start3A_141 : memref<128x16xf32, #tpu.memory_space<vmem>>) offsets(%dma_start3A_144 : memref<128xi32, #tpu.memory_space<vmem>>) semaphore(%arg11 : memref<!tpu.dma_semaphore, #tpu.memory_space<semaphore_mem>>)
      %dma_wait3A = arith.constant 0 : i32
      %dma_wait3A_148 = arith.constant 0 : i32
      %dma_wait3A_149 = arith.constant 0 : i32
      %dma_wait3A_150 = arith.constant 0 : i32
      %dma_wait3A_151 = tpu.memref_slice %arg9[%dma_wait3A_149, %dma_wait3A_150] : memref<1408x16xf32, #tpu.memory_space<vmem>> -> memref<128x16xf32, #tpu.memory_space<vmem>>
      %dma_wait3A_152 = arith.constant 0 : i32
      %dma_wait3A_153 = tpu.memref_slice %arg7[%dma_wait3A, %dma_wait3A_148, %dma_wait3A_152] : memref<11x1x128xi32, #tpu.memory_space<vmem>> -> memref<1x1x128xi32, #tpu.memory_space<vmem>>
      %dma_wait3A_154 = tpu.memref_squeeze %dma_wait3A_153 : memref<1x1x128xi32, #tpu.memory_space<vmem>> -> memref<128xi32, #tpu.memory_space<vmem>>
      %dma_wait3A_155 = arith.constant 0 : i32
      %dma_wait3A_156 = arith.constant 0 : i32
      %dma_wait3A_157 = tpu.memref_slice %arg2[%dma_wait3A_155, %dma_wait3A_156] : memref<100000x16xf32, #tpu.memory_space<hbm>> -> memref<100000x16xf32, #tpu.memory_space<hbm>>
      tpu.wait_indirect_dma semaphore(%arg11 : memref<!tpu.dma_semaphore, #tpu.memory_space<semaphore_mem>>) src(%dma_wait3A_157 : memref<100000x16xf32, #tpu.memory_space<hbm>>) dst(%dma_wait3A_151 : memref<128x16xf32, #tpu.memory_space<vmem>>)
      %dma_wait3A_158 = arith.constant 1 : i32
      %dma_wait3A_159 = arith.constant 0 : i32
      %dma_wait3A_160 = arith.constant 128 : i32
      %dma_wait3A_161 = arith.constant 0 : i32
      %dma_wait3A_162 = tpu.memref_slice %arg9[%dma_wait3A_160, %dma_wait3A_161] : memref<1408x16xf32, #tpu.memory_space<vmem>> -> memref<128x16xf32, #tpu.memory_space<vmem>>
      %dma_wait3A_163 = arith.constant 0 : i32
      %dma_wait3A_164 = tpu.memref_slice %arg7[%dma_wait3A_158, %dma_wait3A_159, %dma_wait3A_163] : memref<11x1x128xi32, #tpu.memory_space<vmem>> -> memref<1x1x128xi32, #tpu.memory_space<vmem>>
      %dma_wait3A_165 = tpu.memref_squeeze %dma_wait3A_164 : memref<1x1x128xi32, #tpu.memory_space<vmem>> -> memref<128xi32, #tpu.memory_space<vmem>>
      %dma_wait3A_166 = arith.constant 0 : i32
      %dma_wait3A_167 = arith.constant 0 : i32
      %dma_wait3A_168 = tpu.memref_slice %arg2[%dma_wait3A_166, %dma_wait3A_167] : memref<100000x16xf32, #tpu.memory_space<hbm>> -> memref<100000x16xf32, #tpu.memory_space<hbm>>
      tpu.wait_indirect_dma semaphore(%arg11 : memref<!tpu.dma_semaphore, #tpu.memory_space<semaphore_mem>>) src(%dma_wait3A_168 : memref<100000x16xf32, #tpu.memory_space<hbm>>) dst(%dma_wait3A_162 : memref<128x16xf32, #tpu.memory_space<vmem>>)
      %dma_wait3A_169 = arith.constant 2 : i32
      %dma_wait3A_170 = arith.constant 0 : i32
      %dma_wait3A_171 = arith.constant 256 : i32
      %dma_wait3A_172 = arith.constant 0 : i32
      %dma_wait3A_173 = tpu.memref_slice %arg9[%dma_wait3A_171, %dma_wait3A_172] : memref<1408x16xf32, #tpu.memory_space<vmem>> -> memref<128x16xf32, #tpu.memory_space<vmem>>
      %dma_wait3A_174 = arith.constant 0 : i32
      %dma_wait3A_175 = tpu.memref_slice %arg7[%dma_wait3A_169, %dma_wait3A_170, %dma_wait3A_174] : memref<11x1x128xi32, #tpu.memory_space<vmem>> -> memref<1x1x128xi32, #tpu.memory_space<vmem>>
      %dma_wait3A_176 = tpu.memref_squeeze %dma_wait3A_175 : memref<1x1x128xi32, #tpu.memory_space<vmem>> -> memref<128xi32, #tpu.memory_space<vmem>>
      %dma_wait3A_177 = arith.constant 0 : i32
      %dma_wait3A_178 = arith.constant 0 : i32
      %dma_wait3A_179 = tpu.memref_slice %arg2[%dma_wait3A_177, %dma_wait3A_178] : memref<100000x16xf32, #tpu.memory_space<hbm>> -> memref<100000x16xf32, #tpu.memory_space<hbm>>
      tpu.wait_indirect_dma semaphore(%arg11 : memref<!tpu.dma_semaphore, #tpu.memory_space<semaphore_mem>>) src(%dma_wait3A_179 : memref<100000x16xf32, #tpu.memory_space<hbm>>) dst(%dma_wait3A_173 : memref<128x16xf32, #tpu.memory_space<vmem>>)
      %dma_wait3A_180 = arith.constant 3 : i32
      %dma_wait3A_181 = arith.constant 0 : i32
      %dma_wait3A_182 = arith.constant 384 : i32
      %dma_wait3A_183 = arith.constant 0 : i32
      %dma_wait3A_184 = tpu.memref_slice %arg9[%dma_wait3A_182, %dma_wait3A_183] : memref<1408x16xf32, #tpu.memory_space<vmem>> -> memref<128x16xf32, #tpu.memory_space<vmem>>
      %dma_wait3A_185 = arith.constant 0 : i32
      %dma_wait3A_186 = tpu.memref_slice %arg7[%dma_wait3A_180, %dma_wait3A_181, %dma_wait3A_185] : memref<11x1x128xi32, #tpu.memory_space<vmem>> -> memref<1x1x128xi32, #tpu.memory_space<vmem>>
      %dma_wait3A_187 = tpu.memref_squeeze %dma_wait3A_186 : memref<1x1x128xi32, #tpu.memory_space<vmem>> -> memref<128xi32, #tpu.memory_space<vmem>>
      %dma_wait3A_188 = arith.constant 0 : i32
      %dma_wait3A_189 = arith.constant 0 : i32
      %dma_wait3A_190 = tpu.memref_slice %arg2[%dma_wait3A_188, %dma_wait3A_189] : memref<100000x16xf32, #tpu.memory_space<hbm>> -> memref<100000x16xf32, #tpu.memory_space<hbm>>
      tpu.wait_indirect_dma semaphore(%arg11 : memref<!tpu.dma_semaphore, #tpu.memory_space<semaphore_mem>>) src(%dma_wait3A_190 : memref<100000x16xf32, #tpu.memory_space<hbm>>) dst(%dma_wait3A_184 : memref<128x16xf32, #tpu.memory_space<vmem>>)
      %dma_wait3A_191 = arith.constant 4 : i32
      %dma_wait3A_192 = arith.constant 0 : i32
      %dma_wait3A_193 = arith.constant 512 : i32
      %dma_wait3A_194 = arith.constant 0 : i32
      %dma_wait3A_195 = tpu.memref_slice %arg9[%dma_wait3A_193, %dma_wait3A_194] : memref<1408x16xf32, #tpu.memory_space<vmem>> -> memref<128x16xf32, #tpu.memory_space<vmem>>
      %dma_wait3A_196 = arith.constant 0 : i32
      %dma_wait3A_197 = tpu.memref_slice %arg7[%dma_wait3A_191, %dma_wait3A_192, %dma_wait3A_196] : memref<11x1x128xi32, #tpu.memory_space<vmem>> -> memref<1x1x128xi32, #tpu.memory_space<vmem>>
      %dma_wait3A_198 = tpu.memref_squeeze %dma_wait3A_197 : memref<1x1x128xi32, #tpu.memory_space<vmem>> -> memref<128xi32, #tpu.memory_space<vmem>>
      %dma_wait3A_199 = arith.constant 0 : i32
      %dma_wait3A_200 = arith.constant 0 : i32
      %dma_wait3A_201 = tpu.memref_slice %arg2[%dma_wait3A_199, %dma_wait3A_200] : memref<100000x16xf32, #tpu.memory_space<hbm>> -> memref<100000x16xf32, #tpu.memory_space<hbm>>
      tpu.wait_indirect_dma semaphore(%arg11 : memref<!tpu.dma_semaphore, #tpu.memory_space<semaphore_mem>>) src(%dma_wait3A_201 : memref<100000x16xf32, #tpu.memory_space<hbm>>) dst(%dma_wait3A_195 : memref<128x16xf32, #tpu.memory_space<vmem>>)
      %dma_wait3A_202 = arith.constant 5 : i32
      %dma_wait3A_203 = arith.constant 0 : i32
      %dma_wait3A_204 = arith.constant 640 : i32
      %dma_wait3A_205 = arith.constant 0 : i32
      %dma_wait3A_206 = tpu.memref_slice %arg9[%dma_wait3A_204, %dma_wait3A_205] : memref<1408x16xf32, #tpu.memory_space<vmem>> -> memref<128x16xf32, #tpu.memory_space<vmem>>
      %dma_wait3A_207 = arith.constant 0 : i32
      %dma_wait3A_208 = tpu.memref_slice %arg7[%dma_wait3A_202, %dma_wait3A_203, %dma_wait3A_207] : memref<11x1x128xi32, #tpu.memory_space<vmem>> -> memref<1x1x128xi32, #tpu.memory_space<vmem>>
      %dma_wait3A_209 = tpu.memref_squeeze %dma_wait3A_208 : memref<1x1x128xi32, #tpu.memory_space<vmem>> -> memref<128xi32, #tpu.memory_space<vmem>>
      %dma_wait3A_210 = arith.constant 0 : i32
      %dma_wait3A_211 = arith.constant 0 : i32
      %dma_wait3A_212 = tpu.memref_slice %arg2[%dma_wait3A_210, %dma_wait3A_211] : memref<100000x16xf32, #tpu.memory_space<hbm>> -> memref<100000x16xf32, #tpu.memory_space<hbm>>
      tpu.wait_indirect_dma semaphore(%arg11 : memref<!tpu.dma_semaphore, #tpu.memory_space<semaphore_mem>>) src(%dma_wait3A_212 : memref<100000x16xf32, #tpu.memory_space<hbm>>) dst(%dma_wait3A_206 : memref<128x16xf32, #tpu.memory_space<vmem>>)
      %dma_wait3A_213 = arith.constant 6 : i32
      %dma_wait3A_214 = arith.constant 0 : i32
      %dma_wait3A_215 = arith.constant 768 : i32
      %dma_wait3A_216 = arith.constant 0 : i32
      %dma_wait3A_217 = tpu.memref_slice %arg9[%dma_wait3A_215, %dma_wait3A_216] : memref<1408x16xf32, #tpu.memory_space<vmem>> -> memref<128x16xf32, #tpu.memory_space<vmem>>
      %dma_wait3A_218 = arith.constant 0 : i32
      %dma_wait3A_219 = tpu.memref_slice %arg7[%dma_wait3A_213, %dma_wait3A_214, %dma_wait3A_218] : memref<11x1x128xi32, #tpu.memory_space<vmem>> -> memref<1x1x128xi32, #tpu.memory_space<vmem>>
      %dma_wait3A_220 = tpu.memref_squeeze %dma_wait3A_219 : memref<1x1x128xi32, #tpu.memory_space<vmem>> -> memref<128xi32, #tpu.memory_space<vmem>>
      %dma_wait3A_221 = arith.constant 0 : i32
      %dma_wait3A_222 = arith.constant 0 : i32
      %dma_wait3A_223 = tpu.memref_slice %arg2[%dma_wait3A_221, %dma_wait3A_222] : memref<100000x16xf32, #tpu.memory_space<hbm>> -> memref<100000x16xf32, #tpu.memory_space<hbm>>
      tpu.wait_indirect_dma semaphore(%arg11 : memref<!tpu.dma_semaphore, #tpu.memory_space<semaphore_mem>>) src(%dma_wait3A_223 : memref<100000x16xf32, #tpu.memory_space<hbm>>) dst(%dma_wait3A_217 : memref<128x16xf32, #tpu.memory_space<vmem>>)
      %dma_wait3A_224 = arith.constant 7 : i32
      %dma_wait3A_225 = arith.constant 0 : i32
      %dma_wait3A_226 = arith.constant 896 : i32
      %dma_wait3A_227 = arith.constant 0 : i32
      %dma_wait3A_228 = tpu.memref_slice %arg9[%dma_wait3A_226, %dma_wait3A_227] : memref<1408x16xf32, #tpu.memory_space<vmem>> -> memref<128x16xf32, #tpu.memory_space<vmem>>
      %dma_wait3A_229 = arith.constant 0 : i32
      %dma_wait3A_230 = tpu.memref_slice %arg7[%dma_wait3A_224, %dma_wait3A_225, %dma_wait3A_229] : memref<11x1x128xi32, #tpu.memory_space<vmem>> -> memref<1x1x128xi32, #tpu.memory_space<vmem>>
      %dma_wait3A_231 = tpu.memref_squeeze %dma_wait3A_230 : memref<1x1x128xi32, #tpu.memory_space<vmem>> -> memref<128xi32, #tpu.memory_space<vmem>>
      %dma_wait3A_232 = arith.constant 0 : i32
      %dma_wait3A_233 = arith.constant 0 : i32
      %dma_wait3A_234 = tpu.memref_slice %arg2[%dma_wait3A_232, %dma_wait3A_233] : memref<100000x16xf32, #tpu.memory_space<hbm>> -> memref<100000x16xf32, #tpu.memory_space<hbm>>
      tpu.wait_indirect_dma semaphore(%arg11 : memref<!tpu.dma_semaphore, #tpu.memory_space<semaphore_mem>>) src(%dma_wait3A_234 : memref<100000x16xf32, #tpu.memory_space<hbm>>) dst(%dma_wait3A_228 : memref<128x16xf32, #tpu.memory_space<vmem>>)
      %dma_wait3A_235 = arith.constant 8 : i32
      %dma_wait3A_236 = arith.constant 0 : i32
      %dma_wait3A_237 = arith.constant 1024 : i32
      %dma_wait3A_238 = arith.constant 0 : i32
      %dma_wait3A_239 = tpu.memref_slice %arg9[%dma_wait3A_237, %dma_wait3A_238] : memref<1408x16xf32, #tpu.memory_space<vmem>> -> memref<128x16xf32, #tpu.memory_space<vmem>>
      %dma_wait3A_240 = arith.constant 0 : i32
      %dma_wait3A_241 = tpu.memref_slice %arg7[%dma_wait3A_235, %dma_wait3A_236, %dma_wait3A_240] : memref<11x1x128xi32, #tpu.memory_space<vmem>> -> memref<1x1x128xi32, #tpu.memory_space<vmem>>
      %dma_wait3A_242 = tpu.memref_squeeze %dma_wait3A_241 : memref<1x1x128xi32, #tpu.memory_space<vmem>> -> memref<128xi32, #tpu.memory_space<vmem>>
      %dma_wait3A_243 = arith.constant 0 : i32
      %dma_wait3A_244 = arith.constant 0 : i32
      %dma_wait3A_245 = tpu.memref_slice %arg2[%dma_wait3A_243, %dma_wait3A_244] : memref<100000x16xf32, #tpu.memory_space<hbm>> -> memref<100000x16xf32, #tpu.memory_space<hbm>>
      tpu.wait_indirect_dma semaphore(%arg11 : memref<!tpu.dma_semaphore, #tpu.memory_space<semaphore_mem>>) src(%dma_wait3A_245 : memref<100000x16xf32, #tpu.memory_space<hbm>>) dst(%dma_wait3A_239 : memref<128x16xf32, #tpu.memory_space<vmem>>)
      %dma_wait3A_246 = arith.constant 9 : i32
      %dma_wait3A_247 = arith.constant 0 : i32
      %dma_wait3A_248 = arith.constant 1152 : i32
      %dma_wait3A_249 = arith.constant 0 : i32
      %dma_wait3A_250 = tpu.memref_slice %arg9[%dma_wait3A_248, %dma_wait3A_249] : memref<1408x16xf32, #tpu.memory_space<vmem>> -> memref<128x16xf32, #tpu.memory_space<vmem>>
      %dma_wait3A_251 = arith.constant 0 : i32
      %dma_wait3A_252 = tpu.memref_slice %arg7[%dma_wait3A_246, %dma_wait3A_247, %dma_wait3A_251] : memref<11x1x128xi32, #tpu.memory_space<vmem>> -> memref<1x1x128xi32, #tpu.memory_space<vmem>>
      %dma_wait3A_253 = tpu.memref_squeeze %dma_wait3A_252 : memref<1x1x128xi32, #tpu.memory_space<vmem>> -> memref<128xi32, #tpu.memory_space<vmem>>
      %dma_wait3A_254 = arith.constant 0 : i32
      %dma_wait3A_255 = arith.constant 0 : i32
      %dma_wait3A_256 = tpu.memref_slice %arg2[%dma_wait3A_254, %dma_wait3A_255] : memref<100000x16xf32, #tpu.memory_space<hbm>> -> memref<100000x16xf32, #tpu.memory_space<hbm>>
      tpu.wait_indirect_dma semaphore(%arg11 : memref<!tpu.dma_semaphore, #tpu.memory_space<semaphore_mem>>) src(%dma_wait3A_256 : memref<100000x16xf32, #tpu.memory_space<hbm>>) dst(%dma_wait3A_250 : memref<128x16xf32, #tpu.memory_space<vmem>>)
      %dma_wait3A_257 = arith.constant 10 : i32
      %dma_wait3A_258 = arith.constant 0 : i32
      %dma_wait3A_259 = arith.constant 1280 : i32
      %dma_wait3A_260 = arith.constant 0 : i32
      %dma_wait3A_261 = tpu.memref_slice %arg9[%dma_wait3A_259, %dma_wait3A_260] : memref<1408x16xf32, #tpu.memory_space<vmem>> -> memref<128x16xf32, #tpu.memory_space<vmem>>
      %dma_wait3A_262 = arith.constant 0 : i32
      %dma_wait3A_263 = tpu.memref_slice %arg7[%dma_wait3A_257, %dma_wait3A_258, %dma_wait3A_262] : memref<11x1x128xi32, #tpu.memory_space<vmem>> -> memref<1x1x128xi32, #tpu.memory_space<vmem>>
      %dma_wait3A_264 = tpu.memref_squeeze %dma_wait3A_263 : memref<1x1x128xi32, #tpu.memory_space<vmem>> -> memref<128xi32, #tpu.memory_space<vmem>>
      %dma_wait3A_265 = arith.constant 0 : i32
      %dma_wait3A_266 = arith.constant 0 : i32
      %dma_wait3A_267 = tpu.memref_slice %arg2[%dma_wait3A_265, %dma_wait3A_266] : memref<100000x16xf32, #tpu.memory_space<hbm>> -> memref<100000x16xf32, #tpu.memory_space<hbm>>
      tpu.wait_indirect_dma semaphore(%arg11 : memref<!tpu.dma_semaphore, #tpu.memory_space<semaphore_mem>>) src(%dma_wait3A_267 : memref<100000x16xf32, #tpu.memory_space<hbm>>) dst(%dma_wait3A_261 : memref<128x16xf32, #tpu.memory_space<vmem>>)
      %run_scoped3A = arith.constant 0 : i32
      %run_scoped3A_268 = arith.constant 0 : i32
      "tpu.region"() ({
        %run_scoped3A_289 = tpu.sem_alloc : memref<!tpu.dma_semaphore, #tpu.memory_space<semaphore_mem>>
        %dma_start3A_290 = arith.constant 0 : i32
        %dma_start3A_291 = arith.constant 0 : i32
        %dma_start3A_292 = tpu.memref_slice %arg9[%dma_start3A_290, %dma_start3A_291] : memref<1408x16xf32, #tpu.memory_space<vmem>> -> memref<128x16xf32, #tpu.memory_space<vmem>>
        %dma_start3A_293 = arith.constant 0 : i32
        %dma_start3A_294 = tpu.memref_slice %arg8[%run_scoped3A, %run_scoped3A_268, %dma_start3A_293] : memref<11x1x128xi32, #tpu.memory_space<vmem>> -> memref<1x1x128xi32, #tpu.memory_space<vmem>>
        %dma_start3A_295 = tpu.memref_squeeze %dma_start3A_294 : memref<1x1x128xi32, #tpu.memory_space<vmem>> -> memref<128xi32, #tpu.memory_space<vmem>>
        %dma_start3A_296 = arith.constant 0 : i32
        %dma_start3A_297 = arith.constant 0 : i32
        %dma_start3A_298 = tpu.memref_slice %arg10[%dma_start3A_296, %dma_start3A_297] : memref<100096x16xf32, #tpu.memory_space<vmem_shared>> -> memref<100096x16xf32, #tpu.memory_space<vmem_shared>>
        tpu.enqueue_indirect_dma source(%dma_start3A_292 : memref<128x16xf32, #tpu.memory_space<vmem>>) target(%dma_start3A_298 : memref<100096x16xf32, #tpu.memory_space<vmem_shared>>) offsets(%dma_start3A_295 : memref<128xi32, #tpu.memory_space<vmem>>) semaphore(%run_scoped3A_289 : memref<!tpu.dma_semaphore, #tpu.memory_space<semaphore_mem>>) {add = true}
        %dma_wait3A_299 = arith.constant 0 : i32
        %dma_wait3A_300 = arith.constant 0 : i32
        %dma_wait3A_301 = tpu.memref_slice %arg9[%dma_wait3A_299, %dma_wait3A_300] : memref<1408x16xf32, #tpu.memory_space<vmem>> -> memref<128x16xf32, #tpu.memory_space<vmem>>
        %dma_wait3A_302 = arith.constant 0 : i32
        %dma_wait3A_303 = tpu.memref_slice %arg8[%run_scoped3A, %run_scoped3A_268, %dma_wait3A_302] : memref<11x1x128xi32, #tpu.memory_space<vmem>> -> memref<1x1x128xi32, #tpu.memory_space<vmem>>
        %dma_wait3A_304 = tpu.memref_squeeze %dma_wait3A_303 : memref<1x1x128xi32, #tpu.memory_space<vmem>> -> memref<128xi32, #tpu.memory_space<vmem>>
        %dma_wait3A_305 = arith.constant 0 : i32
        %dma_wait3A_306 = arith.constant 0 : i32
        %dma_wait3A_307 = tpu.memref_slice %arg10[%dma_wait3A_305, %dma_wait3A_306] : memref<100096x16xf32, #tpu.memory_space<vmem_shared>> -> memref<100096x16xf32, #tpu.memory_space<vmem_shared>>
        tpu.wait_indirect_dma semaphore(%run_scoped3A_289 : memref<!tpu.dma_semaphore, #tpu.memory_space<semaphore_mem>>) src(%dma_wait3A_301 : memref<128x16xf32, #tpu.memory_space<vmem>>) dst(%dma_wait3A_307 : memref<100096x16xf32, #tpu.memory_space<vmem_shared>>)
        tpu.yield
      }) : () -> ()
      %run_scoped3A_269 = arith.constant 1 : i32
      %run_scoped3A_270 = arith.constant 0 : i32
      "tpu.region"() ({
        %run_scoped3A_289 = tpu.sem_alloc : memref<!tpu.dma_semaphore, #tpu.memory_space<semaphore_mem>>
        %dma_start3A_290 = arith.constant 128 : i32
        %dma_start3A_291 = arith.constant 0 : i32
        %dma_start3A_292 = tpu.memref_slice %arg9[%dma_start3A_290, %dma_start3A_291] : memref<1408x16xf32, #tpu.memory_space<vmem>> -> memref<128x16xf32, #tpu.memory_space<vmem>>
        %dma_start3A_293 = arith.constant 0 : i32
        %dma_start3A_294 = tpu.memref_slice %arg8[%run_scoped3A_269, %run_scoped3A_270, %dma_start3A_293] : memref<11x1x128xi32, #tpu.memory_space<vmem>> -> memref<1x1x128xi32, #tpu.memory_space<vmem>>
        %dma_start3A_295 = tpu.memref_squeeze %dma_start3A_294 : memref<1x1x128xi32, #tpu.memory_space<vmem>> -> memref<128xi32, #tpu.memory_space<vmem>>
        %dma_start3A_296 = arith.constant 0 : i32
        %dma_start3A_297 = arith.constant 0 : i32
        %dma_start3A_298 = tpu.memref_slice %arg10[%dma_start3A_296, %dma_start3A_297] : memref<100096x16xf32, #tpu.memory_space<vmem_shared>> -> memref<100096x16xf32, #tpu.memory_space<vmem_shared>>
        tpu.enqueue_indirect_dma source(%dma_start3A_292 : memref<128x16xf32, #tpu.memory_space<vmem>>) target(%dma_start3A_298 : memref<100096x16xf32, #tpu.memory_space<vmem_shared>>) offsets(%dma_start3A_295 : memref<128xi32, #tpu.memory_space<vmem>>) semaphore(%run_scoped3A_289 : memref<!tpu.dma_semaphore, #tpu.memory_space<semaphore_mem>>) {add = true}
        %dma_wait3A_299 = arith.constant 128 : i32
        %dma_wait3A_300 = arith.constant 0 : i32
        %dma_wait3A_301 = tpu.memref_slice %arg9[%dma_wait3A_299, %dma_wait3A_300] : memref<1408x16xf32, #tpu.memory_space<vmem>> -> memref<128x16xf32, #tpu.memory_space<vmem>>
        %dma_wait3A_302 = arith.constant 0 : i32
        %dma_wait3A_303 = tpu.memref_slice %arg8[%run_scoped3A_269, %run_scoped3A_270, %dma_wait3A_302] : memref<11x1x128xi32, #tpu.memory_space<vmem>> -> memref<1x1x128xi32, #tpu.memory_space<vmem>>
        %dma_wait3A_304 = tpu.memref_squeeze %dma_wait3A_303 : memref<1x1x128xi32, #tpu.memory_space<vmem>> -> memref<128xi32, #tpu.memory_space<vmem>>
        %dma_wait3A_305 = arith.constant 0 : i32
        %dma_wait3A_306 = arith.constant 0 : i32
        %dma_wait3A_307 = tpu.memref_slice %arg10[%dma_wait3A_305, %dma_wait3A_306] : memref<100096x16xf32, #tpu.memory_space<vmem_shared>> -> memref<100096x16xf32, #tpu.memory_space<vmem_shared>>
        tpu.wait_indirect_dma semaphore(%run_scoped3A_289 : memref<!tpu.dma_semaphore, #tpu.memory_space<semaphore_mem>>) src(%dma_wait3A_301 : memref<128x16xf32, #tpu.memory_space<vmem>>) dst(%dma_wait3A_307 : memref<100096x16xf32, #tpu.memory_space<vmem_shared>>)
        tpu.yield
      }) : () -> ()
      %run_scoped3A_271 = arith.constant 2 : i32
      %run_scoped3A_272 = arith.constant 0 : i32
      "tpu.region"() ({
        %run_scoped3A_289 = tpu.sem_alloc : memref<!tpu.dma_semaphore, #tpu.memory_space<semaphore_mem>>
        %dma_start3A_290 = arith.constant 256 : i32
        %dma_start3A_291 = arith.constant 0 : i32
        %dma_start3A_292 = tpu.memref_slice %arg9[%dma_start3A_290, %dma_start3A_291] : memref<1408x16xf32, #tpu.memory_space<vmem>> -> memref<128x16xf32, #tpu.memory_space<vmem>>
        %dma_start3A_293 = arith.constant 0 : i32
        %dma_start3A_294 = tpu.memref_slice %arg8[%run_scoped3A_271, %run_scoped3A_272, %dma_start3A_293] : memref<11x1x128xi32, #tpu.memory_space<vmem>> -> memref<1x1x128xi32, #tpu.memory_space<vmem>>
        %dma_start3A_295 = tpu.memref_squeeze %dma_start3A_294 : memref<1x1x128xi32, #tpu.memory_space<vmem>> -> memref<128xi32, #tpu.memory_space<vmem>>
        %dma_start3A_296 = arith.constant 0 : i32
        %dma_start3A_297 = arith.constant 0 : i32
        %dma_start3A_298 = tpu.memref_slice %arg10[%dma_start3A_296, %dma_start3A_297] : memref<100096x16xf32, #tpu.memory_space<vmem_shared>> -> memref<100096x16xf32, #tpu.memory_space<vmem_shared>>
        tpu.enqueue_indirect_dma source(%dma_start3A_292 : memref<128x16xf32, #tpu.memory_space<vmem>>) target(%dma_start3A_298 : memref<100096x16xf32, #tpu.memory_space<vmem_shared>>) offsets(%dma_start3A_295 : memref<128xi32, #tpu.memory_space<vmem>>) semaphore(%run_scoped3A_289 : memref<!tpu.dma_semaphore, #tpu.memory_space<semaphore_mem>>) {add = true}
        %dma_wait3A_299 = arith.constant 256 : i32
        %dma_wait3A_300 = arith.constant 0 : i32
        %dma_wait3A_301 = tpu.memref_slice %arg9[%dma_wait3A_299, %dma_wait3A_300] : memref<1408x16xf32, #tpu.memory_space<vmem>> -> memref<128x16xf32, #tpu.memory_space<vmem>>
        %dma_wait3A_302 = arith.constant 0 : i32
        %dma_wait3A_303 = tpu.memref_slice %arg8[%run_scoped3A_271, %run_scoped3A_272, %dma_wait3A_302] : memref<11x1x128xi32, #tpu.memory_space<vmem>> -> memref<1x1x128xi32, #tpu.memory_space<vmem>>
        %dma_wait3A_304 = tpu.memref_squeeze %dma_wait3A_303 : memref<1x1x128xi32, #tpu.memory_space<vmem>> -> memref<128xi32, #tpu.memory_space<vmem>>
        %dma_wait3A_305 = arith.constant 0 : i32
        %dma_wait3A_306 = arith.constant 0 : i32
        %dma_wait3A_307 = tpu.memref_slice %arg10[%dma_wait3A_305, %dma_wait3A_306] : memref<100096x16xf32, #tpu.memory_space<vmem_shared>> -> memref<100096x16xf32, #tpu.memory_space<vmem_shared>>
        tpu.wait_indirect_dma semaphore(%run_scoped3A_289 : memref<!tpu.dma_semaphore, #tpu.memory_space<semaphore_mem>>) src(%dma_wait3A_301 : memref<128x16xf32, #tpu.memory_space<vmem>>) dst(%dma_wait3A_307 : memref<100096x16xf32, #tpu.memory_space<vmem_shared>>)
        tpu.yield
      }) : () -> ()
      %run_scoped3A_273 = arith.constant 3 : i32
      %run_scoped3A_274 = arith.constant 0 : i32
      "tpu.region"() ({
        %run_scoped3A_289 = tpu.sem_alloc : memref<!tpu.dma_semaphore, #tpu.memory_space<semaphore_mem>>
        %dma_start3A_290 = arith.constant 384 : i32
        %dma_start3A_291 = arith.constant 0 : i32
        %dma_start3A_292 = tpu.memref_slice %arg9[%dma_start3A_290, %dma_start3A_291] : memref<1408x16xf32, #tpu.memory_space<vmem>> -> memref<128x16xf32, #tpu.memory_space<vmem>>
        %dma_start3A_293 = arith.constant 0 : i32
        %dma_start3A_294 = tpu.memref_slice %arg8[%run_scoped3A_273, %run_scoped3A_274, %dma_start3A_293] : memref<11x1x128xi32, #tpu.memory_space<vmem>> -> memref<1x1x128xi32, #tpu.memory_space<vmem>>
        %dma_start3A_295 = tpu.memref_squeeze %dma_start3A_294 : memref<1x1x128xi32, #tpu.memory_space<vmem>> -> memref<128xi32, #tpu.memory_space<vmem>>
        %dma_start3A_296 = arith.constant 0 : i32
        %dma_start3A_297 = arith.constant 0 : i32
        %dma_start3A_298 = tpu.memref_slice %arg10[%dma_start3A_296, %dma_start3A_297] : memref<100096x16xf32, #tpu.memory_space<vmem_shared>> -> memref<100096x16xf32, #tpu.memory_space<vmem_shared>>
        tpu.enqueue_indirect_dma source(%dma_start3A_292 : memref<128x16xf32, #tpu.memory_space<vmem>>) target(%dma_start3A_298 : memref<100096x16xf32, #tpu.memory_space<vmem_shared>>) offsets(%dma_start3A_295 : memref<128xi32, #tpu.memory_space<vmem>>) semaphore(%run_scoped3A_289 : memref<!tpu.dma_semaphore, #tpu.memory_space<semaphore_mem>>) {add = true}
        %dma_wait3A_299 = arith.constant 384 : i32
        %dma_wait3A_300 = arith.constant 0 : i32
        %dma_wait3A_301 = tpu.memref_slice %arg9[%dma_wait3A_299, %dma_wait3A_300] : memref<1408x16xf32, #tpu.memory_space<vmem>> -> memref<128x16xf32, #tpu.memory_space<vmem>>
        %dma_wait3A_302 = arith.constant 0 : i32
        %dma_wait3A_303 = tpu.memref_slice %arg8[%run_scoped3A_273, %run_scoped3A_274, %dma_wait3A_302] : memref<11x1x128xi32, #tpu.memory_space<vmem>> -> memref<1x1x128xi32, #tpu.memory_space<vmem>>
        %dma_wait3A_304 = tpu.memref_squeeze %dma_wait3A_303 : memref<1x1x128xi32, #tpu.memory_space<vmem>> -> memref<128xi32, #tpu.memory_space<vmem>>
        %dma_wait3A_305 = arith.constant 0 : i32
        %dma_wait3A_306 = arith.constant 0 : i32
        %dma_wait3A_307 = tpu.memref_slice %arg10[%dma_wait3A_305, %dma_wait3A_306] : memref<100096x16xf32, #tpu.memory_space<vmem_shared>> -> memref<100096x16xf32, #tpu.memory_space<vmem_shared>>
        tpu.wait_indirect_dma semaphore(%run_scoped3A_289 : memref<!tpu.dma_semaphore, #tpu.memory_space<semaphore_mem>>) src(%dma_wait3A_301 : memref<128x16xf32, #tpu.memory_space<vmem>>) dst(%dma_wait3A_307 : memref<100096x16xf32, #tpu.memory_space<vmem_shared>>)
        tpu.yield
      }) : () -> ()
      %run_scoped3A_275 = arith.constant 4 : i32
      %run_scoped3A_276 = arith.constant 0 : i32
      "tpu.region"() ({
        %run_scoped3A_289 = tpu.sem_alloc : memref<!tpu.dma_semaphore, #tpu.memory_space<semaphore_mem>>
        %dma_start3A_290 = arith.constant 512 : i32
        %dma_start3A_291 = arith.constant 0 : i32
        %dma_start3A_292 = tpu.memref_slice %arg9[%dma_start3A_290, %dma_start3A_291] : memref<1408x16xf32, #tpu.memory_space<vmem>> -> memref<128x16xf32, #tpu.memory_space<vmem>>
        %dma_start3A_293 = arith.constant 0 : i32
        %dma_start3A_294 = tpu.memref_slice %arg8[%run_scoped3A_275, %run_scoped3A_276, %dma_start3A_293] : memref<11x1x128xi32, #tpu.memory_space<vmem>> -> memref<1x1x128xi32, #tpu.memory_space<vmem>>
        %dma_start3A_295 = tpu.memref_squeeze %dma_start3A_294 : memref<1x1x128xi32, #tpu.memory_space<vmem>> -> memref<128xi32, #tpu.memory_space<vmem>>
        %dma_start3A_296 = arith.constant 0 : i32
        %dma_start3A_297 = arith.constant 0 : i32
        %dma_start3A_298 = tpu.memref_slice %arg10[%dma_start3A_296, %dma_start3A_297] : memref<100096x16xf32, #tpu.memory_space<vmem_shared>> -> memref<100096x16xf32, #tpu.memory_space<vmem_shared>>
        tpu.enqueue_indirect_dma source(%dma_start3A_292 : memref<128x16xf32, #tpu.memory_space<vmem>>) target(%dma_start3A_298 : memref<100096x16xf32, #tpu.memory_space<vmem_shared>>) offsets(%dma_start3A_295 : memref<128xi32, #tpu.memory_space<vmem>>) semaphore(%run_scoped3A_289 : memref<!tpu.dma_semaphore, #tpu.memory_space<semaphore_mem>>) {add = true}
        %dma_wait3A_299 = arith.constant 512 : i32
        %dma_wait3A_300 = arith.constant 0 : i32
        %dma_wait3A_301 = tpu.memref_slice %arg9[%dma_wait3A_299, %dma_wait3A_300] : memref<1408x16xf32, #tpu.memory_space<vmem>> -> memref<128x16xf32, #tpu.memory_space<vmem>>
        %dma_wait3A_302 = arith.constant 0 : i32
        %dma_wait3A_303 = tpu.memref_slice %arg8[%run_scoped3A_275, %run_scoped3A_276, %dma_wait3A_302] : memref<11x1x128xi32, #tpu.memory_space<vmem>> -> memref<1x1x128xi32, #tpu.memory_space<vmem>>
        %dma_wait3A_304 = tpu.memref_squeeze %dma_wait3A_303 : memref<1x1x128xi32, #tpu.memory_space<vmem>> -> memref<128xi32, #tpu.memory_space<vmem>>
        %dma_wait3A_305 = arith.constant 0 : i32
        %dma_wait3A_306 = arith.constant 0 : i32
        %dma_wait3A_307 = tpu.memref_slice %arg10[%dma_wait3A_305, %dma_wait3A_306] : memref<100096x16xf32, #tpu.memory_space<vmem_shared>> -> memref<100096x16xf32, #tpu.memory_space<vmem_shared>>
        tpu.wait_indirect_dma semaphore(%run_scoped3A_289 : memref<!tpu.dma_semaphore, #tpu.memory_space<semaphore_mem>>) src(%dma_wait3A_301 : memref<128x16xf32, #tpu.memory_space<vmem>>) dst(%dma_wait3A_307 : memref<100096x16xf32, #tpu.memory_space<vmem_shared>>)
        tpu.yield
      }) : () -> ()
      %run_scoped3A_277 = arith.constant 5 : i32
      %run_scoped3A_278 = arith.constant 0 : i32
      "tpu.region"() ({
        %run_scoped3A_289 = tpu.sem_alloc : memref<!tpu.dma_semaphore, #tpu.memory_space<semaphore_mem>>
        %dma_start3A_290 = arith.constant 640 : i32
        %dma_start3A_291 = arith.constant 0 : i32
        %dma_start3A_292 = tpu.memref_slice %arg9[%dma_start3A_290, %dma_start3A_291] : memref<1408x16xf32, #tpu.memory_space<vmem>> -> memref<128x16xf32, #tpu.memory_space<vmem>>
        %dma_start3A_293 = arith.constant 0 : i32
        %dma_start3A_294 = tpu.memref_slice %arg8[%run_scoped3A_277, %run_scoped3A_278, %dma_start3A_293] : memref<11x1x128xi32, #tpu.memory_space<vmem>> -> memref<1x1x128xi32, #tpu.memory_space<vmem>>
        %dma_start3A_295 = tpu.memref_squeeze %dma_start3A_294 : memref<1x1x128xi32, #tpu.memory_space<vmem>> -> memref<128xi32, #tpu.memory_space<vmem>>
        %dma_start3A_296 = arith.constant 0 : i32
        %dma_start3A_297 = arith.constant 0 : i32
        %dma_start3A_298 = tpu.memref_slice %arg10[%dma_start3A_296, %dma_start3A_297] : memref<100096x16xf32, #tpu.memory_space<vmem_shared>> -> memref<100096x16xf32, #tpu.memory_space<vmem_shared>>
        tpu.enqueue_indirect_dma source(%dma_start3A_292 : memref<128x16xf32, #tpu.memory_space<vmem>>) target(%dma_start3A_298 : memref<100096x16xf32, #tpu.memory_space<vmem_shared>>) offsets(%dma_start3A_295 : memref<128xi32, #tpu.memory_space<vmem>>) semaphore(%run_scoped3A_289 : memref<!tpu.dma_semaphore, #tpu.memory_space<semaphore_mem>>) {add = true}
        %dma_wait3A_299 = arith.constant 640 : i32
        %dma_wait3A_300 = arith.constant 0 : i32
        %dma_wait3A_301 = tpu.memref_slice %arg9[%dma_wait3A_299, %dma_wait3A_300] : memref<1408x16xf32, #tpu.memory_space<vmem>> -> memref<128x16xf32, #tpu.memory_space<vmem>>
        %dma_wait3A_302 = arith.constant 0 : i32
        %dma_wait3A_303 = tpu.memref_slice %arg8[%run_scoped3A_277, %run_scoped3A_278, %dma_wait3A_302] : memref<11x1x128xi32, #tpu.memory_space<vmem>> -> memref<1x1x128xi32, #tpu.memory_space<vmem>>
        %dma_wait3A_304 = tpu.memref_squeeze %dma_wait3A_303 : memref<1x1x128xi32, #tpu.memory_space<vmem>> -> memref<128xi32, #tpu.memory_space<vmem>>
        %dma_wait3A_305 = arith.constant 0 : i32
        %dma_wait3A_306 = arith.constant 0 : i32
        %dma_wait3A_307 = tpu.memref_slice %arg10[%dma_wait3A_305, %dma_wait3A_306] : memref<100096x16xf32, #tpu.memory_space<vmem_shared>> -> memref<100096x16xf32, #tpu.memory_space<vmem_shared>>
        tpu.wait_indirect_dma semaphore(%run_scoped3A_289 : memref<!tpu.dma_semaphore, #tpu.memory_space<semaphore_mem>>) src(%dma_wait3A_301 : memref<128x16xf32, #tpu.memory_space<vmem>>) dst(%dma_wait3A_307 : memref<100096x16xf32, #tpu.memory_space<vmem_shared>>)
        tpu.yield
      }) : () -> ()
      %run_scoped3A_279 = arith.constant 6 : i32
      %run_scoped3A_280 = arith.constant 0 : i32
      "tpu.region"() ({
        %run_scoped3A_289 = tpu.sem_alloc : memref<!tpu.dma_semaphore, #tpu.memory_space<semaphore_mem>>
        %dma_start3A_290 = arith.constant 768 : i32
        %dma_start3A_291 = arith.constant 0 : i32
        %dma_start3A_292 = tpu.memref_slice %arg9[%dma_start3A_290, %dma_start3A_291] : memref<1408x16xf32, #tpu.memory_space<vmem>> -> memref<128x16xf32, #tpu.memory_space<vmem>>
        %dma_start3A_293 = arith.constant 0 : i32
        %dma_start3A_294 = tpu.memref_slice %arg8[%run_scoped3A_279, %run_scoped3A_280, %dma_start3A_293] : memref<11x1x128xi32, #tpu.memory_space<vmem>> -> memref<1x1x128xi32, #tpu.memory_space<vmem>>
        %dma_start3A_295 = tpu.memref_squeeze %dma_start3A_294 : memref<1x1x128xi32, #tpu.memory_space<vmem>> -> memref<128xi32, #tpu.memory_space<vmem>>
        %dma_start3A_296 = arith.constant 0 : i32
        %dma_start3A_297 = arith.constant 0 : i32
        %dma_start3A_298 = tpu.memref_slice %arg10[%dma_start3A_296, %dma_start3A_297] : memref<100096x16xf32, #tpu.memory_space<vmem_shared>> -> memref<100096x16xf32, #tpu.memory_space<vmem_shared>>
        tpu.enqueue_indirect_dma source(%dma_start3A_292 : memref<128x16xf32, #tpu.memory_space<vmem>>) target(%dma_start3A_298 : memref<100096x16xf32, #tpu.memory_space<vmem_shared>>) offsets(%dma_start3A_295 : memref<128xi32, #tpu.memory_space<vmem>>) semaphore(%run_scoped3A_289 : memref<!tpu.dma_semaphore, #tpu.memory_space<semaphore_mem>>) {add = true}
        %dma_wait3A_299 = arith.constant 768 : i32
        %dma_wait3A_300 = arith.constant 0 : i32
        %dma_wait3A_301 = tpu.memref_slice %arg9[%dma_wait3A_299, %dma_wait3A_300] : memref<1408x16xf32, #tpu.memory_space<vmem>> -> memref<128x16xf32, #tpu.memory_space<vmem>>
        %dma_wait3A_302 = arith.constant 0 : i32
        %dma_wait3A_303 = tpu.memref_slice %arg8[%run_scoped3A_279, %run_scoped3A_280, %dma_wait3A_302] : memref<11x1x128xi32, #tpu.memory_space<vmem>> -> memref<1x1x128xi32, #tpu.memory_space<vmem>>
        %dma_wait3A_304 = tpu.memref_squeeze %dma_wait3A_303 : memref<1x1x128xi32, #tpu.memory_space<vmem>> -> memref<128xi32, #tpu.memory_space<vmem>>
        %dma_wait3A_305 = arith.constant 0 : i32
        %dma_wait3A_306 = arith.constant 0 : i32
        %dma_wait3A_307 = tpu.memref_slice %arg10[%dma_wait3A_305, %dma_wait3A_306] : memref<100096x16xf32, #tpu.memory_space<vmem_shared>> -> memref<100096x16xf32, #tpu.memory_space<vmem_shared>>
        tpu.wait_indirect_dma semaphore(%run_scoped3A_289 : memref<!tpu.dma_semaphore, #tpu.memory_space<semaphore_mem>>) src(%dma_wait3A_301 : memref<128x16xf32, #tpu.memory_space<vmem>>) dst(%dma_wait3A_307 : memref<100096x16xf32, #tpu.memory_space<vmem_shared>>)
        tpu.yield
      }) : () -> ()
      %run_scoped3A_281 = arith.constant 7 : i32
      %run_scoped3A_282 = arith.constant 0 : i32
      "tpu.region"() ({
        %run_scoped3A_289 = tpu.sem_alloc : memref<!tpu.dma_semaphore, #tpu.memory_space<semaphore_mem>>
        %dma_start3A_290 = arith.constant 896 : i32
        %dma_start3A_291 = arith.constant 0 : i32
        %dma_start3A_292 = tpu.memref_slice %arg9[%dma_start3A_290, %dma_start3A_291] : memref<1408x16xf32, #tpu.memory_space<vmem>> -> memref<128x16xf32, #tpu.memory_space<vmem>>
        %dma_start3A_293 = arith.constant 0 : i32
        %dma_start3A_294 = tpu.memref_slice %arg8[%run_scoped3A_281, %run_scoped3A_282, %dma_start3A_293] : memref<11x1x128xi32, #tpu.memory_space<vmem>> -> memref<1x1x128xi32, #tpu.memory_space<vmem>>
        %dma_start3A_295 = tpu.memref_squeeze %dma_start3A_294 : memref<1x1x128xi32, #tpu.memory_space<vmem>> -> memref<128xi32, #tpu.memory_space<vmem>>
        %dma_start3A_296 = arith.constant 0 : i32
        %dma_start3A_297 = arith.constant 0 : i32
        %dma_start3A_298 = tpu.memref_slice %arg10[%dma_start3A_296, %dma_start3A_297] : memref<100096x16xf32, #tpu.memory_space<vmem_shared>> -> memref<100096x16xf32, #tpu.memory_space<vmem_shared>>
        tpu.enqueue_indirect_dma source(%dma_start3A_292 : memref<128x16xf32, #tpu.memory_space<vmem>>) target(%dma_start3A_298 : memref<100096x16xf32, #tpu.memory_space<vmem_shared>>) offsets(%dma_start3A_295 : memref<128xi32, #tpu.memory_space<vmem>>) semaphore(%run_scoped3A_289 : memref<!tpu.dma_semaphore, #tpu.memory_space<semaphore_mem>>) {add = true}
        %dma_wait3A_299 = arith.constant 896 : i32
        %dma_wait3A_300 = arith.constant 0 : i32
        %dma_wait3A_301 = tpu.memref_slice %arg9[%dma_wait3A_299, %dma_wait3A_300] : memref<1408x16xf32, #tpu.memory_space<vmem>> -> memref<128x16xf32, #tpu.memory_space<vmem>>
        %dma_wait3A_302 = arith.constant 0 : i32
        %dma_wait3A_303 = tpu.memref_slice %arg8[%run_scoped3A_281, %run_scoped3A_282, %dma_wait3A_302] : memref<11x1x128xi32, #tpu.memory_space<vmem>> -> memref<1x1x128xi32, #tpu.memory_space<vmem>>
        %dma_wait3A_304 = tpu.memref_squeeze %dma_wait3A_303 : memref<1x1x128xi32, #tpu.memory_space<vmem>> -> memref<128xi32, #tpu.memory_space<vmem>>
        %dma_wait3A_305 = arith.constant 0 : i32
        %dma_wait3A_306 = arith.constant 0 : i32
        %dma_wait3A_307 = tpu.memref_slice %arg10[%dma_wait3A_305, %dma_wait3A_306] : memref<100096x16xf32, #tpu.memory_space<vmem_shared>> -> memref<100096x16xf32, #tpu.memory_space<vmem_shared>>
        tpu.wait_indirect_dma semaphore(%run_scoped3A_289 : memref<!tpu.dma_semaphore, #tpu.memory_space<semaphore_mem>>) src(%dma_wait3A_301 : memref<128x16xf32, #tpu.memory_space<vmem>>) dst(%dma_wait3A_307 : memref<100096x16xf32, #tpu.memory_space<vmem_shared>>)
        tpu.yield
      }) : () -> ()
      %run_scoped3A_283 = arith.constant 8 : i32
      %run_scoped3A_284 = arith.constant 0 : i32
      "tpu.region"() ({
        %run_scoped3A_289 = tpu.sem_alloc : memref<!tpu.dma_semaphore, #tpu.memory_space<semaphore_mem>>
        %dma_start3A_290 = arith.constant 1024 : i32
        %dma_start3A_291 = arith.constant 0 : i32
        %dma_start3A_292 = tpu.memref_slice %arg9[%dma_start3A_290, %dma_start3A_291] : memref<1408x16xf32, #tpu.memory_space<vmem>> -> memref<128x16xf32, #tpu.memory_space<vmem>>
        %dma_start3A_293 = arith.constant 0 : i32
        %dma_start3A_294 = tpu.memref_slice %arg8[%run_scoped3A_283, %run_scoped3A_284, %dma_start3A_293] : memref<11x1x128xi32, #tpu.memory_space<vmem>> -> memref<1x1x128xi32, #tpu.memory_space<vmem>>
        %dma_start3A_295 = tpu.memref_squeeze %dma_start3A_294 : memref<1x1x128xi32, #tpu.memory_space<vmem>> -> memref<128xi32, #tpu.memory_space<vmem>>
        %dma_start3A_296 = arith.constant 0 : i32
        %dma_start3A_297 = arith.constant 0 : i32
        %dma_start3A_298 = tpu.memref_slice %arg10[%dma_start3A_296, %dma_start3A_297] : memref<100096x16xf32, #tpu.memory_space<vmem_shared>> -> memref<100096x16xf32, #tpu.memory_space<vmem_shared>>
        tpu.enqueue_indirect_dma source(%dma_start3A_292 : memref<128x16xf32, #tpu.memory_space<vmem>>) target(%dma_start3A_298 : memref<100096x16xf32, #tpu.memory_space<vmem_shared>>) offsets(%dma_start3A_295 : memref<128xi32, #tpu.memory_space<vmem>>) semaphore(%run_scoped3A_289 : memref<!tpu.dma_semaphore, #tpu.memory_space<semaphore_mem>>) {add = true}
        %dma_wait3A_299 = arith.constant 1024 : i32
        %dma_wait3A_300 = arith.constant 0 : i32
        %dma_wait3A_301 = tpu.memref_slice %arg9[%dma_wait3A_299, %dma_wait3A_300] : memref<1408x16xf32, #tpu.memory_space<vmem>> -> memref<128x16xf32, #tpu.memory_space<vmem>>
        %dma_wait3A_302 = arith.constant 0 : i32
        %dma_wait3A_303 = tpu.memref_slice %arg8[%run_scoped3A_283, %run_scoped3A_284, %dma_wait3A_302] : memref<11x1x128xi32, #tpu.memory_space<vmem>> -> memref<1x1x128xi32, #tpu.memory_space<vmem>>
        %dma_wait3A_304 = tpu.memref_squeeze %dma_wait3A_303 : memref<1x1x128xi32, #tpu.memory_space<vmem>> -> memref<128xi32, #tpu.memory_space<vmem>>
        %dma_wait3A_305 = arith.constant 0 : i32
        %dma_wait3A_306 = arith.constant 0 : i32
        %dma_wait3A_307 = tpu.memref_slice %arg10[%dma_wait3A_305, %dma_wait3A_306] : memref<100096x16xf32, #tpu.memory_space<vmem_shared>> -> memref<100096x16xf32, #tpu.memory_space<vmem_shared>>
        tpu.wait_indirect_dma semaphore(%run_scoped3A_289 : memref<!tpu.dma_semaphore, #tpu.memory_space<semaphore_mem>>) src(%dma_wait3A_301 : memref<128x16xf32, #tpu.memory_space<vmem>>) dst(%dma_wait3A_307 : memref<100096x16xf32, #tpu.memory_space<vmem_shared>>)
        tpu.yield
      }) : () -> ()
      %run_scoped3A_285 = arith.constant 9 : i32
      %run_scoped3A_286 = arith.constant 0 : i32
      "tpu.region"() ({
        %run_scoped3A_289 = tpu.sem_alloc : memref<!tpu.dma_semaphore, #tpu.memory_space<semaphore_mem>>
        %dma_start3A_290 = arith.constant 1152 : i32
        %dma_start3A_291 = arith.constant 0 : i32
        %dma_start3A_292 = tpu.memref_slice %arg9[%dma_start3A_290, %dma_start3A_291] : memref<1408x16xf32, #tpu.memory_space<vmem>> -> memref<128x16xf32, #tpu.memory_space<vmem>>
        %dma_start3A_293 = arith.constant 0 : i32
        %dma_start3A_294 = tpu.memref_slice %arg8[%run_scoped3A_285, %run_scoped3A_286, %dma_start3A_293] : memref<11x1x128xi32, #tpu.memory_space<vmem>> -> memref<1x1x128xi32, #tpu.memory_space<vmem>>
        %dma_start3A_295 = tpu.memref_squeeze %dma_start3A_294 : memref<1x1x128xi32, #tpu.memory_space<vmem>> -> memref<128xi32, #tpu.memory_space<vmem>>
        %dma_start3A_296 = arith.constant 0 : i32
        %dma_start3A_297 = arith.constant 0 : i32
        %dma_start3A_298 = tpu.memref_slice %arg10[%dma_start3A_296, %dma_start3A_297] : memref<100096x16xf32, #tpu.memory_space<vmem_shared>> -> memref<100096x16xf32, #tpu.memory_space<vmem_shared>>
        tpu.enqueue_indirect_dma source(%dma_start3A_292 : memref<128x16xf32, #tpu.memory_space<vmem>>) target(%dma_start3A_298 : memref<100096x16xf32, #tpu.memory_space<vmem_shared>>) offsets(%dma_start3A_295 : memref<128xi32, #tpu.memory_space<vmem>>) semaphore(%run_scoped3A_289 : memref<!tpu.dma_semaphore, #tpu.memory_space<semaphore_mem>>) {add = true}
        %dma_wait3A_299 = arith.constant 1152 : i32
        %dma_wait3A_300 = arith.constant 0 : i32
        %dma_wait3A_301 = tpu.memref_slice %arg9[%dma_wait3A_299, %dma_wait3A_300] : memref<1408x16xf32, #tpu.memory_space<vmem>> -> memref<128x16xf32, #tpu.memory_space<vmem>>
        %dma_wait3A_302 = arith.constant 0 : i32
        %dma_wait3A_303 = tpu.memref_slice %arg8[%run_scoped3A_285, %run_scoped3A_286, %dma_wait3A_302] : memref<11x1x128xi32, #tpu.memory_space<vmem>> -> memref<1x1x128xi32, #tpu.memory_space<vmem>>
        %dma_wait3A_304 = tpu.memref_squeeze %dma_wait3A_303 : memref<1x1x128xi32, #tpu.memory_space<vmem>> -> memref<128xi32, #tpu.memory_space<vmem>>
        %dma_wait3A_305 = arith.constant 0 : i32
        %dma_wait3A_306 = arith.constant 0 : i32
        %dma_wait3A_307 = tpu.memref_slice %arg10[%dma_wait3A_305, %dma_wait3A_306] : memref<100096x16xf32, #tpu.memory_space<vmem_shared>> -> memref<100096x16xf32, #tpu.memory_space<vmem_shared>>
        tpu.wait_indirect_dma semaphore(%run_scoped3A_289 : memref<!tpu.dma_semaphore, #tpu.memory_space<semaphore_mem>>) src(%dma_wait3A_301 : memref<128x16xf32, #tpu.memory_space<vmem>>) dst(%dma_wait3A_307 : memref<100096x16xf32, #tpu.memory_space<vmem_shared>>)
        tpu.yield
      }) : () -> ()
      %run_scoped3A_287 = arith.constant 10 : i32
      %run_scoped3A_288 = arith.constant 0 : i32
      "tpu.region"() ({
        %run_scoped3A_289 = tpu.sem_alloc : memref<!tpu.dma_semaphore, #tpu.memory_space<semaphore_mem>>
        %dma_start3A_290 = arith.constant 1280 : i32
        %dma_start3A_291 = arith.constant 0 : i32
        %dma_start3A_292 = tpu.memref_slice %arg9[%dma_start3A_290, %dma_start3A_291] : memref<1408x16xf32, #tpu.memory_space<vmem>> -> memref<128x16xf32, #tpu.memory_space<vmem>>
        %dma_start3A_293 = arith.constant 0 : i32
        %dma_start3A_294 = tpu.memref_slice %arg8[%run_scoped3A_287, %run_scoped3A_288, %dma_start3A_293] : memref<11x1x128xi32, #tpu.memory_space<vmem>> -> memref<1x1x128xi32, #tpu.memory_space<vmem>>
        %dma_start3A_295 = tpu.memref_squeeze %dma_start3A_294 : memref<1x1x128xi32, #tpu.memory_space<vmem>> -> memref<128xi32, #tpu.memory_space<vmem>>
        %dma_start3A_296 = arith.constant 0 : i32
        %dma_start3A_297 = arith.constant 0 : i32
        %dma_start3A_298 = tpu.memref_slice %arg10[%dma_start3A_296, %dma_start3A_297] : memref<100096x16xf32, #tpu.memory_space<vmem_shared>> -> memref<100096x16xf32, #tpu.memory_space<vmem_shared>>
        tpu.enqueue_indirect_dma source(%dma_start3A_292 : memref<128x16xf32, #tpu.memory_space<vmem>>) target(%dma_start3A_298 : memref<100096x16xf32, #tpu.memory_space<vmem_shared>>) offsets(%dma_start3A_295 : memref<128xi32, #tpu.memory_space<vmem>>) semaphore(%run_scoped3A_289 : memref<!tpu.dma_semaphore, #tpu.memory_space<semaphore_mem>>) {add = true}
        %dma_wait3A_299 = arith.constant 1280 : i32
        %dma_wait3A_300 = arith.constant 0 : i32
        %dma_wait3A_301 = tpu.memref_slice %arg9[%dma_wait3A_299, %dma_wait3A_300] : memref<1408x16xf32, #tpu.memory_space<vmem>> -> memref<128x16xf32, #tpu.memory_space<vmem>>
        %dma_wait3A_302 = arith.constant 0 : i32
        %dma_wait3A_303 = tpu.memref_slice %arg8[%run_scoped3A_287, %run_scoped3A_288, %dma_wait3A_302] : memref<11x1x128xi32, #tpu.memory_space<vmem>> -> memref<1x1x128xi32, #tpu.memory_space<vmem>>
        %dma_wait3A_304 = tpu.memref_squeeze %dma_wait3A_303 : memref<1x1x128xi32, #tpu.memory_space<vmem>> -> memref<128xi32, #tpu.memory_space<vmem>>
        %dma_wait3A_305 = arith.constant 0 : i32
        %dma_wait3A_306 = arith.constant 0 : i32
        %dma_wait3A_307 = tpu.memref_slice %arg10[%dma_wait3A_305, %dma_wait3A_306] : memref<100096x16xf32, #tpu.memory_space<vmem_shared>> -> memref<100096x16xf32, #tpu.memory_space<vmem_shared>>
        tpu.wait_indirect_dma semaphore(%run_scoped3A_289 : memref<!tpu.dma_semaphore, #tpu.memory_space<semaphore_mem>>) src(%dma_wait3A_301 : memref<128x16xf32, #tpu.memory_space<vmem>>) dst(%dma_wait3A_307 : memref<100096x16xf32, #tpu.memory_space<vmem_shared>>)
        tpu.yield
      }) : () -> ()
    }
    %scan3A_11 = arith.constant 142 : i32
    %lt3A = arith.constant 16 : i32
    %lt3A_12 = arith.cmpi slt, %add3A, %lt3A : i32
    %convert_element_type3A = arith.extui %lt3A_12 : i1 to i32
    %cond3A = arith.constant 0 : i32
    %cond3A_13 = arith.cmpi ne, %convert_element_type3A, %cond3A : i32
    scf.if %cond3A_13 {
      %add3A_24 = arith.constant 1562 : i32
      %add3A_25 = arith.addi %add3A_6, %add3A_24 : i32
      "tpu.region"() ({
        %run_scoped3A_47 = tpu.sem_alloc : memref<!tpu.dma_semaphore, #tpu.memory_space<semaphore_mem>>
        %dma_start3A_48 = arith.constant 0 : i32
        %dma_start3A_49 = arith.constant 0 : i32
        %dma_start3A_50 = arith.constant 0 : i32
        %dma_start3A_51 = tpu.memref_slice %arg7[%dma_start3A_48, %dma_start3A_49, %dma_start3A_50] : memref<11x1x128xi32, #tpu.memory_space<vmem>> -> memref<1x1x128xi32, #tpu.memory_space<vmem>>
        %dma_start3A_52 = arith.constant 0 : i32
        %dma_start3A_53 = arith.constant 0 : i32
        %dma_start3A_54 = tpu.memref_slice %arg3[%add3A_25, %dma_start3A_52, %dma_start3A_53] : memref<50000x1x128xi32, #tpu.memory_space<hbm>> -> memref<1x1x128xi32, #tpu.memory_space<hbm>>
        %dma_start3A_55 = arith.constant 0 : i32
        %dma_start3A_56 = arith.constant 0 : i32
        %dma_start3A_57 = arith.constant 0 : i32
        %dma_start3A_58 = tpu.memref_slice %arg7[%dma_start3A_55, %dma_start3A_56, %dma_start3A_57] : memref<11x1x128xi32, #tpu.memory_space<vmem>> -> memref<1x1x128xi32, #tpu.memory_space<vmem>>
        %dma_start3A_59 = arith.constant 0 : i32
        %dma_start3A_60 = arith.constant 0 : i32
        %dma_start3A_61 = tpu.memref_slice %arg3[%add3A_25, %dma_start3A_59, %dma_start3A_60] : memref<50000x1x128xi32, #tpu.memory_space<hbm>> -> memref<1x1x128xi32, #tpu.memory_space<hbm>>
        tpu.enqueue_dma source(%dma_start3A_61 : memref<1x1x128xi32, #tpu.memory_space<hbm>>) target(%dma_start3A_58 : memref<1x1x128xi32, #tpu.memory_space<vmem>>) target_semaphore(%run_scoped3A_47 : memref<!tpu.dma_semaphore, #tpu.memory_space<semaphore_mem>>)
        %dma_wait3A_62 = arith.constant 0 : i32
        %dma_wait3A_63 = arith.constant 0 : i32
        %dma_wait3A_64 = arith.constant 0 : i32
        %dma_wait3A_65 = tpu.memref_slice %arg7[%dma_wait3A_62, %dma_wait3A_63, %dma_wait3A_64] : memref<11x1x128xi32, #tpu.memory_space<vmem>> -> memref<1x1x128xi32, #tpu.memory_space<vmem>>
        %dma_wait3A_66 = arith.constant 0 : i32
        %dma_wait3A_67 = arith.constant 0 : i32
        %dma_wait3A_68 = tpu.memref_slice %arg3[%add3A_25, %dma_wait3A_66, %dma_wait3A_67] : memref<50000x1x128xi32, #tpu.memory_space<hbm>> -> memref<1x1x128xi32, #tpu.memory_space<hbm>>
        %dma_wait3A_69 = arith.constant 0 : i32
        %dma_wait3A_70 = arith.constant 0 : i32
        %dma_wait3A_71 = arith.constant 0 : i32
        %dma_wait3A_72 = tpu.memref_slice %arg7[%dma_wait3A_69, %dma_wait3A_70, %dma_wait3A_71] : memref<11x1x128xi32, #tpu.memory_space<vmem>> -> memref<1x1x128xi32, #tpu.memory_space<vmem>>
        %dma_wait3A_73 = arith.constant 0 : i32
        %dma_wait3A_74 = arith.constant 0 : i32
        %dma_wait3A_75 = tpu.memref_slice %arg3[%add3A_25, %dma_wait3A_73, %dma_wait3A_74] : memref<50000x1x128xi32, #tpu.memory_space<hbm>> -> memref<1x1x128xi32, #tpu.memory_space<hbm>>
        tpu.wait_dma2 semaphore(%run_scoped3A_47 : memref<!tpu.dma_semaphore, #tpu.memory_space<semaphore_mem>>) src(%dma_wait3A_75 : memref<1x1x128xi32, #tpu.memory_space<hbm>>) dst(%dma_wait3A_72 : memref<1x1x128xi32, #tpu.memory_space<vmem>>)
        tpu.yield
      }) : () -> ()
      "tpu.region"() ({
        %run_scoped3A_47 = tpu.sem_alloc : memref<!tpu.dma_semaphore, #tpu.memory_space<semaphore_mem>>
        %dma_start3A_48 = arith.constant 0 : i32
        %dma_start3A_49 = arith.constant 0 : i32
        %dma_start3A_50 = arith.constant 0 : i32
        %dma_start3A_51 = tpu.memref_slice %arg8[%dma_start3A_48, %dma_start3A_49, %dma_start3A_50] : memref<11x1x128xi32, #tpu.memory_space<vmem>> -> memref<1x1x128xi32, #tpu.memory_space<vmem>>
        %dma_start3A_52 = arith.constant 0 : i32
        %dma_start3A_53 = arith.constant 0 : i32
        %dma_start3A_54 = tpu.memref_slice %arg4[%add3A_25, %dma_start3A_52, %dma_start3A_53] : memref<50000x1x128xi32, #tpu.memory_space<hbm>> -> memref<1x1x128xi32, #tpu.memory_space<hbm>>
        %dma_start3A_55 = arith.constant 0 : i32
        %dma_start3A_56 = arith.constant 0 : i32
        %dma_start3A_57 = arith.constant 0 : i32
        %dma_start3A_58 = tpu.memref_slice %arg8[%dma_start3A_55, %dma_start3A_56, %dma_start3A_57] : memref<11x1x128xi32, #tpu.memory_space<vmem>> -> memref<1x1x128xi32, #tpu.memory_space<vmem>>
        %dma_start3A_59 = arith.constant 0 : i32
        %dma_start3A_60 = arith.constant 0 : i32
        %dma_start3A_61 = tpu.memref_slice %arg4[%add3A_25, %dma_start3A_59, %dma_start3A_60] : memref<50000x1x128xi32, #tpu.memory_space<hbm>> -> memref<1x1x128xi32, #tpu.memory_space<hbm>>
        tpu.enqueue_dma source(%dma_start3A_61 : memref<1x1x128xi32, #tpu.memory_space<hbm>>) target(%dma_start3A_58 : memref<1x1x128xi32, #tpu.memory_space<vmem>>) target_semaphore(%run_scoped3A_47 : memref<!tpu.dma_semaphore, #tpu.memory_space<semaphore_mem>>)
        %dma_wait3A_62 = arith.constant 0 : i32
        %dma_wait3A_63 = arith.constant 0 : i32
        %dma_wait3A_64 = arith.constant 0 : i32
        %dma_wait3A_65 = tpu.memref_slice %arg8[%dma_wait3A_62, %dma_wait3A_63, %dma_wait3A_64] : memref<11x1x128xi32, #tpu.memory_space<vmem>> -> memref<1x1x128xi32, #tpu.memory_space<vmem>>
        %dma_wait3A_66 = arith.constant 0 : i32
        %dma_wait3A_67 = arith.constant 0 : i32
        %dma_wait3A_68 = tpu.memref_slice %arg4[%add3A_25, %dma_wait3A_66, %dma_wait3A_67] : memref<50000x1x128xi32, #tpu.memory_space<hbm>> -> memref<1x1x128xi32, #tpu.memory_space<hbm>>
        %dma_wait3A_69 = arith.constant 0 : i32
        %dma_wait3A_70 = arith.constant 0 : i32
        %dma_wait3A_71 = arith.constant 0 : i32
        %dma_wait3A_72 = tpu.memref_slice %arg8[%dma_wait3A_69, %dma_wait3A_70, %dma_wait3A_71] : memref<11x1x128xi32, #tpu.memory_space<vmem>> -> memref<1x1x128xi32, #tpu.memory_space<vmem>>
        %dma_wait3A_73 = arith.constant 0 : i32
        %dma_wait3A_74 = arith.constant 0 : i32
        %dma_wait3A_75 = tpu.memref_slice %arg4[%add3A_25, %dma_wait3A_73, %dma_wait3A_74] : memref<50000x1x128xi32, #tpu.memory_space<hbm>> -> memref<1x1x128xi32, #tpu.memory_space<hbm>>
        tpu.wait_dma2 semaphore(%run_scoped3A_47 : memref<!tpu.dma_semaphore, #tpu.memory_space<semaphore_mem>>) src(%dma_wait3A_75 : memref<1x1x128xi32, #tpu.memory_space<hbm>>) dst(%dma_wait3A_72 : memref<1x1x128xi32, #tpu.memory_space<vmem>>)
        tpu.yield
      }) : () -> ()
      %dma_start3A = arith.constant 0 : i32
      %dma_start3A_26 = arith.constant 0 : i32
      %dma_start3A_27 = arith.constant 0 : i32
      %dma_start3A_28 = arith.constant 0 : i32
      %dma_start3A_29 = tpu.memref_slice %arg9[%dma_start3A_27, %dma_start3A_28] : memref<1408x16xf32, #tpu.memory_space<vmem>> -> memref<128x16xf32, #tpu.memory_space<vmem>>
      %dma_start3A_30 = arith.constant 0 : i32
      %dma_start3A_31 = tpu.memref_slice %arg7[%dma_start3A, %dma_start3A_26, %dma_start3A_30] : memref<11x1x128xi32, #tpu.memory_space<vmem>> -> memref<1x1x128xi32, #tpu.memory_space<vmem>>
      %dma_start3A_32 = tpu.memref_squeeze %dma_start3A_31 : memref<1x1x128xi32, #tpu.memory_space<vmem>> -> memref<128xi32, #tpu.memory_space<vmem>>
      %dma_start3A_33 = arith.constant 0 : i32
      %dma_start3A_34 = arith.constant 0 : i32
      %dma_start3A_35 = tpu.memref_slice %arg2[%dma_start3A_33, %dma_start3A_34] : memref<100000x16xf32, #tpu.memory_space<hbm>> -> memref<100000x16xf32, #tpu.memory_space<hbm>>
      tpu.enqueue_indirect_dma source(%dma_start3A_35 : memref<100000x16xf32, #tpu.memory_space<hbm>>) target(%dma_start3A_29 : memref<128x16xf32, #tpu.memory_space<vmem>>) offsets(%dma_start3A_32 : memref<128xi32, #tpu.memory_space<vmem>>) semaphore(%arg11 : memref<!tpu.dma_semaphore, #tpu.memory_space<semaphore_mem>>)
      %dma_wait3A = arith.constant 0 : i32
      %dma_wait3A_36 = arith.constant 0 : i32
      %dma_wait3A_37 = arith.constant 0 : i32
      %dma_wait3A_38 = arith.constant 0 : i32
      %dma_wait3A_39 = tpu.memref_slice %arg9[%dma_wait3A_37, %dma_wait3A_38] : memref<1408x16xf32, #tpu.memory_space<vmem>> -> memref<128x16xf32, #tpu.memory_space<vmem>>
      %dma_wait3A_40 = arith.constant 0 : i32
      %dma_wait3A_41 = tpu.memref_slice %arg7[%dma_wait3A, %dma_wait3A_36, %dma_wait3A_40] : memref<11x1x128xi32, #tpu.memory_space<vmem>> -> memref<1x1x128xi32, #tpu.memory_space<vmem>>
      %dma_wait3A_42 = tpu.memref_squeeze %dma_wait3A_41 : memref<1x1x128xi32, #tpu.memory_space<vmem>> -> memref<128xi32, #tpu.memory_space<vmem>>
      %dma_wait3A_43 = arith.constant 0 : i32
      %dma_wait3A_44 = arith.constant 0 : i32
      %dma_wait3A_45 = tpu.memref_slice %arg2[%dma_wait3A_43, %dma_wait3A_44] : memref<100000x16xf32, #tpu.memory_space<hbm>> -> memref<100000x16xf32, #tpu.memory_space<hbm>>
      tpu.wait_indirect_dma semaphore(%arg11 : memref<!tpu.dma_semaphore, #tpu.memory_space<semaphore_mem>>) src(%dma_wait3A_45 : memref<100000x16xf32, #tpu.memory_space<hbm>>) dst(%dma_wait3A_39 : memref<128x16xf32, #tpu.memory_space<vmem>>)
      %run_scoped3A = arith.constant 0 : i32
      %run_scoped3A_46 = arith.constant 0 : i32
      "tpu.region"() ({
        %run_scoped3A_47 = tpu.sem_alloc : memref<!tpu.dma_semaphore, #tpu.memory_space<semaphore_mem>>
        %dma_start3A_48 = arith.constant 0 : i32
        %dma_start3A_49 = arith.constant 0 : i32
        %dma_start3A_50 = tpu.memref_slice %arg9[%dma_start3A_48, %dma_start3A_49] : memref<1408x16xf32, #tpu.memory_space<vmem>> -> memref<128x16xf32, #tpu.memory_space<vmem>>
        %dma_start3A_51 = arith.constant 0 : i32
        %dma_start3A_52 = tpu.memref_slice %arg8[%run_scoped3A, %run_scoped3A_46, %dma_start3A_51] : memref<11x1x128xi32, #tpu.memory_space<vmem>> -> memref<1x1x128xi32, #tpu.memory_space<vmem>>
        %dma_start3A_53 = tpu.memref_squeeze %dma_start3A_52 : memref<1x1x128xi32, #tpu.memory_space<vmem>> -> memref<128xi32, #tpu.memory_space<vmem>>
        %dma_start3A_54 = arith.constant 0 : i32
        %dma_start3A_55 = arith.constant 0 : i32
        %dma_start3A_56 = tpu.memref_slice %arg10[%dma_start3A_54, %dma_start3A_55] : memref<100096x16xf32, #tpu.memory_space<vmem_shared>> -> memref<100096x16xf32, #tpu.memory_space<vmem_shared>>
        tpu.enqueue_indirect_dma source(%dma_start3A_50 : memref<128x16xf32, #tpu.memory_space<vmem>>) target(%dma_start3A_56 : memref<100096x16xf32, #tpu.memory_space<vmem_shared>>) offsets(%dma_start3A_53 : memref<128xi32, #tpu.memory_space<vmem>>) semaphore(%run_scoped3A_47 : memref<!tpu.dma_semaphore, #tpu.memory_space<semaphore_mem>>) {add = true}
        %dma_wait3A_57 = arith.constant 0 : i32
        %dma_wait3A_58 = arith.constant 0 : i32
        %dma_wait3A_59 = tpu.memref_slice %arg9[%dma_wait3A_57, %dma_wait3A_58] : memref<1408x16xf32, #tpu.memory_space<vmem>> -> memref<128x16xf32, #tpu.memory_space<vmem>>
        %dma_wait3A_60 = arith.constant 0 : i32
        %dma_wait3A_61 = tpu.memref_slice %arg8[%run_scoped3A, %run_scoped3A_46, %dma_wait3A_60] : memref<11x1x128xi32, #tpu.memory_space<vmem>> -> memref<1x1x128xi32, #tpu.memory_space<vmem>>
        %dma_wait3A_62 = tpu.memref_squeeze %dma_wait3A_61 : memref<1x1x128xi32, #tpu.memory_space<vmem>> -> memref<128xi32, #tpu.memory_space<vmem>>
        %dma_wait3A_63 = arith.constant 0 : i32
        %dma_wait3A_64 = arith.constant 0 : i32
        %dma_wait3A_65 = tpu.memref_slice %arg10[%dma_wait3A_63, %dma_wait3A_64] : memref<100096x16xf32, #tpu.memory_space<vmem_shared>> -> memref<100096x16xf32, #tpu.memory_space<vmem_shared>>
        tpu.wait_indirect_dma semaphore(%run_scoped3A_47 : memref<!tpu.dma_semaphore, #tpu.memory_space<semaphore_mem>>) src(%dma_wait3A_59 : memref<128x16xf32, #tpu.memory_space<vmem>>) dst(%dma_wait3A_65 : memref<100096x16xf32, #tpu.memory_space<vmem_shared>>)
        tpu.yield
      }) : () -> ()
    } else {
    }
    %barrier3A_14 = arith.constant 0 : index
    tpu.barrier barrier_id(%barrier3A_14)
    %lt3A_15 = arith.constant 15 : i32
    %lt3A_16 = arith.cmpi slt, %arg1, %lt3A_15 : i32
    %convert_element_type3A_17 = arith.extui %lt3A_16 : i1 to i32
    %cond3A_18 = arith.constant 0 : i32
    %cond3A_19 = arith.cmpi ne, %convert_element_type3A_17, %cond3A_18 : i32
    scf.if %cond3A_19 {
      %mul3A_24 = arith.constant 6256 : i32
      %mul3A_25 = arith.muli %arg1, %mul3A_24 : i32
      %mul3A_26 = arith.constant 6256 : i32
      %mul3A_27 = arith.muli %arg1, %mul3A_26 : i32
      "tpu.region"() ({
        %run_scoped3A = tpu.sem_alloc : memref<!tpu.dma_semaphore, #tpu.memory_space<semaphore_mem>>
        %dma_start3A = arith.constant 0 : i32
        %dma_start3A_28 = tpu.memref_slice %arg6[%arg0, %mul3A_27, %dma_start3A] : memref<2x100000x16xf32, #tpu.memory_space<hbm>> -> memref<1x6256x16xf32, #tpu.memory_space<hbm>>
        %dma_start3A_29 = tpu.memref_squeeze %dma_start3A_28 : memref<1x6256x16xf32, #tpu.memory_space<hbm>> -> memref<6256x16xf32, #tpu.memory_space<hbm>>
        %dma_start3A_30 = arith.constant 0 : i32
        %dma_start3A_31 = tpu.memref_slice %arg10[%mul3A_25, %dma_start3A_30] : memref<100096x16xf32, #tpu.memory_space<vmem_shared>> -> memref<6256x16xf32, #tpu.memory_space<vmem_shared>>
        tpu.enqueue_dma source(%dma_start3A_31 : memref<6256x16xf32, #tpu.memory_space<vmem_shared>>) target(%dma_start3A_29 : memref<6256x16xf32, #tpu.memory_space<hbm>>) target_semaphore(%run_scoped3A : memref<!tpu.dma_semaphore, #tpu.memory_space<semaphore_mem>>)
        %dma_wait3A = arith.constant 0 : i32
        %dma_wait3A_32 = tpu.memref_slice %arg6[%arg0, %mul3A_27, %dma_wait3A] : memref<2x100000x16xf32, #tpu.memory_space<hbm>> -> memref<1x6256x16xf32, #tpu.memory_space<hbm>>
        %dma_wait3A_33 = tpu.memref_squeeze %dma_wait3A_32 : memref<1x6256x16xf32, #tpu.memory_space<hbm>> -> memref<6256x16xf32, #tpu.memory_space<hbm>>
        %dma_wait3A_34 = arith.constant 0 : i32
        %dma_wait3A_35 = tpu.memref_slice %arg10[%mul3A_25, %dma_wait3A_34] : memref<100096x16xf32, #tpu.memory_space<vmem_shared>> -> memref<6256x16xf32, #tpu.memory_space<vmem_shared>>
        tpu.wait_dma2 semaphore(%run_scoped3A : memref<!tpu.dma_semaphore, #tpu.memory_space<semaphore_mem>>) src(%dma_wait3A_35 : memref<6256x16xf32, #tpu.memory_space<vmem_shared>>) dst(%dma_wait3A_33 : memref<6256x16xf32, #tpu.memory_space<hbm>>)
        tpu.yield
      }) : () -> ()
    } else {
    }
    %eq3A = arith.constant 15 : i32
    %eq3A_20 = arith.cmpi eq, %arg1, %eq3A : i32
    %convert_element_type3A_21 = arith.extui %eq3A_20 : i1 to i32
    %cond3A_22 = arith.constant 0 : i32
    %cond3A_23 = arith.cmpi ne, %convert_element_type3A_21, %cond3A_22 : i32
    scf.if %cond3A_23 {
      "tpu.region"() ({
        %run_scoped3A = tpu.sem_alloc : memref<!tpu.dma_semaphore, #tpu.memory_space<semaphore_mem>>
        %dma_start3A = arith.constant 93840 : i32
        %dma_start3A_24 = arith.constant 0 : i32
        %dma_start3A_25 = tpu.memref_slice %arg6[%arg0, %dma_start3A, %dma_start3A_24] : memref<2x100000x16xf32, #tpu.memory_space<hbm>> -> memref<1x6160x16xf32, #tpu.memory_space<hbm>>
        %dma_start3A_26 = tpu.memref_squeeze %dma_start3A_25 : memref<1x6160x16xf32, #tpu.memory_space<hbm>> -> memref<6160x16xf32, #tpu.memory_space<hbm>>
        %dma_start3A_27 = arith.constant 93840 : i32
        %dma_start3A_28 = arith.constant 0 : i32
        %dma_start3A_29 = tpu.memref_slice %arg10[%dma_start3A_27, %dma_start3A_28] : memref<100096x16xf32, #tpu.memory_space<vmem_shared>> -> memref<6160x16xf32, #tpu.memory_space<vmem_shared>>
        tpu.enqueue_dma source(%dma_start3A_29 : memref<6160x16xf32, #tpu.memory_space<vmem_shared>>) target(%dma_start3A_26 : memref<6160x16xf32, #tpu.memory_space<hbm>>) target_semaphore(%run_scoped3A : memref<!tpu.dma_semaphore, #tpu.memory_space<semaphore_mem>>)
        %dma_wait3A = arith.constant 93840 : i32
        %dma_wait3A_30 = arith.constant 0 : i32
        %dma_wait3A_31 = tpu.memref_slice %arg6[%arg0, %dma_wait3A, %dma_wait3A_30] : memref<2x100000x16xf32, #tpu.memory_space<hbm>> -> memref<1x6160x16xf32, #tpu.memory_space<hbm>>
        %dma_wait3A_32 = tpu.memref_squeeze %dma_wait3A_31 : memref<1x6160x16xf32, #tpu.memory_space<hbm>> -> memref<6160x16xf32, #tpu.memory_space<hbm>>
        %dma_wait3A_33 = arith.constant 93840 : i32
        %dma_wait3A_34 = arith.constant 0 : i32
        %dma_wait3A_35 = tpu.memref_slice %arg10[%dma_wait3A_33, %dma_wait3A_34] : memref<100096x16xf32, #tpu.memory_space<vmem_shared>> -> memref<6160x16xf32, #tpu.memory_space<vmem_shared>>
        tpu.wait_dma2 semaphore(%run_scoped3A : memref<!tpu.dma_semaphore, #tpu.memory_space<semaphore_mem>>) src(%dma_wait3A_35 : memref<6160x16xf32, #tpu.memory_space<vmem_shared>>) dst(%dma_wait3A_32 : memref<6160x16xf32, #tpu.memory_space<hbm>>)
        tpu.yield
      }) : () -> ()
    } else {
    }
    return
  }
}

module attributes {stable_mosaic.version = 14 : i64} {
  func.func @_layer_body(%arg0: memref<12500x128xf32, #tpu.memory_space<vmem>>, %arg1: memref<12500x128xf32, #tpu.memory_space<vmem>>, %arg2: memref<12500x128xf32, #tpu.memory_space<vmem>>, %arg3: memref<1x1xf32, #tpu.memory_space<vmem>>, %arg4: memref<128x256xf32, #tpu.memory_space<vmem>>, %arg5: memref<1x32xf32, #tpu.memory_space<vmem>>, %arg6: memref<1x32xf32, #tpu.memory_space<vmem>>, %arg7: memref<1x32xf32, #tpu.memory_space<vmem>>, %arg8: memref<256x128xf32, #tpu.memory_space<vmem>>, %arg9: memref<1x16xf32, #tpu.memory_space<vmem>>, %arg10: memref<1x16xf32, #tpu.memory_space<vmem>>, %arg11: memref<1x16xf32, #tpu.memory_space<vmem>>, %arg12: memref<12500x128xf32, #tpu.memory_space<vmem>>) attributes {dimension_semantics = [], scalar_prefetch = 0 : i64, scratch_operands = 0 : i64, tpu.core_type = #tpu.core_type<tc>} {
    %get3A = arith.constant 0 : index
    %get3A_0 = arith.constant 0 : index
    %get3A_1 = vector.load %arg3[%get3A, %get3A_0] : memref<1x1xf32, #tpu.memory_space<vmem>>, vector<1x1xf32>
    %get3A_2 = vector.extract %get3A_1[0, 0] : f32 from vector<1x1xf32>
    %add3A = arith.constant 1.000000e+00 : f32
    %add3A_3 = arith.addf %add3A, %get3A_2 : f32
    %get3A_4 = arith.constant 0 : index
    %get3A_5 = arith.constant 0 : index
    %get3A_6 = vector.load %arg0[%get3A_4, %get3A_5] : memref<12500x128xf32, #tpu.memory_space<vmem>>, vector<12500x128xf32>
    %mul3A = vector.broadcast %add3A_3 : f32 to vector<12500x128xf32>
    %mul3A_7 = arith.mulf %mul3A, %get3A_6 : vector<12500x128xf32>
    %get3A_8 = arith.constant 0 : index
    %get3A_9 = arith.constant 0 : index
    %get3A_10 = vector.load %arg1[%get3A_8, %get3A_9] : memref<12500x128xf32, #tpu.memory_space<vmem>>, vector<12500x128xf32>
    %add3A_11 = arith.addf %mul3A_7, %get3A_10 : vector<12500x128xf32>
    %get3A_12 = arith.constant 0 : index
    %get3A_13 = arith.constant 0 : index
    %get3A_14 = vector.load %arg2[%get3A_12, %get3A_13] : memref<12500x128xf32, #tpu.memory_space<vmem>>, vector<12500x128xf32>
    %add3A_15 = arith.addf %add3A_11, %get3A_14 : vector<12500x128xf32>
    %get3A_16 = arith.constant 0 : index
    %get3A_17 = arith.constant 0 : index
    %get3A_18 = vector.load %arg4[%get3A_16, %get3A_17] : memref<128x256xf32, #tpu.memory_space<vmem>>, vector<128x256xf32>
    %dot_general3A = arith.constant dense<0.000000e+00> : vector<12500x256xf32>
    %dot_general3A_19 = tpu.matmul %add3A_15, %get3A_18, %dot_general3A {dimension_numbers = #tpu.dot_dimension_numbers<[1], [0], [0], [1], [0, 0, 1, 1], [], []>, transpose_lhs_hint = false} : vector<12500x128xf32>, vector<128x256xf32>, vector<12500x256xf32> -> vector<12500x256xf32>
    %get3A_20 = arith.constant 0 : index
    %get3A_21 = arith.constant 0 : index
    %get3A_22 = vector.load %arg5[%get3A_20, %get3A_21] : memref<1x32xf32, #tpu.memory_space<vmem>>, vector<1x32xf32>
    %concatenate3A = tpu.concatenate %get3A_22, %get3A_22, %get3A_22, %get3A_22, %get3A_22, %get3A_22, %get3A_22, %get3A_22 in 1 : vector<1x32xf32>, vector<1x32xf32>, vector<1x32xf32>, vector<1x32xf32>, vector<1x32xf32>, vector<1x32xf32>, vector<1x32xf32>, vector<1x32xf32> -> vector<1x256xf32>
    %add3A_23 = vector.broadcast %concatenate3A : vector<1x256xf32> to vector<12500x256xf32>
    %add3A_24 = arith.addf %dot_general3A_19, %add3A_23 : vector<12500x256xf32>
    %reduce_sum3A = arith.constant dense<0.000000e+00> : vector<256xf32>
    %reduce_sum3A_25 = vector.multi_reduction <add>, %add3A_24, %reduce_sum3A [0] : vector<12500x256xf32> to vector<256xf32>
    %broadcast_in_dim3A = vector.shape_cast %reduce_sum3A_25 : vector<256xf32> to vector<1x256xf32>
    %mul3A_26 = arith.mulf %add3A_24, %add3A_24 : vector<12500x256xf32>
    %reduce_sum3A_27 = arith.constant dense<0.000000e+00> : vector<256xf32>
    %reduce_sum3A_28 = vector.multi_reduction <add>, %mul3A_26, %reduce_sum3A_27 [0] : vector<12500x256xf32> to vector<256xf32>
    %broadcast_in_dim3A_29 = vector.shape_cast %reduce_sum3A_28 : vector<256xf32> to vector<1x256xf32>
    %slice3A = vector.extract_strided_slice %broadcast_in_dim3A {offsets = [0, 0], sizes = [1, 32], strides = [1, 1]} : vector<1x256xf32> to vector<1x32xf32>
    %add3A_30 = arith.constant 0.000000e+00 : f32
    %add3A_31 = vector.broadcast %add3A_30 : f32 to vector<1x32xf32>
    %add3A_32 = arith.addf %add3A_31, %slice3A : vector<1x32xf32>
    %slice3A_33 = vector.extract_strided_slice %broadcast_in_dim3A {offsets = [0, 32], sizes = [1, 32], strides = [1, 1]} : vector<1x256xf32> to vector<1x32xf32>
    %add3A_34 = arith.addf %add3A_32, %slice3A_33 : vector<1x32xf32>
    %slice3A_35 = vector.extract_strided_slice %broadcast_in_dim3A {offsets = [0, 64], sizes = [1, 32], strides = [1, 1]} : vector<1x256xf32> to vector<1x32xf32>
    %add3A_36 = arith.addf %add3A_34, %slice3A_35 : vector<1x32xf32>
    %slice3A_37 = vector.extract_strided_slice %broadcast_in_dim3A {offsets = [0, 96], sizes = [1, 32], strides = [1, 1]} : vector<1x256xf32> to vector<1x32xf32>
    %add3A_38 = arith.addf %add3A_36, %slice3A_37 : vector<1x32xf32>
    %slice3A_39 = vector.extract_strided_slice %broadcast_in_dim3A {offsets = [0, 128], sizes = [1, 32], strides = [1, 1]} : vector<1x256xf32> to vector<1x32xf32>
    %add3A_40 = arith.addf %add3A_38, %slice3A_39 : vector<1x32xf32>
    %slice3A_41 = vector.extract_strided_slice %broadcast_in_dim3A {offsets = [0, 160], sizes = [1, 32], strides = [1, 1]} : vector<1x256xf32> to vector<1x32xf32>
    %add3A_42 = arith.addf %add3A_40, %slice3A_41 : vector<1x32xf32>
    %slice3A_43 = vector.extract_strided_slice %broadcast_in_dim3A {offsets = [0, 192], sizes = [1, 32], strides = [1, 1]} : vector<1x256xf32> to vector<1x32xf32>
    %add3A_44 = arith.addf %add3A_42, %slice3A_43 : vector<1x32xf32>
    %slice3A_45 = vector.extract_strided_slice %broadcast_in_dim3A {offsets = [0, 224], sizes = [1, 32], strides = [1, 1]} : vector<1x256xf32> to vector<1x32xf32>
    %add3A_46 = arith.addf %add3A_44, %slice3A_45 : vector<1x32xf32>
    %slice3A_47 = vector.extract_strided_slice %broadcast_in_dim3A_29 {offsets = [0, 0], sizes = [1, 32], strides = [1, 1]} : vector<1x256xf32> to vector<1x32xf32>
    %add3A_48 = arith.constant 0.000000e+00 : f32
    %add3A_49 = vector.broadcast %add3A_48 : f32 to vector<1x32xf32>
    %add3A_50 = arith.addf %add3A_49, %slice3A_47 : vector<1x32xf32>
    %slice3A_51 = vector.extract_strided_slice %broadcast_in_dim3A_29 {offsets = [0, 32], sizes = [1, 32], strides = [1, 1]} : vector<1x256xf32> to vector<1x32xf32>
    %add3A_52 = arith.addf %add3A_50, %slice3A_51 : vector<1x32xf32>
    %slice3A_53 = vector.extract_strided_slice %broadcast_in_dim3A_29 {offsets = [0, 64], sizes = [1, 32], strides = [1, 1]} : vector<1x256xf32> to vector<1x32xf32>
    %add3A_54 = arith.addf %add3A_52, %slice3A_53 : vector<1x32xf32>
    %slice3A_55 = vector.extract_strided_slice %broadcast_in_dim3A_29 {offsets = [0, 96], sizes = [1, 32], strides = [1, 1]} : vector<1x256xf32> to vector<1x32xf32>
    %add3A_56 = arith.addf %add3A_54, %slice3A_55 : vector<1x32xf32>
    %slice3A_57 = vector.extract_strided_slice %broadcast_in_dim3A_29 {offsets = [0, 128], sizes = [1, 32], strides = [1, 1]} : vector<1x256xf32> to vector<1x32xf32>
    %add3A_58 = arith.addf %add3A_56, %slice3A_57 : vector<1x32xf32>
    %slice3A_59 = vector.extract_strided_slice %broadcast_in_dim3A_29 {offsets = [0, 160], sizes = [1, 32], strides = [1, 1]} : vector<1x256xf32> to vector<1x32xf32>
    %add3A_60 = arith.addf %add3A_58, %slice3A_59 : vector<1x32xf32>
    %slice3A_61 = vector.extract_strided_slice %broadcast_in_dim3A_29 {offsets = [0, 192], sizes = [1, 32], strides = [1, 1]} : vector<1x256xf32> to vector<1x32xf32>
    %add3A_62 = arith.addf %add3A_60, %slice3A_61 : vector<1x32xf32>
    %slice3A_63 = vector.extract_strided_slice %broadcast_in_dim3A_29 {offsets = [0, 224], sizes = [1, 32], strides = [1, 1]} : vector<1x256xf32> to vector<1x32xf32>
    %add3A_64 = arith.addf %add3A_62, %slice3A_63 : vector<1x32xf32>
    %div3A = arith.constant 1.000000e+05 : f32
    %div3A_65 = vector.broadcast %div3A : f32 to vector<1x32xf32>
    %div3A_66 = arith.divf %add3A_46, %div3A_65 : vector<1x32xf32>
    %div3A_67 = arith.constant 1.000000e+05 : f32
    %div3A_68 = vector.broadcast %div3A_67 : f32 to vector<1x32xf32>
    %div3A_69 = arith.divf %add3A_64, %div3A_68 : vector<1x32xf32>
    %mul3A_70 = arith.mulf %div3A_66, %div3A_66 : vector<1x32xf32>
    %sub3A = arith.subf %div3A_69, %mul3A_70 : vector<1x32xf32>
    %get3A_71 = arith.constant 0 : index
    %get3A_72 = arith.constant 0 : index
    %get3A_73 = vector.load %arg6[%get3A_71, %get3A_72] : memref<1x32xf32, #tpu.memory_space<vmem>>, vector<1x32xf32>
    %add3A_74 = arith.constant 9.99999974E-6 : f32
    %add3A_75 = vector.broadcast %add3A_74 : f32 to vector<1x32xf32>
    %add3A_76 = arith.addf %sub3A, %add3A_75 : vector<1x32xf32>
    %rsqrt3A = math.rsqrt %add3A_76 : vector<1x32xf32>
    %mul3A_77 = arith.mulf %get3A_73, %rsqrt3A : vector<1x32xf32>
    %get3A_78 = arith.constant 0 : index
    %get3A_79 = arith.constant 0 : index
    %get3A_80 = vector.load %arg7[%get3A_78, %get3A_79] : memref<1x32xf32, #tpu.memory_space<vmem>>, vector<1x32xf32>
    %mul3A_81 = arith.mulf %div3A_66, %mul3A_77 : vector<1x32xf32>
    %sub3A_82 = arith.subf %get3A_80, %mul3A_81 : vector<1x32xf32>
    %concatenate3A_83 = tpu.concatenate %mul3A_77, %mul3A_77, %mul3A_77, %mul3A_77, %mul3A_77, %mul3A_77, %mul3A_77, %mul3A_77 in 1 : vector<1x32xf32>, vector<1x32xf32>, vector<1x32xf32>, vector<1x32xf32>, vector<1x32xf32>, vector<1x32xf32>, vector<1x32xf32>, vector<1x32xf32> -> vector<1x256xf32>
    %mul3A_84 = vector.broadcast %concatenate3A_83 : vector<1x256xf32> to vector<12500x256xf32>
    %mul3A_85 = arith.mulf %add3A_24, %mul3A_84 : vector<12500x256xf32>
    %concatenate3A_86 = tpu.concatenate %sub3A_82, %sub3A_82, %sub3A_82, %sub3A_82, %sub3A_82, %sub3A_82, %sub3A_82, %sub3A_82 in 1 : vector<1x32xf32>, vector<1x32xf32>, vector<1x32xf32>, vector<1x32xf32>, vector<1x32xf32>, vector<1x32xf32>, vector<1x32xf32>, vector<1x32xf32> -> vector<1x256xf32>
    %add3A_87 = vector.broadcast %concatenate3A_86 : vector<1x256xf32> to vector<12500x256xf32>
    %add3A_88 = arith.addf %mul3A_85, %add3A_87 : vector<12500x256xf32>
    %max3A = arith.constant 0.000000e+00 : f32
    %max3A_89 = vector.broadcast %max3A : f32 to vector<12500x256xf32>
    %max3A_90 = arith.maximumf %add3A_88, %max3A_89 : vector<12500x256xf32>
    %get3A_91 = arith.constant 0 : index
    %get3A_92 = arith.constant 0 : index
    %get3A_93 = vector.load %arg8[%get3A_91, %get3A_92] : memref<256x128xf32, #tpu.memory_space<vmem>>, vector<256x128xf32>
    %dot_general3A_94 = arith.constant dense<0.000000e+00> : vector<12500x128xf32>
    %dot_general3A_95 = tpu.matmul %max3A_90, %get3A_93, %dot_general3A_94 {dimension_numbers = #tpu.dot_dimension_numbers<[1], [0], [0], [1], [0, 0, 1, 1], [], []>, transpose_lhs_hint = false} : vector<12500x256xf32>, vector<256x128xf32>, vector<12500x128xf32> -> vector<12500x128xf32>
    %get3A_96 = arith.constant 0 : index
    %get3A_97 = arith.constant 0 : index
    %get3A_98 = vector.load %arg9[%get3A_96, %get3A_97] : memref<1x16xf32, #tpu.memory_space<vmem>>, vector<1x16xf32>
    %concatenate3A_99 = tpu.concatenate %get3A_98, %get3A_98, %get3A_98, %get3A_98, %get3A_98, %get3A_98, %get3A_98, %get3A_98 in 1 : vector<1x16xf32>, vector<1x16xf32>, vector<1x16xf32>, vector<1x16xf32>, vector<1x16xf32>, vector<1x16xf32>, vector<1x16xf32>, vector<1x16xf32> -> vector<1x128xf32>
    %add3A_100 = vector.broadcast %concatenate3A_99 : vector<1x128xf32> to vector<12500x128xf32>
    %add3A_101 = arith.addf %dot_general3A_95, %add3A_100 : vector<12500x128xf32>
    %reduce_sum3A_102 = arith.constant dense<0.000000e+00> : vector<128xf32>
    %reduce_sum3A_103 = vector.multi_reduction <add>, %add3A_101, %reduce_sum3A_102 [0] : vector<12500x128xf32> to vector<128xf32>
    %broadcast_in_dim3A_104 = vector.shape_cast %reduce_sum3A_103 : vector<128xf32> to vector<1x128xf32>
    %mul3A_105 = arith.mulf %add3A_101, %add3A_101 : vector<12500x128xf32>
    %reduce_sum3A_106 = arith.constant dense<0.000000e+00> : vector<128xf32>
    %reduce_sum3A_107 = vector.multi_reduction <add>, %mul3A_105, %reduce_sum3A_106 [0] : vector<12500x128xf32> to vector<128xf32>
    %broadcast_in_dim3A_108 = vector.shape_cast %reduce_sum3A_107 : vector<128xf32> to vector<1x128xf32>
    %slice3A_109 = vector.extract_strided_slice %broadcast_in_dim3A_104 {offsets = [0, 0], sizes = [1, 16], strides = [1, 1]} : vector<1x128xf32> to vector<1x16xf32>
    %add3A_110 = arith.constant 0.000000e+00 : f32
    %add3A_111 = vector.broadcast %add3A_110 : f32 to vector<1x16xf32>
    %add3A_112 = arith.addf %add3A_111, %slice3A_109 : vector<1x16xf32>
    %slice3A_113 = vector.extract_strided_slice %broadcast_in_dim3A_104 {offsets = [0, 16], sizes = [1, 16], strides = [1, 1]} : vector<1x128xf32> to vector<1x16xf32>
    %add3A_114 = arith.addf %add3A_112, %slice3A_113 : vector<1x16xf32>
    %slice3A_115 = vector.extract_strided_slice %broadcast_in_dim3A_104 {offsets = [0, 32], sizes = [1, 16], strides = [1, 1]} : vector<1x128xf32> to vector<1x16xf32>
    %add3A_116 = arith.addf %add3A_114, %slice3A_115 : vector<1x16xf32>
    %slice3A_117 = vector.extract_strided_slice %broadcast_in_dim3A_104 {offsets = [0, 48], sizes = [1, 16], strides = [1, 1]} : vector<1x128xf32> to vector<1x16xf32>
    %add3A_118 = arith.addf %add3A_116, %slice3A_117 : vector<1x16xf32>
    %slice3A_119 = vector.extract_strided_slice %broadcast_in_dim3A_104 {offsets = [0, 64], sizes = [1, 16], strides = [1, 1]} : vector<1x128xf32> to vector<1x16xf32>
    %add3A_120 = arith.addf %add3A_118, %slice3A_119 : vector<1x16xf32>
    %slice3A_121 = vector.extract_strided_slice %broadcast_in_dim3A_104 {offsets = [0, 80], sizes = [1, 16], strides = [1, 1]} : vector<1x128xf32> to vector<1x16xf32>
    %add3A_122 = arith.addf %add3A_120, %slice3A_121 : vector<1x16xf32>
    %slice3A_123 = vector.extract_strided_slice %broadcast_in_dim3A_104 {offsets = [0, 96], sizes = [1, 16], strides = [1, 1]} : vector<1x128xf32> to vector<1x16xf32>
    %add3A_124 = arith.addf %add3A_122, %slice3A_123 : vector<1x16xf32>
    %slice3A_125 = vector.extract_strided_slice %broadcast_in_dim3A_104 {offsets = [0, 112], sizes = [1, 16], strides = [1, 1]} : vector<1x128xf32> to vector<1x16xf32>
    %add3A_126 = arith.addf %add3A_124, %slice3A_125 : vector<1x16xf32>
    %slice3A_127 = vector.extract_strided_slice %broadcast_in_dim3A_108 {offsets = [0, 0], sizes = [1, 16], strides = [1, 1]} : vector<1x128xf32> to vector<1x16xf32>
    %add3A_128 = arith.constant 0.000000e+00 : f32
    %add3A_129 = vector.broadcast %add3A_128 : f32 to vector<1x16xf32>
    %add3A_130 = arith.addf %add3A_129, %slice3A_127 : vector<1x16xf32>
    %slice3A_131 = vector.extract_strided_slice %broadcast_in_dim3A_108 {offsets = [0, 16], sizes = [1, 16], strides = [1, 1]} : vector<1x128xf32> to vector<1x16xf32>
    %add3A_132 = arith.addf %add3A_130, %slice3A_131 : vector<1x16xf32>
    %slice3A_133 = vector.extract_strided_slice %broadcast_in_dim3A_108 {offsets = [0, 32], sizes = [1, 16], strides = [1, 1]} : vector<1x128xf32> to vector<1x16xf32>
    %add3A_134 = arith.addf %add3A_132, %slice3A_133 : vector<1x16xf32>
    %slice3A_135 = vector.extract_strided_slice %broadcast_in_dim3A_108 {offsets = [0, 48], sizes = [1, 16], strides = [1, 1]} : vector<1x128xf32> to vector<1x16xf32>
    %add3A_136 = arith.addf %add3A_134, %slice3A_135 : vector<1x16xf32>
    %slice3A_137 = vector.extract_strided_slice %broadcast_in_dim3A_108 {offsets = [0, 64], sizes = [1, 16], strides = [1, 1]} : vector<1x128xf32> to vector<1x16xf32>
    %add3A_138 = arith.addf %add3A_136, %slice3A_137 : vector<1x16xf32>
    %slice3A_139 = vector.extract_strided_slice %broadcast_in_dim3A_108 {offsets = [0, 80], sizes = [1, 16], strides = [1, 1]} : vector<1x128xf32> to vector<1x16xf32>
    %add3A_140 = arith.addf %add3A_138, %slice3A_139 : vector<1x16xf32>
    %slice3A_141 = vector.extract_strided_slice %broadcast_in_dim3A_108 {offsets = [0, 96], sizes = [1, 16], strides = [1, 1]} : vector<1x128xf32> to vector<1x16xf32>
    %add3A_142 = arith.addf %add3A_140, %slice3A_141 : vector<1x16xf32>
    %slice3A_143 = vector.extract_strided_slice %broadcast_in_dim3A_108 {offsets = [0, 112], sizes = [1, 16], strides = [1, 1]} : vector<1x128xf32> to vector<1x16xf32>
    %add3A_144 = arith.addf %add3A_142, %slice3A_143 : vector<1x16xf32>
    %div3A_145 = arith.constant 1.000000e+05 : f32
    %div3A_146 = vector.broadcast %div3A_145 : f32 to vector<1x16xf32>
    %div3A_147 = arith.divf %add3A_126, %div3A_146 : vector<1x16xf32>
    %div3A_148 = arith.constant 1.000000e+05 : f32
    %div3A_149 = vector.broadcast %div3A_148 : f32 to vector<1x16xf32>
    %div3A_150 = arith.divf %add3A_144, %div3A_149 : vector<1x16xf32>
    %mul3A_151 = arith.mulf %div3A_147, %div3A_147 : vector<1x16xf32>
    %sub3A_152 = arith.subf %div3A_150, %mul3A_151 : vector<1x16xf32>
    %get3A_153 = arith.constant 0 : index
    %get3A_154 = arith.constant 0 : index
    %get3A_155 = vector.load %arg10[%get3A_153, %get3A_154] : memref<1x16xf32, #tpu.memory_space<vmem>>, vector<1x16xf32>
    %add3A_156 = arith.constant 9.99999974E-6 : f32
    %add3A_157 = vector.broadcast %add3A_156 : f32 to vector<1x16xf32>
    %add3A_158 = arith.addf %sub3A_152, %add3A_157 : vector<1x16xf32>
    %rsqrt3A_159 = math.rsqrt %add3A_158 : vector<1x16xf32>
    %mul3A_160 = arith.mulf %get3A_155, %rsqrt3A_159 : vector<1x16xf32>
    %get3A_161 = arith.constant 0 : index
    %get3A_162 = arith.constant 0 : index
    %get3A_163 = vector.load %arg11[%get3A_161, %get3A_162] : memref<1x16xf32, #tpu.memory_space<vmem>>, vector<1x16xf32>
    %mul3A_164 = arith.mulf %div3A_147, %mul3A_160 : vector<1x16xf32>
    %sub3A_165 = arith.subf %get3A_163, %mul3A_164 : vector<1x16xf32>
    %concatenate3A_166 = tpu.concatenate %mul3A_160, %mul3A_160, %mul3A_160, %mul3A_160, %mul3A_160, %mul3A_160, %mul3A_160, %mul3A_160 in 1 : vector<1x16xf32>, vector<1x16xf32>, vector<1x16xf32>, vector<1x16xf32>, vector<1x16xf32>, vector<1x16xf32>, vector<1x16xf32>, vector<1x16xf32> -> vector<1x128xf32>
    %mul3A_167 = vector.broadcast %concatenate3A_166 : vector<1x128xf32> to vector<12500x128xf32>
    %mul3A_168 = arith.mulf %add3A_101, %mul3A_167 : vector<12500x128xf32>
    %concatenate3A_169 = tpu.concatenate %sub3A_165, %sub3A_165, %sub3A_165, %sub3A_165, %sub3A_165, %sub3A_165, %sub3A_165, %sub3A_165 in 1 : vector<1x16xf32>, vector<1x16xf32>, vector<1x16xf32>, vector<1x16xf32>, vector<1x16xf32>, vector<1x16xf32>, vector<1x16xf32>, vector<1x16xf32> -> vector<1x128xf32>
    %add3A_170 = vector.broadcast %concatenate3A_169 : vector<1x128xf32> to vector<12500x128xf32>
    %add3A_171 = arith.addf %mul3A_168, %add3A_170 : vector<12500x128xf32>
    %max3A_172 = arith.constant 0.000000e+00 : f32
    %max3A_173 = vector.broadcast %max3A_172 : f32 to vector<12500x128xf32>
    %max3A_174 = arith.maximumf %add3A_171, %max3A_173 : vector<12500x128xf32>
    %swap3A = arith.constant 0 : index
    %swap3A_175 = arith.constant 0 : index
    %swap3A_176 = vector.load %arg12[%swap3A, %swap3A_175] : memref<12500x128xf32, #tpu.memory_space<vmem>>, vector<12500x128xf32>
    tpu.vector_store %arg12[%swap3A, %swap3A_175], %max3A_174 {strides = array<i32>} : memref<12500x128xf32, #tpu.memory_space<vmem>>, vector<12500x128xf32>,
    return
  }
}

module attributes {stable_mosaic.version = 14 : i64} {
  func.func @_layer_body(%arg0: memref<12500x128xf32, #tpu.memory_space<vmem>>, %arg1: memref<12500x128xf32, #tpu.memory_space<vmem>>, %arg2: memref<12500x128xf32, #tpu.memory_space<vmem>>, %arg3: memref<1x1xf32, #tpu.memory_space<vmem>>, %arg4: memref<128x256xf32, #tpu.memory_space<vmem>>, %arg5: memref<1x32xf32, #tpu.memory_space<vmem>>, %arg6: memref<1x32xf32, #tpu.memory_space<vmem>>, %arg7: memref<1x32xf32, #tpu.memory_space<vmem>>, %arg8: memref<256x128xf32, #tpu.memory_space<vmem>>, %arg9: memref<1x16xf32, #tpu.memory_space<vmem>>, %arg10: memref<1x16xf32, #tpu.memory_space<vmem>>, %arg11: memref<1x16xf32, #tpu.memory_space<vmem>>, %arg12: memref<12800x128xf32, #tpu.memory_space<vmem>>) attributes {dimension_semantics = [], scalar_prefetch = 0 : i64, scratch_operands = 0 : i64, tpu.core_type = #tpu.core_type<tc>} {
    %get3A = arith.constant 0 : index
    %get3A_0 = arith.constant 0 : index
    %get3A_1 = vector.load %arg3[%get3A, %get3A_0] : memref<1x1xf32, #tpu.memory_space<vmem>>, vector<1x1xf32>
    %get3A_2 = vector.extract %get3A_1[0, 0] : f32 from vector<1x1xf32>
    %add3A = arith.constant 1.000000e+00 : f32
    %add3A_3 = arith.addf %add3A, %get3A_2 : f32
    %get3A_4 = arith.constant 0 : index
    %get3A_5 = arith.constant 0 : index
    %get3A_6 = vector.load %arg0[%get3A_4, %get3A_5] : memref<12500x128xf32, #tpu.memory_space<vmem>>, vector<12500x128xf32>
    %mul3A = vector.broadcast %add3A_3 : f32 to vector<12500x128xf32>
    %mul3A_7 = arith.mulf %mul3A, %get3A_6 : vector<12500x128xf32>
    %get3A_8 = arith.constant 0 : index
    %get3A_9 = arith.constant 0 : index
    %get3A_10 = vector.load %arg1[%get3A_8, %get3A_9] : memref<12500x128xf32, #tpu.memory_space<vmem>>, vector<12500x128xf32>
    %add3A_11 = arith.addf %mul3A_7, %get3A_10 : vector<12500x128xf32>
    %get3A_12 = arith.constant 0 : index
    %get3A_13 = arith.constant 0 : index
    %get3A_14 = vector.load %arg2[%get3A_12, %get3A_13] : memref<12500x128xf32, #tpu.memory_space<vmem>>, vector<12500x128xf32>
    %add3A_15 = arith.addf %add3A_11, %get3A_14 : vector<12500x128xf32>
    %get3A_16 = arith.constant 0 : index
    %get3A_17 = arith.constant 0 : index
    %get3A_18 = vector.load %arg4[%get3A_16, %get3A_17] : memref<128x256xf32, #tpu.memory_space<vmem>>, vector<128x256xf32>
    %dot_general3A = arith.constant dense<0.000000e+00> : vector<12500x256xf32>
    %dot_general3A_19 = tpu.matmul %add3A_15, %get3A_18, %dot_general3A {dimension_numbers = #tpu.dot_dimension_numbers<[1], [0], [0], [1], [0, 0, 1, 1], [], []>, transpose_lhs_hint = false} : vector<12500x128xf32>, vector<128x256xf32>, vector<12500x256xf32> -> vector<12500x256xf32>
    %get3A_20 = arith.constant 0 : index
    %get3A_21 = arith.constant 0 : index
    %get3A_22 = vector.load %arg5[%get3A_20, %get3A_21] : memref<1x32xf32, #tpu.memory_space<vmem>>, vector<1x32xf32>
    %concatenate3A = tpu.concatenate %get3A_22, %get3A_22, %get3A_22, %get3A_22, %get3A_22, %get3A_22, %get3A_22, %get3A_22 in 1 : vector<1x32xf32>, vector<1x32xf32>, vector<1x32xf32>, vector<1x32xf32>, vector<1x32xf32>, vector<1x32xf32>, vector<1x32xf32>, vector<1x32xf32> -> vector<1x256xf32>
    %add3A_23 = vector.broadcast %concatenate3A : vector<1x256xf32> to vector<12500x256xf32>
    %add3A_24 = arith.addf %dot_general3A_19, %add3A_23 : vector<12500x256xf32>
    %reduce_sum3A = arith.constant dense<0.000000e+00> : vector<256xf32>
    %reduce_sum3A_25 = vector.multi_reduction <add>, %add3A_24, %reduce_sum3A [0] : vector<12500x256xf32> to vector<256xf32>
    %broadcast_in_dim3A = vector.shape_cast %reduce_sum3A_25 : vector<256xf32> to vector<1x256xf32>
    %mul3A_26 = arith.mulf %add3A_24, %add3A_24 : vector<12500x256xf32>
    %reduce_sum3A_27 = arith.constant dense<0.000000e+00> : vector<256xf32>
    %reduce_sum3A_28 = vector.multi_reduction <add>, %mul3A_26, %reduce_sum3A_27 [0] : vector<12500x256xf32> to vector<256xf32>
    %broadcast_in_dim3A_29 = vector.shape_cast %reduce_sum3A_28 : vector<256xf32> to vector<1x256xf32>
    %slice3A = vector.extract_strided_slice %broadcast_in_dim3A {offsets = [0, 0], sizes = [1, 32], strides = [1, 1]} : vector<1x256xf32> to vector<1x32xf32>
    %add3A_30 = arith.constant 0.000000e+00 : f32
    %add3A_31 = vector.broadcast %add3A_30 : f32 to vector<1x32xf32>
    %add3A_32 = arith.addf %add3A_31, %slice3A : vector<1x32xf32>
    %slice3A_33 = vector.extract_strided_slice %broadcast_in_dim3A {offsets = [0, 32], sizes = [1, 32], strides = [1, 1]} : vector<1x256xf32> to vector<1x32xf32>
    %add3A_34 = arith.addf %add3A_32, %slice3A_33 : vector<1x32xf32>
    %slice3A_35 = vector.extract_strided_slice %broadcast_in_dim3A {offsets = [0, 64], sizes = [1, 32], strides = [1, 1]} : vector<1x256xf32> to vector<1x32xf32>
    %add3A_36 = arith.addf %add3A_34, %slice3A_35 : vector<1x32xf32>
    %slice3A_37 = vector.extract_strided_slice %broadcast_in_dim3A {offsets = [0, 96], sizes = [1, 32], strides = [1, 1]} : vector<1x256xf32> to vector<1x32xf32>
    %add3A_38 = arith.addf %add3A_36, %slice3A_37 : vector<1x32xf32>
    %slice3A_39 = vector.extract_strided_slice %broadcast_in_dim3A {offsets = [0, 128], sizes = [1, 32], strides = [1, 1]} : vector<1x256xf32> to vector<1x32xf32>
    %add3A_40 = arith.addf %add3A_38, %slice3A_39 : vector<1x32xf32>
    %slice3A_41 = vector.extract_strided_slice %broadcast_in_dim3A {offsets = [0, 160], sizes = [1, 32], strides = [1, 1]} : vector<1x256xf32> to vector<1x32xf32>
    %add3A_42 = arith.addf %add3A_40, %slice3A_41 : vector<1x32xf32>
    %slice3A_43 = vector.extract_strided_slice %broadcast_in_dim3A {offsets = [0, 192], sizes = [1, 32], strides = [1, 1]} : vector<1x256xf32> to vector<1x32xf32>
    %add3A_44 = arith.addf %add3A_42, %slice3A_43 : vector<1x32xf32>
    %slice3A_45 = vector.extract_strided_slice %broadcast_in_dim3A {offsets = [0, 224], sizes = [1, 32], strides = [1, 1]} : vector<1x256xf32> to vector<1x32xf32>
    %add3A_46 = arith.addf %add3A_44, %slice3A_45 : vector<1x32xf32>
    %slice3A_47 = vector.extract_strided_slice %broadcast_in_dim3A_29 {offsets = [0, 0], sizes = [1, 32], strides = [1, 1]} : vector<1x256xf32> to vector<1x32xf32>
    %add3A_48 = arith.constant 0.000000e+00 : f32
    %add3A_49 = vector.broadcast %add3A_48 : f32 to vector<1x32xf32>
    %add3A_50 = arith.addf %add3A_49, %slice3A_47 : vector<1x32xf32>
    %slice3A_51 = vector.extract_strided_slice %broadcast_in_dim3A_29 {offsets = [0, 32], sizes = [1, 32], strides = [1, 1]} : vector<1x256xf32> to vector<1x32xf32>
    %add3A_52 = arith.addf %add3A_50, %slice3A_51 : vector<1x32xf32>
    %slice3A_53 = vector.extract_strided_slice %broadcast_in_dim3A_29 {offsets = [0, 64], sizes = [1, 32], strides = [1, 1]} : vector<1x256xf32> to vector<1x32xf32>
    %add3A_54 = arith.addf %add3A_52, %slice3A_53 : vector<1x32xf32>
    %slice3A_55 = vector.extract_strided_slice %broadcast_in_dim3A_29 {offsets = [0, 96], sizes = [1, 32], strides = [1, 1]} : vector<1x256xf32> to vector<1x32xf32>
    %add3A_56 = arith.addf %add3A_54, %slice3A_55 : vector<1x32xf32>
    %slice3A_57 = vector.extract_strided_slice %broadcast_in_dim3A_29 {offsets = [0, 128], sizes = [1, 32], strides = [1, 1]} : vector<1x256xf32> to vector<1x32xf32>
    %add3A_58 = arith.addf %add3A_56, %slice3A_57 : vector<1x32xf32>
    %slice3A_59 = vector.extract_strided_slice %broadcast_in_dim3A_29 {offsets = [0, 160], sizes = [1, 32], strides = [1, 1]} : vector<1x256xf32> to vector<1x32xf32>
    %add3A_60 = arith.addf %add3A_58, %slice3A_59 : vector<1x32xf32>
    %slice3A_61 = vector.extract_strided_slice %broadcast_in_dim3A_29 {offsets = [0, 192], sizes = [1, 32], strides = [1, 1]} : vector<1x256xf32> to vector<1x32xf32>
    %add3A_62 = arith.addf %add3A_60, %slice3A_61 : vector<1x32xf32>
    %slice3A_63 = vector.extract_strided_slice %broadcast_in_dim3A_29 {offsets = [0, 224], sizes = [1, 32], strides = [1, 1]} : vector<1x256xf32> to vector<1x32xf32>
    %add3A_64 = arith.addf %add3A_62, %slice3A_63 : vector<1x32xf32>
    %div3A = arith.constant 1.000000e+05 : f32
    %div3A_65 = vector.broadcast %div3A : f32 to vector<1x32xf32>
    %div3A_66 = arith.divf %add3A_46, %div3A_65 : vector<1x32xf32>
    %div3A_67 = arith.constant 1.000000e+05 : f32
    %div3A_68 = vector.broadcast %div3A_67 : f32 to vector<1x32xf32>
    %div3A_69 = arith.divf %add3A_64, %div3A_68 : vector<1x32xf32>
    %mul3A_70 = arith.mulf %div3A_66, %div3A_66 : vector<1x32xf32>
    %sub3A = arith.subf %div3A_69, %mul3A_70 : vector<1x32xf32>
    %get3A_71 = arith.constant 0 : index
    %get3A_72 = arith.constant 0 : index
    %get3A_73 = vector.load %arg6[%get3A_71, %get3A_72] : memref<1x32xf32, #tpu.memory_space<vmem>>, vector<1x32xf32>
    %add3A_74 = arith.constant 9.99999974E-6 : f32
    %add3A_75 = vector.broadcast %add3A_74 : f32 to vector<1x32xf32>
    %add3A_76 = arith.addf %sub3A, %add3A_75 : vector<1x32xf32>
    %rsqrt3A = math.rsqrt %add3A_76 : vector<1x32xf32>
    %mul3A_77 = arith.mulf %get3A_73, %rsqrt3A : vector<1x32xf32>
    %get3A_78 = arith.constant 0 : index
    %get3A_79 = arith.constant 0 : index
    %get3A_80 = vector.load %arg7[%get3A_78, %get3A_79] : memref<1x32xf32, #tpu.memory_space<vmem>>, vector<1x32xf32>
    %mul3A_81 = arith.mulf %div3A_66, %mul3A_77 : vector<1x32xf32>
    %sub3A_82 = arith.subf %get3A_80, %mul3A_81 : vector<1x32xf32>
    %concatenate3A_83 = tpu.concatenate %mul3A_77, %mul3A_77, %mul3A_77, %mul3A_77, %mul3A_77, %mul3A_77, %mul3A_77, %mul3A_77 in 1 : vector<1x32xf32>, vector<1x32xf32>, vector<1x32xf32>, vector<1x32xf32>, vector<1x32xf32>, vector<1x32xf32>, vector<1x32xf32>, vector<1x32xf32> -> vector<1x256xf32>
    %mul3A_84 = vector.broadcast %concatenate3A_83 : vector<1x256xf32> to vector<12500x256xf32>
    %mul3A_85 = arith.mulf %add3A_24, %mul3A_84 : vector<12500x256xf32>
    %concatenate3A_86 = tpu.concatenate %sub3A_82, %sub3A_82, %sub3A_82, %sub3A_82, %sub3A_82, %sub3A_82, %sub3A_82, %sub3A_82 in 1 : vector<1x32xf32>, vector<1x32xf32>, vector<1x32xf32>, vector<1x32xf32>, vector<1x32xf32>, vector<1x32xf32>, vector<1x32xf32>, vector<1x32xf32> -> vector<1x256xf32>
    %add3A_87 = vector.broadcast %concatenate3A_86 : vector<1x256xf32> to vector<12500x256xf32>
    %add3A_88 = arith.addf %mul3A_85, %add3A_87 : vector<12500x256xf32>
    %max3A = arith.constant 0.000000e+00 : f32
    %max3A_89 = vector.broadcast %max3A : f32 to vector<12500x256xf32>
    %max3A_90 = arith.maximumf %add3A_88, %max3A_89 : vector<12500x256xf32>
    %get3A_91 = arith.constant 0 : index
    %get3A_92 = arith.constant 0 : index
    %get3A_93 = vector.load %arg8[%get3A_91, %get3A_92] : memref<256x128xf32, #tpu.memory_space<vmem>>, vector<256x128xf32>
    %dot_general3A_94 = arith.constant dense<0.000000e+00> : vector<12500x128xf32>
    %dot_general3A_95 = tpu.matmul %max3A_90, %get3A_93, %dot_general3A_94 {dimension_numbers = #tpu.dot_dimension_numbers<[1], [0], [0], [1], [0, 0, 1, 1], [], []>, transpose_lhs_hint = false} : vector<12500x256xf32>, vector<256x128xf32>, vector<12500x128xf32> -> vector<12500x128xf32>
    %get3A_96 = arith.constant 0 : index
    %get3A_97 = arith.constant 0 : index
    %get3A_98 = vector.load %arg9[%get3A_96, %get3A_97] : memref<1x16xf32, #tpu.memory_space<vmem>>, vector<1x16xf32>
    %concatenate3A_99 = tpu.concatenate %get3A_98, %get3A_98, %get3A_98, %get3A_98, %get3A_98, %get3A_98, %get3A_98, %get3A_98 in 1 : vector<1x16xf32>, vector<1x16xf32>, vector<1x16xf32>, vector<1x16xf32>, vector<1x16xf32>, vector<1x16xf32>, vector<1x16xf32>, vector<1x16xf32> -> vector<1x128xf32>
    %add3A_100 = vector.broadcast %concatenate3A_99 : vector<1x128xf32> to vector<12500x128xf32>
    %add3A_101 = arith.addf %dot_general3A_95, %add3A_100 : vector<12500x128xf32>
    %reduce_sum3A_102 = arith.constant dense<0.000000e+00> : vector<128xf32>
    %reduce_sum3A_103 = vector.multi_reduction <add>, %add3A_101, %reduce_sum3A_102 [0] : vector<12500x128xf32> to vector<128xf32>
    %broadcast_in_dim3A_104 = vector.shape_cast %reduce_sum3A_103 : vector<128xf32> to vector<1x128xf32>
    %mul3A_105 = arith.mulf %add3A_101, %add3A_101 : vector<12500x128xf32>
    %reduce_sum3A_106 = arith.constant dense<0.000000e+00> : vector<128xf32>
    %reduce_sum3A_107 = vector.multi_reduction <add>, %mul3A_105, %reduce_sum3A_106 [0] : vector<12500x128xf32> to vector<128xf32>
    %broadcast_in_dim3A_108 = vector.shape_cast %reduce_sum3A_107 : vector<128xf32> to vector<1x128xf32>
    %slice3A_109 = vector.extract_strided_slice %broadcast_in_dim3A_104 {offsets = [0, 0], sizes = [1, 16], strides = [1, 1]} : vector<1x128xf32> to vector<1x16xf32>
    %add3A_110 = arith.constant 0.000000e+00 : f32
    %add3A_111 = vector.broadcast %add3A_110 : f32 to vector<1x16xf32>
    %add3A_112 = arith.addf %add3A_111, %slice3A_109 : vector<1x16xf32>
    %slice3A_113 = vector.extract_strided_slice %broadcast_in_dim3A_104 {offsets = [0, 16], sizes = [1, 16], strides = [1, 1]} : vector<1x128xf32> to vector<1x16xf32>
    %add3A_114 = arith.addf %add3A_112, %slice3A_113 : vector<1x16xf32>
    %slice3A_115 = vector.extract_strided_slice %broadcast_in_dim3A_104 {offsets = [0, 32], sizes = [1, 16], strides = [1, 1]} : vector<1x128xf32> to vector<1x16xf32>
    %add3A_116 = arith.addf %add3A_114, %slice3A_115 : vector<1x16xf32>
    %slice3A_117 = vector.extract_strided_slice %broadcast_in_dim3A_104 {offsets = [0, 48], sizes = [1, 16], strides = [1, 1]} : vector<1x128xf32> to vector<1x16xf32>
    %add3A_118 = arith.addf %add3A_116, %slice3A_117 : vector<1x16xf32>
    %slice3A_119 = vector.extract_strided_slice %broadcast_in_dim3A_104 {offsets = [0, 64], sizes = [1, 16], strides = [1, 1]} : vector<1x128xf32> to vector<1x16xf32>
    %add3A_120 = arith.addf %add3A_118, %slice3A_119 : vector<1x16xf32>
    %slice3A_121 = vector.extract_strided_slice %broadcast_in_dim3A_104 {offsets = [0, 80], sizes = [1, 16], strides = [1, 1]} : vector<1x128xf32> to vector<1x16xf32>
    %add3A_122 = arith.addf %add3A_120, %slice3A_121 : vector<1x16xf32>
    %slice3A_123 = vector.extract_strided_slice %broadcast_in_dim3A_104 {offsets = [0, 96], sizes = [1, 16], strides = [1, 1]} : vector<1x128xf32> to vector<1x16xf32>
    %add3A_124 = arith.addf %add3A_122, %slice3A_123 : vector<1x16xf32>
    %slice3A_125 = vector.extract_strided_slice %broadcast_in_dim3A_104 {offsets = [0, 112], sizes = [1, 16], strides = [1, 1]} : vector<1x128xf32> to vector<1x16xf32>
    %add3A_126 = arith.addf %add3A_124, %slice3A_125 : vector<1x16xf32>
    %slice3A_127 = vector.extract_strided_slice %broadcast_in_dim3A_108 {offsets = [0, 0], sizes = [1, 16], strides = [1, 1]} : vector<1x128xf32> to vector<1x16xf32>
    %add3A_128 = arith.constant 0.000000e+00 : f32
    %add3A_129 = vector.broadcast %add3A_128 : f32 to vector<1x16xf32>
    %add3A_130 = arith.addf %add3A_129, %slice3A_127 : vector<1x16xf32>
    %slice3A_131 = vector.extract_strided_slice %broadcast_in_dim3A_108 {offsets = [0, 16], sizes = [1, 16], strides = [1, 1]} : vector<1x128xf32> to vector<1x16xf32>
    %add3A_132 = arith.addf %add3A_130, %slice3A_131 : vector<1x16xf32>
    %slice3A_133 = vector.extract_strided_slice %broadcast_in_dim3A_108 {offsets = [0, 32], sizes = [1, 16], strides = [1, 1]} : vector<1x128xf32> to vector<1x16xf32>
    %add3A_134 = arith.addf %add3A_132, %slice3A_133 : vector<1x16xf32>
    %slice3A_135 = vector.extract_strided_slice %broadcast_in_dim3A_108 {offsets = [0, 48], sizes = [1, 16], strides = [1, 1]} : vector<1x128xf32> to vector<1x16xf32>
    %add3A_136 = arith.addf %add3A_134, %slice3A_135 : vector<1x16xf32>
    %slice3A_137 = vector.extract_strided_slice %broadcast_in_dim3A_108 {offsets = [0, 64], sizes = [1, 16], strides = [1, 1]} : vector<1x128xf32> to vector<1x16xf32>
    %add3A_138 = arith.addf %add3A_136, %slice3A_137 : vector<1x16xf32>
    %slice3A_139 = vector.extract_strided_slice %broadcast_in_dim3A_108 {offsets = [0, 80], sizes = [1, 16], strides = [1, 1]} : vector<1x128xf32> to vector<1x16xf32>
    %add3A_140 = arith.addf %add3A_138, %slice3A_139 : vector<1x16xf32>
    %slice3A_141 = vector.extract_strided_slice %broadcast_in_dim3A_108 {offsets = [0, 96], sizes = [1, 16], strides = [1, 1]} : vector<1x128xf32> to vector<1x16xf32>
    %add3A_142 = arith.addf %add3A_140, %slice3A_141 : vector<1x16xf32>
    %slice3A_143 = vector.extract_strided_slice %broadcast_in_dim3A_108 {offsets = [0, 112], sizes = [1, 16], strides = [1, 1]} : vector<1x128xf32> to vector<1x16xf32>
    %add3A_144 = arith.addf %add3A_142, %slice3A_143 : vector<1x16xf32>
    %div3A_145 = arith.constant 1.000000e+05 : f32
    %div3A_146 = vector.broadcast %div3A_145 : f32 to vector<1x16xf32>
    %div3A_147 = arith.divf %add3A_126, %div3A_146 : vector<1x16xf32>
    %div3A_148 = arith.constant 1.000000e+05 : f32
    %div3A_149 = vector.broadcast %div3A_148 : f32 to vector<1x16xf32>
    %div3A_150 = arith.divf %add3A_144, %div3A_149 : vector<1x16xf32>
    %mul3A_151 = arith.mulf %div3A_147, %div3A_147 : vector<1x16xf32>
    %sub3A_152 = arith.subf %div3A_150, %mul3A_151 : vector<1x16xf32>
    %get3A_153 = arith.constant 0 : index
    %get3A_154 = arith.constant 0 : index
    %get3A_155 = vector.load %arg10[%get3A_153, %get3A_154] : memref<1x16xf32, #tpu.memory_space<vmem>>, vector<1x16xf32>
    %add3A_156 = arith.constant 9.99999974E-6 : f32
    %add3A_157 = vector.broadcast %add3A_156 : f32 to vector<1x16xf32>
    %add3A_158 = arith.addf %sub3A_152, %add3A_157 : vector<1x16xf32>
    %rsqrt3A_159 = math.rsqrt %add3A_158 : vector<1x16xf32>
    %mul3A_160 = arith.mulf %get3A_155, %rsqrt3A_159 : vector<1x16xf32>
    %get3A_161 = arith.constant 0 : index
    %get3A_162 = arith.constant 0 : index
    %get3A_163 = vector.load %arg11[%get3A_161, %get3A_162] : memref<1x16xf32, #tpu.memory_space<vmem>>, vector<1x16xf32>
    %mul3A_164 = arith.mulf %div3A_147, %mul3A_160 : vector<1x16xf32>
    %sub3A_165 = arith.subf %get3A_163, %mul3A_164 : vector<1x16xf32>
    %concatenate3A_166 = tpu.concatenate %mul3A_160, %mul3A_160, %mul3A_160, %mul3A_160, %mul3A_160, %mul3A_160, %mul3A_160, %mul3A_160 in 1 : vector<1x16xf32>, vector<1x16xf32>, vector<1x16xf32>, vector<1x16xf32>, vector<1x16xf32>, vector<1x16xf32>, vector<1x16xf32>, vector<1x16xf32> -> vector<1x128xf32>
    %mul3A_167 = vector.broadcast %concatenate3A_166 : vector<1x128xf32> to vector<12500x128xf32>
    %mul3A_168 = arith.mulf %add3A_101, %mul3A_167 : vector<12500x128xf32>
    %concatenate3A_169 = tpu.concatenate %sub3A_165, %sub3A_165, %sub3A_165, %sub3A_165, %sub3A_165, %sub3A_165, %sub3A_165, %sub3A_165 in 1 : vector<1x16xf32>, vector<1x16xf32>, vector<1x16xf32>, vector<1x16xf32>, vector<1x16xf32>, vector<1x16xf32>, vector<1x16xf32>, vector<1x16xf32> -> vector<1x128xf32>
    %add3A_170 = vector.broadcast %concatenate3A_169 : vector<1x128xf32> to vector<12500x128xf32>
    %add3A_171 = arith.addf %mul3A_168, %add3A_170 : vector<12500x128xf32>
    %max3A_172 = arith.constant 0.000000e+00 : f32
    %max3A_173 = vector.broadcast %max3A_172 : f32 to vector<12500x128xf32>
    %max3A_174 = arith.maximumf %add3A_171, %max3A_173 : vector<12500x128xf32>
    %broadcast_in_dim3A_175 = arith.constant 0.000000e+00 : f32
    %broadcast_in_dim3A_176 = vector.broadcast %broadcast_in_dim3A_175 : f32 to vector<300x128xf32>
    %concatenate3A_177 = tpu.concatenate %max3A_174, %broadcast_in_dim3A_176 in 0 : vector<12500x128xf32>, vector<300x128xf32> -> vector<12800x128xf32>
    %swap3A = arith.constant 0 : index
    %swap3A_178 = arith.constant 0 : index
    %swap3A_179 = vector.load %arg12[%swap3A, %swap3A_178] : memref<12800x128xf32, #tpu.memory_space<vmem>>, vector<12800x128xf32>
    tpu.vector_store %arg12[%swap3A, %swap3A_178], %concatenate3A_177 {strides = array<i32>} : memref<12800x128xf32, #tpu.memory_space<vmem>>, vector<12800x128xf32>,
    return
  }
}

module attributes {stable_mosaic.version = 14 : i64} {
  func.func @_head_body(%arg0: memref<2x128x16xf32, #tpu.memory_space<vmem>>, %arg1: memref<16x16xf32, #tpu.memory_space<vmem>>, %arg2: memref<1x16xf32, #tpu.memory_space<vmem>>, %arg3: memref<1x16xf32, #tpu.memory_space<vmem>>, %arg4: memref<1x16xf32, #tpu.memory_space<vmem>>, %arg5: memref<16x128xf32, #tpu.memory_space<vmem>>, %arg6: memref<1x128xf32, #tpu.memory_space<vmem>>, %arg7: memref<128x128xf32, #tpu.memory_space<vmem>>, %arg8: memref<1x128xf32, #tpu.memory_space<vmem>>, %arg9: memref<128x128xf32, #tpu.memory_space<vmem>>) attributes {dimension_semantics = [], scalar_prefetch = 0 : i64, scratch_operands = 0 : i64, tpu.core_type = #tpu.core_type<tc>} {
    %get3A = arith.constant 0 : index
    %get3A_0 = arith.constant 0 : index
    %get3A_1 = arith.constant 0 : index
    %get3A_2 = vector.load %arg0[%get3A, %get3A_0, %get3A_1] : memref<2x128x16xf32, #tpu.memory_space<vmem>>, vector<1x128x16xf32>
    %get3A_3 = vector.shape_cast %get3A_2 : vector<1x128x16xf32> to vector<128x16xf32>
    %get3A_4 = arith.constant 1 : index
    %get3A_5 = arith.constant 0 : index
    %get3A_6 = arith.constant 0 : index
    %get3A_7 = vector.load %arg0[%get3A_4, %get3A_5, %get3A_6] : memref<2x128x16xf32, #tpu.memory_space<vmem>>, vector<1x128x16xf32>
    %get3A_8 = vector.shape_cast %get3A_7 : vector<1x128x16xf32> to vector<128x16xf32>
    %add3A = arith.addf %get3A_3, %get3A_8 : vector<128x16xf32>
    %get3A_9 = arith.constant 0 : index
    %get3A_10 = arith.constant 0 : index
    %get3A_11 = vector.load %arg1[%get3A_9, %get3A_10] : memref<16x16xf32, #tpu.memory_space<vmem>>, vector<16x16xf32>
    %dot_general3A = arith.constant dense<0.000000e+00> : vector<128x16xf32>
    %dot_general3A_12 = tpu.matmul %add3A, %get3A_11, %dot_general3A {dimension_numbers = #tpu.dot_dimension_numbers<[1], [0], [0], [1], [0, 0, 1, 1], [], []>, transpose_lhs_hint = false} : vector<128x16xf32>, vector<16x16xf32>, vector<128x16xf32> -> vector<128x16xf32>
    %get3A_13 = arith.constant 0 : index
    %get3A_14 = arith.constant 0 : index
    %get3A_15 = vector.load %arg2[%get3A_13, %get3A_14] : memref<1x16xf32, #tpu.memory_space<vmem>>, vector<1x16xf32>
    %add3A_16 = vector.broadcast %get3A_15 : vector<1x16xf32> to vector<128x16xf32>
    %add3A_17 = arith.addf %dot_general3A_12, %add3A_16 : vector<128x16xf32>
    %reduce_sum3A = arith.constant dense<0.000000e+00> : vector<16xf32>
    %reduce_sum3A_18 = vector.multi_reduction <add>, %add3A_17, %reduce_sum3A [0] : vector<128x16xf32> to vector<16xf32>
    %broadcast_in_dim3A = vector.shape_cast %reduce_sum3A_18 : vector<16xf32> to vector<1x16xf32>
    %div3A = arith.constant 1.280000e+02 : f32
    %div3A_19 = vector.broadcast %div3A : f32 to vector<1x16xf32>
    %div3A_20 = arith.divf %broadcast_in_dim3A, %div3A_19 : vector<1x16xf32>
    %mul3A = arith.mulf %add3A_17, %add3A_17 : vector<128x16xf32>
    %reduce_sum3A_21 = arith.constant dense<0.000000e+00> : vector<16xf32>
    %reduce_sum3A_22 = vector.multi_reduction <add>, %mul3A, %reduce_sum3A_21 [0] : vector<128x16xf32> to vector<16xf32>
    %broadcast_in_dim3A_23 = vector.shape_cast %reduce_sum3A_22 : vector<16xf32> to vector<1x16xf32>
    %div3A_24 = arith.constant 1.280000e+02 : f32
    %div3A_25 = vector.broadcast %div3A_24 : f32 to vector<1x16xf32>
    %div3A_26 = arith.divf %broadcast_in_dim3A_23, %div3A_25 : vector<1x16xf32>
    %mul3A_27 = arith.mulf %div3A_20, %div3A_20 : vector<1x16xf32>
    %sub3A = arith.subf %div3A_26, %mul3A_27 : vector<1x16xf32>
    %get3A_28 = arith.constant 0 : index
    %get3A_29 = arith.constant 0 : index
    %get3A_30 = vector.load %arg3[%get3A_28, %get3A_29] : memref<1x16xf32, #tpu.memory_space<vmem>>, vector<1x16xf32>
    %sub3A_31 = vector.broadcast %div3A_20 : vector<1x16xf32> to vector<128x16xf32>
    %sub3A_32 = arith.subf %add3A_17, %sub3A_31 : vector<128x16xf32>
    %mul3A_33 = vector.broadcast %get3A_30 : vector<1x16xf32> to vector<128x16xf32>
    %mul3A_34 = arith.mulf %mul3A_33, %sub3A_32 : vector<128x16xf32>
    %add3A_35 = arith.constant 9.99999974E-6 : f32
    %add3A_36 = vector.broadcast %add3A_35 : f32 to vector<1x16xf32>
    %add3A_37 = arith.addf %sub3A, %add3A_36 : vector<1x16xf32>
    %rsqrt3A = math.rsqrt %add3A_37 : vector<1x16xf32>
    %mul3A_38 = vector.broadcast %rsqrt3A : vector<1x16xf32> to vector<128x16xf32>
    %mul3A_39 = arith.mulf %mul3A_34, %mul3A_38 : vector<128x16xf32>
    %get3A_40 = arith.constant 0 : index
    %get3A_41 = arith.constant 0 : index
    %get3A_42 = vector.load %arg4[%get3A_40, %get3A_41] : memref<1x16xf32, #tpu.memory_space<vmem>>, vector<1x16xf32>
    %add3A_43 = vector.broadcast %get3A_42 : vector<1x16xf32> to vector<128x16xf32>
    %add3A_44 = arith.addf %mul3A_39, %add3A_43 : vector<128x16xf32>
    %max3A = arith.constant 0.000000e+00 : f32
    %max3A_45 = vector.broadcast %max3A : f32 to vector<128x16xf32>
    %max3A_46 = arith.maximumf %add3A_44, %max3A_45 : vector<128x16xf32>
    %get3A_47 = arith.constant 0 : index
    %get3A_48 = arith.constant 0 : index
    %get3A_49 = vector.load %arg5[%get3A_47, %get3A_48] : memref<16x128xf32, #tpu.memory_space<vmem>>, vector<16x128xf32>
    %dot_general3A_50 = arith.constant dense<0.000000e+00> : vector<128x128xf32>
    %dot_general3A_51 = tpu.matmul %max3A_46, %get3A_49, %dot_general3A_50 {dimension_numbers = #tpu.dot_dimension_numbers<[1], [0], [0], [1], [0, 0, 1, 1], [], []>, transpose_lhs_hint = false} : vector<128x16xf32>, vector<16x128xf32>, vector<128x128xf32> -> vector<128x128xf32>
    %get3A_52 = arith.constant 0 : index
    %get3A_53 = arith.constant 0 : index
    %get3A_54 = vector.load %arg6[%get3A_52, %get3A_53] : memref<1x128xf32, #tpu.memory_space<vmem>>, vector<1x128xf32>
    %add3A_55 = vector.broadcast %get3A_54 : vector<1x128xf32> to vector<128x128xf32>
    %add3A_56 = arith.addf %dot_general3A_51, %add3A_55 : vector<128x128xf32>
    %get3A_57 = arith.constant 0 : index
    %get3A_58 = arith.constant 0 : index
    %get3A_59 = vector.load %arg7[%get3A_57, %get3A_58] : memref<128x128xf32, #tpu.memory_space<vmem>>, vector<128x128xf32>
    %dot_general3A_60 = arith.constant dense<0.000000e+00> : vector<128x128xf32>
    %dot_general3A_61 = tpu.matmul %add3A_56, %get3A_59, %dot_general3A_60 {dimension_numbers = #tpu.dot_dimension_numbers<[1], [0], [0], [1], [0, 0, 1, 1], [], []>, transpose_lhs_hint = false} : vector<128x128xf32>, vector<128x128xf32>, vector<128x128xf32> -> vector<128x128xf32>
    %get3A_62 = arith.constant 0 : index
    %get3A_63 = arith.constant 0 : index
    %get3A_64 = vector.load %arg8[%get3A_62, %get3A_63] : memref<1x128xf32, #tpu.memory_space<vmem>>, vector<1x128xf32>
    %add3A_65 = vector.broadcast %get3A_64 : vector<1x128xf32> to vector<128x128xf32>
    %add3A_66 = arith.addf %dot_general3A_61, %add3A_65 : vector<128x128xf32>
    %swap3A = arith.constant 0 : index
    %swap3A_67 = arith.constant 0 : index
    %swap3A_68 = vector.load %arg9[%swap3A, %swap3A_67] : memref<128x128xf32, #tpu.memory_space<vmem>>, vector<128x128xf32>
    tpu.vector_store %arg9[%swap3A, %swap3A_67], %add3A_66 {strides = array<i32>} : memref<128x128xf32, #tpu.memory_space<vmem>>, vector<128x128xf32>,
    return
  }
}

</mosaic_0001>

<sc_bundles>
// kernel: kernel.10.cloned.1.call-start
scs
__scs_entry_jumppad:
0x0: {  	(pc) =	sbr.rel $0x88, $3  }
0x1: {  	(tag) =	ssettag $0x0;
	lr =	simm.s32 $0x1  }
0x2: {  	[smem:$0x3F8D] =	sst lr;
	_ =	strace $0xD0000000  }
0x3: {  	_ = 	snop  }
0x4: {  	_ = 	snop  }
0x5: {  	_ = 	snop  }
0x6: {  	_ = 	snop  }
0x7: {  	_ = 	snop  }
__scs_overlays_trampoline_lowered:
0x8: {  	[smem:$0x3F9C] =	sst s0  }
0x9: {  	[smem:$0x3F9D] =	sst s1  }
0xa: {  	[smem:$0x3F9E] =	sst s2  }
0xb: {  	[smem:$0x3F9F] =	sst s3  }
0xc: {  	[smem:$0x3FA0] =	sst s4  }
0xd: {  	[smem:$0x3FA1] =	sst s5  }
0xe: {  	[smem:$0x3FA2] =	sst s6  }
0xf: {  	[smem:$0x3FA3] =	sst s7  }
0x10: {  	[smem:$0x3FA4] =	sst s8  }
0x11: {  	[smem:$0x3FA5] =	sst s9;
	s0 =	simm.s32 @!p0 $0x0  }
0x12: {  	s1 =	sld [smem:$0x3F8B];
	s0 =	simm.s32 @p0 $0x1  }
0x13: {  	[smem:$0x3FA6] =	sst s0;
	s0 =	simm.s32 @!p1 $0x0  }
0x14: {  	s2 =	sld [smem:$0x3F8A];
	s0 =	simm.s32 @p1 $0x1  }
0x15: {  	[smem:$0x3FA7] =	sst s0;
	s0 =	simm.s32 @!p2 $0x0  }
0x16: {  	s3 =	sld [smem:$0x3FDB];
	s0 =	simm.s32 @p2 $0x1  }
0x17: {  	s4 =	simm.s32 $0x1BF5;
	[smem:$0x3FA9] =	sst s0  }
0x18: {  	s0 =	sld [smem:$0x3F8C];
	_ =	swait.ge [sflag:s4], $0x0  }
0x19: {  	s7 =	sld [smem:$0x3F8D]  }
0x1a: {  	s8 =	sadd.s32 $0xFFFFE003, lr  }
0x1b: {  	s9 =	sadd.s32 $0xFFFFFEF7, lr;
	s5 =	simm.s32 $0xFFFFFFFF;
	p2 =	slt.u32 s8, $0xFFFFF086  }
0x1c: {  	p1 =	slt.u32 s9, $0xF7A;
	s5 =	simm.s32 @!p2 $0x0  }
0x1d: {  	s5 =	simm.s32 @p1 $0x1;
	p0 =	seq.s32 s7, s2  }
0x1e: {  	s7 =	smul.u32 @!p0 $0xF7A, s2;
	p2 =	seq.s32 @!p0 s5, $0x0  }
0x1f: {  	s9 =	smul.u32 $0xF7A, s1;
	s8 =	simm.s32 @!p0 $0x1BF5;
	p2 =	por !p2, p0  }
0x20: {  	[sflag:s8] =	ssyncset.s32 @!p0 $0xFFFFF086;
	s6 =	sadd.s32 @!p0 s3, s7;
	s7 =	simm.s32 @!p0 $0x108  }
0x21: {  	s3 =	sadd.s32 s3, s9;
	s6 =	sadd.s32 @!p0 $0x88, s6;
	s7 =	simm.s32 @p2 $0x1082  }
0x22: {  	[simem:s7], [sflag:s8] =	dma.local @!p0 [hbm:s6], $0xF7A  }
0x23: {  	s9 =	sor.u32 $0xD0000000, s2;
	s6 =	simm.s32 $0x108;
	_ =	swait.ge @!p0 [sflag:s8], $0x0  }
0x24: {  	s3 =	sadd.s32 $0x88, s3;
	s6 =	simm.s32 @!p1 $0x1082;
	[sflag:s4] =	ssyncset.s32 $0xFFFFF086  }
0x25: {  	[simem:s6], [sflag:s4] =	dma.local [hbm:s3], $0xF7A  }
0x26: {  	[smem:$0x3F8D] =	sst s1;
	(tag) =	ssettag s2;
	_ =	strace s9  }
0x27: {  	s1 =	sld [smem:$0x3F9D]  }
0x28: {  	s2 =	sld [smem:$0x3F9E]  }
0x29: {  	s4 =	sld [smem:$0x3FA0]  }
0x2a: {  	p0 =	seq.s32 s5, $0x0;
	s5 =	sld [smem:$0x3FA1]  }
0x2b: {  	s6 =	sld [smem:$0x3FA2]  }
0x2c: {  	s7 =	sld [smem:$0x3FA3]  }
0x2d: {  	s3 =	simm.s32 $0x108;
	s8 =	sld [smem:$0x3FA4]  }
0x2e: {  	s3 =	simm.s32 @!p0 $0x1082;
	s9 =	sld [smem:$0x3FA5]  }
0x2f: {  	lr =	sadd.s32 s0, s3;
	s0 =	sld [smem:$0x3F9C]  }
0x30: {  	s3 =	sld [smem:$0x3F9F]  }
0x31: {  	[smem:$0x3FA8] =	sst s10  }
0x32: {  	s10 =	sld [smem:$0x3FA6];
	_ =	sdelay $0x3  }
0x33: {  	p0 =	seq.s32 s10, $0x1;
	s10 =	sld [smem:$0x3FA8];
	_ =	sdelay $0x3  }
0x34: {  	[smem:$0x3FA8] =	sst s10  }
0x35: {  	s10 =	sld [smem:$0x3FA7];
	_ =	sdelay $0x3  }
0x36: {  	p1 =	seq.s32 s10, $0x1;
	s10 =	sld [smem:$0x3FA8];
	_ =	sdelay $0x3  }
0x37: {  	[smem:$0x3FA8] =	sst s10  }
0x38: {  	s10 =	sld [smem:$0x3FA9]  }
0x39: {  	_ = 	snop;
	(pc) =	sbr.ind lr, $3  }
0x3a: {  	_ = 	snop  }
0x3b: {  	_ = 	snop  }
0x3c: {  	p2 =	seq.s32 s10, $0x1;
	s10 =	sld [smem:$0x3FA8]  }
0x3d: {  	_ =	shalt  }
0x3e: {  	_ =	shalt  }
0x3f: {  	_ =	shalt  }
0x40: {  	_ =	shalt  }
0x41: {  	_ =	shalt  }
0x42: {  	_ =	shalt  }
0x43: {  	_ =	shalt  }
0x44: {  	_ =	shalt  }
0x45: {  	_ =	shalt  }
0x46: {  	_ =	shalt  }
0x47: {  	_ =	shalt  }
0x48: {  	_ =	shalt  }
0x49: {  	_ =	shalt  }
0x4a: {  	_ =	shalt  }
0x4b: {  	_ =	shalt  }
0x4c: {  	_ =	shalt  }
0x4d: {  	_ =	shalt  }
0x4e: {  	_ =	shalt  }
0x4f: {  	_ =	shalt  }
0x50: {  	_ =	shalt  }
0x51: {  	_ =	shalt  }
0x52: {  	_ =	shalt  }
0x53: {  	_ =	shalt  }
0x54: {  	_ =	shalt  }
0x55: {  	_ =	shalt  }
0x56: {  	_ =	shalt  }
0x57: {  	_ =	shalt  }
0x58: {  	_ =	shalt  }
0x59: {  	_ =	shalt  }
0x5a: {  	_ =	shalt  }
0x5b: {  	_ =	shalt  }
0x5c: {  	_ =	shalt  }
0x5d: {  	_ =	shalt  }
0x5e: {  	_ =	shalt  }
0x5f: {  	_ =	shalt  }
0x60: {  	_ =	shalt  }
0x61: {  	_ =	shalt  }
0x62: {  	_ =	shalt  }
0x63: {  	_ =	shalt  }
0x64: {  	_ =	shalt  }
0x65: {  	_ =	shalt  }
0x66: {  	_ =	shalt  }
0x67: {  	_ =	shalt  }
0x68: {  	_ =	shalt  }
0x69: {  	_ =	shalt  }
0x6a: {  	_ =	shalt  }
0x6b: {  	_ =	shalt  }
0x6c: {  	_ =	shalt  }
0x6d: {  	_ =	shalt  }
0x6e: {  	_ =	shalt  }
0x6f: {  	_ =	shalt  }
0x70: {  	_ =	shalt  }
0x71: {  	_ =	shalt  }
0x72: {  	_ =	shalt  }
0x73: {  	_ =	shalt  }
0x74: {  	_ =	shalt  }
0x75: {  	_ =	shalt  }
0x76: {  	_ =	shalt  }
0x77: {  	_ =	shalt  }
0x78: {  	_ =	shalt  }
0x79: {  	_ =	shalt  }
0x7a: {  	_ =	shalt  }
0x7b: {  	_ =	shalt  }
0x7c: {  	_ =	shalt  }
0x7d: {  	_ =	shalt  }
0x7e: {  	_ =	shalt  }
0x7f: {  	_ =	shalt  }
0x80: {  	_ =	shalt  }
0x81: {  	_ =	shalt  }
0x82: {  	_ =	shalt  }
0x83: {  	_ =	shalt  }
0x84: {  	_ =	shalt  }
0x85: {  	_ =	shalt  }
0x86: {  	_ =	shalt  }
0x87: {  	_ =	shalt  }
.Lfunc_end0:
.L_simem_size_0:
called_computation_lowered:
.L_overlay_start_0:
0x88: {  	s2 =	sld [smem:$0x3FD9]  }
0x89: {  	s3 =	sld [smem:$0x3FFE];
	_ =	sdelay $0x1  }
0x8a: {  	s1 =	srdreg.scid  }
0x8b: {  	s0 =	sand.u32 $0x1, s1  }
0x8c: {  	s16 =	sshll.u32 s0, $0xA;
	s2 =	sadd.s32 s3, s2  }
0x8d: {  	s2 =	sadd.s32 s2, s16  }
0x8e: {  	[smem:$0x3FB4] =	sst s2  }
0x8f: {  	_ = 	snop  }
0x90: {  	(tm) =	ssettm $0x1  }
0x91: {  	s17 =	sld [smem:$0x3FFB];
	_ =	sdelay $0x3  }
0x92: {  	_ =	strace s17  }
0x93: {  	s2 =	sld [smem:$0x3FFC];
	_ =	sdelay $0x3  }
0x94: {  	_ =	strace s2  }
0x95: {  	s2 =	sld [smem:$0x3FFD];
	_ =	sdelay $0x3  }
0x96: {  	_ =	strace s2  }
0x97: {  	_ =	strace $0x8FFFFFFF  }
0x98: {  	s18 =	sld [smem:$0x3FDB];
	_ =	sdelay $0x1  }
0x99: {  	s19 =	simm.s32 $_scs_section_size  }
0x9a: {  	s4 =	simm.s32 $_size__tile_overlayer_lowered;
	s5 =	simm.s32 $_tile_overlayer_lowered  }
0x9b: {  	s22 =	simm.s32 $0x1BFF;
	s21 =	sshll.u32 s5, $0x1;
	s2 =	sadd.s32 s19, s18  }
0x9c: {  	s6 =	simm.s32 $0x0;
	s20 =	sshll.u32 s4, $0x1;
	s4 =	sadd.s32 s21, s2  }
0x9d: {  	[timem:s6], [sflag:s22] =	dma.local [hbm:s4], s20  }
0x9e: {  	_ =	swait.ge [sflag:s22], s20  }
0x9f: {  	s3 =	ssub.s32 $0x0, s20;
	[sflag:s22] =	ssyncset.done $0x0  }
0xa0: {  	[sflag:s22] =	ssyncadd.s32 s3;
	_ =	sdelay $0x1  }
0xa1: {  	s23 =	simm.s32 $0x1B8B  }
0xa2: {  	_ =	swait.ge [sflag:s23], $0x1  }
0xa3: {  	[sflag:s23] =	ssyncset.done $0x0  }
0xa4: {  	s25 =	simm.s32 $0x1B8E;
	s24 =	sld [smem:$0x3FFE];
	[sflag:s23] =	ssyncadd.s32 $0xFFFFFFFF  }
0xa5: {  	s26 =	simm.s32 $execute0_lowered;
	[smem:$0x3FD2] =	sst s25  }
0xa6: {  	s4 =	sshll.u32 s26, $0x1;
	_ =	strace $0x80000046;
	[dreg:$0x1] =	wrdreg $0xFFFFFFFF  }
0xa7: {  	s28 =	simm.s32 $_size_execute0_lowered;
	s2 =	sadd.s32 s2, s4;
	[dreg:$0x0] =	wrdreg $0x0  }
0xa8: {  	s4 =	sshll.u32 s28, $0x1;
	[dreg:$0x2] =	wrdreg s2  }
0xa9: {  	[dreg:$0x3] =	wrdreg s4  }
0xaa: {  	[dreg:$0x4] =	wrdreg $0xC0  }
0xab: {  	_ =	task [dreg:s6], $0x5FFFF  }
0xac: {  	[dreg:$0x1] =	wrdreg $0xFFFFFFFF  }
0xad: {  	[dreg:$0x0] =	wrdreg $0x60  }
0xae: {  	[dreg:$0x2] =	wrdreg s24  }
0xaf: {  	[dreg:$0x3] =	wrdreg $0x63000  }
0xb0: {  	[dreg:$0x4] =	wrdreg $0x9  }
0xb1: {  	_ =	task.clear_ibuf [dreg:s6], $0x5FFFF;
	_ =	strace $0x90000046  }
0xb2: {  	s29 =	simm.s32 $0x9;
	_ =	strace $0x80000048  }
0xb3: {  	_ =	swait.ge [sflag:s29], $0x1  }
0xb4: {  	[sflag:s29] =	ssyncadd.s32 $0xFFFFFFFF  }
0xb5: {  	_ =	strace $0x90000048  }
0xb6: {  	_ =	sfence  }
0xb7: {  	s30 =	sld [smem:$0x0];
	_ =	sdelay $0x2  }
0xb8: {  	s31 =	sshll.u32 s1, $0xD;
	s1 =	sshrl.u32 s1, $0x2  }
0xb9: {  	s3 =	sand.u32 $0x4000, s31;
	s1 =	sadd.s32 s1, s30  }
0xba: {  	s0 =	sor.u32 s3, s0;
	s1 =	sshll.u32 s1, $0x11  }
0xbb: {  	s0 =	sor.u32 s1, s0  }
0xbc: {  	s0 =	sadd.s32 $0x8F2B, s0  }
0xbd: {  	[sflag:s0] =	ssyncadd.remote.s32 $0x1  }
0xbe: {  	_ =	sfence.sel $0xFFFF  }
0xbf: {  	[dreg:$0x0] =	wrdreg $0xFFFFFFFF;
	(pc) =	sbr.abs _section_cstart, $3  }
0xc0: {  	[dreg:$0x1] =	wrdreg $0xFFFFFFFF  }
0xc1: {  	_ =	task.clear_ibuf [dreg:s6], $0x2FFFF;
	_ =	strace $0x9FFFFFFF  }
0xc2: {  	(tm) =	ssettm $0x7FFFFFFF  }
0xc3: {  	_ =	shalt  }
tec
execute0_lowered:
.L_overlay_start_1:
0x0: {  	(tag) =	ssettag $0x1  }
0x1: {  	s0 =	rddreg [dreg:$0x0]  }
0x2: {  	s1 =	rddreg [dreg:$0x1];
	s2 =	simm.s32 $0x0;
	s5 =	srdreg.scid  }
0x3: {  	s26 =	stileid.u32;
	s28 =	simm.s32 $0x5B00;
	s29 =	simm.s32 $0x1  }
0x4: {  	s30 =	simm.s32 $0x680;
	s31 =	simm.s32 $0x700;
	[smem:$0x7FF] =	sst s2  }
0x5: {  	s4 =	sadd.s32 $0x7A00, s0;
	s3 =	sadd.s32 $0x314E00, s0;
	s6 =	sadd.s32 $0x38800, s0  }
0x6: {  	s5 =	sand.u32 $0x1, s5;
	s7 =	sshll.u32 s26, $0x1;
	s9 =	smul.u32 $0x18700, s26  }
0x7: {  	s10 =	sadd.s32 $0xFBE00, s0;
	s0 =	sadd.s32 $0xFF000, s0;
	s13 =	sshll.u32 s26, $0x6  }
0x8: {  	s14 =	smul.u32 $0xC34, s26;
	s25 =	sadd.s32 $0x16E900, s1;
	p0 =	sgt.u32 s26, $0x7  }
0x9: {  	p1 =	seq.s32 s26, $0xF;
	_ =	strace $0x80000047;
	s8 =	ssub.s32 $0x2, s5  }
0xa: {  	s7 =	sor.u32 s5, s7;
	[dreg:$0xf] =	wrdreg s10;
	s17 =	smul.u32 $0x186A00, s5  }
0xb: {  	s5 =	smul.u32 $0x61A, s5;
	s13 =	sor.u32 $0x1C02, s13;
	s10 =	simm.s32 $0x400  }
0xc: {  	s26 =	sshrl.u32 s25, $0x3;
	s25 =	simm.s32 $0x900;
	[dreg:$0x10] =	wrdreg s13  }
0xd: {  	s16 =	sshrl.u32 s8, $0x1;
	s11 =	smul.u32 $0x61A, s7;
	[dreg:$0xb] =	wrdreg s10  }
0xe: {  	s12 =	sadd.s32 s9, s1;
	s7 =	smin.u32 s7, $0x10;
	[dreg:$0x17] =	wrdreg s26  }
0xf: {  	s26 =	simm.s32 $0x5300;
	s10 =	simm.s32 $0xA80;
	s8 =	ssub.s32 s8, s16  }
0x10: {  	s15 =	sshrl.u32 s17, $0x3;
	s5 =	sadd.s32 s5, s14;
	s20 =	sadd.s32 s9, s17  }
0x11: {  	s24 =	sshrl.u32 s12, $0x3;
	s14 =	simm.s32 $0x580;
	s16 =	simm.s32 $0xB00  }
0x12: {  	s17 =	simm.s32 $0x1300;
	s9 =	simm.s32 $0x380;
	s12 =	simm.s32 $0x500  }
0x13: {  	s11 =	sadd.s32 s7, s11;
	s18 =	sadd.s32 s0, s15;
	s5 =	sadd.s32 s7, s5  }
0x14: {  	s7 =	sshrl.u32 s20, $0x3;
	s23 =	smax.u32 s8, $0x1;
	[dreg:$0x16] =	wrdreg s24  }
0x15: {  	s15 =	simm.s32 $0x80;
	s8 =	simm.s32 $0x300;
	[dreg:$0xa] =	wrdreg s9  }
0x16: {  	s20 =	simm.s32 $0x2B00;
	[dreg:$0xd] =	wrdreg s12;
	s24 =	simm.s32 $0x600  }
0x17: {  	s9 =	simm.s32 $0xA00;
	s13 =	sadd.s32 $0x2DD20, s18;
	[dreg:$0x15] =	wrdreg s23  }
0x18: {  	s11 =	sshll.u32 s11, $0x4;
	s5 =	sshll.u32 s5, $0x4;
	[dreg:$0x9] =	wrdreg s8  }
0x19: {  	s0 =	sadd.s32 s0, s7;
	s7 =	simm.s32 $0x280;
	[dreg:$0xe] =	wrdreg s24  }
0x1a: {  	s18 =	simm.s32 $0x1B00;
	s23 =	simm.s32 $0x4300;
	[dreg:$0x11] =	wrdreg s13  }
0x1b: {  	s24 =	simm.s32 $0x4B00;
	s8 =	simm.s32 $0x980;
	[dreg:$0x14] =	wrdreg s0  }
0x1c: {  	s11 =	sadd.s32 $0x61A0, s11;
	s22 =	sadd.s32 s5, s6;
	[dreg:$0x8] =	wrdreg s7  }
0x1d: {  	s13 =	simm.s32 $0x2;
	s19 =	sadd.s32 s3, s11;
	[dreg:$0x4] =	wrdreg s22  }
0x1e: {  	s0 =	simm.s32 $0x780;
	s21 =	sadd.s32 s6, s11;
	[dreg:$0x12] =	wrdreg s19  }
0x1f: {  	s7 =	simm.s32 $0x880;
	s3 =	sadd.s32 s5, s3;
	[dreg:$0x13] =	wrdreg s21  }
.Ltmp0:
0x20: {  	s5 =	simm.s32 $0x180;
	[dreg:$0x3] =	wrdreg s3;
	(pc) =	sbr.rel .LBB2_1-.Ltmp0, $4  }
0x21: {  	s6 =	simm.s32 $0x200;
	s11 =	simm.s32 $0x480;
	[dreg:$0x6] =	wrdreg s5  }
0x22: {  	s22 =	simm.s32 $0x3B00;
	s3 =	simm.s32 $0x100;
	[dreg:$0x7] =	wrdreg s6  }
0x23: {  	s19 =	simm.s32 $0x2300;
	s21 =	simm.s32 $0x3300;
	[dreg:$0xc] =	wrdreg s11  }
0x24: {  	s6 =	simm.s32 $0x0;
	[dreg:$0x5] =	wrdreg s3;
	s3 =	simm.s32 $0x800  }
.LBB2_7:
0x25: {  	s5 =	rddreg [dreg:$0x10]  }
0x26: {  	s6 =	rddreg [dreg:$0x11]  }
0x27: {  	s11 =	rddreg [dreg:$0x17]  }
0x28: {  	[hbm:s6], [sflag:s5] =	dma.local [spmem:s11], $0x3020  }
0x29: {  	_ =	swait.ge [sflag:s13], $0x3020  }
0x2a: {  	[sflag:s13] =	ssyncset.done $0x0  }
0x2b: {  	s6 =	rddreg [dreg:$0x18];
	[sflag:s13] =	ssyncadd.s32 $0xFFFFCFE0  }
.LBB2_8:
0x2c: {  	s6 =	sadd.s32 $0x1, s6;
	s5 =	rddreg [dreg:$0x15]  }
0x2d: {  	p2 =	sne.s32 s6, s5  }
.Ltmp1:
0x2e: {  	_ = 	snop;
	(pc) =	sbr.rel @!p2 .LBB2_9-.Ltmp1, $1  }
0x2f: {  	_ =	sdelay $0x3  }
.LBB2_1:
0x30: {  	[dreg:$0x18] =	wrdreg s6  }
0x31: {  	s5 =	rddreg [dreg:$0xf]  }
0x32: {  	s12 =	rddreg [dreg:$0x10]  }
0x33: {  	s11 =	rddreg [dreg:$0x16]  }
0x34: {  	[spmem:s11], [sflag:s12] =	dma.local [hbm:s5], $0x30E0  }
0x35: {  	_ =	swait.ge [sflag:s13], $0x30E0  }
0x36: {  	[sflag:s13] =	ssyncset.done $0x0  }
0x37: {  	[sflag:s13] =	ssyncadd.s32 $0xFFFFCF20  }
0x38: {  	[bflag:$0x0] =	sbarrier.arrive $0xFFFF  }
0x39: {  	s12 =	rddreg [dreg:$0x3]  }
0x3a: {  	s6 =	sadd.s32 $0x0, s12  }
0x3b: {  	[tilespmem:s2], [sflag:$0x2] =	stream.linear.gather [hbm4b:s6+s2], $0x580, $0x38;
	[tilespmem:$0x1EA00] =	vst v63  }
0x3c: {  	_ =	swait.ge [sflag:s13], $0x580  }
0x3d: {  	s5 =	rddreg [dreg:$0x4];
	[sflag:s13] =	ssyncset.done $0x0  }
0x3e: {  	[sflag:s13] =	ssyncadd.s32 $0xFFFFFA80;
	s6 =	sadd.s32 $0x0, s5  }
0x3f: {  	[tilespmem:s14], [sflag:$0x2] =	stream.linear.gather [hbm4b:s6+s2], $0x580, $0x38;
	[tilespmem:$0x1EA00] =	vst v63  }
0x40: {  	_ =	swait.ge [sflag:s13], $0x580  }
0x41: {  	[sflag:s13] =	ssyncset.done $0x0  }
0x42: {  	[sflag:s13] =	ssyncadd.s32 $0xFFFFFA80  }
0x43: {  	[tilespmem:s16], [sflag:$0x1] =	stream.indirect.gather [hbm4b:s4+s15], $0x10, s2, s15, $0xb8;
	[tilespmem:$0x1EA00] =	vst v63  }
0x44: {  	_ = 	snop  }
0x45: {  	[tilespmem:s17], [sflag:$0x1] =	stream.indirect.gather [hbm4b:s4+s15], $0x10, s15, s15, $0xb8;
	[tilespmem:$0x1EA00] =	vst v63  }
0x46: {  	s11 =	rddreg [dreg:$0x5]  }
0x47: {  	[tilespmem:s18], [sflag:$0x1] =	stream.indirect.gather [hbm4b:s4+s15], $0x10, s11, s15, $0xb8;
	[tilespmem:$0x1EA00] =	vst v63  }
0x48: {  	s12 =	rddreg [dreg:$0x6]  }
0x49: {  	[tilespmem:s19], [sflag:$0x1] =	stream.indirect.gather [hbm4b:s4+s15], $0x10, s12, s15, $0xb8;
	[tilespmem:$0x1EA00] =	vst v63  }
0x4a: {  	s5 =	rddreg [dreg:$0x7]  }
0x4b: {  	[tilespmem:s20], [sflag:$0x1] =	stream.indirect.gather [hbm4b:s4+s15], $0x10, s5, s15, $0xb8;
	[tilespmem:$0x1EA00] =	vst v63  }
0x4c: {  	s12 =	rddreg [dreg:$0x8]  }
0x4d: {  	[tilespmem:s21], [sflag:$0x1] =	stream.indirect.gather [hbm4b:s4+s15], $0x10, s12, s15, $0xb8;
	[tilespmem:$0x1EA00] =	vst v63  }
0x4e: {  	s5 =	rddreg [dreg:$0x9]  }
0x4f: {  	[tilespmem:s22], [sflag:$0x1] =	stream.indirect.gather [hbm4b:s4+s15], $0x10, s5, s15, $0xb8;
	[tilespmem:$0x1EA00] =	vst v63  }
0x50: {  	s12 =	rddreg [dreg:$0xa]  }
0x51: {  	[tilespmem:s23], [sflag:$0x1] =	stream.indirect.gather [hbm4b:s4+s15], $0x10, s12, s15, $0xb8;
	[tilespmem:$0x1EA00] =	vst v63  }
0x52: {  	s5 =	rddreg [dreg:$0xb]  }
0x53: {  	[tilespmem:s24], [sflag:$0x1] =	stream.indirect.gather [hbm4b:s4+s15], $0x10, s5, s15, $0xb8;
	[tilespmem:$0x1EA00] =	vst v63  }
0x54: {  	s12 =	rddreg [dreg:$0xc]  }
0x55: {  	[tilespmem:s26], [sflag:$0x1] =	stream.indirect.gather [hbm4b:s4+s15], $0x10, s12, s15, $0xb8;
	[tilespmem:$0x1EA00] =	vst v63  }
0x56: {  	s5 =	rddreg [dreg:$0xd]  }
0x57: {  	[tilespmem:s28], [sflag:$0x1] =	stream.indirect.gather [hbm4b:s4+s15], $0x10, s5, s15, $0xb8;
	[tilespmem:$0x1EA00] =	vst v63  }
0x58: {  	_ =	swait.ge [sflag:s29], $0x800  }
0x59: {  	[sflag:s29] =	ssyncset.done $0x0  }
0x5a: {  	[sflag:s29] =	ssyncadd.s32 $0xFFFFF800  }
0x5b: {  	_ =	swait.ge [sflag:s29], $0x800  }
0x5c: {  	[sflag:s29] =	ssyncset.done $0x0  }
0x5d: {  	[sflag:s29] =	ssyncadd.s32 $0xFFFFF800  }
0x5e: {  	_ =	swait.ge [sflag:s29], $0x800  }
0x5f: {  	[sflag:s29] =	ssyncset.done $0x0  }
0x60: {  	[sflag:s29] =	ssyncadd.s32 $0xFFFFF800  }
0x61: {  	_ =	swait.ge [sflag:s29], $0x800  }
0x62: {  	[sflag:s29] =	ssyncset.done $0x0  }
0x63: {  	[sflag:s29] =	ssyncadd.s32 $0xFFFFF800  }
0x64: {  	_ =	swait.ge [sflag:s29], $0x800  }
0x65: {  	[sflag:s29] =	ssyncset.done $0x0  }
0x66: {  	[sflag:s29] =	ssyncadd.s32 $0xFFFFF800  }
0x67: {  	_ =	swait.ge [sflag:s29], $0x800  }
0x68: {  	[sflag:s29] =	ssyncset.done $0x0  }
0x69: {  	[sflag:s29] =	ssyncadd.s32 $0xFFFFF800  }
0x6a: {  	_ =	swait.ge [sflag:s29], $0x800  }
0x6b: {  	[sflag:s29] =	ssyncset.done $0x0  }
0x6c: {  	[sflag:s29] =	ssyncadd.s32 $0xFFFFF800  }
0x6d: {  	_ =	swait.ge [sflag:s29], $0x800  }
0x6e: {  	[sflag:s29] =	ssyncset.done $0x0  }
0x6f: {  	[sflag:s29] =	ssyncadd.s32 $0xFFFFF800  }
0x70: {  	_ =	swait.ge [sflag:s29], $0x800  }
0x71: {  	[sflag:s29] =	ssyncset.done $0x0  }
0x72: {  	[sflag:s29] =	ssyncadd.s32 $0xFFFFF800  }
0x73: {  	_ =	swait.ge [sflag:s29], $0x800  }
0x74: {  	[sflag:s29] =	ssyncset.done $0x0  }
0x75: {  	[sflag:s29] =	ssyncadd.s32 $0xFFFFF800  }
0x76: {  	_ =	swait.ge [sflag:s29], $0x800  }
0x77: {  	[sflag:s29] =	ssyncset.done $0x0  }
0x78: {  	[sflag:s29] =	ssyncadd.s32 $0xFFFFF800  }
0x79: {  	[spmem:s1] =	stream.indirect.scatter.add.f32 [tilespmem:s16], [sflag:$0x2], $0x10, s14, s15, $0xb8;
	[tilespmem:$0x1EA00] =	vst v63  }
0x7a: {  	_ =	swait.ge [sflag:s13], $0x800  }
0x7b: {  	[sflag:s13] =	ssyncset.done $0x0  }
0x7c: {  	s12 =	rddreg [dreg:$0xe];
	[sflag:s13] =	ssyncadd.s32 $0xFFFFF800  }
0x7d: {  	[spmem:s1] =	stream.indirect.scatter.add.f32 [tilespmem:s17], [sflag:$0x2], $0x10, s12, s15, $0xb8;
	[tilespmem:$0x1EA00] =	vst v63  }
0x7e: {  	_ =	swait.ge [sflag:s13], $0x800  }
0x7f: {  	[sflag:s13] =	ssyncset.done $0x0  }
0x80: {  	[sflag:s13] =	ssyncadd.s32 $0xFFFFF800  }
0x81: {  	[spmem:s1] =	stream.indirect.scatter.add.f32 [tilespmem:s18], [sflag:$0x2], $0x10, s30, s15, $0xb8;
	[tilespmem:$0x1EA00] =	vst v63  }
0x82: {  	_ =	swait.ge [sflag:s13], $0x800  }
0x83: {  	[sflag:s13] =	ssyncset.done $0x0  }
0x84: {  	[sflag:s13] =	ssyncadd.s32 $0xFFFFF800  }
0x85: {  	[spmem:s1] =	stream.indirect.scatter.add.f32 [tilespmem:s19], [sflag:$0x2], $0x10, s31, s15, $0xb8;
	[tilespmem:$0x1EA00] =	vst v63  }
0x86: {  	_ =	swait.ge [sflag:s13], $0x800  }
0x87: {  	[sflag:s13] =	ssyncset.done $0x0  }
0x88: {  	[sflag:s13] =	ssyncadd.s32 $0xFFFFF800  }
0x89: {  	[spmem:s1] =	stream.indirect.scatter.add.f32 [tilespmem:s20], [sflag:$0x2], $0x10, s0, s15, $0xb8;
	[tilespmem:$0x1EA00] =	vst v63  }
0x8a: {  	_ =	swait.ge [sflag:s13], $0x800  }
0x8b: {  	[sflag:s13] =	ssyncset.done $0x0  }
0x8c: {  	[sflag:s13] =	ssyncadd.s32 $0xFFFFF800  }
0x8d: {  	[spmem:s1] =	stream.indirect.scatter.add.f32 [tilespmem:s21], [sflag:$0x2], $0x10, s3, s15, $0xb8;
	[tilespmem:$0x1EA00] =	vst v63  }
0x8e: {  	_ =	swait.ge [sflag:s13], $0x800  }
0x8f: {  	[sflag:s13] =	ssyncset.done $0x0  }
0x90: {  	[sflag:s13] =	ssyncadd.s32 $0xFFFFF800  }
0x91: {  	[spmem:s1] =	stream.indirect.scatter.add.f32 [tilespmem:s22], [sflag:$0x2], $0x10, s7, s15, $0xb8;
	[tilespmem:$0x1EA00] =	vst v63  }
0x92: {  	_ =	swait.ge [sflag:s13], $0x800  }
0x93: {  	[sflag:s13] =	ssyncset.done $0x0  }
0x94: {  	[sflag:s13] =	ssyncadd.s32 $0xFFFFF800  }
0x95: {  	[spmem:s1] =	stream.indirect.scatter.add.f32 [tilespmem:s23], [sflag:$0x2], $0x10, s25, s15, $0xb8;
	[tilespmem:$0x1EA00] =	vst v63  }
0x96: {  	_ =	swait.ge [sflag:s13], $0x800  }
0x97: {  	[sflag:s13] =	ssyncset.done $0x0  }
0x98: {  	[sflag:s13] =	ssyncadd.s32 $0xFFFFF800  }
0x99: {  	[spmem:s1] =	stream.indirect.scatter.add.f32 [tilespmem:s24], [sflag:$0x2], $0x10, s8, s15, $0xb8;
	[tilespmem:$0x1EA00] =	vst v63  }
0x9a: {  	_ =	swait.ge [sflag:s13], $0x800  }
0x9b: {  	[sflag:s13] =	ssyncset.done $0x0  }
0x9c: {  	[sflag:s13] =	ssyncadd.s32 $0xFFFFF800  }
0x9d: {  	[spmem:s1] =	stream.indirect.scatter.add.f32 [tilespmem:s26], [sflag:$0x2], $0x10, s9, s15, $0xb8;
	[tilespmem:$0x1EA00] =	vst v63  }
0x9e: {  	_ =	swait.ge [sflag:s13], $0x800  }
0x9f: {  	[sflag:s13] =	ssyncset.done $0x0  }
0xa0: {  	[sflag:s13] =	ssyncadd.s32 $0xFFFFF800  }
0xa1: {  	[spmem:s1] =	stream.indirect.scatter.add.f32 [tilespmem:s28], [sflag:$0x2], $0x10, s10, s15, $0xb8;
	[tilespmem:$0x1EA00] =	vst v63  }
0xa2: {  	s11 =	simm.s32 $0xB0;
	_ =	swait.ge [sflag:s13], $0x800  }
0xa3: {  	s12 =	simm.s32 $0x160;
	s6 =	rddreg [dreg:$0x3];
	[sflag:s13] =	ssyncset.done $0x0  }
.LBB2_2:
0xa4: {  	[sflag:s13] =	ssyncadd.s32 $0xFFFFF800;
	s6 =	sadd.s32 s11, s6  }
0xa5: {  	[tilespmem:s2], [sflag:$0x2] =	stream.linear.gather [hbm4b:s6+s2], $0x580, $0x38;
	[tilespmem:$0x1EA00] =	vst v63  }
0xa6: {  	_ =	swait.ge [sflag:s13], $0x580  }
0xa7: {  	s6 =	rddreg [dreg:$0x4];
	[sflag:s13] =	ssyncset.done $0x0  }
0xa8: {  	[sflag:s13] =	ssyncadd.s32 $0xFFFFFA80;
	s6 =	sadd.s32 s11, s6  }
0xa9: {  	[tilespmem:s14], [sflag:$0x2] =	stream.linear.gather [hbm4b:s6+s2], $0x580, $0x38;
	[tilespmem:$0x1EA00] =	vst v63  }
0xaa: {  	_ =	swait.ge [sflag:s13], $0x580  }
0xab: {  	[sflag:s13] =	ssyncset.done $0x0  }
0xac: {  	[sflag:s13] =	ssyncadd.s32 $0xFFFFFA80  }
0xad: {  	[tilespmem:s16], [sflag:$0x1] =	stream.indirect.gather [hbm4b:s4+s15], $0x10, s2, s15, $0xb8;
	[tilespmem:$0x1EA00] =	vst v63  }
0xae: {  	s5 =	smov.u32 s12  }
0xaf: {  	[tilespmem:s17], [sflag:$0x1] =	stream.indirect.gather [hbm4b:s4+s15], $0x10, s15, s15, $0xb8;
	[tilespmem:$0x1EA00] =	vst v63  }
0xb0: {  	s11 =	smov.u32 s5;
	s5 =	rddreg [dreg:$0x5]  }
0xb1: {  	[tilespmem:s18], [sflag:$0x1] =	stream.indirect.gather [hbm4b:s4+s15], $0x10, s5, s15, $0xb8;
	[tilespmem:$0x1EA00] =	vst v63  }
0xb2: {  	s6 =	rddreg [dreg:$0x6]  }
0xb3: {  	[tilespmem:s19], [sflag:$0x1] =	stream.indirect.gather [hbm4b:s4+s15], $0x10, s6, s15, $0xb8;
	[tilespmem:$0x1EA00] =	vst v63  }
0xb4: {  	s5 =	rddreg [dreg:$0x7]  }
0xb5: {  	[tilespmem:s20], [sflag:$0x1] =	stream.indirect.gather [hbm4b:s4+s15], $0x10, s5, s15, $0xb8;
	[tilespmem:$0x1EA00] =	vst v63  }
0xb6: {  	s6 =	rddreg [dreg:$0x8]  }
0xb7: {  	[tilespmem:s21], [sflag:$0x1] =	stream.indirect.gather [hbm4b:s4+s15], $0x10, s6, s15, $0xb8;
	[tilespmem:$0x1EA00] =	vst v63  }
0xb8: {  	s5 =	rddreg [dreg:$0x9]  }
0xb9: {  	[tilespmem:s22], [sflag:$0x1] =	stream.indirect.gather [hbm4b:s4+s15], $0x10, s5, s15, $0xb8;
	[tilespmem:$0x1EA00] =	vst v63  }
0xba: {  	s6 =	rddreg [dreg:$0xa]  }
0xbb: {  	[tilespmem:s23], [sflag:$0x1] =	stream.indirect.gather [hbm4b:s4+s15], $0x10, s6, s15, $0xb8;
	[tilespmem:$0x1EA00] =	vst v63  }
0xbc: {  	s5 =	rddreg [dreg:$0xb]  }
0xbd: {  	[tilespmem:s24], [sflag:$0x1] =	stream.indirect.gather [hbm4b:s4+s15], $0x10, s5, s15, $0xb8;
	[tilespmem:$0x1EA00] =	vst v63  }
0xbe: {  	s6 =	rddreg [dreg:$0xc]  }
0xbf: {  	[tilespmem:s26], [sflag:$0x1] =	stream.indirect.gather [hbm4b:s4+s15], $0x10, s6, s15, $0xb8;
	[tilespmem:$0x1EA00] =	vst v63  }
0xc0: {  	s5 =	rddreg [dreg:$0xd]  }
0xc1: {  	[tilespmem:s28], [sflag:$0x1] =	stream.indirect.gather [hbm4b:s4+s15], $0x10, s5, s15, $0xb8;
	[tilespmem:$0x1EA00] =	vst v63  }
0xc2: {  	_ =	swait.ge [sflag:s29], $0x800  }
0xc3: {  	[sflag:s29] =	ssyncset.done $0x0  }
0xc4: {  	[sflag:s29] =	ssyncadd.s32 $0xFFFFF800  }
0xc5: {  	_ =	swait.ge [sflag:s29], $0x800  }
0xc6: {  	[sflag:s29] =	ssyncset.done $0x0  }
0xc7: {  	[sflag:s29] =	ssyncadd.s32 $0xFFFFF800  }
0xc8: {  	_ =	swait.ge [sflag:s29], $0x800  }
0xc9: {  	[sflag:s29] =	ssyncset.done $0x0  }
0xca: {  	[sflag:s29] =	ssyncadd.s32 $0xFFFFF800  }
0xcb: {  	_ =	swait.ge [sflag:s29], $0x800  }
0xcc: {  	[sflag:s29] =	ssyncset.done $0x0  }
0xcd: {  	[sflag:s29] =	ssyncadd.s32 $0xFFFFF800  }
0xce: {  	_ =	swait.ge [sflag:s29], $0x800  }
0xcf: {  	[sflag:s29] =	ssyncset.done $0x0  }
0xd0: {  	[sflag:s29] =	ssyncadd.s32 $0xFFFFF800  }
0xd1: {  	_ =	swait.ge [sflag:s29], $0x800  }
0xd2: {  	[sflag:s29] =	ssyncset.done $0x0  }
0xd3: {  	[sflag:s29] =	ssyncadd.s32 $0xFFFFF800  }
0xd4: {  	_ =	swait.ge [sflag:s29], $0x800  }
0xd5: {  	[sflag:s29] =	ssyncset.done $0x0  }
0xd6: {  	[sflag:s29] =	ssyncadd.s32 $0xFFFFF800  }
0xd7: {  	_ =	swait.ge [sflag:s29], $0x800  }
0xd8: {  	[sflag:s29] =	ssyncset.done $0x0  }
0xd9: {  	[sflag:s29] =	ssyncadd.s32 $0xFFFFF800  }
0xda: {  	_ =	swait.ge [sflag:s29], $0x800  }
0xdb: {  	[sflag:s29] =	ssyncset.done $0x0  }
0xdc: {  	[sflag:s29] =	ssyncadd.s32 $0xFFFFF800  }
0xdd: {  	_ =	swait.ge [sflag:s29], $0x800  }
0xde: {  	[sflag:s29] =	ssyncset.done $0x0  }
0xdf: {  	[sflag:s29] =	ssyncadd.s32 $0xFFFFF800  }
0xe0: {  	_ =	swait.ge [sflag:s29], $0x800  }
0xe1: {  	[sflag:s29] =	ssyncset.done $0x0  }
0xe2: {  	[sflag:s29] =	ssyncadd.s32 $0xFFFFF800  }
0xe3: {  	[spmem:s1] =	stream.indirect.scatter.add.f32 [tilespmem:s16], [sflag:$0x2], $0x10, s14, s15, $0xb8;
	[tilespmem:$0x1EA00] =	vst v63  }
0xe4: {  	_ =	swait.ge [sflag:s13], $0x800  }
0xe5: {  	[sflag:s13] =	ssyncset.done $0x0  }
0xe6: {  	s6 =	rddreg [dreg:$0xe];
	[sflag:s13] =	ssyncadd.s32 $0xFFFFF800  }
0xe7: {  	[spmem:s1] =	stream.indirect.scatter.add.f32 [tilespmem:s17], [sflag:$0x2], $0x10, s6, s15, $0xb8;
	[tilespmem:$0x1EA00] =	vst v63  }
0xe8: {  	_ =	swait.ge [sflag:s13], $0x800  }
0xe9: {  	[sflag:s13] =	ssyncset.done $0x0  }
0xea: {  	[sflag:s13] =	ssyncadd.s32 $0xFFFFF800  }
0xeb: {  	[spmem:s1] =	stream.indirect.scatter.add.f32 [tilespmem:s18], [sflag:$0x2], $0x10, s30, s15, $0xb8;
	[tilespmem:$0x1EA00] =	vst v63  }
0xec: {  	_ =	swait.ge [sflag:s13], $0x800  }
0xed: {  	[sflag:s13] =	ssyncset.done $0x0  }
0xee: {  	[sflag:s13] =	ssyncadd.s32 $0xFFFFF800  }
0xef: {  	[spmem:s1] =	stream.indirect.scatter.add.f32 [tilespmem:s19], [sflag:$0x2], $0x10, s31, s15, $0xb8;
	[tilespmem:$0x1EA00] =	vst v63  }
0xf0: {  	_ =	swait.ge [sflag:s13], $0x800  }
0xf1: {  	[sflag:s13] =	ssyncset.done $0x0  }
0xf2: {  	[sflag:s13] =	ssyncadd.s32 $0xFFFFF800  }
0xf3: {  	[spmem:s1] =	stream.indirect.scatter.add.f32 [tilespmem:s20], [sflag:$0x2], $0x10, s0, s15, $0xb8;
	[tilespmem:$0x1EA00] =	vst v63  }
0xf4: {  	_ =	swait.ge [sflag:s13], $0x800  }
0xf5: {  	[sflag:s13] =	ssyncset.done $0x0  }
0xf6: {  	[sflag:s13] =	ssyncadd.s32 $0xFFFFF800  }
0xf7: {  	[spmem:s1] =	stream.indirect.scatter.add.f32 [tilespmem:s21], [sflag:$0x2], $0x10, s3, s15, $0xb8;
	[tilespmem:$0x1EA00] =	vst v63  }
0xf8: {  	_ =	swait.ge [sflag:s13], $0x800  }
0xf9: {  	[sflag:s13] =	ssyncset.done $0x0  }
0xfa: {  	[sflag:s13] =	ssyncadd.s32 $0xFFFFF800  }
0xfb: {  	[spmem:s1] =	stream.indirect.scatter.add.f32 [tilespmem:s22], [sflag:$0x2], $0x10, s7, s15, $0xb8;
	[tilespmem:$0x1EA00] =	vst v63  }
0xfc: {  	_ =	swait.ge [sflag:s13], $0x800  }
0xfd: {  	[sflag:s13] =	ssyncset.done $0x0  }
0xfe: {  	[sflag:s13] =	ssyncadd.s32 $0xFFFFF800  }
0xff: {  	[spmem:s1] =	stream.indirect.scatter.add.f32 [tilespmem:s23], [sflag:$0x2], $0x10, s25, s15, $0xb8;
	[tilespmem:$0x1EA00] =	vst v63  }
0x100: {  	_ =	swait.ge [sflag:s13], $0x800  }
0x101: {  	[sflag:s13] =	ssyncset.done $0x0  }
0x102: {  	[sflag:s13] =	ssyncadd.s32 $0xFFFFF800  }
0x103: {  	[spmem:s1] =	stream.indirect.scatter.add.f32 [tilespmem:s24], [sflag:$0x2], $0x10, s8, s15, $0xb8;
	[tilespmem:$0x1EA00] =	vst v63  }
0x104: {  	_ =	swait.ge [sflag:s13], $0x800  }
0x105: {  	[sflag:s13] =	ssyncset.done $0x0  }
0x106: {  	[sflag:s13] =	ssyncadd.s32 $0xFFFFF800  }
0x107: {  	[spmem:s1] =	stream.indirect.scatter.add.f32 [tilespmem:s26], [sflag:$0x2], $0x10, s9, s15, $0xb8;
	[tilespmem:$0x1EA00] =	vst v63  }
0x108: {  	p2 =	sne.s32 s12, $0x60F0;
	_ =	swait.ge [sflag:s13], $0x800  }
.Ltmp2:
0x109: {  	[sflag:s13] =	ssyncset.done $0x0;
	(pc) =	sbr.rel @p2 .LBB2_2-.Ltmp2, $4  }
0x10a: {  	[sflag:s13] =	ssyncadd.s32 $0xFFFFF800  }
0x10b: {  	[spmem:s1] =	stream.indirect.scatter.add.f32 [tilespmem:s28], [sflag:$0x2], $0x10, s10, s15, $0xb8;
	[tilespmem:$0x1EA00] =	vst v63  }
0x10c: {  	_ =	swait.ge [sflag:s13], $0x800  }
0x10d: {  	s12 =	sadd.s32 $0xB0, s12;
	s6 =	rddreg [dreg:$0x3];
	[sflag:s13] =	ssyncset.done $0x0  }
0x10e: {  	[sflag:s13] =	ssyncadd.s32 $0xFFFFF800;
	s5 =	sadd.s32 s11, s6  }
0x10f: {  	[tilespmem:s2], [sflag:$0x2] =	stream.linear.gather [hbm4b:s5+s2], $0x580, $0x38;
	[tilespmem:$0x1EA00] =	vst v63  }
0x110: {  	_ =	swait.ge [sflag:s13], $0x580  }
0x111: {  	s6 =	rddreg [dreg:$0x4];
	[sflag:s13] =	ssyncset.done $0x0  }
0x112: {  	[sflag:s13] =	ssyncadd.s32 $0xFFFFFA80;
	s5 =	sadd.s32 s11, s6  }
0x113: {  	[tilespmem:s14], [sflag:$0x2] =	stream.linear.gather [hbm4b:s5+s2], $0x580, $0x38;
	[tilespmem:$0x1EA00] =	vst v63  }
0x114: {  	_ =	swait.ge [sflag:s13], $0x580  }
0x115: {  	[sflag:s13] =	ssyncset.done $0x0  }
0x116: {  	[sflag:s13] =	ssyncadd.s32 $0xFFFFFA80  }
0x117: {  	[tilespmem:s16], [sflag:$0x1] =	stream.indirect.gather [hbm4b:s4+s15], $0x10, s2, s15, $0xb8;
	[tilespmem:$0x1EA00] =	vst v63  }
0x118: {  	_ = 	snop  }
0x119: {  	[tilespmem:s17], [sflag:$0x1] =	stream.indirect.gather [hbm4b:s4+s15], $0x10, s15, s15, $0xb8;
	[tilespmem:$0x1EA00] =	vst v63  }
0x11a: {  	s11 =	rddreg [dreg:$0x5]  }
0x11b: {  	[tilespmem:s18], [sflag:$0x1] =	stream.indirect.gather [hbm4b:s4+s15], $0x10, s11, s15, $0xb8;
	[tilespmem:$0x1EA00] =	vst v63  }
0x11c: {  	s12 =	rddreg [dreg:$0x6]  }
0x11d: {  	[tilespmem:s19], [sflag:$0x1] =	stream.indirect.gather [hbm4b:s4+s15], $0x10, s12, s15, $0xb8;
	[tilespmem:$0x1EA00] =	vst v63  }
0x11e: {  	s11 =	rddreg [dreg:$0x7]  }
0x11f: {  	[tilespmem:s20], [sflag:$0x1] =	stream.indirect.gather [hbm4b:s4+s15], $0x10, s11, s15, $0xb8;
	[tilespmem:$0x1EA00] =	vst v63  }
0x120: {  	s12 =	rddreg [dreg:$0x8]  }
0x121: {  	[tilespmem:s21], [sflag:$0x1] =	stream.indirect.gather [hbm4b:s4+s15], $0x10, s12, s15, $0xb8;
	[tilespmem:$0x1EA00] =	vst v63  }
0x122: {  	s11 =	rddreg [dreg:$0x9]  }
0x123: {  	[tilespmem:s22], [sflag:$0x1] =	stream.indirect.gather [hbm4b:s4+s15], $0x10, s11, s15, $0xb8;
	[tilespmem:$0x1EA00] =	vst v63  }
0x124: {  	s12 =	rddreg [dreg:$0xa]  }
0x125: {  	[tilespmem:s23], [sflag:$0x1] =	stream.indirect.gather [hbm4b:s4+s15], $0x10, s12, s15, $0xb8;
	[tilespmem:$0x1EA00] =	vst v63  }
0x126: {  	s11 =	rddreg [dreg:$0xb]  }
0x127: {  	[tilespmem:s24], [sflag:$0x1] =	stream.indirect.gather [hbm4b:s4+s15], $0x10, s11, s15, $0xb8;
	[tilespmem:$0x1EA00] =	vst v63  }
0x128: {  	s12 =	rddreg [dreg:$0xc]  }
0x129: {  	[tilespmem:s26], [sflag:$0x1] =	stream.indirect.gather [hbm4b:s4+s15], $0x10, s12, s15, $0xb8;
	[tilespmem:$0x1EA00] =	vst v63  }
0x12a: {  	s11 =	rddreg [dreg:$0xd]  }
0x12b: {  	[tilespmem:s28], [sflag:$0x1] =	stream.indirect.gather [hbm4b:s4+s15], $0x10, s11, s15, $0xb8;
	[tilespmem:$0x1EA00] =	vst v63  }
0x12c: {  	_ =	swait.ge [sflag:s29], $0x800  }
0x12d: {  	[sflag:s29] =	ssyncset.done $0x0  }
0x12e: {  	[sflag:s29] =	ssyncadd.s32 $0xFFFFF800  }
0x12f: {  	_ =	swait.ge [sflag:s29], $0x800  }
0x130: {  	[sflag:s29] =	ssyncset.done $0x0  }
0x131: {  	[sflag:s29] =	ssyncadd.s32 $0xFFFFF800  }
0x132: {  	_ =	swait.ge [sflag:s29], $0x800  }
0x133: {  	[sflag:s29] =	ssyncset.done $0x0  }
0x134: {  	[sflag:s29] =	ssyncadd.s32 $0xFFFFF800  }
0x135: {  	_ =	swait.ge [sflag:s29], $0x800  }
0x136: {  	[sflag:s29] =	ssyncset.done $0x0  }
0x137: {  	[sflag:s29] =	ssyncadd.s32 $0xFFFFF800  }
0x138: {  	_ =	swait.ge [sflag:s29], $0x800  }
0x139: {  	[sflag:s29] =	ssyncset.done $0x0  }
0x13a: {  	[sflag:s29] =	ssyncadd.s32 $0xFFFFF800  }
0x13b: {  	_ =	swait.ge [sflag:s29], $0x800  }
0x13c: {  	[sflag:s29] =	ssyncset.done $0x0  }
0x13d: {  	[sflag:s29] =	ssyncadd.s32 $0xFFFFF800  }
0x13e: {  	_ =	swait.ge [sflag:s29], $0x800  }
0x13f: {  	[sflag:s29] =	ssyncset.done $0x0  }
0x140: {  	[sflag:s29] =	ssyncadd.s32 $0xFFFFF800  }
0x141: {  	_ =	swait.ge [sflag:s29], $0x800  }
0x142: {  	[sflag:s29] =	ssyncset.done $0x0  }
0x143: {  	[sflag:s29] =	ssyncadd.s32 $0xFFFFF800  }
0x144: {  	_ =	swait.ge [sflag:s29], $0x800  }
0x145: {  	[sflag:s29] =	ssyncset.done $0x0  }
0x146: {  	[sflag:s29] =	ssyncadd.s32 $0xFFFFF800  }
0x147: {  	_ =	swait.ge [sflag:s29], $0x800  }
0x148: {  	[sflag:s29] =	ssyncset.done $0x0  }
0x149: {  	[sflag:s29] =	ssyncadd.s32 $0xFFFFF800  }
0x14a: {  	_ =	swait.ge [sflag:s29], $0x800  }
0x14b: {  	[sflag:s29] =	ssyncset.done $0x0  }
0x14c: {  	[sflag:s29] =	ssyncadd.s32 $0xFFFFF800  }
0x14d: {  	[spmem:s1] =	stream.indirect.scatter.add.f32 [tilespmem:s16], [sflag:$0x2], $0x10, s14, s15, $0xb8;
	[tilespmem:$0x1EA00] =	vst v63  }
0x14e: {  	_ =	swait.ge [sflag:s13], $0x800  }
0x14f: {  	[sflag:s13] =	ssyncset.done $0x0  }
0x150: {  	s12 =	rddreg [dreg:$0xe];
	[sflag:s13] =	ssyncadd.s32 $0xFFFFF800  }
0x151: {  	[spmem:s1] =	stream.indirect.scatter.add.f32 [tilespmem:s17], [sflag:$0x2], $0x10, s12, s15, $0xb8;
	[tilespmem:$0x1EA00] =	vst v63  }
0x152: {  	_ =	swait.ge [sflag:s13], $0x800  }
0x153: {  	[sflag:s13] =	ssyncset.done $0x0  }
0x154: {  	[sflag:s13] =	ssyncadd.s32 $0xFFFFF800  }
0x155: {  	[spmem:s1] =	stream.indirect.scatter.add.f32 [tilespmem:s18], [sflag:$0x2], $0x10, s30, s15, $0xb8;
	[tilespmem:$0x1EA00] =	vst v63  }
0x156: {  	_ =	swait.ge [sflag:s13], $0x800  }
0x157: {  	[sflag:s13] =	ssyncset.done $0x0  }
0x158: {  	[sflag:s13] =	ssyncadd.s32 $0xFFFFF800  }
0x159: {  	[spmem:s1] =	stream.indirect.scatter.add.f32 [tilespmem:s19], [sflag:$0x2], $0x10, s31, s15, $0xb8;
	[tilespmem:$0x1EA00] =	vst v63  }
0x15a: {  	_ =	swait.ge [sflag:s13], $0x800  }
0x15b: {  	[sflag:s13] =	ssyncset.done $0x0  }
0x15c: {  	[sflag:s13] =	ssyncadd.s32 $0xFFFFF800  }
0x15d: {  	[spmem:s1] =	stream.indirect.scatter.add.f32 [tilespmem:s20], [sflag:$0x2], $0x10, s0, s15, $0xb8;
	[tilespmem:$0x1EA00] =	vst v63  }
0x15e: {  	_ =	swait.ge [sflag:s13], $0x800  }
0x15f: {  	[sflag:s13] =	ssyncset.done $0x0  }
0x160: {  	[sflag:s13] =	ssyncadd.s32 $0xFFFFF800  }
0x161: {  	[spmem:s1] =	stream.indirect.scatter.add.f32 [tilespmem:s21], [sflag:$0x2], $0x10, s3, s15, $0xb8;
	[tilespmem:$0x1EA00] =	vst v63  }
0x162: {  	_ =	swait.ge [sflag:s13], $0x800  }
0x163: {  	[sflag:s13] =	ssyncset.done $0x0  }
0x164: {  	[sflag:s13] =	ssyncadd.s32 $0xFFFFF800  }
0x165: {  	[spmem:s1] =	stream.indirect.scatter.add.f32 [tilespmem:s22], [sflag:$0x2], $0x10, s7, s15, $0xb8;
	[tilespmem:$0x1EA00] =	vst v63  }
0x166: {  	_ =	swait.ge [sflag:s13], $0x800  }
0x167: {  	[sflag:s13] =	ssyncset.done $0x0  }
0x168: {  	[sflag:s13] =	ssyncadd.s32 $0xFFFFF800  }
0x169: {  	[spmem:s1] =	stream.indirect.scatter.add.f32 [tilespmem:s23], [sflag:$0x2], $0x10, s25, s15, $0xb8;
	[tilespmem:$0x1EA00] =	vst v63  }
0x16a: {  	_ =	swait.ge [sflag:s13], $0x800  }
0x16b: {  	[sflag:s13] =	ssyncset.done $0x0  }
0x16c: {  	[sflag:s13] =	ssyncadd.s32 $0xFFFFF800  }
0x16d: {  	[spmem:s1] =	stream.indirect.scatter.add.f32 [tilespmem:s24], [sflag:$0x2], $0x10, s8, s15, $0xb8;
	[tilespmem:$0x1EA00] =	vst v63  }
0x16e: {  	_ =	swait.ge [sflag:s13], $0x800  }
0x16f: {  	[sflag:s13] =	ssyncset.done $0x0  }
0x170: {  	[sflag:s13] =	ssyncadd.s32 $0xFFFFF800  }
0x171: {  	[spmem:s1] =	stream.indirect.scatter.add.f32 [tilespmem:s26], [sflag:$0x2], $0x10, s9, s15, $0xb8;
	[tilespmem:$0x1EA00] =	vst v63  }
0x172: {  	_ =	swait.ge [sflag:s13], $0x800  }
0x173: {  	[sflag:s13] =	ssyncset.done $0x0  }
.Ltmp3:
0x174: {  	[sflag:s13] =	ssyncadd.s32 $0xFFFFF800;
	(pc) =	sbr.rel @p0 .LBB2_5-.Ltmp3, $4  }
0x175: {  	[spmem:s1] =	stream.indirect.scatter.add.f32 [tilespmem:s28], [sflag:$0x2], $0x10, s10, s15, $0xb8;
	[tilespmem:$0x1EA00] =	vst v63  }
0x176: {  	_ =	swait.ge [sflag:s13], $0x800  }
0x177: {  	[sflag:s13] =	ssyncset.done $0x0  }
0x178: {  	[sflag:s13] =	ssyncadd.s32 $0xFFFFF800  }
0x179: {  	s5 =	rddreg [dreg:$0x12]  }
0x17a: {  	[tilespmem:s2], [sflag:$0x2] =	stream.linear.gather [hbm4b:s5+s2], $0x80, $0x38;
	[tilespmem:$0x1EA00] =	vst v63  }
0x17b: {  	_ =	swait.ge [sflag:s13], $0x80  }
0x17c: {  	[sflag:s13] =	ssyncset.done $0x0  }
0x17d: {  	s12 =	rddreg [dreg:$0x13];
	[sflag:s13] =	ssyncadd.s32 $0xFFFFFF80  }
0x17e: {  	[tilespmem:s14], [sflag:$0x2] =	stream.linear.gather [hbm4b:s12+s2], $0x80, $0x38;
	[tilespmem:$0x1EA00] =	vst v63  }
0x17f: {  	_ =	swait.ge [sflag:s13], $0x80  }
0x180: {  	[sflag:s13] =	ssyncset.done $0x0  }
0x181: {  	[sflag:s13] =	ssyncadd.s32 $0xFFFFFF80  }
0x182: {  	[tilespmem:s16], [sflag:$0x1] =	stream.indirect.gather [hbm4b:s4+s15], $0x10, s2, s15, $0xb8;
	[tilespmem:$0x1EA00] =	vst v63  }
0x183: {  	_ =	swait.ge [sflag:s29], $0x800  }
0x184: {  	[sflag:s29] =	ssyncset.done $0x0  }
0x185: {  	[sflag:s29] =	ssyncadd.s32 $0xFFFFF800  }
0x186: {  	[spmem:s1] =	stream.indirect.scatter.add.f32 [tilespmem:s16], [sflag:$0x2], $0x10, s14, s15, $0xb8;
	[tilespmem:$0x1EA00] =	vst v63  }
.Ltmp4:
0x187: {  	_ =	swait.ge [sflag:s13], $0x800;
	(pc) =	sbr.rel .LBB2_6-.Ltmp4, $3  }
0x188: {  	[sflag:s13] =	ssyncset.done $0x0  }
0x189: {  	[sflag:s13] =	ssyncadd.s32 $0xFFFFF800  }
0x18a: {  	[bflag:$0x0] =	sbarrier.arrive $0xFFFF;
	_ =	sdelay $0x1  }
.LBB2_5:
.Ltmp5:
0x18b: {  	(pc) =	sbr.rel @p1 .LBB2_7-.Ltmp5, $2  }
0x18c: {  	_ =	sdelay $0x1  }
0x18d: {  	[bflag:$0x0] =	sbarrier.arrive $0xFFFF;
	_ =	sdelay $0x1  }
.LBB2_6:
0x18e: {  	s5 =	rddreg [dreg:$0x10]  }
0x18f: {  	s6 =	rddreg [dreg:$0x14]  }
.Ltmp6:
0x190: {  	s11 =	rddreg [dreg:$0x16];
	(pc) =	sbr.rel .LBB2_8-.Ltmp6, $4  }
0x191: {  	[hbm:s6], [sflag:s5] =	dma.local [spmem:s11], $0x30E0  }
0x192: {  	_ =	swait.ge [sflag:s13], $0x30E0  }
0x193: {  	[sflag:s13] =	ssyncset.done $0x0  }
0x194: {  	s6 =	rddreg [dreg:$0x18];
	[sflag:s13] =	ssyncadd.s32 $0xFFFFCF20  }
.LBB2_9:
0x195: {  	_ =	sfence.sel $0x180000  }
0x196: {  	[bflag:$0x0] =	sbarrier.arrive $0xFFFF  }
0x197: {  	_ =	strace $0x90000047  }
0x198: {  	s0 =	stileid.u32;
	[bflag:$0x2] =	sbarrier.arrive $0xFFFF  }
0x199: {  	p0 =	sne.s32 s0, $0x0;
	s0 =	rddreg [dreg:$0x2]  }
0x19a: {  	s0 =	sadd.s32 @!p0 $0x100000, s0  }
0x19b: {  	[sflag:s0] =	ssyncadd.tile.s32 @!p0 $0x1;
	_ =	shalt  }
.Lfunc_end2:
_tile_overlayer_lowered:
.L_overlay_start_2:
0x19c: {  	(tag) =	ssettag $0x2  }
0x19d: {  	s0 =	rddreg [dreg:$0x0];
	s2 =	stileid.u32  }
0x19e: {  	s1 =	rddreg [dreg:$0x1];
	p0 =	sne.s32 s2, $0x0  }
0x19f: {  	s3 =	rddreg [dreg:$0x2];
	[bflag:$0x3] =	sbarrier.arrive $0xFFFF;
	s2 =	simm.s32 @!p0 $0x1C02  }
0x1a0: {  	[timem:s3], [sflag:s2] =	dma.local @!p0 [hbm:s0], s1  }
0x1a1: {  	s0 =	simm.s32 @!p0 $0x2  }
0x1a2: {  	_ =	swait.ge @!p0 [sflag:s0], s1  }
0x1a3: {  	s1 =	ssub.s32 @!p0 $0x0, s1;
	[sflag:s0] =	ssyncset.done @!p0 $0x0  }
0x1a4: {  	[sflag:s0] =	ssyncadd.s32 @!p0 s1  }
0x1a5: {  	[bflag:$0x3] =	sbarrier.arrive $0xFFFF  }
0x1a6: {  	_ =	shalt  }

// kernel: kernel.13.cloned.1.call-start
scs
__scs_entry_jumppad:
0x0: {  	(pc) =	sbr.rel $0x88, $3  }
0x1: {  	(tag) =	ssettag $0x0;
	lr =	simm.s32 $0x1  }
0x2: {  	[smem:$0x3F8D] =	sst lr;
	_ =	strace $0xD0000000  }
0x3: {  	_ = 	snop  }
0x4: {  	_ = 	snop  }
0x5: {  	_ = 	snop  }
0x6: {  	_ = 	snop  }
0x7: {  	_ = 	snop  }
__scs_overlays_trampoline_lowered:
0x8: {  	[smem:$0x3F9C] =	sst s0  }
0x9: {  	[smem:$0x3F9D] =	sst s1  }
0xa: {  	[smem:$0x3F9E] =	sst s2  }
0xb: {  	[smem:$0x3F9F] =	sst s3  }
0xc: {  	[smem:$0x3FA0] =	sst s4  }
0xd: {  	[smem:$0x3FA1] =	sst s5  }
0xe: {  	[smem:$0x3FA2] =	sst s6  }
0xf: {  	[smem:$0x3FA3] =	sst s7  }
0x10: {  	[smem:$0x3FA4] =	sst s8  }
0x11: {  	[smem:$0x3FA5] =	sst s9;
	s0 =	simm.s32 @!p0 $0x0  }
0x12: {  	s1 =	sld [smem:$0x3F8B];
	s0 =	simm.s32 @p0 $0x1  }
0x13: {  	[smem:$0x3FA6] =	sst s0;
	s0 =	simm.s32 @!p1 $0x0  }
0x14: {  	s2 =	sld [smem:$0x3F8A];
	s0 =	simm.s32 @p1 $0x1  }
0x15: {  	[smem:$0x3FA7] =	sst s0;
	s0 =	simm.s32 @!p2 $0x0  }
0x16: {  	s3 =	sld [smem:$0x3FDB];
	s0 =	simm.s32 @p2 $0x1  }
0x17: {  	s4 =	simm.s32 $0x1BF5;
	[smem:$0x3FA9] =	sst s0  }
0x18: {  	s0 =	sld [smem:$0x3F8C];
	_ =	swait.ge [sflag:s4], $0x0  }
0x19: {  	s7 =	sld [smem:$0x3F8D]  }
0x1a: {  	s8 =	sadd.s32 $0xFFFFE003, lr  }
0x1b: {  	s9 =	sadd.s32 $0xFFFFFEF7, lr;
	s5 =	simm.s32 $0xFFFFFFFF;
	p2 =	slt.u32 s8, $0xFFFFF086  }
0x1c: {  	p1 =	slt.u32 s9, $0xF7A;
	s5 =	simm.s32 @!p2 $0x0  }
0x1d: {  	s5 =	simm.s32 @p1 $0x1;
	p0 =	seq.s32 s7, s2  }
0x1e: {  	s7 =	smul.u32 @!p0 $0xF7A, s2;
	p2 =	seq.s32 @!p0 s5, $0x0  }
0x1f: {  	s9 =	smul.u32 $0xF7A, s1;
	s8 =	simm.s32 @!p0 $0x1BF5;
	p2 =	por !p2, p0  }
0x20: {  	[sflag:s8] =	ssyncset.s32 @!p0 $0xFFFFF086;
	s6 =	sadd.s32 @!p0 s3, s7;
	s7 =	simm.s32 @!p0 $0x108  }
0x21: {  	s3 =	sadd.s32 s3, s9;
	s6 =	sadd.s32 @!p0 $0x88, s6;
	s7 =	simm.s32 @p2 $0x1082  }
0x22: {  	[simem:s7], [sflag:s8] =	dma.local @!p0 [hbm:s6], $0xF7A  }
0x23: {  	s9 =	sor.u32 $0xD0000000, s2;
	s6 =	simm.s32 $0x108;
	_ =	swait.ge @!p0 [sflag:s8], $0x0  }
0x24: {  	s3 =	sadd.s32 $0x88, s3;
	s6 =	simm.s32 @!p1 $0x1082;
	[sflag:s4] =	ssyncset.s32 $0xFFFFF086  }
0x25: {  	[simem:s6], [sflag:s4] =	dma.local [hbm:s3], $0xF7A  }
0x26: {  	[smem:$0x3F8D] =	sst s1;
	(tag) =	ssettag s2;
	_ =	strace s9  }
0x27: {  	s1 =	sld [smem:$0x3F9D]  }
0x28: {  	s2 =	sld [smem:$0x3F9E]  }
0x29: {  	s4 =	sld [smem:$0x3FA0]  }
0x2a: {  	p0 =	seq.s32 s5, $0x0;
	s5 =	sld [smem:$0x3FA1]  }
0x2b: {  	s6 =	sld [smem:$0x3FA2]  }
0x2c: {  	s7 =	sld [smem:$0x3FA3]  }
0x2d: {  	s3 =	simm.s32 $0x108;
	s8 =	sld [smem:$0x3FA4]  }
0x2e: {  	s3 =	simm.s32 @!p0 $0x1082;
	s9 =	sld [smem:$0x3FA5]  }
0x2f: {  	lr =	sadd.s32 s0, s3;
	s0 =	sld [smem:$0x3F9C]  }
0x30: {  	s3 =	sld [smem:$0x3F9F]  }
0x31: {  	[smem:$0x3FA8] =	sst s10  }
0x32: {  	s10 =	sld [smem:$0x3FA6];
	_ =	sdelay $0x3  }
0x33: {  	p0 =	seq.s32 s10, $0x1;
	s10 =	sld [smem:$0x3FA8];
	_ =	sdelay $0x3  }
0x34: {  	[smem:$0x3FA8] =	sst s10  }
0x35: {  	s10 =	sld [smem:$0x3FA7];
	_ =	sdelay $0x3  }
0x36: {  	p1 =	seq.s32 s10, $0x1;
	s10 =	sld [smem:$0x3FA8];
	_ =	sdelay $0x3  }
0x37: {  	[smem:$0x3FA8] =	sst s10  }
0x38: {  	s10 =	sld [smem:$0x3FA9]  }
0x39: {  	_ = 	snop;
	(pc) =	sbr.ind lr, $3  }
0x3a: {  	_ = 	snop  }
0x3b: {  	_ = 	snop  }
0x3c: {  	p2 =	seq.s32 s10, $0x1;
	s10 =	sld [smem:$0x3FA8]  }
0x3d: {  	_ =	shalt  }
0x3e: {  	_ =	shalt  }
0x3f: {  	_ =	shalt  }
0x40: {  	_ =	shalt  }
0x41: {  	_ =	shalt  }
0x42: {  	_ =	shalt  }
0x43: {  	_ =	shalt  }
0x44: {  	_ =	shalt  }
0x45: {  	_ =	shalt  }
0x46: {  	_ =	shalt  }
0x47: {  	_ =	shalt  }
0x48: {  	_ =	shalt  }
0x49: {  	_ =	shalt  }
0x4a: {  	_ =	shalt  }
0x4b: {  	_ =	shalt  }
0x4c: {  	_ =	shalt  }
0x4d: {  	_ =	shalt  }
0x4e: {  	_ =	shalt  }
0x4f: {  	_ =	shalt  }
0x50: {  	_ =	shalt  }
0x51: {  	_ =	shalt  }
0x52: {  	_ =	shalt  }
0x53: {  	_ =	shalt  }
0x54: {  	_ =	shalt  }
0x55: {  	_ =	shalt  }
0x56: {  	_ =	shalt  }
0x57: {  	_ =	shalt  }
0x58: {  	_ =	shalt  }
0x59: {  	_ =	shalt  }
0x5a: {  	_ =	shalt  }
0x5b: {  	_ =	shalt  }
0x5c: {  	_ =	shalt  }
0x5d: {  	_ =	shalt  }
0x5e: {  	_ =	shalt  }
0x5f: {  	_ =	shalt  }
0x60: {  	_ =	shalt  }
0x61: {  	_ =	shalt  }
0x62: {  	_ =	shalt  }
0x63: {  	_ =	shalt  }
0x64: {  	_ =	shalt  }
0x65: {  	_ =	shalt  }
0x66: {  	_ =	shalt  }
0x67: {  	_ =	shalt  }
0x68: {  	_ =	shalt  }
0x69: {  	_ =	shalt  }
0x6a: {  	_ =	shalt  }
0x6b: {  	_ =	shalt  }
0x6c: {  	_ =	shalt  }
0x6d: {  	_ =	shalt  }
0x6e: {  	_ =	shalt  }
0x6f: {  	_ =	shalt  }
0x70: {  	_ =	shalt  }
0x71: {  	_ =	shalt  }
0x72: {  	_ =	shalt  }
0x73: {  	_ =	shalt  }
0x74: {  	_ =	shalt  }
0x75: {  	_ =	shalt  }
0x76: {  	_ =	shalt  }
0x77: {  	_ =	shalt  }
0x78: {  	_ =	shalt  }
0x79: {  	_ =	shalt  }
0x7a: {  	_ =	shalt  }
0x7b: {  	_ =	shalt  }
0x7c: {  	_ =	shalt  }
0x7d: {  	_ =	shalt  }
0x7e: {  	_ =	shalt  }
0x7f: {  	_ =	shalt  }
0x80: {  	_ =	shalt  }
0x81: {  	_ =	shalt  }
0x82: {  	_ =	shalt  }
0x83: {  	_ =	shalt  }
0x84: {  	_ =	shalt  }
0x85: {  	_ =	shalt  }
0x86: {  	_ =	shalt  }
0x87: {  	_ =	shalt  }
.Lfunc_end0:
.L_simem_size_0:
called_computation.1_lowered:
.L_overlay_start_0:
0x88: {  	s2 =	sld [smem:$0x3FD9]  }
0x89: {  	s3 =	sld [smem:$0x3FFE];
	_ =	sdelay $0x1  }
0x8a: {  	s1 =	srdreg.scid  }
0x8b: {  	s0 =	sand.u32 $0x1, s1  }
0x8c: {  	s16 =	sshll.u32 s0, $0xA;
	s2 =	sadd.s32 s3, s2  }
0x8d: {  	s2 =	sadd.s32 s2, s16  }
0x8e: {  	[smem:$0x3FB4] =	sst s2  }
0x8f: {  	_ = 	snop  }
0x90: {  	(tm) =	ssettm $0x1  }
0x91: {  	s17 =	sld [smem:$0x3FFB];
	_ =	sdelay $0x3  }
0x92: {  	_ =	strace s17  }
0x93: {  	s2 =	sld [smem:$0x3FFC];
	_ =	sdelay $0x3  }
0x94: {  	_ =	strace s2  }
0x95: {  	s2 =	sld [smem:$0x3FFD];
	_ =	sdelay $0x3  }
0x96: {  	_ =	strace s2  }
0x97: {  	_ =	strace $0x8FFFFFFF  }
0x98: {  	s18 =	sld [smem:$0x3FDB];
	_ =	sdelay $0x1  }
0x99: {  	s19 =	simm.s32 $_scs_section_size  }
0x9a: {  	s4 =	simm.s32 $_size__tile_overlayer_lowered;
	s5 =	simm.s32 $_tile_overlayer_lowered  }
0x9b: {  	s22 =	simm.s32 $0x1BFF;
	s21 =	sshll.u32 s5, $0x1;
	s2 =	sadd.s32 s19, s18  }
0x9c: {  	s6 =	simm.s32 $0x0;
	s20 =	sshll.u32 s4, $0x1;
	s4 =	sadd.s32 s21, s2  }
0x9d: {  	[timem:s6], [sflag:s22] =	dma.local [hbm:s4], s20  }
0x9e: {  	_ =	swait.ge [sflag:s22], s20  }
0x9f: {  	s3 =	ssub.s32 $0x0, s20;
	[sflag:s22] =	ssyncset.done $0x0  }
0xa0: {  	[sflag:s22] =	ssyncadd.s32 s3;
	_ =	sdelay $0x1  }
0xa1: {  	s23 =	simm.s32 $0x1B8B  }
0xa2: {  	_ =	swait.ge [sflag:s23], $0x1  }
0xa3: {  	[sflag:s23] =	ssyncset.done $0x0  }
0xa4: {  	s25 =	simm.s32 $0x1B8E;
	s24 =	sld [smem:$0x3FFE];
	[sflag:s23] =	ssyncadd.s32 $0xFFFFFFFF  }
0xa5: {  	s26 =	simm.s32 $execute0_lowered;
	[smem:$0x3FD2] =	sst s25  }
0xa6: {  	s4 =	sshll.u32 s26, $0x1;
	_ =	strace $0x80000049;
	[dreg:$0x1] =	wrdreg $0xFFFFFFFF  }
0xa7: {  	s28 =	simm.s32 $_size_execute0_lowered;
	s2 =	sadd.s32 s2, s4;
	[dreg:$0x0] =	wrdreg $0x0  }
0xa8: {  	s4 =	sshll.u32 s28, $0x1;
	[dreg:$0x2] =	wrdreg s2  }
0xa9: {  	[dreg:$0x3] =	wrdreg s4  }
0xaa: {  	[dreg:$0x4] =	wrdreg $0xC0  }
0xab: {  	_ =	task [dreg:s6], $0x5FFFF  }
0xac: {  	[dreg:$0x1] =	wrdreg $0xFFFFFFFF  }
0xad: {  	[dreg:$0x0] =	wrdreg $0x60  }
0xae: {  	[dreg:$0x2] =	wrdreg s24  }
0xaf: {  	[dreg:$0x3] =	wrdreg $0x63000  }
0xb0: {  	[dreg:$0x4] =	wrdreg $0x9  }
0xb1: {  	_ =	task.clear_ibuf [dreg:s6], $0x5FFFF;
	_ =	strace $0x90000049  }
0xb2: {  	s29 =	simm.s32 $0x9;
	_ =	strace $0x8000004B  }
0xb3: {  	_ =	swait.ge [sflag:s29], $0x1  }
0xb4: {  	[sflag:s29] =	ssyncadd.s32 $0xFFFFFFFF  }
0xb5: {  	_ =	strace $0x9000004B  }
0xb6: {  	_ =	sfence  }
0xb7: {  	s30 =	sld [smem:$0x0];
	_ =	sdelay $0x2  }
0xb8: {  	s31 =	sshll.u32 s1, $0xD;
	s1 =	sshrl.u32 s1, $0x2  }
0xb9: {  	s3 =	sand.u32 $0x4000, s31;
	s1 =	sadd.s32 s1, s30  }
0xba: {  	s0 =	sor.u32 s3, s0;
	s1 =	sshll.u32 s1, $0x11  }
0xbb: {  	s0 =	sor.u32 s1, s0  }
0xbc: {  	s0 =	sadd.s32 $0x8F2B, s0  }
0xbd: {  	[sflag:s0] =	ssyncadd.remote.s32 $0x1  }
0xbe: {  	_ =	sfence.sel $0xFFFF  }
0xbf: {  	[dreg:$0x0] =	wrdreg $0xFFFFFFFF;
	(pc) =	sbr.abs _section_cstart, $3  }
0xc0: {  	[dreg:$0x1] =	wrdreg $0xFFFFFFFF  }
0xc1: {  	_ =	task.clear_ibuf [dreg:s6], $0x2FFFF;
	_ =	strace $0x9FFFFFFF  }
0xc2: {  	(tm) =	ssettm $0x7FFFFFFF  }
0xc3: {  	_ =	shalt  }
tec
execute0_lowered:
.L_overlay_start_1:
0x0: {  	(tag) =	ssettag $0x1  }
0x1: {  	s0 =	rddreg [dreg:$0x0]  }
0x2: {  	s1 =	rddreg [dreg:$0x1];
	s2 =	simm.s32 $0x0;
	s5 =	srdreg.scid  }
0x3: {  	s26 =	stileid.u32;
	s28 =	simm.s32 $0x5B00;
	s29 =	simm.s32 $0x1  }
0x4: {  	s30 =	simm.s32 $0x680;
	s31 =	simm.s32 $0x700;
	[smem:$0x7FF] =	sst s2  }
0x5: {  	s4 =	sadd.s32 $0x7A00, s0;
	s3 =	sadd.s32 $0x314E00, s0;
	s6 =	sadd.s32 $0x38800, s0  }
0x6: {  	s5 =	sand.u32 $0x1, s5;
	s7 =	sshll.u32 s26, $0x1;
	s9 =	smul.u32 $0x18700, s26  }
0x7: {  	s10 =	sadd.s32 $0xFBE00, s0;
	s0 =	sadd.s32 $0xFF000, s0;
	s13 =	sshll.u32 s26, $0x6  }
0x8: {  	s14 =	smul.u32 $0xC34, s26;
	s25 =	sadd.s32 $0x16E900, s1;
	p0 =	sgt.u32 s26, $0x7  }
0x9: {  	p1 =	seq.s32 s26, $0xF;
	_ =	strace $0x8000004A;
	s8 =	ssub.s32 $0x2, s5  }
0xa: {  	s7 =	sor.u32 s5, s7;
	[dreg:$0xf] =	wrdreg s10;
	s17 =	smul.u32 $0x186A00, s5  }
0xb: {  	s5 =	smul.u32 $0x61A, s5;
	s13 =	sor.u32 $0x1C02, s13;
	s10 =	simm.s32 $0x400  }
0xc: {  	s26 =	sshrl.u32 s25, $0x3;
	s25 =	simm.s32 $0x900;
	[dreg:$0x10] =	wrdreg s13  }
0xd: {  	s16 =	sshrl.u32 s8, $0x1;
	s11 =	smul.u32 $0x61A, s7;
	[dreg:$0xb] =	wrdreg s10  }
0xe: {  	s12 =	sadd.s32 s9, s1;
	s7 =	smin.u32 s7, $0x10;
	[dreg:$0x17] =	wrdreg s26  }
0xf: {  	s26 =	simm.s32 $0x5300;
	s10 =	simm.s32 $0xA80;
	s8 =	ssub.s32 s8, s16  }
0x10: {  	s15 =	sshrl.u32 s17, $0x3;
	s5 =	sadd.s32 s5, s14;
	s20 =	sadd.s32 s9, s17  }
0x11: {  	s24 =	sshrl.u32 s12, $0x3;
	s14 =	simm.s32 $0x580;
	s16 =	simm.s32 $0xB00  }
0x12: {  	s17 =	simm.s32 $0x1300;
	s9 =	simm.s32 $0x380;
	s12 =	simm.s32 $0x500  }
0x13: {  	s11 =	sadd.s32 s7, s11;
	s18 =	sadd.s32 s0, s15;
	s5 =	sadd.s32 s7, s5  }
0x14: {  	s7 =	sshrl.u32 s20, $0x3;
	s23 =	smax.u32 s8, $0x1;
	[dreg:$0x16] =	wrdreg s24  }
0x15: {  	s15 =	simm.s32 $0x80;
	s8 =	simm.s32 $0x300;
	[dreg:$0xa] =	wrdreg s9  }
0x16: {  	s20 =	simm.s32 $0x2B00;
	[dreg:$0xd] =	wrdreg s12;
	s24 =	simm.s32 $0x600  }
0x17: {  	s9 =	simm.s32 $0xA00;
	s13 =	sadd.s32 $0x2DD20, s18;
	[dreg:$0x15] =	wrdreg s23  }
0x18: {  	s11 =	sshll.u32 s11, $0x4;
	s5 =	sshll.u32 s5, $0x4;
	[dreg:$0x9] =	wrdreg s8  }
0x19: {  	s0 =	sadd.s32 s0, s7;
	s7 =	simm.s32 $0x280;
	[dreg:$0xe] =	wrdreg s24  }
0x1a: {  	s18 =	simm.s32 $0x1B00;
	s23 =	simm.s32 $0x4300;
	[dreg:$0x11] =	wrdreg s13  }
0x1b: {  	s24 =	simm.s32 $0x4B00;
	s8 =	simm.s32 $0x980;
	[dreg:$0x14] =	wrdreg s0  }
0x1c: {  	s11 =	sadd.s32 $0x61A0, s11;
	s22 =	sadd.s32 s5, s6;
	[dreg:$0x8] =	wrdreg s7  }
0x1d: {  	s13 =	simm.s32 $0x2;
	s19 =	sadd.s32 s3, s11;
	[dreg:$0x4] =	wrdreg s22  }
0x1e: {  	s0 =	simm.s32 $0x780;
	s21 =	sadd.s32 s6, s11;
	[dreg:$0x12] =	wrdreg s19  }
0x1f: {  	s7 =	simm.s32 $0x880;
	s3 =	sadd.s32 s5, s3;
	[dreg:$0x13] =	wrdreg s21  }
.Ltmp0:
0x20: {  	s5 =	simm.s32 $0x180;
	[dreg:$0x3] =	wrdreg s3;
	(pc) =	sbr.rel .LBB2_1-.Ltmp0, $4  }
0x21: {  	s6 =	simm.s32 $0x200;
	s11 =	simm.s32 $0x480;
	[dreg:$0x6] =	wrdreg s5  }
0x22: {  	s22 =	simm.s32 $0x3B00;
	s3 =	simm.s32 $0x100;
	[dreg:$0x7] =	wrdreg s6  }
0x23: {  	s19 =	simm.s32 $0x2300;
	s21 =	simm.s32 $0x3300;
	[dreg:$0xc] =	wrdreg s11  }
0x24: {  	s6 =	simm.s32 $0x0;
	[dreg:$0x5] =	wrdreg s3;
	s3 =	simm.s32 $0x800  }
.LBB2_7:
0x25: {  	s5 =	rddreg [dreg:$0x10]  }
0x26: {  	s6 =	rddreg [dreg:$0x11]  }
0x27: {  	s11 =	rddreg [dreg:$0x17]  }
0x28: {  	[hbm:s6], [sflag:s5] =	dma.local [spmem:s11], $0x3020  }
0x29: {  	_ =	swait.ge [sflag:s13], $0x3020  }
0x2a: {  	[sflag:s13] =	ssyncset.done $0x0  }
0x2b: {  	s6 =	rddreg [dreg:$0x18];
	[sflag:s13] =	ssyncadd.s32 $0xFFFFCFE0  }
.LBB2_8:
0x2c: {  	s6 =	sadd.s32 $0x1, s6;
	s5 =	rddreg [dreg:$0x15]  }
0x2d: {  	p2 =	sne.s32 s6, s5  }
.Ltmp1:
0x2e: {  	_ = 	snop;
	(pc) =	sbr.rel @!p2 .LBB2_9-.Ltmp1, $1  }
0x2f: {  	_ =	sdelay $0x3  }
.LBB2_1:
0x30: {  	[dreg:$0x18] =	wrdreg s6  }
0x31: {  	s5 =	rddreg [dreg:$0xf]  }
0x32: {  	s12 =	rddreg [dreg:$0x10]  }
0x33: {  	s11 =	rddreg [dreg:$0x16]  }
0x34: {  	[spmem:s11], [sflag:s12] =	dma.local [hbm:s5], $0x30E0  }
0x35: {  	_ =	swait.ge [sflag:s13], $0x30E0  }
0x36: {  	[sflag:s13] =	ssyncset.done $0x0  }
0x37: {  	[sflag:s13] =	ssyncadd.s32 $0xFFFFCF20  }
0x38: {  	[bflag:$0x0] =	sbarrier.arrive $0xFFFF  }
0x39: {  	s12 =	rddreg [dreg:$0x3]  }
0x3a: {  	s6 =	sadd.s32 $0x0, s12  }
0x3b: {  	[tilespmem:s2], [sflag:$0x2] =	stream.linear.gather [hbm4b:s6+s2], $0x580, $0x38;
	[tilespmem:$0x1EA00] =	vst v63  }
0x3c: {  	_ =	swait.ge [sflag:s13], $0x580  }
0x3d: {  	s5 =	rddreg [dreg:$0x4];
	[sflag:s13] =	ssyncset.done $0x0  }
0x3e: {  	[sflag:s13] =	ssyncadd.s32 $0xFFFFFA80;
	s6 =	sadd.s32 $0x0, s5  }
0x3f: {  	[tilespmem:s14], [sflag:$0x2] =	stream.linear.gather [hbm4b:s6+s2], $0x580, $0x38;
	[tilespmem:$0x1EA00] =	vst v63  }
0x40: {  	_ =	swait.ge [sflag:s13], $0x580  }
0x41: {  	[sflag:s13] =	ssyncset.done $0x0  }
0x42: {  	[sflag:s13] =	ssyncadd.s32 $0xFFFFFA80  }
0x43: {  	[tilespmem:s16], [sflag:$0x1] =	stream.indirect.gather [hbm4b:s4+s15], $0x10, s2, s15, $0xb8;
	[tilespmem:$0x1EA00] =	vst v63  }
0x44: {  	_ = 	snop  }
0x45: {  	[tilespmem:s17], [sflag:$0x1] =	stream.indirect.gather [hbm4b:s4+s15], $0x10, s15, s15, $0xb8;
	[tilespmem:$0x1EA00] =	vst v63  }
0x46: {  	s11 =	rddreg [dreg:$0x5]  }
0x47: {  	[tilespmem:s18], [sflag:$0x1] =	stream.indirect.gather [hbm4b:s4+s15], $0x10, s11, s15, $0xb8;
	[tilespmem:$0x1EA00] =	vst v63  }
0x48: {  	s12 =	rddreg [dreg:$0x6]  }
0x49: {  	[tilespmem:s19], [sflag:$0x1] =	stream.indirect.gather [hbm4b:s4+s15], $0x10, s12, s15, $0xb8;
	[tilespmem:$0x1EA00] =	vst v63  }
0x4a: {  	s5 =	rddreg [dreg:$0x7]  }
0x4b: {  	[tilespmem:s20], [sflag:$0x1] =	stream.indirect.gather [hbm4b:s4+s15], $0x10, s5, s15, $0xb8;
	[tilespmem:$0x1EA00] =	vst v63  }
0x4c: {  	s12 =	rddreg [dreg:$0x8]  }
0x4d: {  	[tilespmem:s21], [sflag:$0x1] =	stream.indirect.gather [hbm4b:s4+s15], $0x10, s12, s15, $0xb8;
	[tilespmem:$0x1EA00] =	vst v63  }
0x4e: {  	s5 =	rddreg [dreg:$0x9]  }
0x4f: {  	[tilespmem:s22], [sflag:$0x1] =	stream.indirect.gather [hbm4b:s4+s15], $0x10, s5, s15, $0xb8;
	[tilespmem:$0x1EA00] =	vst v63  }
0x50: {  	s12 =	rddreg [dreg:$0xa]  }
0x51: {  	[tilespmem:s23], [sflag:$0x1] =	stream.indirect.gather [hbm4b:s4+s15], $0x10, s12, s15, $0xb8;
	[tilespmem:$0x1EA00] =	vst v63  }
0x52: {  	s5 =	rddreg [dreg:$0xb]  }
0x53: {  	[tilespmem:s24], [sflag:$0x1] =	stream.indirect.gather [hbm4b:s4+s15], $0x10, s5, s15, $0xb8;
	[tilespmem:$0x1EA00] =	vst v63  }
0x54: {  	s12 =	rddreg [dreg:$0xc]  }
0x55: {  	[tilespmem:s26], [sflag:$0x1] =	stream.indirect.gather [hbm4b:s4+s15], $0x10, s12, s15, $0xb8;
	[tilespmem:$0x1EA00] =	vst v63  }
0x56: {  	s5 =	rddreg [dreg:$0xd]  }
0x57: {  	[tilespmem:s28], [sflag:$0x1] =	stream.indirect.gather [hbm4b:s4+s15], $0x10, s5, s15, $0xb8;
	[tilespmem:$0x1EA00] =	vst v63  }
0x58: {  	_ =	swait.ge [sflag:s29], $0x800  }
0x59: {  	[sflag:s29] =	ssyncset.done $0x0  }
0x5a: {  	[sflag:s29] =	ssyncadd.s32 $0xFFFFF800  }
0x5b: {  	_ =	swait.ge [sflag:s29], $0x800  }
0x5c: {  	[sflag:s29] =	ssyncset.done $0x0  }
0x5d: {  	[sflag:s29] =	ssyncadd.s32 $0xFFFFF800  }
0x5e: {  	_ =	swait.ge [sflag:s29], $0x800  }
0x5f: {  	[sflag:s29] =	ssyncset.done $0x0  }
0x60: {  	[sflag:s29] =	ssyncadd.s32 $0xFFFFF800  }
0x61: {  	_ =	swait.ge [sflag:s29], $0x800  }
0x62: {  	[sflag:s29] =	ssyncset.done $0x0  }
0x63: {  	[sflag:s29] =	ssyncadd.s32 $0xFFFFF800  }
0x64: {  	_ =	swait.ge [sflag:s29], $0x800  }
0x65: {  	[sflag:s29] =	ssyncset.done $0x0  }
0x66: {  	[sflag:s29] =	ssyncadd.s32 $0xFFFFF800  }
0x67: {  	_ =	swait.ge [sflag:s29], $0x800  }
0x68: {  	[sflag:s29] =	ssyncset.done $0x0  }
0x69: {  	[sflag:s29] =	ssyncadd.s32 $0xFFFFF800  }
0x6a: {  	_ =	swait.ge [sflag:s29], $0x800  }
0x6b: {  	[sflag:s29] =	ssyncset.done $0x0  }
0x6c: {  	[sflag:s29] =	ssyncadd.s32 $0xFFFFF800  }
0x6d: {  	_ =	swait.ge [sflag:s29], $0x800  }
0x6e: {  	[sflag:s29] =	ssyncset.done $0x0  }
0x6f: {  	[sflag:s29] =	ssyncadd.s32 $0xFFFFF800  }
0x70: {  	_ =	swait.ge [sflag:s29], $0x800  }
0x71: {  	[sflag:s29] =	ssyncset.done $0x0  }
0x72: {  	[sflag:s29] =	ssyncadd.s32 $0xFFFFF800  }
0x73: {  	_ =	swait.ge [sflag:s29], $0x800  }
0x74: {  	[sflag:s29] =	ssyncset.done $0x0  }
0x75: {  	[sflag:s29] =	ssyncadd.s32 $0xFFFFF800  }
0x76: {  	_ =	swait.ge [sflag:s29], $0x800  }
0x77: {  	[sflag:s29] =	ssyncset.done $0x0  }
0x78: {  	[sflag:s29] =	ssyncadd.s32 $0xFFFFF800  }
0x79: {  	[spmem:s1] =	stream.indirect.scatter.add.f32 [tilespmem:s16], [sflag:$0x2], $0x10, s14, s15, $0xb8;
	[tilespmem:$0x1EA00] =	vst v63  }
0x7a: {  	_ =	swait.ge [sflag:s13], $0x800  }
0x7b: {  	[sflag:s13] =	ssyncset.done $0x0  }
0x7c: {  	s12 =	rddreg [dreg:$0xe];
	[sflag:s13] =	ssyncadd.s32 $0xFFFFF800  }
0x7d: {  	[spmem:s1] =	stream.indirect.scatter.add.f32 [tilespmem:s17], [sflag:$0x2], $0x10, s12, s15, $0xb8;
	[tilespmem:$0x1EA00] =	vst v63  }
0x7e: {  	_ =	swait.ge [sflag:s13], $0x800  }
0x7f: {  	[sflag:s13] =	ssyncset.done $0x0  }
0x80: {  	[sflag:s13] =	ssyncadd.s32 $0xFFFFF800  }
0x81: {  	[spmem:s1] =	stream.indirect.scatter.add.f32 [tilespmem:s18], [sflag:$0x2], $0x10, s30, s15, $0xb8;
	[tilespmem:$0x1EA00] =	vst v63  }
0x82: {  	_ =	swait.ge [sflag:s13], $0x800  }
0x83: {  	[sflag:s13] =	ssyncset.done $0x0  }
0x84: {  	[sflag:s13] =	ssyncadd.s32 $0xFFFFF800  }
0x85: {  	[spmem:s1] =	stream.indirect.scatter.add.f32 [tilespmem:s19], [sflag:$0x2], $0x10, s31, s15, $0xb8;
	[tilespmem:$0x1EA00] =	vst v63  }
0x86: {  	_ =	swait.ge [sflag:s13], $0x800  }
0x87: {  	[sflag:s13] =	ssyncset.done $0x0  }
0x88: {  	[sflag:s13] =	ssyncadd.s32 $0xFFFFF800  }
0x89: {  	[spmem:s1] =	stream.indirect.scatter.add.f32 [tilespmem:s20], [sflag:$0x2], $0x10, s0, s15, $0xb8;
	[tilespmem:$0x1EA00] =	vst v63  }
0x8a: {  	_ =	swait.ge [sflag:s13], $0x800  }
0x8b: {  	[sflag:s13] =	ssyncset.done $0x0  }
0x8c: {  	[sflag:s13] =	ssyncadd.s32 $0xFFFFF800  }
0x8d: {  	[spmem:s1] =	stream.indirect.scatter.add.f32 [tilespmem:s21], [sflag:$0x2], $0x10, s3, s15, $0xb8;
	[tilespmem:$0x1EA00] =	vst v63  }
0x8e: {  	_ =	swait.ge [sflag:s13], $0x800  }
0x8f: {  	[sflag:s13] =	ssyncset.done $0x0  }
0x90: {  	[sflag:s13] =	ssyncadd.s32 $0xFFFFF800  }
0x91: {  	[spmem:s1] =	stream.indirect.scatter.add.f32 [tilespmem:s22], [sflag:$0x2], $0x10, s7, s15, $0xb8;
	[tilespmem:$0x1EA00] =	vst v63  }
0x92: {  	_ =	swait.ge [sflag:s13], $0x800  }
0x93: {  	[sflag:s13] =	ssyncset.done $0x0  }
0x94: {  	[sflag:s13] =	ssyncadd.s32 $0xFFFFF800  }
0x95: {  	[spmem:s1] =	stream.indirect.scatter.add.f32 [tilespmem:s23], [sflag:$0x2], $0x10, s25, s15, $0xb8;
	[tilespmem:$0x1EA00] =	vst v63  }
0x96: {  	_ =	swait.ge [sflag:s13], $0x800  }
0x97: {  	[sflag:s13] =	ssyncset.done $0x0  }
0x98: {  	[sflag:s13] =	ssyncadd.s32 $0xFFFFF800  }
0x99: {  	[spmem:s1] =	stream.indirect.scatter.add.f32 [tilespmem:s24], [sflag:$0x2], $0x10, s8, s15, $0xb8;
	[tilespmem:$0x1EA00] =	vst v63  }
0x9a: {  	_ =	swait.ge [sflag:s13], $0x800  }
0x9b: {  	[sflag:s13] =	ssyncset.done $0x0  }
0x9c: {  	[sflag:s13] =	ssyncadd.s32 $0xFFFFF800  }
0x9d: {  	[spmem:s1] =	stream.indirect.scatter.add.f32 [tilespmem:s26], [sflag:$0x2], $0x10, s9, s15, $0xb8;
	[tilespmem:$0x1EA00] =	vst v63  }
0x9e: {  	_ =	swait.ge [sflag:s13], $0x800  }
0x9f: {  	[sflag:s13] =	ssyncset.done $0x0  }
0xa0: {  	[sflag:s13] =	ssyncadd.s32 $0xFFFFF800  }
0xa1: {  	[spmem:s1] =	stream.indirect.scatter.add.f32 [tilespmem:s28], [sflag:$0x2], $0x10, s10, s15, $0xb8;
	[tilespmem:$0x1EA00] =	vst v63  }
0xa2: {  	s11 =	simm.s32 $0xB0;
	_ =	swait.ge [sflag:s13], $0x800  }
0xa3: {  	s12 =	simm.s32 $0x160;
	s6 =	rddreg [dreg:$0x3];
	[sflag:s13] =	ssyncset.done $0x0  }
.LBB2_2:
0xa4: {  	[sflag:s13] =	ssyncadd.s32 $0xFFFFF800;
	s6 =	sadd.s32 s11, s6  }
0xa5: {  	[tilespmem:s2], [sflag:$0x2] =	stream.linear.gather [hbm4b:s6+s2], $0x580, $0x38;
	[tilespmem:$0x1EA00] =	vst v63  }
0xa6: {  	_ =	swait.ge [sflag:s13], $0x580  }
0xa7: {  	s6 =	rddreg [dreg:$0x4];
	[sflag:s13] =	ssyncset.done $0x0  }
0xa8: {  	[sflag:s13] =	ssyncadd.s32 $0xFFFFFA80;
	s6 =	sadd.s32 s11, s6  }
0xa9: {  	[tilespmem:s14], [sflag:$0x2] =	stream.linear.gather [hbm4b:s6+s2], $0x580, $0x38;
	[tilespmem:$0x1EA00] =	vst v63  }
0xaa: {  	_ =	swait.ge [sflag:s13], $0x580  }
0xab: {  	[sflag:s13] =	ssyncset.done $0x0  }
0xac: {  	[sflag:s13] =	ssyncadd.s32 $0xFFFFFA80  }
0xad: {  	[tilespmem:s16], [sflag:$0x1] =	stream.indirect.gather [hbm4b:s4+s15], $0x10, s2, s15, $0xb8;
	[tilespmem:$0x1EA00] =	vst v63  }
0xae: {  	s5 =	smov.u32 s12  }
0xaf: {  	[tilespmem:s17], [sflag:$0x1] =	stream.indirect.gather [hbm4b:s4+s15], $0x10, s15, s15, $0xb8;
	[tilespmem:$0x1EA00] =	vst v63  }
0xb0: {  	s11 =	smov.u32 s5;
	s5 =	rddreg [dreg:$0x5]  }
0xb1: {  	[tilespmem:s18], [sflag:$0x1] =	stream.indirect.gather [hbm4b:s4+s15], $0x10, s5, s15, $0xb8;
	[tilespmem:$0x1EA00] =	vst v63  }
0xb2: {  	s6 =	rddreg [dreg:$0x6]  }
0xb3: {  	[tilespmem:s19], [sflag:$0x1] =	stream.indirect.gather [hbm4b:s4+s15], $0x10, s6, s15, $0xb8;
	[tilespmem:$0x1EA00] =	vst v63  }
0xb4: {  	s5 =	rddreg [dreg:$0x7]  }
0xb5: {  	[tilespmem:s20], [sflag:$0x1] =	stream.indirect.gather [hbm4b:s4+s15], $0x10, s5, s15, $0xb8;
	[tilespmem:$0x1EA00] =	vst v63  }
0xb6: {  	s6 =	rddreg [dreg:$0x8]  }
0xb7: {  	[tilespmem:s21], [sflag:$0x1] =	stream.indirect.gather [hbm4b:s4+s15], $0x10, s6, s15, $0xb8;
	[tilespmem:$0x1EA00] =	vst v63  }
0xb8: {  	s5 =	rddreg [dreg:$0x9]  }
0xb9: {  	[tilespmem:s22], [sflag:$0x1] =	stream.indirect.gather [hbm4b:s4+s15], $0x10, s5, s15, $0xb8;
	[tilespmem:$0x1EA00] =	vst v63  }
0xba: {  	s6 =	rddreg [dreg:$0xa]  }
0xbb: {  	[tilespmem:s23], [sflag:$0x1] =	stream.indirect.gather [hbm4b:s4+s15], $0x10, s6, s15, $0xb8;
	[tilespmem:$0x1EA00] =	vst v63  }
0xbc: {  	s5 =	rddreg [dreg:$0xb]  }
0xbd: {  	[tilespmem:s24], [sflag:$0x1] =	stream.indirect.gather [hbm4b:s4+s15], $0x10, s5, s15, $0xb8;
	[tilespmem:$0x1EA00] =	vst v63  }
0xbe: {  	s6 =	rddreg [dreg:$0xc]  }
0xbf: {  	[tilespmem:s26], [sflag:$0x1] =	stream.indirect.gather [hbm4b:s4+s15], $0x10, s6, s15, $0xb8;
	[tilespmem:$0x1EA00] =	vst v63  }
0xc0: {  	s5 =	rddreg [dreg:$0xd]  }
0xc1: {  	[tilespmem:s28], [sflag:$0x1] =	stream.indirect.gather [hbm4b:s4+s15], $0x10, s5, s15, $0xb8;
	[tilespmem:$0x1EA00] =	vst v63  }
0xc2: {  	_ =	swait.ge [sflag:s29], $0x800  }
0xc3: {  	[sflag:s29] =	ssyncset.done $0x0  }
0xc4: {  	[sflag:s29] =	ssyncadd.s32 $0xFFFFF800  }
0xc5: {  	_ =	swait.ge [sflag:s29], $0x800  }
0xc6: {  	[sflag:s29] =	ssyncset.done $0x0  }
0xc7: {  	[sflag:s29] =	ssyncadd.s32 $0xFFFFF800  }
0xc8: {  	_ =	swait.ge [sflag:s29], $0x800  }
0xc9: {  	[sflag:s29] =	ssyncset.done $0x0  }
0xca: {  	[sflag:s29] =	ssyncadd.s32 $0xFFFFF800  }
0xcb: {  	_ =	swait.ge [sflag:s29], $0x800  }
0xcc: {  	[sflag:s29] =	ssyncset.done $0x0  }
0xcd: {  	[sflag:s29] =	ssyncadd.s32 $0xFFFFF800  }
0xce: {  	_ =	swait.ge [sflag:s29], $0x800  }
0xcf: {  	[sflag:s29] =	ssyncset.done $0x0  }
0xd0: {  	[sflag:s29] =	ssyncadd.s32 $0xFFFFF800  }
0xd1: {  	_ =	swait.ge [sflag:s29], $0x800  }
0xd2: {  	[sflag:s29] =	ssyncset.done $0x0  }
0xd3: {  	[sflag:s29] =	ssyncadd.s32 $0xFFFFF800  }
0xd4: {  	_ =	swait.ge [sflag:s29], $0x800  }
0xd5: {  	[sflag:s29] =	ssyncset.done $0x0  }
0xd6: {  	[sflag:s29] =	ssyncadd.s32 $0xFFFFF800  }
0xd7: {  	_ =	swait.ge [sflag:s29], $0x800  }
0xd8: {  	[sflag:s29] =	ssyncset.done $0x0  }
0xd9: {  	[sflag:s29] =	ssyncadd.s32 $0xFFFFF800  }
0xda: {  	_ =	swait.ge [sflag:s29], $0x800  }
0xdb: {  	[sflag:s29] =	ssyncset.done $0x0  }
0xdc: {  	[sflag:s29] =	ssyncadd.s32 $0xFFFFF800  }
0xdd: {  	_ =	swait.ge [sflag:s29], $0x800  }
0xde: {  	[sflag:s29] =	ssyncset.done $0x0  }
0xdf: {  	[sflag:s29] =	ssyncadd.s32 $0xFFFFF800  }
0xe0: {  	_ =	swait.ge [sflag:s29], $0x800  }
0xe1: {  	[sflag:s29] =	ssyncset.done $0x0  }
0xe2: {  	[sflag:s29] =	ssyncadd.s32 $0xFFFFF800  }
0xe3: {  	[spmem:s1] =	stream.indirect.scatter.add.f32 [tilespmem:s16], [sflag:$0x2], $0x10, s14, s15, $0xb8;
	[tilespmem:$0x1EA00] =	vst v63  }
0xe4: {  	_ =	swait.ge [sflag:s13], $0x800  }
0xe5: {  	[sflag:s13] =	ssyncset.done $0x0  }
0xe6: {  	s6 =	rddreg [dreg:$0xe];
	[sflag:s13] =	ssyncadd.s32 $0xFFFFF800  }
0xe7: {  	[spmem:s1] =	stream.indirect.scatter.add.f32 [tilespmem:s17], [sflag:$0x2], $0x10, s6, s15, $0xb8;
	[tilespmem:$0x1EA00] =	vst v63  }
0xe8: {  	_ =	swait.ge [sflag:s13], $0x800  }
0xe9: {  	[sflag:s13] =	ssyncset.done $0x0  }
0xea: {  	[sflag:s13] =	ssyncadd.s32 $0xFFFFF800  }
0xeb: {  	[spmem:s1] =	stream.indirect.scatter.add.f32 [tilespmem:s18], [sflag:$0x2], $0x10, s30, s15, $0xb8;
	[tilespmem:$0x1EA00] =	vst v63  }
0xec: {  	_ =	swait.ge [sflag:s13], $0x800  }
0xed: {  	[sflag:s13] =	ssyncset.done $0x0  }
0xee: {  	[sflag:s13] =	ssyncadd.s32 $0xFFFFF800  }
0xef: {  	[spmem:s1] =	stream.indirect.scatter.add.f32 [tilespmem:s19], [sflag:$0x2], $0x10, s31, s15, $0xb8;
	[tilespmem:$0x1EA00] =	vst v63  }
0xf0: {  	_ =	swait.ge [sflag:s13], $0x800  }
0xf1: {  	[sflag:s13] =	ssyncset.done $0x0  }
0xf2: {  	[sflag:s13] =	ssyncadd.s32 $0xFFFFF800  }
0xf3: {  	[spmem:s1] =	stream.indirect.scatter.add.f32 [tilespmem:s20], [sflag:$0x2], $0x10, s0, s15, $0xb8;
	[tilespmem:$0x1EA00] =	vst v63  }
0xf4: {  	_ =	swait.ge [sflag:s13], $0x800  }
0xf5: {  	[sflag:s13] =	ssyncset.done $0x0  }
0xf6: {  	[sflag:s13] =	ssyncadd.s32 $0xFFFFF800  }
0xf7: {  	[spmem:s1] =	stream.indirect.scatter.add.f32 [tilespmem:s21], [sflag:$0x2], $0x10, s3, s15, $0xb8;
	[tilespmem:$0x1EA00] =	vst v63  }
0xf8: {  	_ =	swait.ge [sflag:s13], $0x800  }
0xf9: {  	[sflag:s13] =	ssyncset.done $0x0  }
0xfa: {  	[sflag:s13] =	ssyncadd.s32 $0xFFFFF800  }
0xfb: {  	[spmem:s1] =	stream.indirect.scatter.add.f32 [tilespmem:s22], [sflag:$0x2], $0x10, s7, s15, $0xb8;
	[tilespmem:$0x1EA00] =	vst v63  }
0xfc: {  	_ =	swait.ge [sflag:s13], $0x800  }
0xfd: {  	[sflag:s13] =	ssyncset.done $0x0  }
0xfe: {  	[sflag:s13] =	ssyncadd.s32 $0xFFFFF800  }
0xff: {  	[spmem:s1] =	stream.indirect.scatter.add.f32 [tilespmem:s23], [sflag:$0x2], $0x10, s25, s15, $0xb8;
	[tilespmem:$0x1EA00] =	vst v63  }
0x100: {  	_ =	swait.ge [sflag:s13], $0x800  }
0x101: {  	[sflag:s13] =	ssyncset.done $0x0  }
0x102: {  	[sflag:s13] =	ssyncadd.s32 $0xFFFFF800  }
0x103: {  	[spmem:s1] =	stream.indirect.scatter.add.f32 [tilespmem:s24], [sflag:$0x2], $0x10, s8, s15, $0xb8;
	[tilespmem:$0x1EA00] =	vst v63  }
0x104: {  	_ =	swait.ge [sflag:s13], $0x800  }
0x105: {  	[sflag:s13] =	ssyncset.done $0x0  }
0x106: {  	[sflag:s13] =	ssyncadd.s32 $0xFFFFF800  }
0x107: {  	[spmem:s1] =	stream.indirect.scatter.add.f32 [tilespmem:s26], [sflag:$0x2], $0x10, s9, s15, $0xb8;
	[tilespmem:$0x1EA00] =	vst v63  }
0x108: {  	p2 =	sne.s32 s12, $0x60F0;
	_ =	swait.ge [sflag:s13], $0x800  }
.Ltmp2:
0x109: {  	[sflag:s13] =	ssyncset.done $0x0;
	(pc) =	sbr.rel @p2 .LBB2_2-.Ltmp2, $4  }
0x10a: {  	[sflag:s13] =	ssyncadd.s32 $0xFFFFF800  }
0x10b: {  	[spmem:s1] =	stream.indirect.scatter.add.f32 [tilespmem:s28], [sflag:$0x2], $0x10, s10, s15, $0xb8;
	[tilespmem:$0x1EA00] =	vst v63  }
0x10c: {  	_ =	swait.ge [sflag:s13], $0x800  }
0x10d: {  	s12 =	sadd.s32 $0xB0, s12;
	s6 =	rddreg [dreg:$0x3];
	[sflag:s13] =	ssyncset.done $0x0  }
0x10e: {  	[sflag:s13] =	ssyncadd.s32 $0xFFFFF800;
	s5 =	sadd.s32 s11, s6  }
0x10f: {  	[tilespmem:s2], [sflag:$0x2] =	stream.linear.gather [hbm4b:s5+s2], $0x580, $0x38;
	[tilespmem:$0x1EA00] =	vst v63  }
0x110: {  	_ =	swait.ge [sflag:s13], $0x580  }
0x111: {  	s6 =	rddreg [dreg:$0x4];
	[sflag:s13] =	ssyncset.done $0x0  }
0x112: {  	[sflag:s13] =	ssyncadd.s32 $0xFFFFFA80;
	s5 =	sadd.s32 s11, s6  }
0x113: {  	[tilespmem:s14], [sflag:$0x2] =	stream.linear.gather [hbm4b:s5+s2], $0x580, $0x38;
	[tilespmem:$0x1EA00] =	vst v63  }
0x114: {  	_ =	swait.ge [sflag:s13], $0x580  }
0x115: {  	[sflag:s13] =	ssyncset.done $0x0  }
0x116: {  	[sflag:s13] =	ssyncadd.s32 $0xFFFFFA80  }
0x117: {  	[tilespmem:s16], [sflag:$0x1] =	stream.indirect.gather [hbm4b:s4+s15], $0x10, s2, s15, $0xb8;
	[tilespmem:$0x1EA00] =	vst v63  }
0x118: {  	_ = 	snop  }
0x119: {  	[tilespmem:s17], [sflag:$0x1] =	stream.indirect.gather [hbm4b:s4+s15], $0x10, s15, s15, $0xb8;
	[tilespmem:$0x1EA00] =	vst v63  }
0x11a: {  	s11 =	rddreg [dreg:$0x5]  }
0x11b: {  	[tilespmem:s18], [sflag:$0x1] =	stream.indirect.gather [hbm4b:s4+s15], $0x10, s11, s15, $0xb8;
	[tilespmem:$0x1EA00] =	vst v63  }
0x11c: {  	s12 =	rddreg [dreg:$0x6]  }
0x11d: {  	[tilespmem:s19], [sflag:$0x1] =	stream.indirect.gather [hbm4b:s4+s15], $0x10, s12, s15, $0xb8;
	[tilespmem:$0x1EA00] =	vst v63  }
0x11e: {  	s11 =	rddreg [dreg:$0x7]  }
0x11f: {  	[tilespmem:s20], [sflag:$0x1] =	stream.indirect.gather [hbm4b:s4+s15], $0x10, s11, s15, $0xb8;
	[tilespmem:$0x1EA00] =	vst v63  }
0x120: {  	s12 =	rddreg [dreg:$0x8]  }
0x121: {  	[tilespmem:s21], [sflag:$0x1] =	stream.indirect.gather [hbm4b:s4+s15], $0x10, s12, s15, $0xb8;
	[tilespmem:$0x1EA00] =	vst v63  }
0x122: {  	s11 =	rddreg [dreg:$0x9]  }
0x123: {  	[tilespmem:s22], [sflag:$0x1] =	stream.indirect.gather [hbm4b:s4+s15], $0x10, s11, s15, $0xb8;
	[tilespmem:$0x1EA00] =	vst v63  }
0x124: {  	s12 =	rddreg [dreg:$0xa]  }
0x125: {  	[tilespmem:s23], [sflag:$0x1] =	stream.indirect.gather [hbm4b:s4+s15], $0x10, s12, s15, $0xb8;
	[tilespmem:$0x1EA00] =	vst v63  }
0x126: {  	s11 =	rddreg [dreg:$0xb]  }
0x127: {  	[tilespmem:s24], [sflag:$0x1] =	stream.indirect.gather [hbm4b:s4+s15], $0x10, s11, s15, $0xb8;
	[tilespmem:$0x1EA00] =	vst v63  }
0x128: {  	s12 =	rddreg [dreg:$0xc]  }
0x129: {  	[tilespmem:s26], [sflag:$0x1] =	stream.indirect.gather [hbm4b:s4+s15], $0x10, s12, s15, $0xb8;
	[tilespmem:$0x1EA00] =	vst v63  }
0x12a: {  	s11 =	rddreg [dreg:$0xd]  }
0x12b: {  	[tilespmem:s28], [sflag:$0x1] =	stream.indirect.gather [hbm4b:s4+s15], $0x10, s11, s15, $0xb8;
	[tilespmem:$0x1EA00] =	vst v63  }
0x12c: {  	_ =	swait.ge [sflag:s29], $0x800  }
0x12d: {  	[sflag:s29] =	ssyncset.done $0x0  }
0x12e: {  	[sflag:s29] =	ssyncadd.s32 $0xFFFFF800  }
0x12f: {  	_ =	swait.ge [sflag:s29], $0x800  }
0x130: {  	[sflag:s29] =	ssyncset.done $0x0  }
0x131: {  	[sflag:s29] =	ssyncadd.s32 $0xFFFFF800  }
0x132: {  	_ =	swait.ge [sflag:s29], $0x800  }
0x133: {  	[sflag:s29] =	ssyncset.done $0x0  }
0x134: {  	[sflag:s29] =	ssyncadd.s32 $0xFFFFF800  }
0x135: {  	_ =	swait.ge [sflag:s29], $0x800  }
0x136: {  	[sflag:s29] =	ssyncset.done $0x0  }
0x137: {  	[sflag:s29] =	ssyncadd.s32 $0xFFFFF800  }
0x138: {  	_ =	swait.ge [sflag:s29], $0x800  }
0x139: {  	[sflag:s29] =	ssyncset.done $0x0  }
0x13a: {  	[sflag:s29] =	ssyncadd.s32 $0xFFFFF800  }
0x13b: {  	_ =	swait.ge [sflag:s29], $0x800  }
0x13c: {  	[sflag:s29] =	ssyncset.done $0x0  }
0x13d: {  	[sflag:s29] =	ssyncadd.s32 $0xFFFFF800  }
0x13e: {  	_ =	swait.ge [sflag:s29], $0x800  }
0x13f: {  	[sflag:s29] =	ssyncset.done $0x0  }
0x140: {  	[sflag:s29] =	ssyncadd.s32 $0xFFFFF800  }
0x141: {  	_ =	swait.ge [sflag:s29], $0x800  }
0x142: {  	[sflag:s29] =	ssyncset.done $0x0  }
0x143: {  	[sflag:s29] =	ssyncadd.s32 $0xFFFFF800  }
0x144: {  	_ =	swait.ge [sflag:s29], $0x800  }
0x145: {  	[sflag:s29] =	ssyncset.done $0x0  }
0x146: {  	[sflag:s29] =	ssyncadd.s32 $0xFFFFF800  }
0x147: {  	_ =	swait.ge [sflag:s29], $0x800  }
0x148: {  	[sflag:s29] =	ssyncset.done $0x0  }
0x149: {  	[sflag:s29] =	ssyncadd.s32 $0xFFFFF800  }
0x14a: {  	_ =	swait.ge [sflag:s29], $0x800  }
0x14b: {  	[sflag:s29] =	ssyncset.done $0x0  }
0x14c: {  	[sflag:s29] =	ssyncadd.s32 $0xFFFFF800  }
0x14d: {  	[spmem:s1] =	stream.indirect.scatter.add.f32 [tilespmem:s16], [sflag:$0x2], $0x10, s14, s15, $0xb8;
	[tilespmem:$0x1EA00] =	vst v63  }
0x14e: {  	_ =	swait.ge [sflag:s13], $0x800  }
0x14f: {  	[sflag:s13] =	ssyncset.done $0x0  }
0x150: {  	s12 =	rddreg [dreg:$0xe];
	[sflag:s13] =	ssyncadd.s32 $0xFFFFF800  }
0x151: {  	[spmem:s1] =	stream.indirect.scatter.add.f32 [tilespmem:s17], [sflag:$0x2], $0x10, s12, s15, $0xb8;
	[tilespmem:$0x1EA00] =	vst v63  }
0x152: {  	_ =	swait.ge [sflag:s13], $0x800  }
0x153: {  	[sflag:s13] =	ssyncset.done $0x0  }
0x154: {  	[sflag:s13] =	ssyncadd.s32 $0xFFFFF800  }
0x155: {  	[spmem:s1] =	stream.indirect.scatter.add.f32 [tilespmem:s18], [sflag:$0x2], $0x10, s30, s15, $0xb8;
	[tilespmem:$0x1EA00] =	vst v63  }
0x156: {  	_ =	swait.ge [sflag:s13], $0x800  }
0x157: {  	[sflag:s13] =	ssyncset.done $0x0  }
0x158: {  	[sflag:s13] =	ssyncadd.s32 $0xFFFFF800  }
0x159: {  	[spmem:s1] =	stream.indirect.scatter.add.f32 [tilespmem:s19], [sflag:$0x2], $0x10, s31, s15, $0xb8;
	[tilespmem:$0x1EA00] =	vst v63  }
0x15a: {  	_ =	swait.ge [sflag:s13], $0x800  }
0x15b: {  	[sflag:s13] =	ssyncset.done $0x0  }
0x15c: {  	[sflag:s13] =	ssyncadd.s32 $0xFFFFF800  }
0x15d: {  	[spmem:s1] =	stream.indirect.scatter.add.f32 [tilespmem:s20], [sflag:$0x2], $0x10, s0, s15, $0xb8;
	[tilespmem:$0x1EA00] =	vst v63  }
0x15e: {  	_ =	swait.ge [sflag:s13], $0x800  }
0x15f: {  	[sflag:s13] =	ssyncset.done $0x0  }
0x160: {  	[sflag:s13] =	ssyncadd.s32 $0xFFFFF800  }
0x161: {  	[spmem:s1] =	stream.indirect.scatter.add.f32 [tilespmem:s21], [sflag:$0x2], $0x10, s3, s15, $0xb8;
	[tilespmem:$0x1EA00] =	vst v63  }
0x162: {  	_ =	swait.ge [sflag:s13], $0x800  }
0x163: {  	[sflag:s13] =	ssyncset.done $0x0  }
0x164: {  	[sflag:s13] =	ssyncadd.s32 $0xFFFFF800  }
0x165: {  	[spmem:s1] =	stream.indirect.scatter.add.f32 [tilespmem:s22], [sflag:$0x2], $0x10, s7, s15, $0xb8;
	[tilespmem:$0x1EA00] =	vst v63  }
0x166: {  	_ =	swait.ge [sflag:s13], $0x800  }
0x167: {  	[sflag:s13] =	ssyncset.done $0x0  }
0x168: {  	[sflag:s13] =	ssyncadd.s32 $0xFFFFF800  }
0x169: {  	[spmem:s1] =	stream.indirect.scatter.add.f32 [tilespmem:s23], [sflag:$0x2], $0x10, s25, s15, $0xb8;
	[tilespmem:$0x1EA00] =	vst v63  }
0x16a: {  	_ =	swait.ge [sflag:s13], $0x800  }
0x16b: {  	[sflag:s13] =	ssyncset.done $0x0  }
0x16c: {  	[sflag:s13] =	ssyncadd.s32 $0xFFFFF800  }
0x16d: {  	[spmem:s1] =	stream.indirect.scatter.add.f32 [tilespmem:s24], [sflag:$0x2], $0x10, s8, s15, $0xb8;
	[tilespmem:$0x1EA00] =	vst v63  }
0x16e: {  	_ =	swait.ge [sflag:s13], $0x800  }
0x16f: {  	[sflag:s13] =	ssyncset.done $0x0  }
0x170: {  	[sflag:s13] =	ssyncadd.s32 $0xFFFFF800  }
0x171: {  	[spmem:s1] =	stream.indirect.scatter.add.f32 [tilespmem:s26], [sflag:$0x2], $0x10, s9, s15, $0xb8;
	[tilespmem:$0x1EA00] =	vst v63  }
0x172: {  	_ =	swait.ge [sflag:s13], $0x800  }
0x173: {  	[sflag:s13] =	ssyncset.done $0x0  }
.Ltmp3:
0x174: {  	[sflag:s13] =	ssyncadd.s32 $0xFFFFF800;
	(pc) =	sbr.rel @p0 .LBB2_5-.Ltmp3, $4  }
0x175: {  	[spmem:s1] =	stream.indirect.scatter.add.f32 [tilespmem:s28], [sflag:$0x2], $0x10, s10, s15, $0xb8;
	[tilespmem:$0x1EA00] =	vst v63  }
0x176: {  	_ =	swait.ge [sflag:s13], $0x800  }
0x177: {  	[sflag:s13] =	ssyncset.done $0x0  }
0x178: {  	[sflag:s13] =	ssyncadd.s32 $0xFFFFF800  }
0x179: {  	s5 =	rddreg [dreg:$0x12]  }
0x17a: {  	[tilespmem:s2], [sflag:$0x2] =	stream.linear.gather [hbm4b:s5+s2], $0x80, $0x38;
	[tilespmem:$0x1EA00] =	vst v63  }
0x17b: {  	_ =	swait.ge [sflag:s13], $0x80  }
0x17c: {  	[sflag:s13] =	ssyncset.done $0x0  }
0x17d: {  	s12 =	rddreg [dreg:$0x13];
	[sflag:s13] =	ssyncadd.s32 $0xFFFFFF80  }
0x17e: {  	[tilespmem:s14], [sflag:$0x2] =	stream.linear.gather [hbm4b:s12+s2], $0x80, $0x38;
	[tilespmem:$0x1EA00] =	vst v63  }
0x17f: {  	_ =	swait.ge [sflag:s13], $0x80  }
0x180: {  	[sflag:s13] =	ssyncset.done $0x0  }
0x181: {  	[sflag:s13] =	ssyncadd.s32 $0xFFFFFF80  }
0x182: {  	[tilespmem:s16], [sflag:$0x1] =	stream.indirect.gather [hbm4b:s4+s15], $0x10, s2, s15, $0xb8;
	[tilespmem:$0x1EA00] =	vst v63  }
0x183: {  	_ =	swait.ge [sflag:s29], $0x800  }
0x184: {  	[sflag:s29] =	ssyncset.done $0x0  }
0x185: {  	[sflag:s29] =	ssyncadd.s32 $0xFFFFF800  }
0x186: {  	[spmem:s1] =	stream.indirect.scatter.add.f32 [tilespmem:s16], [sflag:$0x2], $0x10, s14, s15, $0xb8;
	[tilespmem:$0x1EA00] =	vst v63  }
.Ltmp4:
0x187: {  	_ =	swait.ge [sflag:s13], $0x800;
	(pc) =	sbr.rel .LBB2_6-.Ltmp4, $3  }
0x188: {  	[sflag:s13] =	ssyncset.done $0x0  }
0x189: {  	[sflag:s13] =	ssyncadd.s32 $0xFFFFF800  }
0x18a: {  	[bflag:$0x0] =	sbarrier.arrive $0xFFFF;
	_ =	sdelay $0x1  }
.LBB2_5:
.Ltmp5:
0x18b: {  	(pc) =	sbr.rel @p1 .LBB2_7-.Ltmp5, $2  }
0x18c: {  	_ =	sdelay $0x1  }
0x18d: {  	[bflag:$0x0] =	sbarrier.arrive $0xFFFF;
	_ =	sdelay $0x1  }
.LBB2_6:
0x18e: {  	s5 =	rddreg [dreg:$0x10]  }
0x18f: {  	s6 =	rddreg [dreg:$0x14]  }
.Ltmp6:
0x190: {  	s11 =	rddreg [dreg:$0x16];
	(pc) =	sbr.rel .LBB2_8-.Ltmp6, $4  }
0x191: {  	[hbm:s6], [sflag:s5] =	dma.local [spmem:s11], $0x30E0  }
0x192: {  	_ =	swait.ge [sflag:s13], $0x30E0  }
0x193: {  	[sflag:s13] =	ssyncset.done $0x0  }
0x194: {  	s6 =	rddreg [dreg:$0x18];
	[sflag:s13] =	ssyncadd.s32 $0xFFFFCF20  }
.LBB2_9:
0x195: {  	_ =	sfence.sel $0x180000  }
0x196: {  	[bflag:$0x0] =	sbarrier.arrive $0xFFFF  }
0x197: {  	_ =	strace $0x9000004A  }
0x198: {  	s0 =	stileid.u32;
	[bflag:$0x2] =	sbarrier.arrive $0xFFFF  }
0x199: {  	p0 =	sne.s32 s0, $0x0;
	s0 =	rddreg [dreg:$0x2]  }
0x19a: {  	s0 =	sadd.s32 @!p0 $0x100000, s0  }
0x19b: {  	[sflag:s0] =	ssyncadd.tile.s32 @!p0 $0x1;
	_ =	shalt  }
.Lfunc_end2:
_tile_overlayer_lowered:
.L_overlay_start_2:
0x19c: {  	(tag) =	ssettag $0x2  }
0x19d: {  	s0 =	rddreg [dreg:$0x0];
	s2 =	stileid.u32  }
0x19e: {  	s1 =	rddreg [dreg:$0x1];
	p0 =	sne.s32 s2, $0x0  }
0x19f: {  	s3 =	rddreg [dreg:$0x2];
	[bflag:$0x3] =	sbarrier.arrive $0xFFFF;
	s2 =	simm.s32 @!p0 $0x1C02  }
0x1a0: {  	[timem:s3], [sflag:s2] =	dma.local @!p0 [hbm:s0], s1  }
0x1a1: {  	s0 =	simm.s32 @!p0 $0x2  }
0x1a2: {  	_ =	swait.ge @!p0 [sflag:s0], s1  }
0x1a3: {  	s1 =	ssub.s32 @!p0 $0x0, s1;
	[sflag:s0] =	ssyncset.done @!p0 $0x0  }
0x1a4: {  	[sflag:s0] =	ssyncadd.s32 @!p0 s1  }
0x1a5: {  	[bflag:$0x3] =	sbarrier.arrive $0xFFFF  }
0x1a6: {  	_ =	shalt  }

// kernel: kernel.16.cloned.1.call-start
scs
__scs_entry_jumppad:
0x0: {  	(pc) =	sbr.rel $0x88, $3  }
0x1: {  	(tag) =	ssettag $0x0;
	lr =	simm.s32 $0x1  }
0x2: {  	[smem:$0x3F8D] =	sst lr;
	_ =	strace $0xD0000000  }
0x3: {  	_ = 	snop  }
0x4: {  	_ = 	snop  }
0x5: {  	_ = 	snop  }
0x6: {  	_ = 	snop  }
0x7: {  	_ = 	snop  }
__scs_overlays_trampoline_lowered:
0x8: {  	[smem:$0x3F9C] =	sst s0  }
0x9: {  	[smem:$0x3F9D] =	sst s1  }
0xa: {  	[smem:$0x3F9E] =	sst s2  }
0xb: {  	[smem:$0x3F9F] =	sst s3  }
0xc: {  	[smem:$0x3FA0] =	sst s4  }
0xd: {  	[smem:$0x3FA1] =	sst s5  }
0xe: {  	[smem:$0x3FA2] =	sst s6  }
0xf: {  	[smem:$0x3FA3] =	sst s7  }
0x10: {  	[smem:$0x3FA4] =	sst s8  }
0x11: {  	[smem:$0x3FA5] =	sst s9;
	s0 =	simm.s32 @!p0 $0x0  }
0x12: {  	s1 =	sld [smem:$0x3F8B];
	s0 =	simm.s32 @p0 $0x1  }
0x13: {  	[smem:$0x3FA6] =	sst s0;
	s0 =	simm.s32 @!p1 $0x0  }
0x14: {  	s2 =	sld [smem:$0x3F8A];
	s0 =	simm.s32 @p1 $0x1  }
0x15: {  	[smem:$0x3FA7] =	sst s0;
	s0 =	simm.s32 @!p2 $0x0  }
0x16: {  	s3 =	sld [smem:$0x3FDB];
	s0 =	simm.s32 @p2 $0x1  }
0x17: {  	s4 =	simm.s32 $0x1BF5;
	[smem:$0x3FA9] =	sst s0  }
0x18: {  	s0 =	sld [smem:$0x3F8C];
	_ =	swait.ge [sflag:s4], $0x0  }
0x19: {  	s7 =	sld [smem:$0x3F8D]  }
0x1a: {  	s8 =	sadd.s32 $0xFFFFE003, lr  }
0x1b: {  	s9 =	sadd.s32 $0xFFFFFEF7, lr;
	s5 =	simm.s32 $0xFFFFFFFF;
	p2 =	slt.u32 s8, $0xFFFFF086  }
0x1c: {  	p1 =	slt.u32 s9, $0xF7A;
	s5 =	simm.s32 @!p2 $0x0  }
0x1d: {  	s5 =	simm.s32 @p1 $0x1;
	p0 =	seq.s32 s7, s2  }
0x1e: {  	s7 =	smul.u32 @!p0 $0xF7A, s2;
	p2 =	seq.s32 @!p0 s5, $0x0  }
0x1f: {  	s9 =	smul.u32 $0xF7A, s1;
	s8 =	simm.s32 @!p0 $0x1BF5;
	p2 =	por !p2, p0  }
0x20: {  	[sflag:s8] =	ssyncset.s32 @!p0 $0xFFFFF086;
	s6 =	sadd.s32 @!p0 s3, s7;
	s7 =	simm.s32 @!p0 $0x108  }
0x21: {  	s3 =	sadd.s32 s3, s9;
	s6 =	sadd.s32 @!p0 $0x88, s6;
	s7 =	simm.s32 @p2 $0x1082  }
0x22: {  	[simem:s7], [sflag:s8] =	dma.local @!p0 [hbm:s6], $0xF7A  }
0x23: {  	s9 =	sor.u32 $0xD0000000, s2;
	s6 =	simm.s32 $0x108;
	_ =	swait.ge @!p0 [sflag:s8], $0x0  }
0x24: {  	s3 =	sadd.s32 $0x88, s3;
	s6 =	simm.s32 @!p1 $0x1082;
	[sflag:s4] =	ssyncset.s32 $0xFFFFF086  }
0x25: {  	[simem:s6], [sflag:s4] =	dma.local [hbm:s3], $0xF7A  }
0x26: {  	[smem:$0x3F8D] =	sst s1;
	(tag) =	ssettag s2;
	_ =	strace s9  }
0x27: {  	s1 =	sld [smem:$0x3F9D]  }
0x28: {  	s2 =	sld [smem:$0x3F9E]  }
0x29: {  	s4 =	sld [smem:$0x3FA0]  }
0x2a: {  	p0 =	seq.s32 s5, $0x0;
	s5 =	sld [smem:$0x3FA1]  }
0x2b: {  	s6 =	sld [smem:$0x3FA2]  }
0x2c: {  	s7 =	sld [smem:$0x3FA3]  }
0x2d: {  	s3 =	simm.s32 $0x108;
	s8 =	sld [smem:$0x3FA4]  }
0x2e: {  	s3 =	simm.s32 @!p0 $0x1082;
	s9 =	sld [smem:$0x3FA5]  }
0x2f: {  	lr =	sadd.s32 s0, s3;
	s0 =	sld [smem:$0x3F9C]  }
0x30: {  	s3 =	sld [smem:$0x3F9F]  }
0x31: {  	[smem:$0x3FA8] =	sst s10  }
0x32: {  	s10 =	sld [smem:$0x3FA6];
	_ =	sdelay $0x3  }
0x33: {  	p0 =	seq.s32 s10, $0x1;
	s10 =	sld [smem:$0x3FA8];
	_ =	sdelay $0x3  }
0x34: {  	[smem:$0x3FA8] =	sst s10  }
0x35: {  	s10 =	sld [smem:$0x3FA7];
	_ =	sdelay $0x3  }
0x36: {  	p1 =	seq.s32 s10, $0x1;
	s10 =	sld [smem:$0x3FA8];
	_ =	sdelay $0x3  }
0x37: {  	[smem:$0x3FA8] =	sst s10  }
0x38: {  	s10 =	sld [smem:$0x3FA9]  }
0x39: {  	_ = 	snop;
	(pc) =	sbr.ind lr, $3  }
0x3a: {  	_ = 	snop  }
0x3b: {  	_ = 	snop  }
0x3c: {  	p2 =	seq.s32 s10, $0x1;
	s10 =	sld [smem:$0x3FA8]  }
0x3d: {  	_ =	shalt  }
0x3e: {  	_ =	shalt  }
0x3f: {  	_ =	shalt  }
0x40: {  	_ =	shalt  }
0x41: {  	_ =	shalt  }
0x42: {  	_ =	shalt  }
0x43: {  	_ =	shalt  }
0x44: {  	_ =	shalt  }
0x45: {  	_ =	shalt  }
0x46: {  	_ =	shalt  }
0x47: {  	_ =	shalt  }
0x48: {  	_ =	shalt  }
0x49: {  	_ =	shalt  }
0x4a: {  	_ =	shalt  }
0x4b: {  	_ =	shalt  }
0x4c: {  	_ =	shalt  }
0x4d: {  	_ =	shalt  }
0x4e: {  	_ =	shalt  }
0x4f: {  	_ =	shalt  }
0x50: {  	_ =	shalt  }
0x51: {  	_ =	shalt  }
0x52: {  	_ =	shalt  }
0x53: {  	_ =	shalt  }
0x54: {  	_ =	shalt  }
0x55: {  	_ =	shalt  }
0x56: {  	_ =	shalt  }
0x57: {  	_ =	shalt  }
0x58: {  	_ =	shalt  }
0x59: {  	_ =	shalt  }
0x5a: {  	_ =	shalt  }
0x5b: {  	_ =	shalt  }
0x5c: {  	_ =	shalt  }
0x5d: {  	_ =	shalt  }
0x5e: {  	_ =	shalt  }
0x5f: {  	_ =	shalt  }
0x60: {  	_ =	shalt  }
0x61: {  	_ =	shalt  }
0x62: {  	_ =	shalt  }
0x63: {  	_ =	shalt  }
0x64: {  	_ =	shalt  }
0x65: {  	_ =	shalt  }
0x66: {  	_ =	shalt  }
0x67: {  	_ =	shalt  }
0x68: {  	_ =	shalt  }
0x69: {  	_ =	shalt  }
0x6a: {  	_ =	shalt  }
0x6b: {  	_ =	shalt  }
0x6c: {  	_ =	shalt  }
0x6d: {  	_ =	shalt  }
0x6e: {  	_ =	shalt  }
0x6f: {  	_ =	shalt  }
0x70: {  	_ =	shalt  }
0x71: {  	_ =	shalt  }
0x72: {  	_ =	shalt  }
0x73: {  	_ =	shalt  }
0x74: {  	_ =	shalt  }
0x75: {  	_ =	shalt  }
0x76: {  	_ =	shalt  }
0x77: {  	_ =	shalt  }
0x78: {  	_ =	shalt  }
0x79: {  	_ =	shalt  }
0x7a: {  	_ =	shalt  }
0x7b: {  	_ =	shalt  }
0x7c: {  	_ =	shalt  }
0x7d: {  	_ =	shalt  }
0x7e: {  	_ =	shalt  }
0x7f: {  	_ =	shalt  }
0x80: {  	_ =	shalt  }
0x81: {  	_ =	shalt  }
0x82: {  	_ =	shalt  }
0x83: {  	_ =	shalt  }
0x84: {  	_ =	shalt  }
0x85: {  	_ =	shalt  }
0x86: {  	_ =	shalt  }
0x87: {  	_ =	shalt  }
.Lfunc_end0:
.L_simem_size_0:
called_computation.2_lowered:
.L_overlay_start_0:
0x88: {  	s2 =	sld [smem:$0x3FD9]  }
0x89: {  	s3 =	sld [smem:$0x3FFE];
	_ =	sdelay $0x1  }
0x8a: {  	s1 =	srdreg.scid  }
0x8b: {  	s0 =	sand.u32 $0x1, s1  }
0x8c: {  	s16 =	sshll.u32 s0, $0xA;
	s2 =	sadd.s32 s3, s2  }
0x8d: {  	s2 =	sadd.s32 s2, s16  }
0x8e: {  	[smem:$0x3FB4] =	sst s2  }
0x8f: {  	_ = 	snop  }
0x90: {  	(tm) =	ssettm $0x1  }
0x91: {  	s17 =	sld [smem:$0x3FFB];
	_ =	sdelay $0x3  }
0x92: {  	_ =	strace s17  }
0x93: {  	s2 =	sld [smem:$0x3FFC];
	_ =	sdelay $0x3  }
0x94: {  	_ =	strace s2  }
0x95: {  	s2 =	sld [smem:$0x3FFD];
	_ =	sdelay $0x3  }
0x96: {  	_ =	strace s2  }
0x97: {  	_ =	strace $0x8FFFFFFF  }
0x98: {  	s18 =	sld [smem:$0x3FDB];
	_ =	sdelay $0x1  }
0x99: {  	s19 =	simm.s32 $_scs_section_size  }
0x9a: {  	s4 =	simm.s32 $_size__tile_overlayer_lowered;
	s5 =	simm.s32 $_tile_overlayer_lowered  }
0x9b: {  	s22 =	simm.s32 $0x1BFF;
	s21 =	sshll.u32 s5, $0x1;
	s2 =	sadd.s32 s19, s18  }
0x9c: {  	s6 =	simm.s32 $0x0;
	s20 =	sshll.u32 s4, $0x1;
	s4 =	sadd.s32 s21, s2  }
0x9d: {  	[timem:s6], [sflag:s22] =	dma.local [hbm:s4], s20  }
0x9e: {  	_ =	swait.ge [sflag:s22], s20  }
0x9f: {  	s3 =	ssub.s32 $0x0, s20;
	[sflag:s22] =	ssyncset.done $0x0  }
0xa0: {  	[sflag:s22] =	ssyncadd.s32 s3;
	_ =	sdelay $0x1  }
0xa1: {  	s23 =	simm.s32 $0x1B8B  }
0xa2: {  	_ =	swait.ge [sflag:s23], $0x1  }
0xa3: {  	[sflag:s23] =	ssyncset.done $0x0  }
0xa4: {  	s25 =	simm.s32 $0x1B8E;
	s24 =	sld [smem:$0x3FFE];
	[sflag:s23] =	ssyncadd.s32 $0xFFFFFFFF  }
0xa5: {  	s26 =	simm.s32 $execute0_lowered;
	[smem:$0x3FD2] =	sst s25  }
0xa6: {  	s4 =	sshll.u32 s26, $0x1;
	_ =	strace $0x8000004C;
	[dreg:$0x1] =	wrdreg $0xFFFFFFFF  }
0xa7: {  	s28 =	simm.s32 $_size_execute0_lowered;
	s2 =	sadd.s32 s2, s4;
	[dreg:$0x0] =	wrdreg $0x0  }
0xa8: {  	s4 =	sshll.u32 s28, $0x1;
	[dreg:$0x2] =	wrdreg s2  }
0xa9: {  	[dreg:$0x3] =	wrdreg s4  }
0xaa: {  	[dreg:$0x4] =	wrdreg $0xC0  }
0xab: {  	_ =	task [dreg:s6], $0x5FFFF  }
0xac: {  	[dreg:$0x1] =	wrdreg $0xFFFFFFFF  }
0xad: {  	[dreg:$0x0] =	wrdreg $0x60  }
0xae: {  	[dreg:$0x2] =	wrdreg s24  }
0xaf: {  	[dreg:$0x3] =	wrdreg $0x63000  }
0xb0: {  	[dreg:$0x4] =	wrdreg $0x9  }
0xb1: {  	_ =	task.clear_ibuf [dreg:s6], $0x5FFFF;
	_ =	strace $0x9000004C  }
0xb2: {  	s29 =	simm.s32 $0x9;
	_ =	strace $0x8000004E  }
0xb3: {  	_ =	swait.ge [sflag:s29], $0x1  }
0xb4: {  	[sflag:s29] =	ssyncadd.s32 $0xFFFFFFFF  }
0xb5: {  	_ =	strace $0x9000004E  }
0xb6: {  	_ =	sfence  }
0xb7: {  	s30 =	sld [smem:$0x0];
	_ =	sdelay $0x2  }
0xb8: {  	s31 =	sshll.u32 s1, $0xD;
	s1 =	sshrl.u32 s1, $0x2  }
0xb9: {  	s3 =	sand.u32 $0x4000, s31;
	s1 =	sadd.s32 s1, s30  }
0xba: {  	s0 =	sor.u32 s3, s0;
	s1 =	sshll.u32 s1, $0x11  }
0xbb: {  	s0 =	sor.u32 s1, s0  }
0xbc: {  	s0 =	sadd.s32 $0x8F2B, s0  }
0xbd: {  	[sflag:s0] =	ssyncadd.remote.s32 $0x1  }
0xbe: {  	_ =	sfence.sel $0xFFFF  }
0xbf: {  	[dreg:$0x0] =	wrdreg $0xFFFFFFFF;
	(pc) =	sbr.abs _section_cstart, $3  }
0xc0: {  	[dreg:$0x1] =	wrdreg $0xFFFFFFFF  }
0xc1: {  	_ =	task.clear_ibuf [dreg:s6], $0x2FFFF;
	_ =	strace $0x9FFFFFFF  }
0xc2: {  	(tm) =	ssettm $0x7FFFFFFF  }
0xc3: {  	_ =	shalt  }
tec
execute0_lowered:
.L_overlay_start_1:
0x0: {  	(tag) =	ssettag $0x1  }
0x1: {  	s0 =	rddreg [dreg:$0x0]  }
0x2: {  	s1 =	rddreg [dreg:$0x1];
	s2 =	simm.s32 $0x0;
	s5 =	srdreg.scid  }
0x3: {  	s26 =	stileid.u32;
	s28 =	simm.s32 $0x5B00;
	s29 =	simm.s32 $0x1  }
0x4: {  	s30 =	simm.s32 $0x680;
	s31 =	simm.s32 $0x700;
	[smem:$0x7FF] =	sst s2  }
0x5: {  	s4 =	sadd.s32 $0x7A00, s0;
	s3 =	sadd.s32 $0x314E00, s0;
	s6 =	sadd.s32 $0x38800, s0  }
0x6: {  	s5 =	sand.u32 $0x1, s5;
	s7 =	sshll.u32 s26, $0x1;
	s9 =	smul.u32 $0x18700, s26  }
0x7: {  	s10 =	sadd.s32 $0xFBE00, s0;
	s0 =	sadd.s32 $0xFF000, s0;
	s13 =	sshll.u32 s26, $0x6  }
0x8: {  	s14 =	smul.u32 $0xC34, s26;
	s25 =	sadd.s32 $0x16E900, s1;
	p0 =	sgt.u32 s26, $0x7  }
0x9: {  	p1 =	seq.s32 s26, $0xF;
	_ =	strace $0x8000004D;
	s8 =	ssub.s32 $0x2, s5  }
0xa: {  	s7 =	sor.u32 s5, s7;
	[dreg:$0xf] =	wrdreg s10;
	s17 =	smul.u32 $0x186A00, s5  }
0xb: {  	s5 =	smul.u32 $0x61A, s5;
	s13 =	sor.u32 $0x1C02, s13;
	s10 =	simm.s32 $0x400  }
0xc: {  	s26 =	sshrl.u32 s25, $0x3;
	s25 =	simm.s32 $0x900;
	[dreg:$0x10] =	wrdreg s13  }
0xd: {  	s16 =	sshrl.u32 s8, $0x1;
	s11 =	smul.u32 $0x61A, s7;
	[dreg:$0xb] =	wrdreg s10  }
0xe: {  	s12 =	sadd.s32 s9, s1;
	s7 =	smin.u32 s7, $0x10;
	[dreg:$0x17] =	wrdreg s26  }
0xf: {  	s26 =	simm.s32 $0x5300;
	s10 =	simm.s32 $0xA80;
	s8 =	ssub.s32 s8, s16  }
0x10: {  	s15 =	sshrl.u32 s17, $0x3;
	s5 =	sadd.s32 s5, s14;
	s20 =	sadd.s32 s9, s17  }
0x11: {  	s24 =	sshrl.u32 s12, $0x3;
	s14 =	simm.s32 $0x580;
	s16 =	simm.s32 $0xB00  }
0x12: {  	s17 =	simm.s32 $0x1300;
	s9 =	simm.s32 $0x380;
	s12 =	simm.s32 $0x500  }
0x13: {  	s11 =	sadd.s32 s7, s11;
	s18 =	sadd.s32 s0, s15;
	s5 =	sadd.s32 s7, s5  }
0x14: {  	s7 =	sshrl.u32 s20, $0x3;
	s23 =	smax.u32 s8, $0x1;
	[dreg:$0x16] =	wrdreg s24  }
0x15: {  	s15 =	simm.s32 $0x80;
	s8 =	simm.s32 $0x300;
	[dreg:$0xa] =	wrdreg s9  }
0x16: {  	s20 =	simm.s32 $0x2B00;
	[dreg:$0xd] =	wrdreg s12;
	s24 =	simm.s32 $0x600  }
0x17: {  	s9 =	simm.s32 $0xA00;
	s13 =	sadd.s32 $0x2DD20, s18;
	[dreg:$0x15] =	wrdreg s23  }
0x18: {  	s11 =	sshll.u32 s11, $0x4;
	s5 =	sshll.u32 s5, $0x4;
	[dreg:$0x9] =	wrdreg s8  }
0x19: {  	s0 =	sadd.s32 s0, s7;
	s7 =	simm.s32 $0x280;
	[dreg:$0xe] =	wrdreg s24  }
0x1a: {  	s18 =	simm.s32 $0x1B00;
	s23 =	simm.s32 $0x4300;
	[dreg:$0x11] =	wrdreg s13  }
0x1b: {  	s24 =	simm.s32 $0x4B00;
	s8 =	simm.s32 $0x980;
	[dreg:$0x14] =	wrdreg s0  }
0x1c: {  	s11 =	sadd.s32 $0x61A0, s11;
	s22 =	sadd.s32 s5, s6;
	[dreg:$0x8] =	wrdreg s7  }
0x1d: {  	s13 =	simm.s32 $0x2;
	s19 =	sadd.s32 s3, s11;
	[dreg:$0x4] =	wrdreg s22  }
0x1e: {  	s0 =	simm.s32 $0x780;
	s21 =	sadd.s32 s6, s11;
	[dreg:$0x12] =	wrdreg s19  }
0x1f: {  	s7 =	simm.s32 $0x880;
	s3 =	sadd.s32 s5, s3;
	[dreg:$0x13] =	wrdreg s21  }
.Ltmp0:
0x20: {  	s5 =	simm.s32 $0x180;
	[dreg:$0x3] =	wrdreg s3;
	(pc) =	sbr.rel .LBB2_1-.Ltmp0, $4  }
0x21: {  	s6 =	simm.s32 $0x200;
	s11 =	simm.s32 $0x480;
	[dreg:$0x6] =	wrdreg s5  }
0x22: {  	s22 =	simm.s32 $0x3B00;
	s3 =	simm.s32 $0x100;
	[dreg:$0x7] =	wrdreg s6  }
0x23: {  	s19 =	simm.s32 $0x2300;
	s21 =	simm.s32 $0x3300;
	[dreg:$0xc] =	wrdreg s11  }
0x24: {  	s6 =	simm.s32 $0x0;
	[dreg:$0x5] =	wrdreg s3;
	s3 =	simm.s32 $0x800  }
.LBB2_7:
0x25: {  	s5 =	rddreg [dreg:$0x10]  }
0x26: {  	s6 =	rddreg [dreg:$0x11]  }
0x27: {  	s11 =	rddreg [dreg:$0x17]  }
0x28: {  	[hbm:s6], [sflag:s5] =	dma.local [spmem:s11], $0x3020  }
0x29: {  	_ =	swait.ge [sflag:s13], $0x3020  }
0x2a: {  	[sflag:s13] =	ssyncset.done $0x0  }
0x2b: {  	s6 =	rddreg [dreg:$0x18];
	[sflag:s13] =	ssyncadd.s32 $0xFFFFCFE0  }
.LBB2_8:
0x2c: {  	s6 =	sadd.s32 $0x1, s6;
	s5 =	rddreg [dreg:$0x15]  }
0x2d: {  	p2 =	sne.s32 s6, s5  }
.Ltmp1:
0x2e: {  	_ = 	snop;
	(pc) =	sbr.rel @!p2 .LBB2_9-.Ltmp1, $1  }
0x2f: {  	_ =	sdelay $0x3  }
.LBB2_1:
0x30: {  	[dreg:$0x18] =	wrdreg s6  }
0x31: {  	s5 =	rddreg [dreg:$0xf]  }
0x32: {  	s12 =	rddreg [dreg:$0x10]  }
0x33: {  	s11 =	rddreg [dreg:$0x16]  }
0x34: {  	[spmem:s11], [sflag:s12] =	dma.local [hbm:s5], $0x30E0  }
0x35: {  	_ =	swait.ge [sflag:s13], $0x30E0  }
0x36: {  	[sflag:s13] =	ssyncset.done $0x0  }
0x37: {  	[sflag:s13] =	ssyncadd.s32 $0xFFFFCF20  }
0x38: {  	[bflag:$0x0] =	sbarrier.arrive $0xFFFF  }
0x39: {  	s12 =	rddreg [dreg:$0x3]  }
0x3a: {  	s6 =	sadd.s32 $0x0, s12  }
0x3b: {  	[tilespmem:s2], [sflag:$0x2] =	stream.linear.gather [hbm4b:s6+s2], $0x580, $0x38;
	[tilespmem:$0x1EA00] =	vst v63  }
0x3c: {  	_ =	swait.ge [sflag:s13], $0x580  }
0x3d: {  	s5 =	rddreg [dreg:$0x4];
	[sflag:s13] =	ssyncset.done $0x0  }
0x3e: {  	[sflag:s13] =	ssyncadd.s32 $0xFFFFFA80;
	s6 =	sadd.s32 $0x0, s5  }
0x3f: {  	[tilespmem:s14], [sflag:$0x2] =	stream.linear.gather [hbm4b:s6+s2], $0x580, $0x38;
	[tilespmem:$0x1EA00] =	vst v63  }
0x40: {  	_ =	swait.ge [sflag:s13], $0x580  }
0x41: {  	[sflag:s13] =	ssyncset.done $0x0  }
0x42: {  	[sflag:s13] =	ssyncadd.s32 $0xFFFFFA80  }
0x43: {  	[tilespmem:s16], [sflag:$0x1] =	stream.indirect.gather [hbm4b:s4+s15], $0x10, s2, s15, $0xb8;
	[tilespmem:$0x1EA00] =	vst v63  }
0x44: {  	_ = 	snop  }
0x45: {  	[tilespmem:s17], [sflag:$0x1] =	stream.indirect.gather [hbm4b:s4+s15], $0x10, s15, s15, $0xb8;
	[tilespmem:$0x1EA00] =	vst v63  }
0x46: {  	s11 =	rddreg [dreg:$0x5]  }
0x47: {  	[tilespmem:s18], [sflag:$0x1] =	stream.indirect.gather [hbm4b:s4+s15], $0x10, s11, s15, $0xb8;
	[tilespmem:$0x1EA00] =	vst v63  }
0x48: {  	s12 =	rddreg [dreg:$0x6]  }
0x49: {  	[tilespmem:s19], [sflag:$0x1] =	stream.indirect.gather [hbm4b:s4+s15], $0x10, s12, s15, $0xb8;
	[tilespmem:$0x1EA00] =	vst v63  }
0x4a: {  	s5 =	rddreg [dreg:$0x7]  }
0x4b: {  	[tilespmem:s20], [sflag:$0x1] =	stream.indirect.gather [hbm4b:s4+s15], $0x10, s5, s15, $0xb8;
	[tilespmem:$0x1EA00] =	vst v63  }
0x4c: {  	s12 =	rddreg [dreg:$0x8]  }
0x4d: {  	[tilespmem:s21], [sflag:$0x1] =	stream.indirect.gather [hbm4b:s4+s15], $0x10, s12, s15, $0xb8;
	[tilespmem:$0x1EA00] =	vst v63  }
0x4e: {  	s5 =	rddreg [dreg:$0x9]  }
0x4f: {  	[tilespmem:s22], [sflag:$0x1] =	stream.indirect.gather [hbm4b:s4+s15], $0x10, s5, s15, $0xb8;
	[tilespmem:$0x1EA00] =	vst v63  }
0x50: {  	s12 =	rddreg [dreg:$0xa]  }
0x51: {  	[tilespmem:s23], [sflag:$0x1] =	stream.indirect.gather [hbm4b:s4+s15], $0x10, s12, s15, $0xb8;
	[tilespmem:$0x1EA00] =	vst v63  }
0x52: {  	s5 =	rddreg [dreg:$0xb]  }
0x53: {  	[tilespmem:s24], [sflag:$0x1] =	stream.indirect.gather [hbm4b:s4+s15], $0x10, s5, s15, $0xb8;
	[tilespmem:$0x1EA00] =	vst v63  }
0x54: {  	s12 =	rddreg [dreg:$0xc]  }
0x55: {  	[tilespmem:s26], [sflag:$0x1] =	stream.indirect.gather [hbm4b:s4+s15], $0x10, s12, s15, $0xb8;
	[tilespmem:$0x1EA00] =	vst v63  }
0x56: {  	s5 =	rddreg [dreg:$0xd]  }
0x57: {  	[tilespmem:s28], [sflag:$0x1] =	stream.indirect.gather [hbm4b:s4+s15], $0x10, s5, s15, $0xb8;
	[tilespmem:$0x1EA00] =	vst v63  }
0x58: {  	_ =	swait.ge [sflag:s29], $0x800  }
0x59: {  	[sflag:s29] =	ssyncset.done $0x0  }
0x5a: {  	[sflag:s29] =	ssyncadd.s32 $0xFFFFF800  }
0x5b: {  	_ =	swait.ge [sflag:s29], $0x800  }
0x5c: {  	[sflag:s29] =	ssyncset.done $0x0  }
0x5d: {  	[sflag:s29] =	ssyncadd.s32 $0xFFFFF800  }
0x5e: {  	_ =	swait.ge [sflag:s29], $0x800  }
0x5f: {  	[sflag:s29] =	ssyncset.done $0x0  }
0x60: {  	[sflag:s29] =	ssyncadd.s32 $0xFFFFF800  }
0x61: {  	_ =	swait.ge [sflag:s29], $0x800  }
0x62: {  	[sflag:s29] =	ssyncset.done $0x0  }
0x63: {  	[sflag:s29] =	ssyncadd.s32 $0xFFFFF800  }
0x64: {  	_ =	swait.ge [sflag:s29], $0x800  }
0x65: {  	[sflag:s29] =	ssyncset.done $0x0  }
0x66: {  	[sflag:s29] =	ssyncadd.s32 $0xFFFFF800  }
0x67: {  	_ =	swait.ge [sflag:s29], $0x800  }
0x68: {  	[sflag:s29] =	ssyncset.done $0x0  }
0x69: {  	[sflag:s29] =	ssyncadd.s32 $0xFFFFF800  }
0x6a: {  	_ =	swait.ge [sflag:s29], $0x800  }
0x6b: {  	[sflag:s29] =	ssyncset.done $0x0  }
0x6c: {  	[sflag:s29] =	ssyncadd.s32 $0xFFFFF800  }
0x6d: {  	_ =	swait.ge [sflag:s29], $0x800  }
0x6e: {  	[sflag:s29] =	ssyncset.done $0x0  }
0x6f: {  	[sflag:s29] =	ssyncadd.s32 $0xFFFFF800  }
0x70: {  	_ =	swait.ge [sflag:s29], $0x800  }
0x71: {  	[sflag:s29] =	ssyncset.done $0x0  }
0x72: {  	[sflag:s29] =	ssyncadd.s32 $0xFFFFF800  }
0x73: {  	_ =	swait.ge [sflag:s29], $0x800  }
0x74: {  	[sflag:s29] =	ssyncset.done $0x0  }
0x75: {  	[sflag:s29] =	ssyncadd.s32 $0xFFFFF800  }
0x76: {  	_ =	swait.ge [sflag:s29], $0x800  }
0x77: {  	[sflag:s29] =	ssyncset.done $0x0  }
0x78: {  	[sflag:s29] =	ssyncadd.s32 $0xFFFFF800  }
0x79: {  	[spmem:s1] =	stream.indirect.scatter.add.f32 [tilespmem:s16], [sflag:$0x2], $0x10, s14, s15, $0xb8;
	[tilespmem:$0x1EA00] =	vst v63  }
0x7a: {  	_ =	swait.ge [sflag:s13], $0x800  }
0x7b: {  	[sflag:s13] =	ssyncset.done $0x0  }
0x7c: {  	s12 =	rddreg [dreg:$0xe];
	[sflag:s13] =	ssyncadd.s32 $0xFFFFF800  }
0x7d: {  	[spmem:s1] =	stream.indirect.scatter.add.f32 [tilespmem:s17], [sflag:$0x2], $0x10, s12, s15, $0xb8;
	[tilespmem:$0x1EA00] =	vst v63  }
0x7e: {  	_ =	swait.ge [sflag:s13], $0x800  }
0x7f: {  	[sflag:s13] =	ssyncset.done $0x0  }
0x80: {  	[sflag:s13] =	ssyncadd.s32 $0xFFFFF800  }
0x81: {  	[spmem:s1] =	stream.indirect.scatter.add.f32 [tilespmem:s18], [sflag:$0x2], $0x10, s30, s15, $0xb8;
	[tilespmem:$0x1EA00] =	vst v63  }
0x82: {  	_ =	swait.ge [sflag:s13], $0x800  }
0x83: {  	[sflag:s13] =	ssyncset.done $0x0  }
0x84: {  	[sflag:s13] =	ssyncadd.s32 $0xFFFFF800  }
0x85: {  	[spmem:s1] =	stream.indirect.scatter.add.f32 [tilespmem:s19], [sflag:$0x2], $0x10, s31, s15, $0xb8;
	[tilespmem:$0x1EA00] =	vst v63  }
0x86: {  	_ =	swait.ge [sflag:s13], $0x800  }
0x87: {  	[sflag:s13] =	ssyncset.done $0x0  }
0x88: {  	[sflag:s13] =	ssyncadd.s32 $0xFFFFF800  }
0x89: {  	[spmem:s1] =	stream.indirect.scatter.add.f32 [tilespmem:s20], [sflag:$0x2], $0x10, s0, s15, $0xb8;
	[tilespmem:$0x1EA00] =	vst v63  }
0x8a: {  	_ =	swait.ge [sflag:s13], $0x800  }
0x8b: {  	[sflag:s13] =	ssyncset.done $0x0  }
0x8c: {  	[sflag:s13] =	ssyncadd.s32 $0xFFFFF800  }
0x8d: {  	[spmem:s1] =	stream.indirect.scatter.add.f32 [tilespmem:s21], [sflag:$0x2], $0x10, s3, s15, $0xb8;
	[tilespmem:$0x1EA00] =	vst v63  }
0x8e: {  	_ =	swait.ge [sflag:s13], $0x800  }
0x8f: {  	[sflag:s13] =	ssyncset.done $0x0  }
0x90: {  	[sflag:s13] =	ssyncadd.s32 $0xFFFFF800  }
0x91: {  	[spmem:s1] =	stream.indirect.scatter.add.f32 [tilespmem:s22], [sflag:$0x2], $0x10, s7, s15, $0xb8;
	[tilespmem:$0x1EA00] =	vst v63  }
0x92: {  	_ =	swait.ge [sflag:s13], $0x800  }
0x93: {  	[sflag:s13] =	ssyncset.done $0x0  }
0x94: {  	[sflag:s13] =	ssyncadd.s32 $0xFFFFF800  }
0x95: {  	[spmem:s1] =	stream.indirect.scatter.add.f32 [tilespmem:s23], [sflag:$0x2], $0x10, s25, s15, $0xb8;
	[tilespmem:$0x1EA00] =	vst v63  }
0x96: {  	_ =	swait.ge [sflag:s13], $0x800  }
0x97: {  	[sflag:s13] =	ssyncset.done $0x0  }
0x98: {  	[sflag:s13] =	ssyncadd.s32 $0xFFFFF800  }
0x99: {  	[spmem:s1] =	stream.indirect.scatter.add.f32 [tilespmem:s24], [sflag:$0x2], $0x10, s8, s15, $0xb8;
	[tilespmem:$0x1EA00] =	vst v63  }
0x9a: {  	_ =	swait.ge [sflag:s13], $0x800  }
0x9b: {  	[sflag:s13] =	ssyncset.done $0x0  }
0x9c: {  	[sflag:s13] =	ssyncadd.s32 $0xFFFFF800  }
0x9d: {  	[spmem:s1] =	stream.indirect.scatter.add.f32 [tilespmem:s26], [sflag:$0x2], $0x10, s9, s15, $0xb8;
	[tilespmem:$0x1EA00] =	vst v63  }
0x9e: {  	_ =	swait.ge [sflag:s13], $0x800  }
0x9f: {  	[sflag:s13] =	ssyncset.done $0x0  }
0xa0: {  	[sflag:s13] =	ssyncadd.s32 $0xFFFFF800  }
0xa1: {  	[spmem:s1] =	stream.indirect.scatter.add.f32 [tilespmem:s28], [sflag:$0x2], $0x10, s10, s15, $0xb8;
	[tilespmem:$0x1EA00] =	vst v63  }
0xa2: {  	s11 =	simm.s32 $0xB0;
	_ =	swait.ge [sflag:s13], $0x800  }
0xa3: {  	s12 =	simm.s32 $0x160;
	s6 =	rddreg [dreg:$0x3];
	[sflag:s13] =	ssyncset.done $0x0  }
.LBB2_2:
0xa4: {  	[sflag:s13] =	ssyncadd.s32 $0xFFFFF800;
	s6 =	sadd.s32 s11, s6  }
0xa5: {  	[tilespmem:s2], [sflag:$0x2] =	stream.linear.gather [hbm4b:s6+s2], $0x580, $0x38;
	[tilespmem:$0x1EA00] =	vst v63  }
0xa6: {  	_ =	swait.ge [sflag:s13], $0x580  }
0xa7: {  	s6 =	rddreg [dreg:$0x4];
	[sflag:s13] =	ssyncset.done $0x0  }
0xa8: {  	[sflag:s13] =	ssyncadd.s32 $0xFFFFFA80;
	s6 =	sadd.s32 s11, s6  }
0xa9: {  	[tilespmem:s14], [sflag:$0x2] =	stream.linear.gather [hbm4b:s6+s2], $0x580, $0x38;
	[tilespmem:$0x1EA00] =	vst v63  }
0xaa: {  	_ =	swait.ge [sflag:s13], $0x580  }
0xab: {  	[sflag:s13] =	ssyncset.done $0x0  }
0xac: {  	[sflag:s13] =	ssyncadd.s32 $0xFFFFFA80  }
0xad: {  	[tilespmem:s16], [sflag:$0x1] =	stream.indirect.gather [hbm4b:s4+s15], $0x10, s2, s15, $0xb8;
	[tilespmem:$0x1EA00] =	vst v63  }
0xae: {  	s5 =	smov.u32 s12  }
0xaf: {  	[tilespmem:s17], [sflag:$0x1] =	stream.indirect.gather [hbm4b:s4+s15], $0x10, s15, s15, $0xb8;
	[tilespmem:$0x1EA00] =	vst v63  }
0xb0: {  	s11 =	smov.u32 s5;
	s5 =	rddreg [dreg:$0x5]  }
0xb1: {  	[tilespmem:s18], [sflag:$0x1] =	stream.indirect.gather [hbm4b:s4+s15], $0x10, s5, s15, $0xb8;
	[tilespmem:$0x1EA00] =	vst v63  }
0xb2: {  	s6 =	rddreg [dreg:$0x6]  }
0xb3: {  	[tilespmem:s19], [sflag:$0x1] =	stream.indirect.gather [hbm4b:s4+s15], $0x10, s6, s15, $0xb8;
	[tilespmem:$0x1EA00] =	vst v63  }
0xb4: {  	s5 =	rddreg [dreg:$0x7]  }
0xb5: {  	[tilespmem:s20], [sflag:$0x1] =	stream.indirect.gather [hbm4b:s4+s15], $0x10, s5, s15, $0xb8;
	[tilespmem:$0x1EA00] =	vst v63  }
0xb6: {  	s6 =	rddreg [dreg:$0x8]  }
0xb7: {  	[tilespmem:s21], [sflag:$0x1] =	stream.indirect.gather [hbm4b:s4+s15], $0x10, s6, s15, $0xb8;
	[tilespmem:$0x1EA00] =	vst v63  }
0xb8: {  	s5 =	rddreg [dreg:$0x9]  }
0xb9: {  	[tilespmem:s22], [sflag:$0x1] =	stream.indirect.gather [hbm4b:s4+s15], $0x10, s5, s15, $0xb8;
	[tilespmem:$0x1EA00] =	vst v63  }
0xba: {  	s6 =	rddreg [dreg:$0xa]  }
0xbb: {  	[tilespmem:s23], [sflag:$0x1] =	stream.indirect.gather [hbm4b:s4+s15], $0x10, s6, s15, $0xb8;
	[tilespmem:$0x1EA00] =	vst v63  }
0xbc: {  	s5 =	rddreg [dreg:$0xb]  }
0xbd: {  	[tilespmem:s24], [sflag:$0x1] =	stream.indirect.gather [hbm4b:s4+s15], $0x10, s5, s15, $0xb8;
	[tilespmem:$0x1EA00] =	vst v63  }
0xbe: {  	s6 =	rddreg [dreg:$0xc]  }
0xbf: {  	[tilespmem:s26], [sflag:$0x1] =	stream.indirect.gather [hbm4b:s4+s15], $0x10, s6, s15, $0xb8;
	[tilespmem:$0x1EA00] =	vst v63  }
0xc0: {  	s5 =	rddreg [dreg:$0xd]  }
0xc1: {  	[tilespmem:s28], [sflag:$0x1] =	stream.indirect.gather [hbm4b:s4+s15], $0x10, s5, s15, $0xb8;
	[tilespmem:$0x1EA00] =	vst v63  }
0xc2: {  	_ =	swait.ge [sflag:s29], $0x800  }
0xc3: {  	[sflag:s29] =	ssyncset.done $0x0  }
0xc4: {  	[sflag:s29] =	ssyncadd.s32 $0xFFFFF800  }
0xc5: {  	_ =	swait.ge [sflag:s29], $0x800  }
0xc6: {  	[sflag:s29] =	ssyncset.done $0x0  }
0xc7: {  	[sflag:s29] =	ssyncadd.s32 $0xFFFFF800  }
0xc8: {  	_ =	swait.ge [sflag:s29], $0x800  }
0xc9: {  	[sflag:s29] =	ssyncset.done $0x0  }
0xca: {  	[sflag:s29] =	ssyncadd.s32 $0xFFFFF800  }
0xcb: {  	_ =	swait.ge [sflag:s29], $0x800  }
0xcc: {  	[sflag:s29] =	ssyncset.done $0x0  }
0xcd: {  	[sflag:s29] =	ssyncadd.s32 $0xFFFFF800  }
0xce: {  	_ =	swait.ge [sflag:s29], $0x800  }
0xcf: {  	[sflag:s29] =	ssyncset.done $0x0  }
0xd0: {  	[sflag:s29] =	ssyncadd.s32 $0xFFFFF800  }
0xd1: {  	_ =	swait.ge [sflag:s29], $0x800  }
0xd2: {  	[sflag:s29] =	ssyncset.done $0x0  }
0xd3: {  	[sflag:s29] =	ssyncadd.s32 $0xFFFFF800  }
0xd4: {  	_ =	swait.ge [sflag:s29], $0x800  }
0xd5: {  	[sflag:s29] =	ssyncset.done $0x0  }
0xd6: {  	[sflag:s29] =	ssyncadd.s32 $0xFFFFF800  }
0xd7: {  	_ =	swait.ge [sflag:s29], $0x800  }
0xd8: {  	[sflag:s29] =	ssyncset.done $0x0  }
0xd9: {  	[sflag:s29] =	ssyncadd.s32 $0xFFFFF800  }
0xda: {  	_ =	swait.ge [sflag:s29], $0x800  }
0xdb: {  	[sflag:s29] =	ssyncset.done $0x0  }
0xdc: {  	[sflag:s29] =	ssyncadd.s32 $0xFFFFF800  }
0xdd: {  	_ =	swait.ge [sflag:s29], $0x800  }
0xde: {  	[sflag:s29] =	ssyncset.done $0x0  }
0xdf: {  	[sflag:s29] =	ssyncadd.s32 $0xFFFFF800  }
0xe0: {  	_ =	swait.ge [sflag:s29], $0x800  }
0xe1: {  	[sflag:s29] =	ssyncset.done $0x0  }
0xe2: {  	[sflag:s29] =	ssyncadd.s32 $0xFFFFF800  }
0xe3: {  	[spmem:s1] =	stream.indirect.scatter.add.f32 [tilespmem:s16], [sflag:$0x2], $0x10, s14, s15, $0xb8;
	[tilespmem:$0x1EA00] =	vst v63  }
0xe4: {  	_ =	swait.ge [sflag:s13], $0x800  }
0xe5: {  	[sflag:s13] =	ssyncset.done $0x0  }
0xe6: {  	s6 =	rddreg [dreg:$0xe];
	[sflag:s13] =	ssyncadd.s32 $0xFFFFF800  }
0xe7: {  	[spmem:s1] =	stream.indirect.scatter.add.f32 [tilespmem:s17], [sflag:$0x2], $0x10, s6, s15, $0xb8;
	[tilespmem:$0x1EA00] =	vst v63  }
0xe8: {  	_ =	swait.ge [sflag:s13], $0x800  }
0xe9: {  	[sflag:s13] =	ssyncset.done $0x0  }
0xea: {  	[sflag:s13] =	ssyncadd.s32 $0xFFFFF800  }
0xeb: {  	[spmem:s1] =	stream.indirect.scatter.add.f32 [tilespmem:s18], [sflag:$0x2], $0x10, s30, s15, $0xb8;
	[tilespmem:$0x1EA00] =	vst v63  }
0xec: {  	_ =	swait.ge [sflag:s13], $0x800  }
0xed: {  	[sflag:s13] =	ssyncset.done $0x0  }
0xee: {  	[sflag:s13] =	ssyncadd.s32 $0xFFFFF800  }
0xef: {  	[spmem:s1] =	stream.indirect.scatter.add.f32 [tilespmem:s19], [sflag:$0x2], $0x10, s31, s15, $0xb8;
	[tilespmem:$0x1EA00] =	vst v63  }
0xf0: {  	_ =	swait.ge [sflag:s13], $0x800  }
0xf1: {  	[sflag:s13] =	ssyncset.done $0x0  }
0xf2: {  	[sflag:s13] =	ssyncadd.s32 $0xFFFFF800  }
0xf3: {  	[spmem:s1] =	stream.indirect.scatter.add.f32 [tilespmem:s20], [sflag:$0x2], $0x10, s0, s15, $0xb8;
	[tilespmem:$0x1EA00] =	vst v63  }
0xf4: {  	_ =	swait.ge [sflag:s13], $0x800  }
0xf5: {  	[sflag:s13] =	ssyncset.done $0x0  }
0xf6: {  	[sflag:s13] =	ssyncadd.s32 $0xFFFFF800  }
0xf7: {  	[spmem:s1] =	stream.indirect.scatter.add.f32 [tilespmem:s21], [sflag:$0x2], $0x10, s3, s15, $0xb8;
	[tilespmem:$0x1EA00] =	vst v63  }
0xf8: {  	_ =	swait.ge [sflag:s13], $0x800  }
0xf9: {  	[sflag:s13] =	ssyncset.done $0x0  }
0xfa: {  	[sflag:s13] =	ssyncadd.s32 $0xFFFFF800  }
0xfb: {  	[spmem:s1] =	stream.indirect.scatter.add.f32 [tilespmem:s22], [sflag:$0x2], $0x10, s7, s15, $0xb8;
	[tilespmem:$0x1EA00] =	vst v63  }
0xfc: {  	_ =	swait.ge [sflag:s13], $0x800  }
0xfd: {  	[sflag:s13] =	ssyncset.done $0x0  }
0xfe: {  	[sflag:s13] =	ssyncadd.s32 $0xFFFFF800  }
0xff: {  	[spmem:s1] =	stream.indirect.scatter.add.f32 [tilespmem:s23], [sflag:$0x2], $0x10, s25, s15, $0xb8;
	[tilespmem:$0x1EA00] =	vst v63  }
0x100: {  	_ =	swait.ge [sflag:s13], $0x800  }
0x101: {  	[sflag:s13] =	ssyncset.done $0x0  }
0x102: {  	[sflag:s13] =	ssyncadd.s32 $0xFFFFF800  }
0x103: {  	[spmem:s1] =	stream.indirect.scatter.add.f32 [tilespmem:s24], [sflag:$0x2], $0x10, s8, s15, $0xb8;
	[tilespmem:$0x1EA00] =	vst v63  }
0x104: {  	_ =	swait.ge [sflag:s13], $0x800  }
0x105: {  	[sflag:s13] =	ssyncset.done $0x0  }
0x106: {  	[sflag:s13] =	ssyncadd.s32 $0xFFFFF800  }
0x107: {  	[spmem:s1] =	stream.indirect.scatter.add.f32 [tilespmem:s26], [sflag:$0x2], $0x10, s9, s15, $0xb8;
	[tilespmem:$0x1EA00] =	vst v63  }
0x108: {  	p2 =	sne.s32 s12, $0x60F0;
	_ =	swait.ge [sflag:s13], $0x800  }
.Ltmp2:
0x109: {  	[sflag:s13] =	ssyncset.done $0x0;
	(pc) =	sbr.rel @p2 .LBB2_2-.Ltmp2, $4  }
0x10a: {  	[sflag:s13] =	ssyncadd.s32 $0xFFFFF800  }
0x10b: {  	[spmem:s1] =	stream.indirect.scatter.add.f32 [tilespmem:s28], [sflag:$0x2], $0x10, s10, s15, $0xb8;
	[tilespmem:$0x1EA00] =	vst v63  }
0x10c: {  	_ =	swait.ge [sflag:s13], $0x800  }
0x10d: {  	s12 =	sadd.s32 $0xB0, s12;
	s6 =	rddreg [dreg:$0x3];
	[sflag:s13] =	ssyncset.done $0x0  }
0x10e: {  	[sflag:s13] =	ssyncadd.s32 $0xFFFFF800;
	s5 =	sadd.s32 s11, s6  }
0x10f: {  	[tilespmem:s2], [sflag:$0x2] =	stream.linear.gather [hbm4b:s5+s2], $0x580, $0x38;
	[tilespmem:$0x1EA00] =	vst v63  }
0x110: {  	_ =	swait.ge [sflag:s13], $0x580  }
0x111: {  	s6 =	rddreg [dreg:$0x4];
	[sflag:s13] =	ssyncset.done $0x0  }
0x112: {  	[sflag:s13] =	ssyncadd.s32 $0xFFFFFA80;
	s5 =	sadd.s32 s11, s6  }
0x113: {  	[tilespmem:s14], [sflag:$0x2] =	stream.linear.gather [hbm4b:s5+s2], $0x580, $0x38;
	[tilespmem:$0x1EA00] =	vst v63  }
0x114: {  	_ =	swait.ge [sflag:s13], $0x580  }
0x115: {  	[sflag:s13] =	ssyncset.done $0x0  }
0x116: {  	[sflag:s13] =	ssyncadd.s32 $0xFFFFFA80  }
0x117: {  	[tilespmem:s16], [sflag:$0x1] =	stream.indirect.gather [hbm4b:s4+s15], $0x10, s2, s15, $0xb8;
	[tilespmem:$0x1EA00] =	vst v63  }
0x118: {  	_ = 	snop  }
0x119: {  	[tilespmem:s17], [sflag:$0x1] =	stream.indirect.gather [hbm4b:s4+s15], $0x10, s15, s15, $0xb8;
	[tilespmem:$0x1EA00] =	vst v63  }
0x11a: {  	s11 =	rddreg [dreg:$0x5]  }
0x11b: {  	[tilespmem:s18], [sflag:$0x1] =	stream.indirect.gather [hbm4b:s4+s15], $0x10, s11, s15, $0xb8;
	[tilespmem:$0x1EA00] =	vst v63  }
0x11c: {  	s12 =	rddreg [dreg:$0x6]  }
0x11d: {  	[tilespmem:s19], [sflag:$0x1] =	stream.indirect.gather [hbm4b:s4+s15], $0x10, s12, s15, $0xb8;
	[tilespmem:$0x1EA00] =	vst v63  }
0x11e: {  	s11 =	rddreg [dreg:$0x7]  }
0x11f: {  	[tilespmem:s20], [sflag:$0x1] =	stream.indirect.gather [hbm4b:s4+s15], $0x10, s11, s15, $0xb8;
	[tilespmem:$0x1EA00] =	vst v63  }
0x120: {  	s12 =	rddreg [dreg:$0x8]  }
0x121: {  	[tilespmem:s21], [sflag:$0x1] =	stream.indirect.gather [hbm4b:s4+s15], $0x10, s12, s15, $0xb8;
	[tilespmem:$0x1EA00] =	vst v63  }
0x122: {  	s11 =	rddreg [dreg:$0x9]  }
0x123: {  	[tilespmem:s22], [sflag:$0x1] =	stream.indirect.gather [hbm4b:s4+s15], $0x10, s11, s15, $0xb8;
	[tilespmem:$0x1EA00] =	vst v63  }
0x124: {  	s12 =	rddreg [dreg:$0xa]  }
0x125: {  	[tilespmem:s23], [sflag:$0x1] =	stream.indirect.gather [hbm4b:s4+s15], $0x10, s12, s15, $0xb8;
	[tilespmem:$0x1EA00] =	vst v63  }
0x126: {  	s11 =	rddreg [dreg:$0xb]  }
0x127: {  	[tilespmem:s24], [sflag:$0x1] =	stream.indirect.gather [hbm4b:s4+s15], $0x10, s11, s15, $0xb8;
	[tilespmem:$0x1EA00] =	vst v63  }
0x128: {  	s12 =	rddreg [dreg:$0xc]  }
0x129: {  	[tilespmem:s26], [sflag:$0x1] =	stream.indirect.gather [hbm4b:s4+s15], $0x10, s12, s15, $0xb8;
	[tilespmem:$0x1EA00] =	vst v63  }
0x12a: {  	s11 =	rddreg [dreg:$0xd]  }
0x12b: {  	[tilespmem:s28], [sflag:$0x1] =	stream.indirect.gather [hbm4b:s4+s15], $0x10, s11, s15, $0xb8;
	[tilespmem:$0x1EA00] =	vst v63  }
0x12c: {  	_ =	swait.ge [sflag:s29], $0x800  }
0x12d: {  	[sflag:s29] =	ssyncset.done $0x0  }
0x12e: {  	[sflag:s29] =	ssyncadd.s32 $0xFFFFF800  }
0x12f: {  	_ =	swait.ge [sflag:s29], $0x800  }
0x130: {  	[sflag:s29] =	ssyncset.done $0x0  }
0x131: {  	[sflag:s29] =	ssyncadd.s32 $0xFFFFF800  }
0x132: {  	_ =	swait.ge [sflag:s29], $0x800  }
0x133: {  	[sflag:s29] =	ssyncset.done $0x0  }
0x134: {  	[sflag:s29] =	ssyncadd.s32 $0xFFFFF800  }
0x135: {  	_ =	swait.ge [sflag:s29], $0x800  }
0x136: {  	[sflag:s29] =	ssyncset.done $0x0  }
0x137: {  	[sflag:s29] =	ssyncadd.s32 $0xFFFFF800  }
0x138: {  	_ =	swait.ge [sflag:s29], $0x800  }
0x139: {  	[sflag:s29] =	ssyncset.done $0x0  }
0x13a: {  	[sflag:s29] =	ssyncadd.s32 $0xFFFFF800  }
0x13b: {  	_ =	swait.ge [sflag:s29], $0x800  }
0x13c: {  	[sflag:s29] =	ssyncset.done $0x0  }
0x13d: {  	[sflag:s29] =	ssyncadd.s32 $0xFFFFF800  }
0x13e: {  	_ =	swait.ge [sflag:s29], $0x800  }
0x13f: {  	[sflag:s29] =	ssyncset.done $0x0  }
0x140: {  	[sflag:s29] =	ssyncadd.s32 $0xFFFFF800  }
0x141: {  	_ =	swait.ge [sflag:s29], $0x800  }
0x142: {  	[sflag:s29] =	ssyncset.done $0x0  }
0x143: {  	[sflag:s29] =	ssyncadd.s32 $0xFFFFF800  }
0x144: {  	_ =	swait.ge [sflag:s29], $0x800  }
0x145: {  	[sflag:s29] =	ssyncset.done $0x0  }
0x146: {  	[sflag:s29] =	ssyncadd.s32 $0xFFFFF800  }
0x147: {  	_ =	swait.ge [sflag:s29], $0x800  }
0x148: {  	[sflag:s29] =	ssyncset.done $0x0  }
0x149: {  	[sflag:s29] =	ssyncadd.s32 $0xFFFFF800  }
0x14a: {  	_ =	swait.ge [sflag:s29], $0x800  }
0x14b: {  	[sflag:s29] =	ssyncset.done $0x0  }
0x14c: {  	[sflag:s29] =	ssyncadd.s32 $0xFFFFF800  }
0x14d: {  	[spmem:s1] =	stream.indirect.scatter.add.f32 [tilespmem:s16], [sflag:$0x2], $0x10, s14, s15, $0xb8;
	[tilespmem:$0x1EA00] =	vst v63  }
0x14e: {  	_ =	swait.ge [sflag:s13], $0x800  }
0x14f: {  	[sflag:s13] =	ssyncset.done $0x0  }
0x150: {  	s12 =	rddreg [dreg:$0xe];
	[sflag:s13] =	ssyncadd.s32 $0xFFFFF800  }
0x151: {  	[spmem:s1] =	stream.indirect.scatter.add.f32 [tilespmem:s17], [sflag:$0x2], $0x10, s12, s15, $0xb8;
	[tilespmem:$0x1EA00] =	vst v63  }
0x152: {  	_ =	swait.ge [sflag:s13], $0x800  }
0x153: {  	[sflag:s13] =	ssyncset.done $0x0  }
0x154: {  	[sflag:s13] =	ssyncadd.s32 $0xFFFFF800  }
0x155: {  	[spmem:s1] =	stream.indirect.scatter.add.f32 [tilespmem:s18], [sflag:$0x2], $0x10, s30, s15, $0xb8;
	[tilespmem:$0x1EA00] =	vst v63  }
0x156: {  	_ =	swait.ge [sflag:s13], $0x800  }
0x157: {  	[sflag:s13] =	ssyncset.done $0x0  }
0x158: {  	[sflag:s13] =	ssyncadd.s32 $0xFFFFF800  }
0x159: {  	[spmem:s1] =	stream.indirect.scatter.add.f32 [tilespmem:s19], [sflag:$0x2], $0x10, s31, s15, $0xb8;
	[tilespmem:$0x1EA00] =	vst v63  }
0x15a: {  	_ =	swait.ge [sflag:s13], $0x800  }
0x15b: {  	[sflag:s13] =	ssyncset.done $0x0  }
0x15c: {  	[sflag:s13] =	ssyncadd.s32 $0xFFFFF800  }
0x15d: {  	[spmem:s1] =	stream.indirect.scatter.add.f32 [tilespmem:s20], [sflag:$0x2], $0x10, s0, s15, $0xb8;
	[tilespmem:$0x1EA00] =	vst v63  }
0x15e: {  	_ =	swait.ge [sflag:s13], $0x800  }
0x15f: {  	[sflag:s13] =	ssyncset.done $0x0  }
0x160: {  	[sflag:s13] =	ssyncadd.s32 $0xFFFFF800  }
0x161: {  	[spmem:s1] =	stream.indirect.scatter.add.f32 [tilespmem:s21], [sflag:$0x2], $0x10, s3, s15, $0xb8;
	[tilespmem:$0x1EA00] =	vst v63  }
0x162: {  	_ =	swait.ge [sflag:s13], $0x800  }
0x163: {  	[sflag:s13] =	ssyncset.done $0x0  }
0x164: {  	[sflag:s13] =	ssyncadd.s32 $0xFFFFF800  }
0x165: {  	[spmem:s1] =	stream.indirect.scatter.add.f32 [tilespmem:s22], [sflag:$0x2], $0x10, s7, s15, $0xb8;
	[tilespmem:$0x1EA00] =	vst v63  }
0x166: {  	_ =	swait.ge [sflag:s13], $0x800  }
0x167: {  	[sflag:s13] =	ssyncset.done $0x0  }
0x168: {  	[sflag:s13] =	ssyncadd.s32 $0xFFFFF800  }
0x169: {  	[spmem:s1] =	stream.indirect.scatter.add.f32 [tilespmem:s23], [sflag:$0x2], $0x10, s25, s15, $0xb8;
	[tilespmem:$0x1EA00] =	vst v63  }
0x16a: {  	_ =	swait.ge [sflag:s13], $0x800  }
0x16b: {  	[sflag:s13] =	ssyncset.done $0x0  }
0x16c: {  	[sflag:s13] =	ssyncadd.s32 $0xFFFFF800  }
0x16d: {  	[spmem:s1] =	stream.indirect.scatter.add.f32 [tilespmem:s24], [sflag:$0x2], $0x10, s8, s15, $0xb8;
	[tilespmem:$0x1EA00] =	vst v63  }
0x16e: {  	_ =	swait.ge [sflag:s13], $0x800  }
0x16f: {  	[sflag:s13] =	ssyncset.done $0x0  }
0x170: {  	[sflag:s13] =	ssyncadd.s32 $0xFFFFF800  }
0x171: {  	[spmem:s1] =	stream.indirect.scatter.add.f32 [tilespmem:s26], [sflag:$0x2], $0x10, s9, s15, $0xb8;
	[tilespmem:$0x1EA00] =	vst v63  }
0x172: {  	_ =	swait.ge [sflag:s13], $0x800  }
0x173: {  	[sflag:s13] =	ssyncset.done $0x0  }
.Ltmp3:
0x174: {  	[sflag:s13] =	ssyncadd.s32 $0xFFFFF800;
	(pc) =	sbr.rel @p0 .LBB2_5-.Ltmp3, $4  }
0x175: {  	[spmem:s1] =	stream.indirect.scatter.add.f32 [tilespmem:s28], [sflag:$0x2], $0x10, s10, s15, $0xb8;
	[tilespmem:$0x1EA00] =	vst v63  }
0x176: {  	_ =	swait.ge [sflag:s13], $0x800  }
0x177: {  	[sflag:s13] =	ssyncset.done $0x0  }
0x178: {  	[sflag:s13] =	ssyncadd.s32 $0xFFFFF800  }
0x179: {  	s5 =	rddreg [dreg:$0x12]  }
0x17a: {  	[tilespmem:s2], [sflag:$0x2] =	stream.linear.gather [hbm4b:s5+s2], $0x80, $0x38;
	[tilespmem:$0x1EA00] =	vst v63  }
0x17b: {  	_ =	swait.ge [sflag:s13], $0x80  }
0x17c: {  	[sflag:s13] =	ssyncset.done $0x0  }
0x17d: {  	s12 =	rddreg [dreg:$0x13];
	[sflag:s13] =	ssyncadd.s32 $0xFFFFFF80  }
0x17e: {  	[tilespmem:s14], [sflag:$0x2] =	stream.linear.gather [hbm4b:s12+s2], $0x80, $0x38;
	[tilespmem:$0x1EA00] =	vst v63  }
0x17f: {  	_ =	swait.ge [sflag:s13], $0x80  }
0x180: {  	[sflag:s13] =	ssyncset.done $0x0  }
0x181: {  	[sflag:s13] =	ssyncadd.s32 $0xFFFFFF80  }
0x182: {  	[tilespmem:s16], [sflag:$0x1] =	stream.indirect.gather [hbm4b:s4+s15], $0x10, s2, s15, $0xb8;
	[tilespmem:$0x1EA00] =	vst v63  }
0x183: {  	_ =	swait.ge [sflag:s29], $0x800  }
0x184: {  	[sflag:s29] =	ssyncset.done $0x0  }
0x185: {  	[sflag:s29] =	ssyncadd.s32 $0xFFFFF800  }
0x186: {  	[spmem:s1] =	stream.indirect.scatter.add.f32 [tilespmem:s16], [sflag:$0x2], $0x10, s14, s15, $0xb8;
	[tilespmem:$0x1EA00] =	vst v63  }
.Ltmp4:
0x187: {  	_ =	swait.ge [sflag:s13], $0x800;
	(pc) =	sbr.rel .LBB2_6-.Ltmp4, $3  }
0x188: {  	[sflag:s13] =	ssyncset.done $0x0  }
0x189: {  	[sflag:s13] =	ssyncadd.s32 $0xFFFFF800  }
0x18a: {  	[bflag:$0x0] =	sbarrier.arrive $0xFFFF;
	_ =	sdelay $0x1  }
.LBB2_5:
.Ltmp5:
0x18b: {  	(pc) =	sbr.rel @p1 .LBB2_7-.Ltmp5, $2  }
0x18c: {  	_ =	sdelay $0x1  }
0x18d: {  	[bflag:$0x0] =	sbarrier.arrive $0xFFFF;
	_ =	sdelay $0x1  }
.LBB2_6:
0x18e: {  	s5 =	rddreg [dreg:$0x10]  }
0x18f: {  	s6 =	rddreg [dreg:$0x14]  }
.Ltmp6:
0x190: {  	s11 =	rddreg [dreg:$0x16];
	(pc) =	sbr.rel .LBB2_8-.Ltmp6, $4  }
0x191: {  	[hbm:s6], [sflag:s5] =	dma.local [spmem:s11], $0x30E0  }
0x192: {  	_ =	swait.ge [sflag:s13], $0x30E0  }
0x193: {  	[sflag:s13] =	ssyncset.done $0x0  }
0x194: {  	s6 =	rddreg [dreg:$0x18];
	[sflag:s13] =	ssyncadd.s32 $0xFFFFCF20  }
.LBB2_9:
0x195: {  	_ =	sfence.sel $0x180000  }
0x196: {  	[bflag:$0x0] =	sbarrier.arrive $0xFFFF  }
0x197: {  	_ =	strace $0x9000004D  }
0x198: {  	s0 =	stileid.u32;
	[bflag:$0x2] =	sbarrier.arrive $0xFFFF  }
0x199: {  	p0 =	sne.s32 s0, $0x0;
	s0 =	rddreg [dreg:$0x2]  }
0x19a: {  	s0 =	sadd.s32 @!p0 $0x100000, s0  }
0x19b: {  	[sflag:s0] =	ssyncadd.tile.s32 @!p0 $0x1;
	_ =	shalt  }
.Lfunc_end2:
_tile_overlayer_lowered:
.L_overlay_start_2:
0x19c: {  	(tag) =	ssettag $0x2  }
0x19d: {  	s0 =	rddreg [dreg:$0x0];
	s2 =	stileid.u32  }
0x19e: {  	s1 =	rddreg [dreg:$0x1];
	p0 =	sne.s32 s2, $0x0  }
0x19f: {  	s3 =	rddreg [dreg:$0x2];
	[bflag:$0x3] =	sbarrier.arrive $0xFFFF;
	s2 =	simm.s32 @!p0 $0x1C02  }
0x1a0: {  	[timem:s3], [sflag:s2] =	dma.local @!p0 [hbm:s0], s1  }
0x1a1: {  	s0 =	simm.s32 @!p0 $0x2  }
0x1a2: {  	_ =	swait.ge @!p0 [sflag:s0], s1  }
0x1a3: {  	s1 =	ssub.s32 @!p0 $0x0, s1;
	[sflag:s0] =	ssyncset.done @!p0 $0x0  }
0x1a4: {  	[sflag:s0] =	ssyncadd.s32 @!p0 s1  }
0x1a5: {  	[bflag:$0x3] =	sbarrier.arrive $0xFFFF  }
0x1a6: {  	_ =	shalt  }

// kernel: kernel.19.cloned.1.call-start
scs
__scs_entry_jumppad:
0x0: {  	(pc) =	sbr.rel $0x88, $3  }
0x1: {  	(tag) =	ssettag $0x0;
	lr =	simm.s32 $0x1  }
0x2: {  	[smem:$0x3F8D] =	sst lr;
	_ =	strace $0xD0000000  }
0x3: {  	_ = 	snop  }
0x4: {  	_ = 	snop  }
0x5: {  	_ = 	snop  }
0x6: {  	_ = 	snop  }
0x7: {  	_ = 	snop  }
__scs_overlays_trampoline_lowered:
0x8: {  	[smem:$0x3F9C] =	sst s0  }
0x9: {  	[smem:$0x3F9D] =	sst s1  }
0xa: {  	[smem:$0x3F9E] =	sst s2  }
0xb: {  	[smem:$0x3F9F] =	sst s3  }
0xc: {  	[smem:$0x3FA0] =	sst s4  }
0xd: {  	[smem:$0x3FA1] =	sst s5  }
0xe: {  	[smem:$0x3FA2] =	sst s6  }
0xf: {  	[smem:$0x3FA3] =	sst s7  }
0x10: {  	[smem:$0x3FA4] =	sst s8  }
0x11: {  	[smem:$0x3FA5] =	sst s9;
	s0 =	simm.s32 @!p0 $0x0  }
0x12: {  	s1 =	sld [smem:$0x3F8B];
	s0 =	simm.s32 @p0 $0x1  }
0x13: {  	[smem:$0x3FA6] =	sst s0;
	s0 =	simm.s32 @!p1 $0x0  }
0x14: {  	s2 =	sld [smem:$0x3F8A];
	s0 =	simm.s32 @p1 $0x1  }
0x15: {  	[smem:$0x3FA7] =	sst s0;
	s0 =	simm.s32 @!p2 $0x0  }
0x16: {  	s3 =	sld [smem:$0x3FDB];
	s0 =	simm.s32 @p2 $0x1  }
0x17: {  	s4 =	simm.s32 $0x1BF5;
	[smem:$0x3FA9] =	sst s0  }
0x18: {  	s0 =	sld [smem:$0x3F8C];
	_ =	swait.ge [sflag:s4], $0x0  }
0x19: {  	s7 =	sld [smem:$0x3F8D]  }
0x1a: {  	s8 =	sadd.s32 $0xFFFFE003, lr  }
0x1b: {  	s9 =	sadd.s32 $0xFFFFFEF7, lr;
	s5 =	simm.s32 $0xFFFFFFFF;
	p2 =	slt.u32 s8, $0xFFFFF086  }
0x1c: {  	p1 =	slt.u32 s9, $0xF7A;
	s5 =	simm.s32 @!p2 $0x0  }
0x1d: {  	s5 =	simm.s32 @p1 $0x1;
	p0 =	seq.s32 s7, s2  }
0x1e: {  	s7 =	smul.u32 @!p0 $0xF7A, s2;
	p2 =	seq.s32 @!p0 s5, $0x0  }
0x1f: {  	s9 =	smul.u32 $0xF7A, s1;
	s8 =	simm.s32 @!p0 $0x1BF5;
	p2 =	por !p2, p0  }
0x20: {  	[sflag:s8] =	ssyncset.s32 @!p0 $0xFFFFF086;
	s6 =	sadd.s32 @!p0 s3, s7;
	s7 =	simm.s32 @!p0 $0x108  }
0x21: {  	s3 =	sadd.s32 s3, s9;
	s6 =	sadd.s32 @!p0 $0x88, s6;
	s7 =	simm.s32 @p2 $0x1082  }
0x22: {  	[simem:s7], [sflag:s8] =	dma.local @!p0 [hbm:s6], $0xF7A  }
0x23: {  	s9 =	sor.u32 $0xD0000000, s2;
	s6 =	simm.s32 $0x108;
	_ =	swait.ge @!p0 [sflag:s8], $0x0  }
0x24: {  	s3 =	sadd.s32 $0x88, s3;
	s6 =	simm.s32 @!p1 $0x1082;
	[sflag:s4] =	ssyncset.s32 $0xFFFFF086  }
0x25: {  	[simem:s6], [sflag:s4] =	dma.local [hbm:s3], $0xF7A  }
0x26: {  	[smem:$0x3F8D] =	sst s1;
	(tag) =	ssettag s2;
	_ =	strace s9  }
0x27: {  	s1 =	sld [smem:$0x3F9D]  }
0x28: {  	s2 =	sld [smem:$0x3F9E]  }
0x29: {  	s4 =	sld [smem:$0x3FA0]  }
0x2a: {  	p0 =	seq.s32 s5, $0x0;
	s5 =	sld [smem:$0x3FA1]  }
0x2b: {  	s6 =	sld [smem:$0x3FA2]  }
0x2c: {  	s7 =	sld [smem:$0x3FA3]  }
0x2d: {  	s3 =	simm.s32 $0x108;
	s8 =	sld [smem:$0x3FA4]  }
0x2e: {  	s3 =	simm.s32 @!p0 $0x1082;
	s9 =	sld [smem:$0x3FA5]  }
0x2f: {  	lr =	sadd.s32 s0, s3;
	s0 =	sld [smem:$0x3F9C]  }
0x30: {  	s3 =	sld [smem:$0x3F9F]  }
0x31: {  	[smem:$0x3FA8] =	sst s10  }
0x32: {  	s10 =	sld [smem:$0x3FA6];
	_ =	sdelay $0x3  }
0x33: {  	p0 =	seq.s32 s10, $0x1;
	s10 =	sld [smem:$0x3FA8];
	_ =	sdelay $0x3  }
0x34: {  	[smem:$0x3FA8] =	sst s10  }
0x35: {  	s10 =	sld [smem:$0x3FA7];
	_ =	sdelay $0x3  }
0x36: {  	p1 =	seq.s32 s10, $0x1;
	s10 =	sld [smem:$0x3FA8];
	_ =	sdelay $0x3  }
0x37: {  	[smem:$0x3FA8] =	sst s10  }
0x38: {  	s10 =	sld [smem:$0x3FA9]  }
0x39: {  	_ = 	snop;
	(pc) =	sbr.ind lr, $3  }
0x3a: {  	_ = 	snop  }
0x3b: {  	_ = 	snop  }
0x3c: {  	p2 =	seq.s32 s10, $0x1;
	s10 =	sld [smem:$0x3FA8]  }
0x3d: {  	_ =	shalt  }
0x3e: {  	_ =	shalt  }
0x3f: {  	_ =	shalt  }
0x40: {  	_ =	shalt  }
0x41: {  	_ =	shalt  }
0x42: {  	_ =	shalt  }
0x43: {  	_ =	shalt  }
0x44: {  	_ =	shalt  }
0x45: {  	_ =	shalt  }
0x46: {  	_ =	shalt  }
0x47: {  	_ =	shalt  }
0x48: {  	_ =	shalt  }
0x49: {  	_ =	shalt  }
0x4a: {  	_ =	shalt  }
0x4b: {  	_ =	shalt  }
0x4c: {  	_ =	shalt  }
0x4d: {  	_ =	shalt  }
0x4e: {  	_ =	shalt  }
0x4f: {  	_ =	shalt  }
0x50: {  	_ =	shalt  }
0x51: {  	_ =	shalt  }
0x52: {  	_ =	shalt  }
0x53: {  	_ =	shalt  }
0x54: {  	_ =	shalt  }
0x55: {  	_ =	shalt  }
0x56: {  	_ =	shalt  }
0x57: {  	_ =	shalt  }
0x58: {  	_ =	shalt  }
0x59: {  	_ =	shalt  }
0x5a: {  	_ =	shalt  }
0x5b: {  	_ =	shalt  }
0x5c: {  	_ =	shalt  }
0x5d: {  	_ =	shalt  }
0x5e: {  	_ =	shalt  }
0x5f: {  	_ =	shalt  }
0x60: {  	_ =	shalt  }
0x61: {  	_ =	shalt  }
0x62: {  	_ =	shalt  }
0x63: {  	_ =	shalt  }
0x64: {  	_ =	shalt  }
0x65: {  	_ =	shalt  }
0x66: {  	_ =	shalt  }
0x67: {  	_ =	shalt  }
0x68: {  	_ =	shalt  }
0x69: {  	_ =	shalt  }
0x6a: {  	_ =	shalt  }
0x6b: {  	_ =	shalt  }
0x6c: {  	_ =	shalt  }
0x6d: {  	_ =	shalt  }
0x6e: {  	_ =	shalt  }
0x6f: {  	_ =	shalt  }
0x70: {  	_ =	shalt  }
0x71: {  	_ =	shalt  }
0x72: {  	_ =	shalt  }
0x73: {  	_ =	shalt  }
0x74: {  	_ =	shalt  }
0x75: {  	_ =	shalt  }
0x76: {  	_ =	shalt  }
0x77: {  	_ =	shalt  }
0x78: {  	_ =	shalt  }
0x79: {  	_ =	shalt  }
0x7a: {  	_ =	shalt  }
0x7b: {  	_ =	shalt  }
0x7c: {  	_ =	shalt  }
0x7d: {  	_ =	shalt  }
0x7e: {  	_ =	shalt  }
0x7f: {  	_ =	shalt  }
0x80: {  	_ =	shalt  }
0x81: {  	_ =	shalt  }
0x82: {  	_ =	shalt  }
0x83: {  	_ =	shalt  }
0x84: {  	_ =	shalt  }
0x85: {  	_ =	shalt  }
0x86: {  	_ =	shalt  }
0x87: {  	_ =	shalt  }
.Lfunc_end0:
.L_simem_size_0:
called_computation.3_lowered:
.L_overlay_start_0:
0x88: {  	s2 =	sld [smem:$0x3FD9]  }
0x89: {  	s3 =	sld [smem:$0x3FFE];
	_ =	sdelay $0x1  }
0x8a: {  	s1 =	srdreg.scid  }
0x8b: {  	s0 =	sand.u32 $0x1, s1  }
0x8c: {  	s16 =	sshll.u32 s0, $0xA;
	s2 =	sadd.s32 s3, s2  }
0x8d: {  	s2 =	sadd.s32 s2, s16  }
0x8e: {  	[smem:$0x3FB4] =	sst s2  }
0x8f: {  	_ = 	snop  }
0x90: {  	(tm) =	ssettm $0x1  }
0x91: {  	s17 =	sld [smem:$0x3FFB];
	_ =	sdelay $0x3  }
0x92: {  	_ =	strace s17  }
0x93: {  	s2 =	sld [smem:$0x3FFC];
	_ =	sdelay $0x3  }
0x94: {  	_ =	strace s2  }
0x95: {  	s2 =	sld [smem:$0x3FFD];
	_ =	sdelay $0x3  }
0x96: {  	_ =	strace s2  }
0x97: {  	_ =	strace $0x8FFFFFFF  }
0x98: {  	s18 =	sld [smem:$0x3FDB];
	_ =	sdelay $0x1  }
0x99: {  	s19 =	simm.s32 $_scs_section_size  }
0x9a: {  	s4 =	simm.s32 $_size__tile_overlayer_lowered;
	s5 =	simm.s32 $_tile_overlayer_lowered  }
0x9b: {  	s22 =	simm.s32 $0x1BFF;
	s21 =	sshll.u32 s5, $0x1;
	s2 =	sadd.s32 s19, s18  }
0x9c: {  	s6 =	simm.s32 $0x0;
	s20 =	sshll.u32 s4, $0x1;
	s4 =	sadd.s32 s21, s2  }
0x9d: {  	[timem:s6], [sflag:s22] =	dma.local [hbm:s4], s20  }
0x9e: {  	_ =	swait.ge [sflag:s22], s20  }
0x9f: {  	s3 =	ssub.s32 $0x0, s20;
	[sflag:s22] =	ssyncset.done $0x0  }
0xa0: {  	[sflag:s22] =	ssyncadd.s32 s3;
	_ =	sdelay $0x1  }
0xa1: {  	s23 =	simm.s32 $0x1B8B  }
0xa2: {  	_ =	swait.ge [sflag:s23], $0x1  }
0xa3: {  	[sflag:s23] =	ssyncset.done $0x0  }
0xa4: {  	s25 =	simm.s32 $0x1B8E;
	s24 =	sld [smem:$0x3FFE];
	[sflag:s23] =	ssyncadd.s32 $0xFFFFFFFF  }
0xa5: {  	s26 =	simm.s32 $execute0_lowered;
	[smem:$0x3FD2] =	sst s25  }
0xa6: {  	s4 =	sshll.u32 s26, $0x1;
	_ =	strace $0x8000004F;
	[dreg:$0x1] =	wrdreg $0xFFFFFFFF  }
0xa7: {  	s28 =	simm.s32 $_size_execute0_lowered;
	s2 =	sadd.s32 s2, s4;
	[dreg:$0x0] =	wrdreg $0x0  }
0xa8: {  	s4 =	sshll.u32 s28, $0x1;
	[dreg:$0x2] =	wrdreg s2  }
0xa9: {  	[dreg:$0x3] =	wrdreg s4  }
0xaa: {  	[dreg:$0x4] =	wrdreg $0xC0  }
0xab: {  	_ =	task [dreg:s6], $0x5FFFF  }
0xac: {  	[dreg:$0x1] =	wrdreg $0xFFFFFFFF  }
0xad: {  	[dreg:$0x0] =	wrdreg $0x60  }
0xae: {  	[dreg:$0x2] =	wrdreg s24  }
0xaf: {  	[dreg:$0x3] =	wrdreg $0xD4800  }
0xb0: {  	[dreg:$0x4] =	wrdreg $0x9  }
0xb1: {  	_ =	task.clear_ibuf [dreg:s6], $0x5FFFF;
	_ =	strace $0x9000004F  }
0xb2: {  	s29 =	simm.s32 $0x9;
	_ =	strace $0x80000051  }
0xb3: {  	_ =	swait.ge [sflag:s29], $0x1  }
0xb4: {  	[sflag:s29] =	ssyncadd.s32 $0xFFFFFFFF  }
0xb5: {  	_ =	strace $0x90000051  }
0xb6: {  	_ =	sfence  }
0xb7: {  	s30 =	sld [smem:$0x0];
	_ =	sdelay $0x2  }
0xb8: {  	s31 =	sshll.u32 s1, $0xD;
	s1 =	sshrl.u32 s1, $0x2  }
0xb9: {  	s3 =	sand.u32 $0x4000, s31;
	s1 =	sadd.s32 s1, s30  }
0xba: {  	s0 =	sor.u32 s3, s0;
	s1 =	sshll.u32 s1, $0x11  }
0xbb: {  	s0 =	sor.u32 s1, s0  }
0xbc: {  	s0 =	sadd.s32 $0x8F2B, s0  }
0xbd: {  	[sflag:s0] =	ssyncadd.remote.s32 $0x1  }
0xbe: {  	_ =	sfence.sel $0xFFFF  }
0xbf: {  	[dreg:$0x0] =	wrdreg $0xFFFFFFFF;
	(pc) =	sbr.abs _section_cstart, $3  }
0xc0: {  	[dreg:$0x1] =	wrdreg $0xFFFFFFFF  }
0xc1: {  	_ =	task.clear_ibuf [dreg:s6], $0x2FFFF;
	_ =	strace $0x9FFFFFFF  }
0xc2: {  	(tm) =	ssettm $0x7FFFFFFF  }
0xc3: {  	_ =	shalt  }
tec
execute0_lowered:
.L_overlay_start_1:
0x0: {  	(tag) =	ssettag $0x1  }
0x1: {  	s4 =	rddreg [dreg:$0x0];
	s0 =	srdreg.scid  }
0x2: {  	s11 =	stileid.u32;
	s1 =	rddreg [dreg:$0x1]  }
0x3: {  	s2 =	simm.s32 $0x0;
	s3 =	sand.u32 $0x1, s0;
	s0 =	rddreg [dreg:$0x2]  }
0x4: {  	s13 =	simm.s32 $0x0;
	s5 =	sshll.u32 s11, $0x1;
	[smem:$0x7FF] =	sst s2  }
0x5: {  	s8 =	sshll.u32 s11, $0x7;
	p0 =	sne.s32 s11, $0x0;
	s11 =	sshll.u32 s11, $0x6  }
0x6: {  	s5 =	sor.u32 s3, s5;
	_ =	strace $0x80000050;
	s7 =	sshll.u32 s3, $0xB  }
0x7: {  	s9 =	ssub.s32 $0x2, s3;
	s3 =	sadd.s32 $0xFBE00, s4;
	s6 =	smul.u32 $0x1900, s5  }
0x8: {  	s12 =	sadd.s32 s8, s1;
	s11 =	sor.u32 $0x1C01, s11;
	s5 =	smul.u32 $0x190, s5  }
0x9: {  	s7 =	sor.u32 s8, s7;
	s10 =	sshrl.u32 s9, $0x1;
	s8 =	sshrl.u32 @!p0 s1, $0x3  }
0xa: {  	s12 =	sshrl.u32 s12, $0x3;
	s7 =	sshrl.u32 s7, $0x3;
	s9 =	ssub.s32 s9, s10  }
0xb: {  	s10 =	simm.s32 $0x80;
	s6 =	sadd.s32 s6, s4;
	s5 =	sadd.s32 s5, s4  }
0xc: {  	s7 =	sadd.s32 s7, s4;
	s4 =	sadd.s32 $0xFF000, s6;
	s5 =	sadd.s32 $0x161200, s5  }
0xd: {  	s6 =	sadd.s32 $0x131000, s7;
	s7 =	smax.u32 s9, $0x1;
	s9 =	simm.s32 $0x1  }
.LBB2_1:
0xe: {  	s14 =	simm.s32 @!p0 $0x1C01  }
0xf: {  	[spmem:s8], [sflag:s14] =	dma.local @!p0 [hbm:s3], $0x120  }
0x10: {  	s14 =	simm.s32 @!p0 $0x1  }
0x11: {  	_ =	swait.ge @!p0 [sflag:s14], $0x120  }
0x12: {  	[sflag:s14] =	ssyncset.done @!p0 $0x0  }
0x13: {  	[sflag:s14] =	ssyncadd.s32 @!p0 $0xFFFFFEE0  }
0x14: {  	s14 =	simm.s32 $0xC80;
	[bflag:$0x0] =	sbarrier.arrive $0xFFFF  }
0x15: {  	[tilespmem:s14], [sflag:$0x1] =	stream.linear.gather [hbm4b:s4+s2], $0xC800, $0x38;
	[tilespmem:$0xD510] =	vst v63  }
0x16: {  	_ =	swait.ge [sflag:s9], $0xC800  }
0x17: {  	[sflag:s9] =	ssyncset.done $0x0  }
0x18: {  	[sflag:s9] =	ssyncadd.s32 $0xFFFF3800  }
0x19: {  	[tilespmem:s2], [sflag:$0x1] =	stream.linear.gather [hbm4b:s5+s2], $0xC80, $0x38;
	[tilespmem:$0xD510] =	vst v63  }
0x1a: {  	_ =	swait.ge [sflag:s9], $0xC80  }
0x1b: {  	[sflag:s9] =	ssyncset.done $0x0  }
0x1c: {  	s15 =	simm.s32 $0x0;
	[sflag:s9] =	ssyncadd.s32 $0xFFFFF380  }
0x1d: {  	[spmem:s1] =	stream.indirect.scatter.add.f32 [tilespmem:s14], [sflag:$0x1], $0x10, s15, s10, $0xb8;
	[tilespmem:$0xD510] =	vst v63  }
0x1e: {  	_ =	swait.ge [sflag:s9], $0x800  }
0x1f: {  	s15 =	simm.s32 $0x200;
	[sflag:s9] =	ssyncset.done $0x0  }
.LBB2_2:
0x20: {  	s16 =	sshra.s32 s15, $0x2  }
0x21: {  	[sflag:s9] =	ssyncadd.s32 $0xFFFFF800;
	s14 =	sadd.s32 $0x800, s14;
	p1 =	sne.s32 s15, $0x3000  }
0x22: {  	[spmem:s1] =	stream.indirect.scatter.add.f32 [tilespmem:s14], [sflag:$0x1], $0x10, s16, s10, $0xb8;
	[tilespmem:$0xD510] =	vst v63  }
.Ltmp0:
0x23: {  	_ = 	snop;
	(pc) =	sbr.rel @p1 .LBB2_2-.Ltmp0, $4  }
0x24: {  	_ = 	snop  }
0x25: {  	s15 =	sadd.s32 $0x200, s15  }
0x26: {  	_ =	swait.ge [sflag:s9], $0x800  }
0x27: {  	[sflag:s9] =	ssyncset.done $0x0  }
0x28: {  	s13 =	sadd.s32 $0x1, s13  }
0x29: {  	[sflag:s9] =	ssyncadd.s32 $0xFFFFF800;
	p1 =	sne.s32 s13, s7  }
.Ltmp1:
0x2a: {  	[bflag:$0x0] =	sbarrier.arrive $0xFFFF;
	(pc) =	sbr.rel @p1 .LBB2_1-.Ltmp1, $4  }
0x2b: {  	[hbm:s6], [sflag:s11] =	dma.local [spmem:s12], $0x10  }
0x2c: {  	_ =	swait.ge [sflag:s9], $0x10  }
0x2d: {  	[sflag:s9] =	ssyncset.done $0x0  }
0x2e: {  	[sflag:s9] =	ssyncadd.s32 $0xFFFFFFF0  }
0x2f: {  	_ =	sfence.sel $0x180000  }
0x30: {  	[bflag:$0x0] =	sbarrier.arrive $0xFFFF  }
0x31: {  	_ =	strace $0x90000050  }
0x32: {  	s0 =	sadd.s32 @!p0 $0x100000, s0;
	[bflag:$0x2] =	sbarrier.arrive $0xFFFF  }
0x33: {  	[sflag:s0] =	ssyncadd.tile.s32 @!p0 $0x1;
	_ =	shalt  }
.Lfunc_end2:
_tile_overlayer_lowered:
.L_overlay_start_2:
0x34: {  	(tag) =	ssettag $0x2  }
0x35: {  	s0 =	rddreg [dreg:$0x0];
	s2 =	stileid.u32  }
0x36: {  	s1 =	rddreg [dreg:$0x1];
	p0 =	sne.s32 s2, $0x0  }
0x37: {  	s3 =	rddreg [dreg:$0x2];
	[bflag:$0x3] =	sbarrier.arrive $0xFFFF;
	s2 =	simm.s32 @!p0 $0x1C01  }
0x38: {  	[timem:s3], [sflag:s2] =	dma.local @!p0 [hbm:s0], s1  }
0x39: {  	s0 =	simm.s32 @!p0 $0x1  }
0x3a: {  	_ =	swait.ge @!p0 [sflag:s0], s1  }
0x3b: {  	s1 =	ssub.s32 @!p0 $0x0, s1;
	[sflag:s0] =	ssyncset.done @!p0 $0x0  }
0x3c: {  	[sflag:s0] =	ssyncadd.s32 @!p0 s1  }
0x3d: {  	[bflag:$0x3] =	sbarrier.arrive $0xFFFF  }
0x3e: {  	_ =	shalt  }

</sc_bundles>
